<compile_context>
chip_gen: v7x
topology: tpu7x:2x2x1
jax: 0.10.2.dev20260603
libtpu: 0.0.44.dev20260713+nightly
codegen_flags: <defaults>
</compile_context>

<pallas_src>
import jax
import jax.numpy as jnp
from jax import lax
from jax.experimental import pallas as pl
from jax.experimental.pallas import tpu as pltpu
from jax.experimental.pallas import tpu_sc as plsc

N, P2, W2, C_KV, TOPK = 4, 64, 64, 256, 8
ROWS = N * P2 * TOPK
REGIONS = N * P2
RPB = P2 * TOPK
NW = 32
RGW = 8
LANES = 16
CAP = RPB
NOB = 2


def _sc_body(ridx_h, w_h, table_h, out_h,
             idx_b, w_b, mrows, cnts_l, ml0, ml1, cv0, cv1, oidx,
             rg0, rg1, ob0, ob1, sh_m, sh_c, smem_q,
             sr0, sr1, so0, so1):
    core = lax.axis_index("c")
    sub = lax.axis_index("s")
    batch = core * 2 + sub // 8
    first8 = (sub // 8) * 8
    my8 = (sub % 8) * RGW

    regb, obufs = (rg0, rg1), (ob0, ob1)
    mlists, cnt16s = (ml0, ml1), (cv0, cv1)
    srs, sos = (sr0, sr1), (so0, so1)

    pltpu.sync_copy(ridx_h.at[pl.ds(pl.multiple_of(batch * RPB, RPB), RPB)], idx_b)
    pltpu.sync_copy(w_h.at[pl.ds(pl.multiple_of(batch * RPB, RPB), RPB)], w_b)

    iota = lax.iota(jnp.int32, LANES)
    lane0 = iota == 0
    zero16 = jnp.full((LANES,), 0, jnp.int32)

    for R0 in range(0, RGW, 2):
        def prep_body(v, cnts):
            c0, c1 = cnts
            ids = idx_b[pl.ds(pl.multiple_of(v * LANES, LANES), LANES)]
            tvec = iota + v * LANES
            m0 = ids == jnp.int32(my8 + R0)
            m1 = ids == jnp.int32(my8 + R0 + 1)
            pos0 = c0 + plsc.cumsum(jnp.where(m0, 1, 0)) - 1
            pos1 = c1 + plsc.cumsum(jnp.where(m1, 1, 0)) - 1
            plsc.store_scatter(mrows, [jnp.int32(R0 * CAP) + pos0], tvec, mask=m0)
            plsc.store_scatter(mrows, [jnp.int32((R0 + 1) * CAP) + pos1], tvec,
                               mask=m1)
            return (c0 + plsc.all_reduce_population_count(m0),
                    c1 + plsc.all_reduce_population_count(m1))
        c0, c1 = lax.fori_loop(0, RPB // LANES, prep_body, (zero16, zero16))
        cnts_l[pl.ds(R0 * LANES, LANES)] = c0
        cnts_l[pl.ds((R0 + 1) * LANES, LANES)] = c1

    pltpu.sync_copy(mrows, sh_m.at[sub])
    pltpu.sync_copy(cnts_l, sh_c.at[sub])

    @pl.when(sub == first8)
    def _():
        smem_q[0] = jnp.int32(0)

    plsc.subcore_barrier()

    def pull():
        return plsc.fetch_and_add(smem_q.at[0], 1, subcore_id=first8)

    def start_reg(r, slot):
        pltpu.async_copy(table_h.at[pl.ds(batch * P2 + r, 1)], regb[slot],
                         srs[slot])

    def wait_reg(slot):
        pltpu.make_async_copy(table_h.at[pl.ds(0, 1)], regb[slot],
                              srs[slot]).wait()

    def wait_out(slot):
        pltpu.make_async_copy(obufs[slot], out_h.at[pl.ds(0, 1)],
                              sos[slot]).wait()

    r_first = [None, None]
    for k in range(2):
        r_first[k] = pull()

        @pl.when(r_first[k] < jnp.int32(P2))
        def _(k=k):
            start_reg(r_first[k], k)

    def process(rk, k, u0, u1):
        rk_c = jnp.minimum(rk, jnp.int32(P2 - 1))
        owner = first8 + lax.div(rk_c, jnp.int32(RGW))
        roff = lax.rem(rk_c, jnp.int32(RGW))
        pltpu.sync_copy(sh_c.at[owner, pl.ds(roff * LANES, LANES)], cnt16s[k])
        pltpu.sync_copy(sh_m.at[owner, pl.ds(roff * CAP, CAP)], mlists[k])

        @pl.when(rk < jnp.int32(P2))
        def _():
            wait_reg(k)

        cnt_r = jnp.where(rk < jnp.int32(P2), jnp.max(cnt16s[k][...]),
                          jnp.int32(0))
        reg, mlist = regb[k], mlists[k]

        def group_body(jg, u):
            u = list(u)
            for q in range(NOB):
                jj = jg * NOB + q
                valid = jj < cnt_r
                uq = u[q]

                @pl.when(valid)
                def _():
                    @pl.when(uq > 0)
                    def _():
                        wait_out(q)
                    t = plsc.load_gather(mlist, [zero16 + jj])
                    wv = plsc.load_gather(w_b, [t])
                    row = t + jnp.int32(batch * RPB)
                    plsc.store_scatter(oidx, [zero16 + q, zero16], row,
                                       mask=lane0)
                    oub = obufs[q]

                    @plsc.parallel_loop(0, W2, unroll=1)
                    def _(r):
                        for h in range(C_KV // LANES):
                            oub[0, r, pl.ds(h * LANES, LANES)] = (
                                reg[0, r, pl.ds(h * LANES, LANES)] * wv)

                    pltpu.async_copy(oub, out_h.at[oidx.at[q]], sos[q])

                u[q] = u[q] + jnp.where(valid, 1, 0).astype(jnp.int32)
            return tuple(u)

        n_groups = (cnt_r + (NOB - 1)) // NOB
        return lax.fori_loop(0, n_groups, group_body, (u0, u1))

    def cond(carry):
        r0, r1, u0, u1 = carry
        return jnp.logical_or(r0 < jnp.int32(P2), r1 < jnp.int32(P2))

    def body(carry):
        r0, r1, u0, u1 = carry
        rs = [r0, r1]
        for k in range(2):
            u0, u1 = process(rs[k], k, u0, u1)
            rn = pull()

            @pl.when(rn < jnp.int32(P2))
            def _(k=k, rn=rn):
                start_reg(rn, k)

            rs[k] = rn
        return (rs[0], rs[1], u0, u1)

    _, _, u0, u1 = lax.while_loop(
        cond, body, (r_first[0], r_first[1], jnp.int32(0), jnp.int32(0)))

    for q, uq in ((0, u0), (1, u1)):
        @pl.when(uq > 0)
        def _(q=q):
            wait_out(q)


@jax.jit
def _sc_gather(ridx_flat, w_flat, table):
    mesh = plsc.VectorSubcoreMesh(core_axis_name="c", subcore_axis_name="s")
    k = pl.kernel(
        _sc_body,
        out_type=jax.ShapeDtypeStruct((ROWS, W2, C_KV), jnp.float32),
        mesh=mesh,
        scratch_types=[
            pltpu.VMEM((RPB,), jnp.int32),
            pltpu.VMEM((RPB,), jnp.float32),
            pltpu.VMEM((RGW * CAP,), jnp.int32),
            pltpu.VMEM((RGW * LANES,), jnp.int32),
            pltpu.VMEM((CAP,), jnp.int32),
            pltpu.VMEM((CAP,), jnp.int32),
            pltpu.VMEM((LANES,), jnp.int32),
            pltpu.VMEM((LANES,), jnp.int32),
            pltpu.VMEM((NOB, 1), jnp.int32),
            pltpu.VMEM((1, W2, C_KV), jnp.float32),
            pltpu.VMEM((1, W2, C_KV), jnp.float32),
            pltpu.VMEM((1, W2, C_KV), jnp.float32),
            pltpu.VMEM((1, W2, C_KV), jnp.float32),
            pltpu.VMEM_SHARED((16, RGW * CAP), jnp.int32),
            pltpu.VMEM_SHARED((16, RGW * LANES), jnp.int32),
            pltpu.SMEM((1,), jnp.int32),
            pltpu.SemaphoreType.DMA,
            pltpu.SemaphoreType.DMA,
            pltpu.SemaphoreType.DMA,
            pltpu.SemaphoreType.DMA,
        ],
        compiler_params=pltpu.CompilerParams(
            needs_layout_passes=False,
            use_tc_tiling_on_sc=True,
        ),
    )
    return k(ridx_flat, w_flat, table)


def kernel(r_idx, r_weight, kv):
    ridx_flat = r_idx.reshape(ROWS)
    w_flat = r_weight.reshape(ROWS)
    table = kv.reshape(REGIONS, W2, C_KV)
    out = _sc_gather(ridx_flat, w_flat, table)
    return out.reshape(N, P2, TOPK, W2, C_KV)

# --- scband reference (transcript-rebuilt; emitter-appended) ---
"""Pipeline reference for scband-kvgather-14276471292624 (READ-ONLY COPY).

The authoritative reference and input builder live on the scoring server;
editing this copy changes nothing except your own understanding.
"""

import jax, jax.numpy as jnp
import numpy as np

N, P2, W2, C_KV, TOPK = 4, 64, 64, 256, 8

def setup_inputs(seed: int = 0):
    key = jax.random.key(seed)
    k1, k2, k3 = jax.random.split(key, 3)
    kv = jax.random.normal(k1, (N, P2, W2, C_KV), dtype=jnp.float32)
    r_idx = jax.random.randint(k2, (N, P2, TOPK), 0, P2, dtype=jnp.int32)
    r_weight = jax.random.uniform(k3, (N, P2, TOPK), dtype=jnp.float32)
    return {"r_idx": r_idx, "r_weight": r_weight, "kv": kv}

def reference(r_idx, r_weight, kv):
    # torch.gather over expanded kv == per-batch region gather: kv[b, r_idx[b, i, j]]
    # Equivalent math to kv.view(n,1,p2,w2,c).expand(-1,p2,...) gathered at dim=2.
    topk_kv = jax.vmap(lambda kv_b, idx_b: jnp.take(kv_b, idx_b, axis=0))(kv, r_idx)
    # mul_weight == 'soft'
    topk_kv = r_weight[:, :, :, None, None] * topk_kv
    return topk_kv

if __name__ == "__main__":
    import jax
    _d = setup_inputs()
    print(jax.jit(kernel)(*tuple(_d.values())))

</pallas_src>

<mosaic_0001>
#map = affine_map<(d0, d1) -> (0)>
#map1 = affine_map<(d0, d1) -> (0, 0, 0)>
module attributes {stable_mosaic.version = 14 : i64} {
  func.func @_sc_body(%arg0: i32, %arg1: i32, %arg2: memref<2048xi32, #tpu.memory_space<hbm>>, %arg3: memref<2048xf32, #tpu.memory_space<hbm>>, %arg4: memref<256x64x256xf32, #tpu.memory_space<hbm>>, %arg5: memref<2048x64x256xf32, #tpu.memory_space<hbm>>, %arg6: memref<512xi32, #tpu.memory_space<vmem>>, %arg7: memref<512xf32, #tpu.memory_space<vmem>>, %arg8: memref<4096xi32, #tpu.memory_space<vmem>>, %arg9: memref<128xi32, #tpu.memory_space<vmem>>, %arg10: memref<512xi32, #tpu.memory_space<vmem>>, %arg11: memref<512xi32, #tpu.memory_space<vmem>>, %arg12: memref<16xi32, #tpu.memory_space<vmem>>, %arg13: memref<16xi32, #tpu.memory_space<vmem>>, %arg14: memref<2x1xi32, #tpu.memory_space<vmem>>, %arg15: memref<1x64x256xf32, #tpu.memory_space<vmem>>, %arg16: memref<1x64x256xf32, #tpu.memory_space<vmem>>, %arg17: memref<1x64x256xf32, #tpu.memory_space<vmem>>, %arg18: memref<1x64x256xf32, #tpu.memory_space<vmem>>, %arg19: memref<16x4096xi32, #tpu.memory_space<vmem_shared>>, %arg20: memref<16x128xi32, #tpu.memory_space<vmem_shared>>, %arg21: memref<1xi32, #tpu.memory_space<smem>>, %arg22: memref<!tpu.dma_semaphore, #tpu.memory_space<semaphore_mem>>, %arg23: memref<!tpu.dma_semaphore, #tpu.memory_space<semaphore_mem>>, %arg24: memref<!tpu.dma_semaphore, #tpu.memory_space<semaphore_mem>>, %arg25: memref<!tpu.dma_semaphore, #tpu.memory_space<semaphore_mem>>) attributes {dimension_semantics = [#tpu.dimension_semantics<core_parallel>, #tpu.dimension_semantics<subcore_parallel>], iteration_bounds = array<i64: 2, 16>, scalar_prefetch = 0 : i64, scratch_operands = 20 : i64, tpu.core_type = #tpu.core_type<sc_vector_subcore>, window_params = [{transform_indices = #map}, {transform_indices = #map}, {transform_indices = #map1}, {transform_indices = #map1}]} {
    %mul3A = arith.constant 2 : i32
    %mul3A_0 = arith.muli %arg0, %mul3A : i32
    %jit3A = arith.constant 8 : i32
    %div3A = arith.divsi %arg1, %jit3A : i32
    %sign3A = arith.constant 0 : i32
    %sign3A_1 = arith.cmpi sgt, %arg1, %sign3A : i32
    %sign3A_2 = arith.extui %sign3A_1 : i1 to i32
    %sign3A_3 = arith.constant 0 : i32
    %sign3A_4 = arith.cmpi slt, %arg1, %sign3A_3 : i32
    %sign3A_5 = arith.extui %sign3A_4 : i1 to i32
    %sign3A_6 = arith.subi %sign3A_2, %sign3A_5 : i32
    %sign3A_7 = arith.constant 0 : i32
    %sign3A_8 = arith.cmpi sgt, %jit3A, %sign3A_7 : i32
    %sign3A_9 = arith.extui %sign3A_8 : i1 to i32
    %sign3A_10 = arith.constant 0 : i32
    %sign3A_11 = arith.cmpi slt, %jit3A, %sign3A_10 : i32
    %sign3A_12 = arith.extui %sign3A_11 : i1 to i32
    %sign3A_13 = arith.subi %sign3A_9, %sign3A_12 : i32
    %ne3A = arith.cmpi ne, %sign3A_6, %sign3A_13 : i32
    %rem3A = arith.remsi %arg1, %jit3A : i32
    %ne3A_14 = arith.constant 0 : i32
    %ne3A_15 = arith.cmpi ne, %rem3A, %ne3A_14 : i32
    %and3A = arith.andi %ne3A, %ne3A_15 : i1
    %sub3A = arith.constant 1 : i32
    %sub3A_16 = arith.subi %div3A, %sub3A : i32
    %select_n3A = arith.select %and3A, %sub3A_16, %div3A : i32
    %add3A = arith.addi %mul3A_0, %select_n3A : i32
    %jit3A_17 = arith.constant 8 : i32
    %div3A_18 = arith.divsi %arg1, %jit3A_17 : i32
    %sign3A_19 = arith.constant 0 : i32
    %sign3A_20 = arith.cmpi sgt, %arg1, %sign3A_19 : i32
    %sign3A_21 = arith.extui %sign3A_20 : i1 to i32
    %sign3A_22 = arith.constant 0 : i32
    %sign3A_23 = arith.cmpi slt, %arg1, %sign3A_22 : i32
    %sign3A_24 = arith.extui %sign3A_23 : i1 to i32
    %sign3A_25 = arith.subi %sign3A_21, %sign3A_24 : i32
    %sign3A_26 = arith.constant 0 : i32
    %sign3A_27 = arith.cmpi sgt, %jit3A_17, %sign3A_26 : i32
    %sign3A_28 = arith.extui %sign3A_27 : i1 to i32
    %sign3A_29 = arith.constant 0 : i32
    %sign3A_30 = arith.cmpi slt, %jit3A_17, %sign3A_29 : i32
    %sign3A_31 = arith.extui %sign3A_30 : i1 to i32
    %sign3A_32 = arith.subi %sign3A_28, %sign3A_31 : i32
    %ne3A_33 = arith.cmpi ne, %sign3A_25, %sign3A_32 : i32
    %rem3A_34 = arith.remsi %arg1, %jit3A_17 : i32
    %ne3A_35 = arith.constant 0 : i32
    %ne3A_36 = arith.cmpi ne, %rem3A_34, %ne3A_35 : i32
    %and3A_37 = arith.andi %ne3A_33, %ne3A_36 : i1
    %sub3A_38 = arith.constant 1 : i32
    %sub3A_39 = arith.subi %div3A_18, %sub3A_38 : i32
    %select_n3A_40 = arith.select %and3A_37, %sub3A_39, %div3A_18 : i32
    %mul3A_41 = arith.constant 8 : i32
    %mul3A_42 = arith.muli %select_n3A_40, %mul3A_41 : i32
    %jit3A_43 = arith.constant 8 : i32
    %eq3A = arith.constant 0 : i32
    %eq3A_44 = arith.cmpi eq, %jit3A_43, %eq3A : i32
    %jit3A_45 = arith.constant 1 : i32
    %select_n3A_46 = arith.select %eq3A_44, %jit3A_45, %jit3A_43 : i32
    %rem3A_47 = arith.remsi %arg1, %select_n3A_46 : i32
    %ne3A_48 = arith.constant 0 : i32
    %ne3A_49 = arith.cmpi ne, %rem3A_47, %ne3A_48 : i32
    %lt3A = arith.constant 0 : i32
    %lt3A_50 = arith.cmpi slt, %rem3A_47, %lt3A : i32
    %lt3A_51 = arith.constant 0 : i32
    %lt3A_52 = arith.cmpi slt, %select_n3A_46, %lt3A_51 : i32
    %ne3A_53 = arith.xori %lt3A_50, %lt3A_52 : i1
    %and3A_54 = arith.andi %ne3A_53, %ne3A_49 : i1
    %add3A_55 = arith.addi %rem3A_47, %select_n3A_46 : i32
    %select_n3A_56 = arith.select %and3A_54, %add3A_55, %rem3A_47 : i32
    %mul3A_57 = arith.constant 8 : i32
    %mul3A_58 = arith.muli %select_n3A_56, %mul3A_57 : i32
    %mul3A_59 = arith.constant 512 : i32
    %mul3A_60 = arith.muli %add3A, %mul3A_59 : i32
    %multiple_of3A = tpu.assume_multiple %mul3A_60, 512 : i32
    "tpu.region"() ({
      %run_scoped3A = tpu.sem_alloc : memref<!tpu.dma_semaphore, #tpu.memory_space<semaphore_mem>>
      %dma_start3A = tpu.memref_slice %arg2[%multiple_of3A] : memref<2048xi32, #tpu.memory_space<hbm>> -> memref<512xi32, #tpu.memory_space<hbm>>
      %dma_start3A_134 = tpu.memref_slice %arg2[%multiple_of3A] : memref<2048xi32, #tpu.memory_space<hbm>> -> memref<512xi32, #tpu.memory_space<hbm>>
      tpu.enqueue_dma source(%dma_start3A_134 : memref<512xi32, #tpu.memory_space<hbm>>) target(%arg6 : memref<512xi32, #tpu.memory_space<vmem>>) target_semaphore(%run_scoped3A : memref<!tpu.dma_semaphore, #tpu.memory_space<semaphore_mem>>)
      %dma_wait3A = tpu.memref_slice %arg2[%multiple_of3A] : memref<2048xi32, #tpu.memory_space<hbm>> -> memref<512xi32, #tpu.memory_space<hbm>>
      %dma_wait3A_135 = tpu.memref_slice %arg2[%multiple_of3A] : memref<2048xi32, #tpu.memory_space<hbm>> -> memref<512xi32, #tpu.memory_space<hbm>>
      tpu.wait_dma2 semaphore(%run_scoped3A : memref<!tpu.dma_semaphore, #tpu.memory_space<semaphore_mem>>) src(%dma_wait3A_135 : memref<512xi32, #tpu.memory_space<hbm>>) dst(%arg6 : memref<512xi32, #tpu.memory_space<vmem>>)
      tpu.yield
    }) : () -> ()
    %mul3A_61 = arith.constant 512 : i32
    %mul3A_62 = arith.muli %add3A, %mul3A_61 : i32
    %multiple_of3A_63 = tpu.assume_multiple %mul3A_62, 512 : i32
    "tpu.region"() ({
      %run_scoped3A = tpu.sem_alloc : memref<!tpu.dma_semaphore, #tpu.memory_space<semaphore_mem>>
      %dma_start3A = tpu.memref_slice %arg3[%multiple_of3A_63] : memref<2048xf32, #tpu.memory_space<hbm>> -> memref<512xf32, #tpu.memory_space<hbm>>
      %dma_start3A_134 = tpu.memref_slice %arg3[%multiple_of3A_63] : memref<2048xf32, #tpu.memory_space<hbm>> -> memref<512xf32, #tpu.memory_space<hbm>>
      tpu.enqueue_dma source(%dma_start3A_134 : memref<512xf32, #tpu.memory_space<hbm>>) target(%arg7 : memref<512xf32, #tpu.memory_space<vmem>>) target_semaphore(%run_scoped3A : memref<!tpu.dma_semaphore, #tpu.memory_space<semaphore_mem>>)
      %dma_wait3A = tpu.memref_slice %arg3[%multiple_of3A_63] : memref<2048xf32, #tpu.memory_space<hbm>> -> memref<512xf32, #tpu.memory_space<hbm>>
      %dma_wait3A_135 = tpu.memref_slice %arg3[%multiple_of3A_63] : memref<2048xf32, #tpu.memory_space<hbm>> -> memref<512xf32, #tpu.memory_space<hbm>>
      tpu.wait_dma2 semaphore(%run_scoped3A : memref<!tpu.dma_semaphore, #tpu.memory_space<semaphore_mem>>) src(%dma_wait3A_135 : memref<512xf32, #tpu.memory_space<hbm>>) dst(%arg7 : memref<512xf32, #tpu.memory_space<vmem>>)
      tpu.yield
    }) : () -> ()
    %iota3A = tpu.iota {dimensions = array<i32: 0>} : vector<16xi32>
    %eq3A_64 = arith.constant 0 : i32
    %eq3A_65 = vector.broadcast %eq3A_64 : i32 to vector<16xi32>
    %eq3A_66 = arith.cmpi eq, %iota3A, %eq3A_65 : vector<16xi32>
    %broadcast_in_dim3A = arith.constant 0 : i32
    %broadcast_in_dim3A_67 = vector.broadcast %broadcast_in_dim3A : i32 to vector<16xi32>
    %scan3A = arith.constant 0 : i32
    %scan3A_68 = arith.constant 32 : i32
    %scan3A_69 = arith.addi %scan3A, %scan3A_68 : i32
    %scan3A_70 = arith.constant 1 : i32
    %scan3A_71:2 = scf.for %scan3A_134 = %scan3A to %scan3A_69 step %scan3A_70 iter_args(%scan3A_135 = %broadcast_in_dim3A_67, %scan3A_136 = %broadcast_in_dim3A_67) -> (vector<16xi32>, vector<16xi32>)  : i32 {
      %mul3A_137 = arith.constant 16 : i32
      %mul3A_138 = arith.muli %scan3A_134, %mul3A_137 : i32
      %multiple_of3A_139 = tpu.assume_multiple %mul3A_138, 16 : i32
      %get3A = arith.index_cast %multiple_of3A_139 : i32 to index
      %get3A_140 = tpu.vector_load %arg6[%get3A] {strides = array<i32>} : memref<512xi32, #tpu.memory_space<vmem>>, vector<16xi32>,
      %mul3A_141 = arith.constant 16 : i32
      %mul3A_142 = arith.muli %scan3A_134, %mul3A_141 : i32
      %add3A_143 = vector.broadcast %mul3A_142 : i32 to vector<16xi32>
      %add3A_144 = arith.addi %iota3A, %add3A_143 : vector<16xi32>
      %add3A_145 = arith.constant 0 : i32
      %add3A_146 = arith.addi %mul3A_58, %add3A_145 : i32
      %eq3A_147 = vector.broadcast %add3A_146 : i32 to vector<16xi32>
      %eq3A_148 = arith.cmpi eq, %get3A_140, %eq3A_147 : vector<16xi32>
      %add3A_149 = arith.constant 0 : i32
      %add3A_150 = arith.addi %mul3A_58, %add3A_149 : i32
      %add3A_151 = arith.constant 1 : i32
      %add3A_152 = arith.addi %add3A_150, %add3A_151 : i32
      %eq3A_153 = vector.broadcast %add3A_152 : i32 to vector<16xi32>
      %eq3A_154 = arith.cmpi eq, %get3A_140, %eq3A_153 : vector<16xi32>
      %jit3A_155 = arith.constant 1 : i32
      %jit3A_156 = arith.constant 0 : i32
      %broadcast_in_dim3A_157 = vector.broadcast %jit3A_155 : i32 to vector<16xi32>
      %broadcast_in_dim3A_158 = vector.broadcast %jit3A_156 : i32 to vector<16xi32>
      %select_n3A_159 = arith.select %eq3A_148, %broadcast_in_dim3A_157, %broadcast_in_dim3A_158 : vector<16xi1>, vector<16xi32>
      %broadcast_in_dim3A_160 = arith.constant true
      %broadcast_in_dim3A_161 = vector.broadcast %broadcast_in_dim3A_160 : i1 to vector<16xi1>
      %masked_cumsum3A = tpu.scan <sum>, %select_n3A_159 masked %broadcast_in_dim3A_161 : vector<16xi32>, vector<16xi1> -> vector<16xi32>
      %add3A_162 = arith.addi %scan3A_135, %masked_cumsum3A : vector<16xi32>
      %sub3A_163 = arith.constant 1 : i32
      %sub3A_164 = vector.broadcast %sub3A_163 : i32 to vector<16xi32>
      %sub3A_165 = arith.subi %add3A_162, %sub3A_164 : vector<16xi32>
      %jit3A_166 = arith.constant 1 : i32
      %jit3A_167 = arith.constant 0 : i32
      %broadcast_in_dim3A_168 = vector.broadcast %jit3A_166 : i32 to vector<16xi32>
      %broadcast_in_dim3A_169 = vector.broadcast %jit3A_167 : i32 to vector<16xi32>
      %select_n3A_170 = arith.select %eq3A_154, %broadcast_in_dim3A_168, %broadcast_in_dim3A_169 : vector<16xi1>, vector<16xi32>
      %broadcast_in_dim3A_171 = arith.constant true
      %broadcast_in_dim3A_172 = vector.broadcast %broadcast_in_dim3A_171 : i1 to vector<16xi1>
      %masked_cumsum3A_173 = tpu.scan <sum>, %select_n3A_170 masked %broadcast_in_dim3A_172 : vector<16xi32>, vector<16xi1> -> vector<16xi32>
      %add3A_174 = arith.addi %scan3A_136, %masked_cumsum3A_173 : vector<16xi32>
      %sub3A_175 = arith.constant 1 : i32
      %sub3A_176 = vector.broadcast %sub3A_175 : i32 to vector<16xi32>
      %sub3A_177 = arith.subi %add3A_174, %sub3A_176 : vector<16xi32>
      %add3A_178 = arith.constant 0 : i32
      %add3A_179 = vector.broadcast %add3A_178 : i32 to vector<16xi32>
      %add3A_180 = arith.addi %add3A_179, %sub3A_165 : vector<16xi32>
      tpu.vector_store_idx %arg8[%add3A_180], %add3A_144 masked %eq3A_148 : memref<4096xi32, #tpu.memory_space<vmem>>[vector<16xi32>], vector<16xi32>, vector<16xi1>
      %add3A_181 = arith.constant 512 : i32
      %add3A_182 = vector.broadcast %add3A_181 : i32 to vector<16xi32>
      %add3A_183 = arith.addi %add3A_182, %sub3A_177 : vector<16xi32>
      tpu.vector_store_idx %arg8[%add3A_183], %add3A_144 masked %eq3A_154 : memref<4096xi32, #tpu.memory_space<vmem>>[vector<16xi32>], vector<16xi32>, vector<16xi1>
      %all_reduce_population_count3A = tpu.all_reduce %eq3A_148 {dim = 0 : i64, kind = #tpu.reduction_kind<sum>} : vector<16xi1> -> vector<16xi32>
      %add3A_184 = arith.addi %scan3A_135, %all_reduce_population_count3A : vector<16xi32>
      %all_reduce_population_count3A_185 = tpu.all_reduce %eq3A_154 {dim = 0 : i64, kind = #tpu.reduction_kind<sum>} : vector<16xi1> -> vector<16xi32>
      %add3A_186 = arith.addi %scan3A_136, %all_reduce_population_count3A_185 : vector<16xi32>
      scf.yield %add3A_184, %add3A_186 : vector<16xi32>, vector<16xi32>
    }
    %scan3A_72 = arith.constant 32 : i32
    %swap3A = arith.constant 0 : index
    %swap3A_73 = tpu.vector_load %arg9[%swap3A] {strides = array<i32>} : memref<128xi32, #tpu.memory_space<vmem>>, vector<16xi32>,
    tpu.vector_store %arg9[%swap3A], %scan3A_71#0 {strides = array<i32>} : memref<128xi32, #tpu.memory_space<vmem>>, vector<16xi32>,
    %swap3A_74 = arith.constant 16 : index
    %swap3A_75 = tpu.vector_load %arg9[%swap3A_74] {strides = array<i32>} : memref<128xi32, #tpu.memory_space<vmem>>, vector<16xi32>,
    tpu.vector_store %arg9[%swap3A_74], %scan3A_71#1 {strides = array<i32>} : memref<128xi32, #tpu.memory_space<vmem>>, vector<16xi32>,
    %scan3A_76 = arith.constant 0 : i32
    %scan3A_77 = arith.constant 32 : i32
    %scan3A_78 = arith.addi %scan3A_76, %scan3A_77 : i32
    %scan3A_79 = arith.constant 1 : i32
    %scan3A_80:2 = scf.for %scan3A_134 = %scan3A_76 to %scan3A_78 step %scan3A_79 iter_args(%scan3A_135 = %broadcast_in_dim3A_67, %scan3A_136 = %broadcast_in_dim3A_67) -> (vector<16xi32>, vector<16xi32>)  : i32 {
      %mul3A_137 = arith.constant 16 : i32
      %mul3A_138 = arith.muli %scan3A_134, %mul3A_137 : i32
      %multiple_of3A_139 = tpu.assume_multiple %mul3A_138, 16 : i32
      %get3A = arith.index_cast %multiple_of3A_139 : i32 to index
      %get3A_140 = tpu.vector_load %arg6[%get3A] {strides = array<i32>} : memref<512xi32, #tpu.memory_space<vmem>>, vector<16xi32>,
      %mul3A_141 = arith.constant 16 : i32
      %mul3A_142 = arith.muli %scan3A_134, %mul3A_141 : i32
      %add3A_143 = vector.broadcast %mul3A_142 : i32 to vector<16xi32>
      %add3A_144 = arith.addi %iota3A, %add3A_143 : vector<16xi32>
      %add3A_145 = arith.constant 2 : i32
      %add3A_146 = arith.addi %mul3A_58, %add3A_145 : i32
      %eq3A_147 = vector.broadcast %add3A_146 : i32 to vector<16xi32>
      %eq3A_148 = arith.cmpi eq, %get3A_140, %eq3A_147 : vector<16xi32>
      %add3A_149 = arith.constant 2 : i32
      %add3A_150 = arith.addi %mul3A_58, %add3A_149 : i32
      %add3A_151 = arith.constant 1 : i32
      %add3A_152 = arith.addi %add3A_150, %add3A_151 : i32
      %eq3A_153 = vector.broadcast %add3A_152 : i32 to vector<16xi32>
      %eq3A_154 = arith.cmpi eq, %get3A_140, %eq3A_153 : vector<16xi32>
      %jit3A_155 = arith.constant 1 : i32
      %jit3A_156 = arith.constant 0 : i32
      %broadcast_in_dim3A_157 = vector.broadcast %jit3A_155 : i32 to vector<16xi32>
      %broadcast_in_dim3A_158 = vector.broadcast %jit3A_156 : i32 to vector<16xi32>
      %select_n3A_159 = arith.select %eq3A_148, %broadcast_in_dim3A_157, %broadcast_in_dim3A_158 : vector<16xi1>, vector<16xi32>
      %broadcast_in_dim3A_160 = arith.constant true
      %broadcast_in_dim3A_161 = vector.broadcast %broadcast_in_dim3A_160 : i1 to vector<16xi1>
      %masked_cumsum3A = tpu.scan <sum>, %select_n3A_159 masked %broadcast_in_dim3A_161 : vector<16xi32>, vector<16xi1> -> vector<16xi32>
      %add3A_162 = arith.addi %scan3A_135, %masked_cumsum3A : vector<16xi32>
      %sub3A_163 = arith.constant 1 : i32
      %sub3A_164 = vector.broadcast %sub3A_163 : i32 to vector<16xi32>
      %sub3A_165 = arith.subi %add3A_162, %sub3A_164 : vector<16xi32>
      %jit3A_166 = arith.constant 1 : i32
      %jit3A_167 = arith.constant 0 : i32
      %broadcast_in_dim3A_168 = vector.broadcast %jit3A_166 : i32 to vector<16xi32>
      %broadcast_in_dim3A_169 = vector.broadcast %jit3A_167 : i32 to vector<16xi32>
      %select_n3A_170 = arith.select %eq3A_154, %broadcast_in_dim3A_168, %broadcast_in_dim3A_169 : vector<16xi1>, vector<16xi32>
      %broadcast_in_dim3A_171 = arith.constant true
      %broadcast_in_dim3A_172 = vector.broadcast %broadcast_in_dim3A_171 : i1 to vector<16xi1>
      %masked_cumsum3A_173 = tpu.scan <sum>, %select_n3A_170 masked %broadcast_in_dim3A_172 : vector<16xi32>, vector<16xi1> -> vector<16xi32>
      %add3A_174 = arith.addi %scan3A_136, %masked_cumsum3A_173 : vector<16xi32>
      %sub3A_175 = arith.constant 1 : i32
      %sub3A_176 = vector.broadcast %sub3A_175 : i32 to vector<16xi32>
      %sub3A_177 = arith.subi %add3A_174, %sub3A_176 : vector<16xi32>
      %add3A_178 = arith.constant 1024 : i32
      %add3A_179 = vector.broadcast %add3A_178 : i32 to vector<16xi32>
      %add3A_180 = arith.addi %add3A_179, %sub3A_165 : vector<16xi32>
      tpu.vector_store_idx %arg8[%add3A_180], %add3A_144 masked %eq3A_148 : memref<4096xi32, #tpu.memory_space<vmem>>[vector<16xi32>], vector<16xi32>, vector<16xi1>
      %add3A_181 = arith.constant 1536 : i32
      %add3A_182 = vector.broadcast %add3A_181 : i32 to vector<16xi32>
      %add3A_183 = arith.addi %add3A_182, %sub3A_177 : vector<16xi32>
      tpu.vector_store_idx %arg8[%add3A_183], %add3A_144 masked %eq3A_154 : memref<4096xi32, #tpu.memory_space<vmem>>[vector<16xi32>], vector<16xi32>, vector<16xi1>
      %all_reduce_population_count3A = tpu.all_reduce %eq3A_148 {dim = 0 : i64, kind = #tpu.reduction_kind<sum>} : vector<16xi1> -> vector<16xi32>
      %add3A_184 = arith.addi %scan3A_135, %all_reduce_population_count3A : vector<16xi32>
      %all_reduce_population_count3A_185 = tpu.all_reduce %eq3A_154 {dim = 0 : i64, kind = #tpu.reduction_kind<sum>} : vector<16xi1> -> vector<16xi32>
      %add3A_186 = arith.addi %scan3A_136, %all_reduce_population_count3A_185 : vector<16xi32>
      scf.yield %add3A_184, %add3A_186 : vector<16xi32>, vector<16xi32>
    }
    %scan3A_81 = arith.constant 32 : i32
    %swap3A_82 = arith.constant 32 : index
    %swap3A_83 = tpu.vector_load %arg9[%swap3A_82] {strides = array<i32>} : memref<128xi32, #tpu.memory_space<vmem>>, vector<16xi32>,
    tpu.vector_store %arg9[%swap3A_82], %scan3A_80#0 {strides = array<i32>} : memref<128xi32, #tpu.memory_space<vmem>>, vector<16xi32>,
    %swap3A_84 = arith.constant 48 : index
    %swap3A_85 = tpu.vector_load %arg9[%swap3A_84] {strides = array<i32>} : memref<128xi32, #tpu.memory_space<vmem>>, vector<16xi32>,
    tpu.vector_store %arg9[%swap3A_84], %scan3A_80#1 {strides = array<i32>} : memref<128xi32, #tpu.memory_space<vmem>>, vector<16xi32>,
    %scan3A_86 = arith.constant 0 : i32
    %scan3A_87 = arith.constant 32 : i32
    %scan3A_88 = arith.addi %scan3A_86, %scan3A_87 : i32
    %scan3A_89 = arith.constant 1 : i32
    %scan3A_90:2 = scf.for %scan3A_134 = %scan3A_86 to %scan3A_88 step %scan3A_89 iter_args(%scan3A_135 = %broadcast_in_dim3A_67, %scan3A_136 = %broadcast_in_dim3A_67) -> (vector<16xi32>, vector<16xi32>)  : i32 {
      %mul3A_137 = arith.constant 16 : i32
      %mul3A_138 = arith.muli %scan3A_134, %mul3A_137 : i32
      %multiple_of3A_139 = tpu.assume_multiple %mul3A_138, 16 : i32
      %get3A = arith.index_cast %multiple_of3A_139 : i32 to index
      %get3A_140 = tpu.vector_load %arg6[%get3A] {strides = array<i32>} : memref<512xi32, #tpu.memory_space<vmem>>, vector<16xi32>,
      %mul3A_141 = arith.constant 16 : i32
      %mul3A_142 = arith.muli %scan3A_134, %mul3A_141 : i32
      %add3A_143 = vector.broadcast %mul3A_142 : i32 to vector<16xi32>
      %add3A_144 = arith.addi %iota3A, %add3A_143 : vector<16xi32>
      %add3A_145 = arith.constant 4 : i32
      %add3A_146 = arith.addi %mul3A_58, %add3A_145 : i32
      %eq3A_147 = vector.broadcast %add3A_146 : i32 to vector<16xi32>
      %eq3A_148 = arith.cmpi eq, %get3A_140, %eq3A_147 : vector<16xi32>
      %add3A_149 = arith.constant 4 : i32
      %add3A_150 = arith.addi %mul3A_58, %add3A_149 : i32
      %add3A_151 = arith.constant 1 : i32
      %add3A_152 = arith.addi %add3A_150, %add3A_151 : i32
      %eq3A_153 = vector.broadcast %add3A_152 : i32 to vector<16xi32>
      %eq3A_154 = arith.cmpi eq, %get3A_140, %eq3A_153 : vector<16xi32>
      %jit3A_155 = arith.constant 1 : i32
      %jit3A_156 = arith.constant 0 : i32
      %broadcast_in_dim3A_157 = vector.broadcast %jit3A_155 : i32 to vector<16xi32>
      %broadcast_in_dim3A_158 = vector.broadcast %jit3A_156 : i32 to vector<16xi32>
      %select_n3A_159 = arith.select %eq3A_148, %broadcast_in_dim3A_157, %broadcast_in_dim3A_158 : vector<16xi1>, vector<16xi32>
      %broadcast_in_dim3A_160 = arith.constant true
      %broadcast_in_dim3A_161 = vector.broadcast %broadcast_in_dim3A_160 : i1 to vector<16xi1>
      %masked_cumsum3A = tpu.scan <sum>, %select_n3A_159 masked %broadcast_in_dim3A_161 : vector<16xi32>, vector<16xi1> -> vector<16xi32>
      %add3A_162 = arith.addi %scan3A_135, %masked_cumsum3A : vector<16xi32>
      %sub3A_163 = arith.constant 1 : i32
      %sub3A_164 = vector.broadcast %sub3A_163 : i32 to vector<16xi32>
      %sub3A_165 = arith.subi %add3A_162, %sub3A_164 : vector<16xi32>
      %jit3A_166 = arith.constant 1 : i32
      %jit3A_167 = arith.constant 0 : i32
      %broadcast_in_dim3A_168 = vector.broadcast %jit3A_166 : i32 to vector<16xi32>
      %broadcast_in_dim3A_169 = vector.broadcast %jit3A_167 : i32 to vector<16xi32>
      %select_n3A_170 = arith.select %eq3A_154, %broadcast_in_dim3A_168, %broadcast_in_dim3A_169 : vector<16xi1>, vector<16xi32>
      %broadcast_in_dim3A_171 = arith.constant true
      %broadcast_in_dim3A_172 = vector.broadcast %broadcast_in_dim3A_171 : i1 to vector<16xi1>
      %masked_cumsum3A_173 = tpu.scan <sum>, %select_n3A_170 masked %broadcast_in_dim3A_172 : vector<16xi32>, vector<16xi1> -> vector<16xi32>
      %add3A_174 = arith.addi %scan3A_136, %masked_cumsum3A_173 : vector<16xi32>
      %sub3A_175 = arith.constant 1 : i32
      %sub3A_176 = vector.broadcast %sub3A_175 : i32 to vector<16xi32>
      %sub3A_177 = arith.subi %add3A_174, %sub3A_176 : vector<16xi32>
      %add3A_178 = arith.constant 2048 : i32
      %add3A_179 = vector.broadcast %add3A_178 : i32 to vector<16xi32>
      %add3A_180 = arith.addi %add3A_179, %sub3A_165 : vector<16xi32>
      tpu.vector_store_idx %arg8[%add3A_180], %add3A_144 masked %eq3A_148 : memref<4096xi32, #tpu.memory_space<vmem>>[vector<16xi32>], vector<16xi32>, vector<16xi1>
      %add3A_181 = arith.constant 2560 : i32
      %add3A_182 = vector.broadcast %add3A_181 : i32 to vector<16xi32>
      %add3A_183 = arith.addi %add3A_182, %sub3A_177 : vector<16xi32>
      tpu.vector_store_idx %arg8[%add3A_183], %add3A_144 masked %eq3A_154 : memref<4096xi32, #tpu.memory_space<vmem>>[vector<16xi32>], vector<16xi32>, vector<16xi1>
      %all_reduce_population_count3A = tpu.all_reduce %eq3A_148 {dim = 0 : i64, kind = #tpu.reduction_kind<sum>} : vector<16xi1> -> vector<16xi32>
      %add3A_184 = arith.addi %scan3A_135, %all_reduce_population_count3A : vector<16xi32>
      %all_reduce_population_count3A_185 = tpu.all_reduce %eq3A_154 {dim = 0 : i64, kind = #tpu.reduction_kind<sum>} : vector<16xi1> -> vector<16xi32>
      %add3A_186 = arith.addi %scan3A_136, %all_reduce_population_count3A_185 : vector<16xi32>
      scf.yield %add3A_184, %add3A_186 : vector<16xi32>, vector<16xi32>
    }
    %scan3A_91 = arith.constant 32 : i32
    %swap3A_92 = arith.constant 64 : index
    %swap3A_93 = tpu.vector_load %arg9[%swap3A_92] {strides = array<i32>} : memref<128xi32, #tpu.memory_space<vmem>>, vector<16xi32>,
    tpu.vector_store %arg9[%swap3A_92], %scan3A_90#0 {strides = array<i32>} : memref<128xi32, #tpu.memory_space<vmem>>, vector<16xi32>,
    %swap3A_94 = arith.constant 80 : index
    %swap3A_95 = tpu.vector_load %arg9[%swap3A_94] {strides = array<i32>} : memref<128xi32, #tpu.memory_space<vmem>>, vector<16xi32>,
    tpu.vector_store %arg9[%swap3A_94], %scan3A_90#1 {strides = array<i32>} : memref<128xi32, #tpu.memory_space<vmem>>, vector<16xi32>,
    %scan3A_96 = arith.constant 0 : i32
    %scan3A_97 = arith.constant 32 : i32
    %scan3A_98 = arith.addi %scan3A_96, %scan3A_97 : i32
    %scan3A_99 = arith.constant 1 : i32
    %scan3A_100:2 = scf.for %scan3A_134 = %scan3A_96 to %scan3A_98 step %scan3A_99 iter_args(%scan3A_135 = %broadcast_in_dim3A_67, %scan3A_136 = %broadcast_in_dim3A_67) -> (vector<16xi32>, vector<16xi32>)  : i32 {
      %mul3A_137 = arith.constant 16 : i32
      %mul3A_138 = arith.muli %scan3A_134, %mul3A_137 : i32
      %multiple_of3A_139 = tpu.assume_multiple %mul3A_138, 16 : i32
      %get3A = arith.index_cast %multiple_of3A_139 : i32 to index
      %get3A_140 = tpu.vector_load %arg6[%get3A] {strides = array<i32>} : memref<512xi32, #tpu.memory_space<vmem>>, vector<16xi32>,
      %mul3A_141 = arith.constant 16 : i32
      %mul3A_142 = arith.muli %scan3A_134, %mul3A_141 : i32
      %add3A_143 = vector.broadcast %mul3A_142 : i32 to vector<16xi32>
      %add3A_144 = arith.addi %iota3A, %add3A_143 : vector<16xi32>
      %add3A_145 = arith.constant 6 : i32
      %add3A_146 = arith.addi %mul3A_58, %add3A_145 : i32
      %eq3A_147 = vector.broadcast %add3A_146 : i32 to vector<16xi32>
      %eq3A_148 = arith.cmpi eq, %get3A_140, %eq3A_147 : vector<16xi32>
      %add3A_149 = arith.constant 6 : i32
      %add3A_150 = arith.addi %mul3A_58, %add3A_149 : i32
      %add3A_151 = arith.constant 1 : i32
      %add3A_152 = arith.addi %add3A_150, %add3A_151 : i32
      %eq3A_153 = vector.broadcast %add3A_152 : i32 to vector<16xi32>
      %eq3A_154 = arith.cmpi eq, %get3A_140, %eq3A_153 : vector<16xi32>
      %jit3A_155 = arith.constant 1 : i32
      %jit3A_156 = arith.constant 0 : i32
      %broadcast_in_dim3A_157 = vector.broadcast %jit3A_155 : i32 to vector<16xi32>
      %broadcast_in_dim3A_158 = vector.broadcast %jit3A_156 : i32 to vector<16xi32>
      %select_n3A_159 = arith.select %eq3A_148, %broadcast_in_dim3A_157, %broadcast_in_dim3A_158 : vector<16xi1>, vector<16xi32>
      %broadcast_in_dim3A_160 = arith.constant true
      %broadcast_in_dim3A_161 = vector.broadcast %broadcast_in_dim3A_160 : i1 to vector<16xi1>
      %masked_cumsum3A = tpu.scan <sum>, %select_n3A_159 masked %broadcast_in_dim3A_161 : vector<16xi32>, vector<16xi1> -> vector<16xi32>
      %add3A_162 = arith.addi %scan3A_135, %masked_cumsum3A : vector<16xi32>
      %sub3A_163 = arith.constant 1 : i32
      %sub3A_164 = vector.broadcast %sub3A_163 : i32 to vector<16xi32>
      %sub3A_165 = arith.subi %add3A_162, %sub3A_164 : vector<16xi32>
      %jit3A_166 = arith.constant 1 : i32
      %jit3A_167 = arith.constant 0 : i32
      %broadcast_in_dim3A_168 = vector.broadcast %jit3A_166 : i32 to vector<16xi32>
      %broadcast_in_dim3A_169 = vector.broadcast %jit3A_167 : i32 to vector<16xi32>
      %select_n3A_170 = arith.select %eq3A_154, %broadcast_in_dim3A_168, %broadcast_in_dim3A_169 : vector<16xi1>, vector<16xi32>
      %broadcast_in_dim3A_171 = arith.constant true
      %broadcast_in_dim3A_172 = vector.broadcast %broadcast_in_dim3A_171 : i1 to vector<16xi1>
      %masked_cumsum3A_173 = tpu.scan <sum>, %select_n3A_170 masked %broadcast_in_dim3A_172 : vector<16xi32>, vector<16xi1> -> vector<16xi32>
      %add3A_174 = arith.addi %scan3A_136, %masked_cumsum3A_173 : vector<16xi32>
      %sub3A_175 = arith.constant 1 : i32
      %sub3A_176 = vector.broadcast %sub3A_175 : i32 to vector<16xi32>
      %sub3A_177 = arith.subi %add3A_174, %sub3A_176 : vector<16xi32>
      %add3A_178 = arith.constant 3072 : i32
      %add3A_179 = vector.broadcast %add3A_178 : i32 to vector<16xi32>
      %add3A_180 = arith.addi %add3A_179, %sub3A_165 : vector<16xi32>
      tpu.vector_store_idx %arg8[%add3A_180], %add3A_144 masked %eq3A_148 : memref<4096xi32, #tpu.memory_space<vmem>>[vector<16xi32>], vector<16xi32>, vector<16xi1>
      %add3A_181 = arith.constant 3584 : i32
      %add3A_182 = vector.broadcast %add3A_181 : i32 to vector<16xi32>
      %add3A_183 = arith.addi %add3A_182, %sub3A_177 : vector<16xi32>
      tpu.vector_store_idx %arg8[%add3A_183], %add3A_144 masked %eq3A_154 : memref<4096xi32, #tpu.memory_space<vmem>>[vector<16xi32>], vector<16xi32>, vector<16xi1>
      %all_reduce_population_count3A = tpu.all_reduce %eq3A_148 {dim = 0 : i64, kind = #tpu.reduction_kind<sum>} : vector<16xi1> -> vector<16xi32>
      %add3A_184 = arith.addi %scan3A_135, %all_reduce_population_count3A : vector<16xi32>
      %all_reduce_population_count3A_185 = tpu.all_reduce %eq3A_154 {dim = 0 : i64, kind = #tpu.reduction_kind<sum>} : vector<16xi1> -> vector<16xi32>
      %add3A_186 = arith.addi %scan3A_136, %all_reduce_population_count3A_185 : vector<16xi32>
      scf.yield %add3A_184, %add3A_186 : vector<16xi32>, vector<16xi32>
    }
    %scan3A_101 = arith.constant 32 : i32
    %swap3A_102 = arith.constant 96 : index
    %swap3A_103 = tpu.vector_load %arg9[%swap3A_102] {strides = array<i32>} : memref<128xi32, #tpu.memory_space<vmem>>, vector<16xi32>,
    tpu.vector_store %arg9[%swap3A_102], %scan3A_100#0 {strides = array<i32>} : memref<128xi32, #tpu.memory_space<vmem>>, vector<16xi32>,
    %swap3A_104 = arith.constant 112 : index
    %swap3A_105 = tpu.vector_load %arg9[%swap3A_104] {strides = array<i32>} : memref<128xi32, #tpu.memory_space<vmem>>, vector<16xi32>,
    tpu.vector_store %arg9[%swap3A_104], %scan3A_100#1 {strides = array<i32>} : memref<128xi32, #tpu.memory_space<vmem>>, vector<16xi32>,
    "tpu.region"() ({
      %run_scoped3A = tpu.sem_alloc : memref<!tpu.dma_semaphore, #tpu.memory_space<semaphore_mem>>
      %dma_start3A = arith.constant 0 : i32
      %dma_start3A_134 = tpu.memref_slice %arg19[%arg1, %dma_start3A] : memref<16x4096xi32, #tpu.memory_space<vmem_shared>> -> memref<1x4096xi32, #tpu.memory_space<vmem_shared>>
      %dma_start3A_135 = tpu.memref_squeeze %dma_start3A_134 : memref<1x4096xi32, #tpu.memory_space<vmem_shared>> -> memref<4096xi32, #tpu.memory_space<vmem_shared>>
      %dma_start3A_136 = arith.constant 0 : i32
      %dma_start3A_137 = tpu.memref_slice %arg19[%arg1, %dma_start3A_136] : memref<16x4096xi32, #tpu.memory_space<vmem_shared>> -> memref<1x4096xi32, #tpu.memory_space<vmem_shared>>
      %dma_start3A_138 = tpu.memref_squeeze %dma_start3A_137 : memref<1x4096xi32, #tpu.memory_space<vmem_shared>> -> memref<4096xi32, #tpu.memory_space<vmem_shared>>
      tpu.enqueue_dma source(%arg8 : memref<4096xi32, #tpu.memory_space<vmem>>) target(%dma_start3A_138 : memref<4096xi32, #tpu.memory_space<vmem_shared>>) target_semaphore(%run_scoped3A : memref<!tpu.dma_semaphore, #tpu.memory_space<semaphore_mem>>)
      %dma_wait3A = arith.constant 0 : i32
      %dma_wait3A_139 = tpu.memref_slice %arg19[%arg1, %dma_wait3A] : memref<16x4096xi32, #tpu.memory_space<vmem_shared>> -> memref<1x4096xi32, #tpu.memory_space<vmem_shared>>
      %dma_wait3A_140 = tpu.memref_squeeze %dma_wait3A_139 : memref<1x4096xi32, #tpu.memory_space<vmem_shared>> -> memref<4096xi32, #tpu.memory_space<vmem_shared>>
      %dma_wait3A_141 = arith.constant 0 : i32
      %dma_wait3A_142 = tpu.memref_slice %arg19[%arg1, %dma_wait3A_141] : memref<16x4096xi32, #tpu.memory_space<vmem_shared>> -> memref<1x4096xi32, #tpu.memory_space<vmem_shared>>
      %dma_wait3A_143 = tpu.memref_squeeze %dma_wait3A_142 : memref<1x4096xi32, #tpu.memory_space<vmem_shared>> -> memref<4096xi32, #tpu.memory_space<vmem_shared>>
      tpu.wait_dma2 semaphore(%run_scoped3A : memref<!tpu.dma_semaphore, #tpu.memory_space<semaphore_mem>>) src(%arg8 : memref<4096xi32, #tpu.memory_space<vmem>>) dst(%dma_wait3A_143 : memref<4096xi32, #tpu.memory_space<vmem_shared>>)
      tpu.yield
    }) : () -> ()
    "tpu.region"() ({
      %run_scoped3A = tpu.sem_alloc : memref<!tpu.dma_semaphore, #tpu.memory_space<semaphore_mem>>
      %dma_start3A = arith.constant 0 : i32
      %dma_start3A_134 = tpu.memref_slice %arg20[%arg1, %dma_start3A] : memref<16x128xi32, #tpu.memory_space<vmem_shared>> -> memref<1x128xi32, #tpu.memory_space<vmem_shared>>
      %dma_start3A_135 = tpu.memref_squeeze %dma_start3A_134 : memref<1x128xi32, #tpu.memory_space<vmem_shared>> -> memref<128xi32, #tpu.memory_space<vmem_shared>>
      %dma_start3A_136 = arith.constant 0 : i32
      %dma_start3A_137 = tpu.memref_slice %arg20[%arg1, %dma_start3A_136] : memref<16x128xi32, #tpu.memory_space<vmem_shared>> -> memref<1x128xi32, #tpu.memory_space<vmem_shared>>
      %dma_start3A_138 = tpu.memref_squeeze %dma_start3A_137 : memref<1x128xi32, #tpu.memory_space<vmem_shared>> -> memref<128xi32, #tpu.memory_space<vmem_shared>>
      tpu.enqueue_dma source(%arg9 : memref<128xi32, #tpu.memory_space<vmem>>) target(%dma_start3A_138 : memref<128xi32, #tpu.memory_space<vmem_shared>>) target_semaphore(%run_scoped3A : memref<!tpu.dma_semaphore, #tpu.memory_space<semaphore_mem>>)
      %dma_wait3A = arith.constant 0 : i32
      %dma_wait3A_139 = tpu.memref_slice %arg20[%arg1, %dma_wait3A] : memref<16x128xi32, #tpu.memory_space<vmem_shared>> -> memref<1x128xi32, #tpu.memory_space<vmem_shared>>
      %dma_wait3A_140 = tpu.memref_squeeze %dma_wait3A_139 : memref<1x128xi32, #tpu.memory_space<vmem_shared>> -> memref<128xi32, #tpu.memory_space<vmem_shared>>
      %dma_wait3A_141 = arith.constant 0 : i32
      %dma_wait3A_142 = tpu.memref_slice %arg20[%arg1, %dma_wait3A_141] : memref<16x128xi32, #tpu.memory_space<vmem_shared>> -> memref<1x128xi32, #tpu.memory_space<vmem_shared>>
      %dma_wait3A_143 = tpu.memref_squeeze %dma_wait3A_142 : memref<1x128xi32, #tpu.memory_space<vmem_shared>> -> memref<128xi32, #tpu.memory_space<vmem_shared>>
      tpu.wait_dma2 semaphore(%run_scoped3A : memref<!tpu.dma_semaphore, #tpu.memory_space<semaphore_mem>>) src(%arg9 : memref<128xi32, #tpu.memory_space<vmem>>) dst(%dma_wait3A_143 : memref<128xi32, #tpu.memory_space<vmem_shared>>)
      tpu.yield
    }) : () -> ()
    %eq3A_106 = arith.cmpi eq, %arg1, %mul3A_42 : i32
    %convert_element_type3A = arith.extui %eq3A_106 : i1 to i32
    %cond3A = arith.constant 0 : i32
    %cond3A_107 = arith.cmpi ne, %convert_element_type3A, %cond3A : i32
    scf.if %cond3A_107 {
      %swap3A_134 = arith.constant 0 : i32
      %swap3A_135 = arith.constant 0 : i32
      %swap3A_136 = arith.index_cast %swap3A_135 : i32 to index
      %swap3A_137 = memref.load %arg21[%swap3A_136] : memref<1xi32, #tpu.memory_space<smem>>
      memref.store %swap3A_134, %arg21[%swap3A_136] : memref<1xi32, #tpu.memory_space<smem>>
    } else {
    }
    %barrier3A = arith.constant 0 : index
    tpu.barrier barrier_id(%barrier3A)
    %sc_fetch_and_add3A = arith.constant 1 : i32
    %sc_fetch_and_add3A_108 = arith.constant 0 : i32
    %sc_fetch_and_add3A_109 = tpu.fetch_and_add_sync %arg21[%sc_fetch_and_add3A_108], %sc_fetch_and_add3A, %mul3A_42 : memref<1xi32, #tpu.memory_space<smem>>, i32 -> i32
    %lt3A_110 = arith.constant 64 : i32
    %lt3A_111 = arith.cmpi slt, %sc_fetch_and_add3A_109, %lt3A_110 : i32
    %convert_element_type3A_112 = arith.extui %lt3A_111 : i1 to i32
    %cond3A_113 = arith.constant 0 : i32
    %cond3A_114 = arith.cmpi ne, %convert_element_type3A_112, %cond3A_113 : i32
    scf.if %cond3A_114 {
      %mul3A_134 = arith.constant 64 : i32
      %mul3A_135 = arith.muli %add3A, %mul3A_134 : i32
      %add3A_136 = arith.addi %mul3A_135, %sc_fetch_and_add3A_109 : i32
      %dma_start3A = arith.constant 0 : i32
      %dma_start3A_137 = arith.constant 0 : i32
      %dma_start3A_138 = tpu.memref_slice %arg4[%add3A_136, %dma_start3A, %dma_start3A_137] : memref<256x64x256xf32, #tpu.memory_space<hbm>> -> memref<1x64x256xf32, #tpu.memory_space<hbm>>
      %dma_start3A_139 = arith.constant 0 : i32
      %dma_start3A_140 = arith.constant 0 : i32
      %dma_start3A_141 = tpu.memref_slice %arg4[%add3A_136, %dma_start3A_139, %dma_start3A_140] : memref<256x64x256xf32, #tpu.memory_space<hbm>> -> memref<1x64x256xf32, #tpu.memory_space<hbm>>
      tpu.enqueue_dma source(%dma_start3A_141 : memref<1x64x256xf32, #tpu.memory_space<hbm>>) target(%arg15 : memref<1x64x256xf32, #tpu.memory_space<vmem>>) target_semaphore(%arg22 : memref<!tpu.dma_semaphore, #tpu.memory_space<semaphore_mem>>)
    } else {
    }
    %sc_fetch_and_add3A_115 = arith.constant 1 : i32
    %sc_fetch_and_add3A_116 = arith.constant 0 : i32
    %sc_fetch_and_add3A_117 = tpu.fetch_and_add_sync %arg21[%sc_fetch_and_add3A_116], %sc_fetch_and_add3A_115, %mul3A_42 : memref<1xi32, #tpu.memory_space<smem>>, i32 -> i32
    %lt3A_118 = arith.constant 64 : i32
    %lt3A_119 = arith.cmpi slt, %sc_fetch_and_add3A_117, %lt3A_118 : i32
    %convert_element_type3A_120 = arith.extui %lt3A_119 : i1 to i32
    %cond3A_121 = arith.constant 0 : i32
    %cond3A_122 = arith.cmpi ne, %convert_element_type3A_120, %cond3A_121 : i32
    scf.if %cond3A_122 {
      %mul3A_134 = arith.constant 64 : i32
      %mul3A_135 = arith.muli %add3A, %mul3A_134 : i32
      %add3A_136 = arith.addi %mul3A_135, %sc_fetch_and_add3A_117 : i32
      %dma_start3A = arith.constant 0 : i32
      %dma_start3A_137 = arith.constant 0 : i32
      %dma_start3A_138 = tpu.memref_slice %arg4[%add3A_136, %dma_start3A, %dma_start3A_137] : memref<256x64x256xf32, #tpu.memory_space<hbm>> -> memref<1x64x256xf32, #tpu.memory_space<hbm>>
      %dma_start3A_139 = arith.constant 0 : i32
      %dma_start3A_140 = arith.constant 0 : i32
      %dma_start3A_141 = tpu.memref_slice %arg4[%add3A_136, %dma_start3A_139, %dma_start3A_140] : memref<256x64x256xf32, #tpu.memory_space<hbm>> -> memref<1x64x256xf32, #tpu.memory_space<hbm>>
      tpu.enqueue_dma source(%dma_start3A_141 : memref<1x64x256xf32, #tpu.memory_space<hbm>>) target(%arg16 : memref<1x64x256xf32, #tpu.memory_space<vmem>>) target_semaphore(%arg23 : memref<!tpu.dma_semaphore, #tpu.memory_space<semaphore_mem>>)
    } else {
    }
    %while3A = arith.constant 0 : i32
    %while3A_123 = arith.constant 0 : i32
    %while3A_124:4 = scf.while (%while3A_134 = %sc_fetch_and_add3A_109, %while3A_135 = %sc_fetch_and_add3A_117, %while3A_136 = %while3A, %while3A_137 = %while3A_123) : (i32, i32, i32, i32) -> (i32, i32, i32, i32) {
      %lt3A_138 = arith.constant 64 : i32
      %lt3A_139 = arith.cmpi slt, %while3A_134, %lt3A_138 : i32
      %lt3A_140 = arith.constant 64 : i32
      %lt3A_141 = arith.cmpi slt, %while3A_135, %lt3A_140 : i32
      %or3A = arith.ori %lt3A_139, %lt3A_141 : i1
      scf.condition(%or3A) %while3A_134, %while3A_135, %while3A_136, %while3A_137 : i32, i32, i32, i32
    } do {
    ^bb0(%while3A_134: i32, %while3A_135: i32, %while3A_136: i32, %while3A_137: i32):
      %min3A = arith.constant 63 : i32
      %min3A_138 = arith.minsi %while3A_134, %min3A : i32
      %div3A_139 = arith.constant 8 : i32
      %div3A_140 = arith.divsi %min3A_138, %div3A_139 : i32
      %add3A_141 = arith.addi %mul3A_42, %div3A_140 : i32
      %rem3A_142 = arith.constant 8 : i32
      %rem3A_143 = arith.remsi %min3A_138, %rem3A_142 : i32
      %mul3A_144 = arith.constant 16 : i32
      %mul3A_145 = arith.muli %rem3A_143, %mul3A_144 : i32
      "tpu.region"() ({
        %run_scoped3A = tpu.sem_alloc : memref<!tpu.dma_semaphore, #tpu.memory_space<semaphore_mem>>
        %dma_start3A = tpu.memref_slice %arg20[%add3A_141, %mul3A_145] : memref<16x128xi32, #tpu.memory_space<vmem_shared>> -> memref<1x16xi32, #tpu.memory_space<vmem_shared>>
        %dma_start3A_285 = tpu.memref_squeeze %dma_start3A : memref<1x16xi32, #tpu.memory_space<vmem_shared>> -> memref<16xi32, #tpu.memory_space<vmem_shared>>
        %dma_start3A_286 = tpu.memref_slice %arg20[%add3A_141, %mul3A_145] : memref<16x128xi32, #tpu.memory_space<vmem_shared>> -> memref<1x16xi32, #tpu.memory_space<vmem_shared>>
        %dma_start3A_287 = tpu.memref_squeeze %dma_start3A_286 : memref<1x16xi32, #tpu.memory_space<vmem_shared>> -> memref<16xi32, #tpu.memory_space<vmem_shared>>
        tpu.enqueue_dma source(%dma_start3A_287 : memref<16xi32, #tpu.memory_space<vmem_shared>>) target(%arg12 : memref<16xi32, #tpu.memory_space<vmem>>) target_semaphore(%run_scoped3A : memref<!tpu.dma_semaphore, #tpu.memory_space<semaphore_mem>>)
        %dma_wait3A = tpu.memref_slice %arg20[%add3A_141, %mul3A_145] : memref<16x128xi32, #tpu.memory_space<vmem_shared>> -> memref<1x16xi32, #tpu.memory_space<vmem_shared>>
        %dma_wait3A_288 = tpu.memref_squeeze %dma_wait3A : memref<1x16xi32, #tpu.memory_space<vmem_shared>> -> memref<16xi32, #tpu.memory_space<vmem_shared>>
        %dma_wait3A_289 = tpu.memref_slice %arg20[%add3A_141, %mul3A_145] : memref<16x128xi32, #tpu.memory_space<vmem_shared>> -> memref<1x16xi32, #tpu.memory_space<vmem_shared>>
        %dma_wait3A_290 = tpu.memref_squeeze %dma_wait3A_289 : memref<1x16xi32, #tpu.memory_space<vmem_shared>> -> memref<16xi32, #tpu.memory_space<vmem_shared>>
        tpu.wait_dma2 semaphore(%run_scoped3A : memref<!tpu.dma_semaphore, #tpu.memory_space<semaphore_mem>>) src(%dma_wait3A_290 : memref<16xi32, #tpu.memory_space<vmem_shared>>) dst(%arg12 : memref<16xi32, #tpu.memory_space<vmem>>)
        tpu.yield
      }) : () -> ()
      %mul3A_146 = arith.constant 512 : i32
      %mul3A_147 = arith.muli %rem3A_143, %mul3A_146 : i32
      "tpu.region"() ({
        %run_scoped3A = tpu.sem_alloc : memref<!tpu.dma_semaphore, #tpu.memory_space<semaphore_mem>>
        %dma_start3A = tpu.memref_slice %arg19[%add3A_141, %mul3A_147] : memref<16x4096xi32, #tpu.memory_space<vmem_shared>> -> memref<1x512xi32, #tpu.memory_space<vmem_shared>>
        %dma_start3A_285 = tpu.memref_squeeze %dma_start3A : memref<1x512xi32, #tpu.memory_space<vmem_shared>> -> memref<512xi32, #tpu.memory_space<vmem_shared>>
        %dma_start3A_286 = tpu.memref_slice %arg19[%add3A_141, %mul3A_147] : memref<16x4096xi32, #tpu.memory_space<vmem_shared>> -> memref<1x512xi32, #tpu.memory_space<vmem_shared>>
        %dma_start3A_287 = tpu.memref_squeeze %dma_start3A_286 : memref<1x512xi32, #tpu.memory_space<vmem_shared>> -> memref<512xi32, #tpu.memory_space<vmem_shared>>
        tpu.enqueue_dma source(%dma_start3A_287 : memref<512xi32, #tpu.memory_space<vmem_shared>>) target(%arg10 : memref<512xi32, #tpu.memory_space<vmem>>) target_semaphore(%run_scoped3A : memref<!tpu.dma_semaphore, #tpu.memory_space<semaphore_mem>>)
        %dma_wait3A = tpu.memref_slice %arg19[%add3A_141, %mul3A_147] : memref<16x4096xi32, #tpu.memory_space<vmem_shared>> -> memref<1x512xi32, #tpu.memory_space<vmem_shared>>
        %dma_wait3A_288 = tpu.memref_squeeze %dma_wait3A : memref<1x512xi32, #tpu.memory_space<vmem_shared>> -> memref<512xi32, #tpu.memory_space<vmem_shared>>
        %dma_wait3A_289 = tpu.memref_slice %arg19[%add3A_141, %mul3A_147] : memref<16x4096xi32, #tpu.memory_space<vmem_shared>> -> memref<1x512xi32, #tpu.memory_space<vmem_shared>>
        %dma_wait3A_290 = tpu.memref_squeeze %dma_wait3A_289 : memref<1x512xi32, #tpu.memory_space<vmem_shared>> -> memref<512xi32, #tpu.memory_space<vmem_shared>>
        tpu.wait_dma2 semaphore(%run_scoped3A : memref<!tpu.dma_semaphore, #tpu.memory_space<semaphore_mem>>) src(%dma_wait3A_290 : memref<512xi32, #tpu.memory_space<vmem_shared>>) dst(%arg10 : memref<512xi32, #tpu.memory_space<vmem>>)
        tpu.yield
      }) : () -> ()
      %lt3A_148 = arith.constant 64 : i32
      %lt3A_149 = arith.cmpi slt, %while3A_134, %lt3A_148 : i32
      %convert_element_type3A_150 = arith.extui %lt3A_149 : i1 to i32
      %cond3A_151 = arith.constant 0 : i32
      %cond3A_152 = arith.cmpi ne, %convert_element_type3A_150, %cond3A_151 : i32
      scf.if %cond3A_152 {
        %dma_wait3A = arith.constant 0 : i32
        %dma_wait3A_285 = arith.constant 0 : i32
        %dma_wait3A_286 = arith.constant 0 : i32
        %dma_wait3A_287 = tpu.memref_slice %arg4[%dma_wait3A, %dma_wait3A_285, %dma_wait3A_286] : memref<256x64x256xf32, #tpu.memory_space<hbm>> -> memref<1x64x256xf32, #tpu.memory_space<hbm>>
        %dma_wait3A_288 = arith.constant 0 : i32
        %dma_wait3A_289 = arith.constant 0 : i32
        %dma_wait3A_290 = arith.constant 0 : i32
        %dma_wait3A_291 = tpu.memref_slice %arg4[%dma_wait3A_288, %dma_wait3A_289, %dma_wait3A_290] : memref<256x64x256xf32, #tpu.memory_space<hbm>> -> memref<1x64x256xf32, #tpu.memory_space<hbm>>
        tpu.wait_dma2 semaphore(%arg22 : memref<!tpu.dma_semaphore, #tpu.memory_space<semaphore_mem>>) src(%dma_wait3A_291 : memref<1x64x256xf32, #tpu.memory_space<hbm>>) dst(%arg15 : memref<1x64x256xf32, #tpu.memory_space<vmem>>)
      } else {
      }
      %lt3A_153 = arith.constant 64 : i32
      %lt3A_154 = arith.cmpi slt, %while3A_134, %lt3A_153 : i32
      %get3A = arith.constant 0 : index
      %get3A_155 = tpu.vector_load %arg12[%get3A] {strides = array<i32>} : memref<16xi32, #tpu.memory_space<vmem>>, vector<16xi32>,
      %reduce_max3A = arith.constant true
      %reduce_max3A_156 = vector.broadcast %reduce_max3A : i1 to vector<16xi1>
      %reduce_max3A_157 = arith.constant -2147483648 : i32
      %reduce_max3A_158 = vector.broadcast %reduce_max3A_157 : i32 to vector<16xi32>
      %reduce_max3A_159 = arith.xori %get3A_155, %reduce_max3A_158 : vector<16xi32>
      %reduce_max3A_160 = tpu.scan <max>, %reduce_max3A_159 masked %reduce_max3A_156 : vector<16xi32>, vector<16xi1> -> vector<16xi32>
      %reduce_max3A_161 = arith.xori %reduce_max3A_160, %reduce_max3A_158 : vector<16xi32>
      %reduce_max3A_162 = vector.extract %reduce_max3A_161[15] : i32 from vector<16xi32>
      %jit3A_163 = arith.constant 0 : i32
      %select_n3A_164 = arith.select %lt3A_154, %reduce_max3A_162, %jit3A_163 : i32
      %add3A_165 = arith.constant 1 : i32
      %add3A_166 = arith.addi %select_n3A_164, %add3A_165 : i32
      %jit3A_167 = arith.constant 2 : i32
      %div3A_168 = arith.divsi %add3A_166, %jit3A_167 : i32
      %sign3A_169 = arith.constant 0 : i32
      %sign3A_170 = arith.cmpi sgt, %add3A_166, %sign3A_169 : i32
      %sign3A_171 = arith.extui %sign3A_170 : i1 to i32
      %sign3A_172 = arith.constant 0 : i32
      %sign3A_173 = arith.cmpi slt, %add3A_166, %sign3A_172 : i32
      %sign3A_174 = arith.extui %sign3A_173 : i1 to i32
      %sign3A_175 = arith.subi %sign3A_171, %sign3A_174 : i32
      %sign3A_176 = arith.constant 0 : i32
      %sign3A_177 = arith.cmpi sgt, %jit3A_167, %sign3A_176 : i32
      %sign3A_178 = arith.extui %sign3A_177 : i1 to i32
      %sign3A_179 = arith.constant 0 : i32
      %sign3A_180 = arith.cmpi slt, %jit3A_167, %sign3A_179 : i32
      %sign3A_181 = arith.extui %sign3A_180 : i1 to i32
      %sign3A_182 = arith.subi %sign3A_178, %sign3A_181 : i32
      %ne3A_183 = arith.cmpi ne, %sign3A_175, %sign3A_182 : i32
      %rem3A_184 = arith.remsi %add3A_166, %jit3A_167 : i32
      %ne3A_185 = arith.constant 0 : i32
      %ne3A_186 = arith.cmpi ne, %rem3A_184, %ne3A_185 : i32
      %and3A_187 = arith.andi %ne3A_183, %ne3A_186 : i1
      %sub3A_188 = arith.constant 1 : i32
      %sub3A_189 = arith.subi %div3A_168, %sub3A_188 : i32
      %select_n3A_190 = arith.select %and3A_187, %sub3A_189, %div3A_168 : i32
      %while3A_191 = arith.constant 0 : i32
      %while3A_192 = arith.subi %select_n3A_190, %while3A_191 : i32
      %while3A_193 = arith.addi %while3A_191, %while3A_192 : i32
      %while3A_194 = arith.constant 1 : i32
      %while3A_195 = arith.divsi %while3A_192, %while3A_194 : i32
      %while3A_196 = arith.muli %while3A_195, %while3A_194 : i32
      %while3A_197 = arith.addi %while3A_191, %while3A_196 : i32
      %while3A_198 = arith.constant 1 : i32
      %while3A_199:2 = scf.for %while3A_285 = %while3A_191 to %while3A_197 step %while3A_198 iter_args(%while3A_286 = %while3A_136, %while3A_287 = %while3A_137) -> (i32, i32)  : i32 {
        %mul3A_288 = arith.constant 2 : i32
        %mul3A_289 = arith.muli %while3A_285, %mul3A_288 : i32
        %add3A_290 = arith.constant 0 : i32
        %add3A_291 = arith.addi %mul3A_289, %add3A_290 : i32
        %lt3A_292 = arith.cmpi slt, %add3A_291, %select_n3A_164 : i32
        %convert_element_type3A_293 = arith.extui %lt3A_292 : i1 to i32
        %cond3A_294 = arith.constant 0 : i32
        %cond3A_295 = arith.cmpi ne, %convert_element_type3A_293, %cond3A_294 : i32
        scf.if %cond3A_295 {
          %gt3A_312 = arith.constant 0 : i32
          %gt3A_313 = arith.cmpi sgt, %while3A_286, %gt3A_312 : i32
          %convert_element_type3A_314 = arith.extui %gt3A_313 : i1 to i32
          %cond3A_315 = arith.constant 0 : i32
          %cond3A_316 = arith.cmpi ne, %convert_element_type3A_314, %cond3A_315 : i32
          scf.if %cond3A_316 {
            %dma_wait3A = arith.constant 0 : i32
            %dma_wait3A_336 = arith.constant 0 : i32
            %dma_wait3A_337 = arith.constant 0 : i32
            %dma_wait3A_338 = tpu.memref_slice %arg5[%dma_wait3A, %dma_wait3A_336, %dma_wait3A_337] : memref<2048x64x256xf32, #tpu.memory_space<hbm>> -> memref<1x64x256xf32, #tpu.memory_space<hbm>>
            %dma_wait3A_339 = arith.constant 0 : i32
            %dma_wait3A_340 = arith.constant 0 : i32
            %dma_wait3A_341 = arith.constant 0 : i32
            %dma_wait3A_342 = tpu.memref_slice %arg5[%dma_wait3A_339, %dma_wait3A_340, %dma_wait3A_341] : memref<2048x64x256xf32, #tpu.memory_space<hbm>> -> memref<1x64x256xf32, #tpu.memory_space<hbm>>
            tpu.wait_dma2 semaphore(%arg24 : memref<!tpu.dma_semaphore, #tpu.memory_space<semaphore_mem>>) src(%arg17 : memref<1x64x256xf32, #tpu.memory_space<vmem>>) dst(%dma_wait3A_342 : memref<1x64x256xf32, #tpu.memory_space<hbm>>)
          } else {
          }
          %add3A_317 = vector.broadcast %add3A_291 : i32 to vector<16xi32>
          %add3A_318 = arith.addi %broadcast_in_dim3A_67, %add3A_317 : vector<16xi32>
          %gather3A = tpu.vector_load_idx %arg10[%add3A_318] : memref<512xi32, #tpu.memory_space<vmem>>[vector<16xi32>], vector<16xi32>,
          %gather3A_319 = tpu.vector_load_idx %arg7[%gather3A] : memref<512xf32, #tpu.memory_space<vmem>>[vector<16xi32>], vector<16xf32>,
          %mul3A_320 = arith.constant 512 : i32
          %mul3A_321 = arith.muli %add3A, %mul3A_320 : i32
          %add3A_322 = vector.broadcast %mul3A_321 : i32 to vector<16xi32>
          %add3A_323 = arith.addi %gather3A, %add3A_322 : vector<16xi32>
          %add3A_324 = arith.constant 0 : i32
          %add3A_325 = vector.broadcast %add3A_324 : i32 to vector<16xi32>
          %add3A_326 = arith.addi %broadcast_in_dim3A_67, %add3A_325 : vector<16xi32>
          tpu.vector_store_idx %arg14[%add3A_326, %broadcast_in_dim3A_67], %add3A_323 masked %eq3A_66 : memref<2x1xi32, #tpu.memory_space<vmem>>[vector<16xi32>, vector<16xi32>], vector<16xi32>, vector<16xi1>
          %parallel_loop3A = arith.constant 0 : i32
          %parallel_loop3A_327 = arith.constant 64 : i32
          %parallel_loop3A_328 = arith.constant 1 : i32
          scf.for %parallel_loop3A_336 = %parallel_loop3A to %parallel_loop3A_327 step %parallel_loop3A_328  : i32 {
            %parallel_loop3A_337 = arith.constant 0 : i32
            %parallel_loop3A_338 = arith.index_cast %parallel_loop3A_337 : i32 to index
            %parallel_loop3A_339 = arith.index_cast %parallel_loop3A_336 : i32 to index
            %parallel_loop3A_340 = arith.constant 0 : index
            %parallel_loop3A_341 = tpu.vector_load %arg15[%parallel_loop3A_338, %parallel_loop3A_339, %parallel_loop3A_340] {strides = array<i32>} : memref<1x64x256xf32, #tpu.memory_space<vmem>>, vector<16xf32>,
            %parallel_loop3A_342 = arith.mulf %parallel_loop3A_341, %gather3A_319 : vector<16xf32>
            %parallel_loop3A_343 = arith.constant 0 : i32
            %parallel_loop3A_344 = arith.index_cast %parallel_loop3A_343 : i32 to index
            %parallel_loop3A_345 = arith.index_cast %parallel_loop3A_336 : i32 to index
            %parallel_loop3A_346 = arith.constant 0 : index
            %parallel_loop3A_347 = tpu.vector_load %arg17[%parallel_loop3A_344, %parallel_loop3A_345, %parallel_loop3A_346] {strides = array<i32>} : memref<1x64x256xf32, #tpu.memory_space<vmem>>, vector<16xf32>,
            tpu.vector_store %arg17[%parallel_loop3A_344, %parallel_loop3A_345, %parallel_loop3A_346], %parallel_loop3A_342 {strides = array<i32>} : memref<1x64x256xf32, #tpu.memory_space<vmem>>, vector<16xf32>,
            %parallel_loop3A_348 = arith.constant 0 : i32
            %parallel_loop3A_349 = arith.index_cast %parallel_loop3A_348 : i32 to index
            %parallel_loop3A_350 = arith.index_cast %parallel_loop3A_336 : i32 to index
            %parallel_loop3A_351 = arith.constant 16 : index
            %parallel_loop3A_352 = tpu.vector_load %arg15[%parallel_loop3A_349, %parallel_loop3A_350, %parallel_loop3A_351] {strides = array<i32>} : memref<1x64x256xf32, #tpu.memory_space<vmem>>, vector<16xf32>,
            %parallel_loop3A_353 = arith.mulf %parallel_loop3A_352, %gather3A_319 : vector<16xf32>
            %parallel_loop3A_354 = arith.constant 0 : i32
            %parallel_loop3A_355 = arith.index_cast %parallel_loop3A_354 : i32 to index
            %parallel_loop3A_356 = arith.index_cast %parallel_loop3A_336 : i32 to index
            %parallel_loop3A_357 = arith.constant 16 : index
            %parallel_loop3A_358 = tpu.vector_load %arg17[%parallel_loop3A_355, %parallel_loop3A_356, %parallel_loop3A_357] {strides = array<i32>} : memref<1x64x256xf32, #tpu.memory_space<vmem>>, vector<16xf32>,
            tpu.vector_store %arg17[%parallel_loop3A_355, %parallel_loop3A_356, %parallel_loop3A_357], %parallel_loop3A_353 {strides = array<i32>} : memref<1x64x256xf32, #tpu.memory_space<vmem>>, vector<16xf32>,
            %parallel_loop3A_359 = arith.constant 0 : i32
            %parallel_loop3A_360 = arith.index_cast %parallel_loop3A_359 : i32 to index
            %parallel_loop3A_361 = arith.index_cast %parallel_loop3A_336 : i32 to index
            %parallel_loop3A_362 = arith.constant 32 : index
            %parallel_loop3A_363 = tpu.vector_load %arg15[%parallel_loop3A_360, %parallel_loop3A_361, %parallel_loop3A_362] {strides = array<i32>} : memref<1x64x256xf32, #tpu.memory_space<vmem>>, vector<16xf32>,
            %parallel_loop3A_364 = arith.mulf %parallel_loop3A_363, %gather3A_319 : vector<16xf32>
            %parallel_loop3A_365 = arith.constant 0 : i32
            %parallel_loop3A_366 = arith.index_cast %parallel_loop3A_365 : i32 to index
            %parallel_loop3A_367 = arith.index_cast %parallel_loop3A_336 : i32 to index
            %parallel_loop3A_368 = arith.constant 32 : index
            %parallel_loop3A_369 = tpu.vector_load %arg17[%parallel_loop3A_366, %parallel_loop3A_367, %parallel_loop3A_368] {strides = array<i32>} : memref<1x64x256xf32, #tpu.memory_space<vmem>>, vector<16xf32>,
            tpu.vector_store %arg17[%parallel_loop3A_366, %parallel_loop3A_367, %parallel_loop3A_368], %parallel_loop3A_364 {strides = array<i32>} : memref<1x64x256xf32, #tpu.memory_space<vmem>>, vector<16xf32>,
            %parallel_loop3A_370 = arith.constant 0 : i32
            %parallel_loop3A_371 = arith.index_cast %parallel_loop3A_370 : i32 to index
            %parallel_loop3A_372 = arith.index_cast %parallel_loop3A_336 : i32 to index
            %parallel_loop3A_373 = arith.constant 48 : index
            %parallel_loop3A_374 = tpu.vector_load %arg15[%parallel_loop3A_371, %parallel_loop3A_372, %parallel_loop3A_373] {strides = array<i32>} : memref<1x64x256xf32, #tpu.memory_space<vmem>>, vector<16xf32>,
            %parallel_loop3A_375 = arith.mulf %parallel_loop3A_374, %gather3A_319 : vector<16xf32>
            %parallel_loop3A_376 = arith.constant 0 : i32
            %parallel_loop3A_377 = arith.index_cast %parallel_loop3A_376 : i32 to index
            %parallel_loop3A_378 = arith.index_cast %parallel_loop3A_336 : i32 to index
            %parallel_loop3A_379 = arith.constant 48 : index
            %parallel_loop3A_380 = tpu.vector_load %arg17[%parallel_loop3A_377, %parallel_loop3A_378, %parallel_loop3A_379] {strides = array<i32>} : memref<1x64x256xf32, #tpu.memory_space<vmem>>, vector<16xf32>,
            tpu.vector_store %arg17[%parallel_loop3A_377, %parallel_loop3A_378, %parallel_loop3A_379], %parallel_loop3A_375 {strides = array<i32>} : memref<1x64x256xf32, #tpu.memory_space<vmem>>, vector<16xf32>,
            %parallel_loop3A_381 = arith.constant 0 : i32
            %parallel_loop3A_382 = arith.index_cast %parallel_loop3A_381 : i32 to index
            %parallel_loop3A_383 = arith.index_cast %parallel_loop3A_336 : i32 to index
            %parallel_loop3A_384 = arith.constant 64 : index
            %parallel_loop3A_385 = tpu.vector_load %arg15[%parallel_loop3A_382, %parallel_loop3A_383, %parallel_loop3A_384] {strides = array<i32>} : memref<1x64x256xf32, #tpu.memory_space<vmem>>, vector<16xf32>,
            %parallel_loop3A_386 = arith.mulf %parallel_loop3A_385, %gather3A_319 : vector<16xf32>
            %parallel_loop3A_387 = arith.constant 0 : i32
            %parallel_loop3A_388 = arith.index_cast %parallel_loop3A_387 : i32 to index
            %parallel_loop3A_389 = arith.index_cast %parallel_loop3A_336 : i32 to index
            %parallel_loop3A_390 = arith.constant 64 : index
            %parallel_loop3A_391 = tpu.vector_load %arg17[%parallel_loop3A_388, %parallel_loop3A_389, %parallel_loop3A_390] {strides = array<i32>} : memref<1x64x256xf32, #tpu.memory_space<vmem>>, vector<16xf32>,
            tpu.vector_store %arg17[%parallel_loop3A_388, %parallel_loop3A_389, %parallel_loop3A_390], %parallel_loop3A_386 {strides = array<i32>} : memref<1x64x256xf32, #tpu.memory_space<vmem>>, vector<16xf32>,
            %parallel_loop3A_392 = arith.constant 0 : i32
            %parallel_loop3A_393 = arith.index_cast %parallel_loop3A_392 : i32 to index
            %parallel_loop3A_394 = arith.index_cast %parallel_loop3A_336 : i32 to index
            %parallel_loop3A_395 = arith.constant 80 : index
            %parallel_loop3A_396 = tpu.vector_load %arg15[%parallel_loop3A_393, %parallel_loop3A_394, %parallel_loop3A_395] {strides = array<i32>} : memref<1x64x256xf32, #tpu.memory_space<vmem>>, vector<16xf32>,
            %parallel_loop3A_397 = arith.mulf %parallel_loop3A_396, %gather3A_319 : vector<16xf32>
            %parallel_loop3A_398 = arith.constant 0 : i32
            %parallel_loop3A_399 = arith.index_cast %parallel_loop3A_398 : i32 to index
            %parallel_loop3A_400 = arith.index_cast %parallel_loop3A_336 : i32 to index
            %parallel_loop3A_401 = arith.constant 80 : index
            %parallel_loop3A_402 = tpu.vector_load %arg17[%parallel_loop3A_399, %parallel_loop3A_400, %parallel_loop3A_401] {strides = array<i32>} : memref<1x64x256xf32, #tpu.memory_space<vmem>>, vector<16xf32>,
            tpu.vector_store %arg17[%parallel_loop3A_399, %parallel_loop3A_400, %parallel_loop3A_401], %parallel_loop3A_397 {strides = array<i32>} : memref<1x64x256xf32, #tpu.memory_space<vmem>>, vector<16xf32>,
            %parallel_loop3A_403 = arith.constant 0 : i32
            %parallel_loop3A_404 = arith.index_cast %parallel_loop3A_403 : i32 to index
            %parallel_loop3A_405 = arith.index_cast %parallel_loop3A_336 : i32 to index
            %parallel_loop3A_406 = arith.constant 96 : index
            %parallel_loop3A_407 = tpu.vector_load %arg15[%parallel_loop3A_404, %parallel_loop3A_405, %parallel_loop3A_406] {strides = array<i32>} : memref<1x64x256xf32, #tpu.memory_space<vmem>>, vector<16xf32>,
            %parallel_loop3A_408 = arith.mulf %parallel_loop3A_407, %gather3A_319 : vector<16xf32>
            %parallel_loop3A_409 = arith.constant 0 : i32
            %parallel_loop3A_410 = arith.index_cast %parallel_loop3A_409 : i32 to index
            %parallel_loop3A_411 = arith.index_cast %parallel_loop3A_336 : i32 to index
            %parallel_loop3A_412 = arith.constant 96 : index
            %parallel_loop3A_413 = tpu.vector_load %arg17[%parallel_loop3A_410, %parallel_loop3A_411, %parallel_loop3A_412] {strides = array<i32>} : memref<1x64x256xf32, #tpu.memory_space<vmem>>, vector<16xf32>,
            tpu.vector_store %arg17[%parallel_loop3A_410, %parallel_loop3A_411, %parallel_loop3A_412], %parallel_loop3A_408 {strides = array<i32>} : memref<1x64x256xf32, #tpu.memory_space<vmem>>, vector<16xf32>,
            %parallel_loop3A_414 = arith.constant 0 : i32
            %parallel_loop3A_415 = arith.index_cast %parallel_loop3A_414 : i32 to index
            %parallel_loop3A_416 = arith.index_cast %parallel_loop3A_336 : i32 to index
            %parallel_loop3A_417 = arith.constant 112 : index
            %parallel_loop3A_418 = tpu.vector_load %arg15[%parallel_loop3A_415, %parallel_loop3A_416, %parallel_loop3A_417] {strides = array<i32>} : memref<1x64x256xf32, #tpu.memory_space<vmem>>, vector<16xf32>,
            %parallel_loop3A_419 = arith.mulf %parallel_loop3A_418, %gather3A_319 : vector<16xf32>
            %parallel_loop3A_420 = arith.constant 0 : i32
            %parallel_loop3A_421 = arith.index_cast %parallel_loop3A_420 : i32 to index
            %parallel_loop3A_422 = arith.index_cast %parallel_loop3A_336 : i32 to index
            %parallel_loop3A_423 = arith.constant 112 : index
            %parallel_loop3A_424 = tpu.vector_load %arg17[%parallel_loop3A_421, %parallel_loop3A_422, %parallel_loop3A_423] {strides = array<i32>} : memref<1x64x256xf32, #tpu.memory_space<vmem>>, vector<16xf32>,
            tpu.vector_store %arg17[%parallel_loop3A_421, %parallel_loop3A_422, %parallel_loop3A_423], %parallel_loop3A_419 {strides = array<i32>} : memref<1x64x256xf32, #tpu.memory_space<vmem>>, vector<16xf32>,
            %parallel_loop3A_425 = arith.constant 0 : i32
            %parallel_loop3A_426 = arith.index_cast %parallel_loop3A_425 : i32 to index
            %parallel_loop3A_427 = arith.index_cast %parallel_loop3A_336 : i32 to index
            %parallel_loop3A_428 = arith.constant 128 : index
            %parallel_loop3A_429 = tpu.vector_load %arg15[%parallel_loop3A_426, %parallel_loop3A_427, %parallel_loop3A_428] {strides = array<i32>} : memref<1x64x256xf32, #tpu.memory_space<vmem>>, vector<16xf32>,
            %parallel_loop3A_430 = arith.mulf %parallel_loop3A_429, %gather3A_319 : vector<16xf32>
            %parallel_loop3A_431 = arith.constant 0 : i32
            %parallel_loop3A_432 = arith.index_cast %parallel_loop3A_431 : i32 to index
            %parallel_loop3A_433 = arith.index_cast %parallel_loop3A_336 : i32 to index
            %parallel_loop3A_434 = arith.constant 128 : index
            %parallel_loop3A_435 = tpu.vector_load %arg17[%parallel_loop3A_432, %parallel_loop3A_433, %parallel_loop3A_434] {strides = array<i32>} : memref<1x64x256xf32, #tpu.memory_space<vmem>>, vector<16xf32>,
            tpu.vector_store %arg17[%parallel_loop3A_432, %parallel_loop3A_433, %parallel_loop3A_434], %parallel_loop3A_430 {strides = array<i32>} : memref<1x64x256xf32, #tpu.memory_space<vmem>>, vector<16xf32>,
            %parallel_loop3A_436 = arith.constant 0 : i32
            %parallel_loop3A_437 = arith.index_cast %parallel_loop3A_436 : i32 to index
            %parallel_loop3A_438 = arith.index_cast %parallel_loop3A_336 : i32 to index
            %parallel_loop3A_439 = arith.constant 144 : index
            %parallel_loop3A_440 = tpu.vector_load %arg15[%parallel_loop3A_437, %parallel_loop3A_438, %parallel_loop3A_439] {strides = array<i32>} : memref<1x64x256xf32, #tpu.memory_space<vmem>>, vector<16xf32>,
            %parallel_loop3A_441 = arith.mulf %parallel_loop3A_440, %gather3A_319 : vector<16xf32>
            %parallel_loop3A_442 = arith.constant 0 : i32
            %parallel_loop3A_443 = arith.index_cast %parallel_loop3A_442 : i32 to index
            %parallel_loop3A_444 = arith.index_cast %parallel_loop3A_336 : i32 to index
            %parallel_loop3A_445 = arith.constant 144 : index
            %parallel_loop3A_446 = tpu.vector_load %arg17[%parallel_loop3A_443, %parallel_loop3A_444, %parallel_loop3A_445] {strides = array<i32>} : memref<1x64x256xf32, #tpu.memory_space<vmem>>, vector<16xf32>,
            tpu.vector_store %arg17[%parallel_loop3A_443, %parallel_loop3A_444, %parallel_loop3A_445], %parallel_loop3A_441 {strides = array<i32>} : memref<1x64x256xf32, #tpu.memory_space<vmem>>, vector<16xf32>,
            %parallel_loop3A_447 = arith.constant 0 : i32
            %parallel_loop3A_448 = arith.index_cast %parallel_loop3A_447 : i32 to index
            %parallel_loop3A_449 = arith.index_cast %parallel_loop3A_336 : i32 to index
            %parallel_loop3A_450 = arith.constant 160 : index
            %parallel_loop3A_451 = tpu.vector_load %arg15[%parallel_loop3A_448, %parallel_loop3A_449, %parallel_loop3A_450] {strides = array<i32>} : memref<1x64x256xf32, #tpu.memory_space<vmem>>, vector<16xf32>,
            %parallel_loop3A_452 = arith.mulf %parallel_loop3A_451, %gather3A_319 : vector<16xf32>
            %parallel_loop3A_453 = arith.constant 0 : i32
            %parallel_loop3A_454 = arith.index_cast %parallel_loop3A_453 : i32 to index
            %parallel_loop3A_455 = arith.index_cast %parallel_loop3A_336 : i32 to index
            %parallel_loop3A_456 = arith.constant 160 : index
            %parallel_loop3A_457 = tpu.vector_load %arg17[%parallel_loop3A_454, %parallel_loop3A_455, %parallel_loop3A_456] {strides = array<i32>} : memref<1x64x256xf32, #tpu.memory_space<vmem>>, vector<16xf32>,
            tpu.vector_store %arg17[%parallel_loop3A_454, %parallel_loop3A_455, %parallel_loop3A_456], %parallel_loop3A_452 {strides = array<i32>} : memref<1x64x256xf32, #tpu.memory_space<vmem>>, vector<16xf32>,
            %parallel_loop3A_458 = arith.constant 0 : i32
            %parallel_loop3A_459 = arith.index_cast %parallel_loop3A_458 : i32 to index
            %parallel_loop3A_460 = arith.index_cast %parallel_loop3A_336 : i32 to index
            %parallel_loop3A_461 = arith.constant 176 : index
            %parallel_loop3A_462 = tpu.vector_load %arg15[%parallel_loop3A_459, %parallel_loop3A_460, %parallel_loop3A_461] {strides = array<i32>} : memref<1x64x256xf32, #tpu.memory_space<vmem>>, vector<16xf32>,
            %parallel_loop3A_463 = arith.mulf %parallel_loop3A_462, %gather3A_319 : vector<16xf32>
            %parallel_loop3A_464 = arith.constant 0 : i32
            %parallel_loop3A_465 = arith.index_cast %parallel_loop3A_464 : i32 to index
            %parallel_loop3A_466 = arith.index_cast %parallel_loop3A_336 : i32 to index
            %parallel_loop3A_467 = arith.constant 176 : index
            %parallel_loop3A_468 = tpu.vector_load %arg17[%parallel_loop3A_465, %parallel_loop3A_466, %parallel_loop3A_467] {strides = array<i32>} : memref<1x64x256xf32, #tpu.memory_space<vmem>>, vector<16xf32>,
            tpu.vector_store %arg17[%parallel_loop3A_465, %parallel_loop3A_466, %parallel_loop3A_467], %parallel_loop3A_463 {strides = array<i32>} : memref<1x64x256xf32, #tpu.memory_space<vmem>>, vector<16xf32>,
            %parallel_loop3A_469 = arith.constant 0 : i32
            %parallel_loop3A_470 = arith.index_cast %parallel_loop3A_469 : i32 to index
            %parallel_loop3A_471 = arith.index_cast %parallel_loop3A_336 : i32 to index
            %parallel_loop3A_472 = arith.constant 192 : index
            %parallel_loop3A_473 = tpu.vector_load %arg15[%parallel_loop3A_470, %parallel_loop3A_471, %parallel_loop3A_472] {strides = array<i32>} : memref<1x64x256xf32, #tpu.memory_space<vmem>>, vector<16xf32>,
            %parallel_loop3A_474 = arith.mulf %parallel_loop3A_473, %gather3A_319 : vector<16xf32>
            %parallel_loop3A_475 = arith.constant 0 : i32
            %parallel_loop3A_476 = arith.index_cast %parallel_loop3A_475 : i32 to index
            %parallel_loop3A_477 = arith.index_cast %parallel_loop3A_336 : i32 to index
            %parallel_loop3A_478 = arith.constant 192 : index
            %parallel_loop3A_479 = tpu.vector_load %arg17[%parallel_loop3A_476, %parallel_loop3A_477, %parallel_loop3A_478] {strides = array<i32>} : memref<1x64x256xf32, #tpu.memory_space<vmem>>, vector<16xf32>,
            tpu.vector_store %arg17[%parallel_loop3A_476, %parallel_loop3A_477, %parallel_loop3A_478], %parallel_loop3A_474 {strides = array<i32>} : memref<1x64x256xf32, #tpu.memory_space<vmem>>, vector<16xf32>,
            %parallel_loop3A_480 = arith.constant 0 : i32
            %parallel_loop3A_481 = arith.index_cast %parallel_loop3A_480 : i32 to index
            %parallel_loop3A_482 = arith.index_cast %parallel_loop3A_336 : i32 to index
            %parallel_loop3A_483 = arith.constant 208 : index
            %parallel_loop3A_484 = tpu.vector_load %arg15[%parallel_loop3A_481, %parallel_loop3A_482, %parallel_loop3A_483] {strides = array<i32>} : memref<1x64x256xf32, #tpu.memory_space<vmem>>, vector<16xf32>,
            %parallel_loop3A_485 = arith.mulf %parallel_loop3A_484, %gather3A_319 : vector<16xf32>
            %parallel_loop3A_486 = arith.constant 0 : i32
            %parallel_loop3A_487 = arith.index_cast %parallel_loop3A_486 : i32 to index
            %parallel_loop3A_488 = arith.index_cast %parallel_loop3A_336 : i32 to index
            %parallel_loop3A_489 = arith.constant 208 : index
            %parallel_loop3A_490 = tpu.vector_load %arg17[%parallel_loop3A_487, %parallel_loop3A_488, %parallel_loop3A_489] {strides = array<i32>} : memref<1x64x256xf32, #tpu.memory_space<vmem>>, vector<16xf32>,
            tpu.vector_store %arg17[%parallel_loop3A_487, %parallel_loop3A_488, %parallel_loop3A_489], %parallel_loop3A_485 {strides = array<i32>} : memref<1x64x256xf32, #tpu.memory_space<vmem>>, vector<16xf32>,
            %parallel_loop3A_491 = arith.constant 0 : i32
            %parallel_loop3A_492 = arith.index_cast %parallel_loop3A_491 : i32 to index
            %parallel_loop3A_493 = arith.index_cast %parallel_loop3A_336 : i32 to index
            %parallel_loop3A_494 = arith.constant 224 : index
            %parallel_loop3A_495 = tpu.vector_load %arg15[%parallel_loop3A_492, %parallel_loop3A_493, %parallel_loop3A_494] {strides = array<i32>} : memref<1x64x256xf32, #tpu.memory_space<vmem>>, vector<16xf32>,
            %parallel_loop3A_496 = arith.mulf %parallel_loop3A_495, %gather3A_319 : vector<16xf32>
            %parallel_loop3A_497 = arith.constant 0 : i32
            %parallel_loop3A_498 = arith.index_cast %parallel_loop3A_497 : i32 to index
            %parallel_loop3A_499 = arith.index_cast %parallel_loop3A_336 : i32 to index
            %parallel_loop3A_500 = arith.constant 224 : index
            %parallel_loop3A_501 = tpu.vector_load %arg17[%parallel_loop3A_498, %parallel_loop3A_499, %parallel_loop3A_500] {strides = array<i32>} : memref<1x64x256xf32, #tpu.memory_space<vmem>>, vector<16xf32>,
            tpu.vector_store %arg17[%parallel_loop3A_498, %parallel_loop3A_499, %parallel_loop3A_500], %parallel_loop3A_496 {strides = array<i32>} : memref<1x64x256xf32, #tpu.memory_space<vmem>>, vector<16xf32>,
            %parallel_loop3A_502 = arith.constant 0 : i32
            %parallel_loop3A_503 = arith.index_cast %parallel_loop3A_502 : i32 to index
            %parallel_loop3A_504 = arith.index_cast %parallel_loop3A_336 : i32 to index
            %parallel_loop3A_505 = arith.constant 240 : index
            %parallel_loop3A_506 = tpu.vector_load %arg15[%parallel_loop3A_503, %parallel_loop3A_504, %parallel_loop3A_505] {strides = array<i32>} : memref<1x64x256xf32, #tpu.memory_space<vmem>>, vector<16xf32>,
            %parallel_loop3A_507 = arith.mulf %parallel_loop3A_506, %gather3A_319 : vector<16xf32>
            %parallel_loop3A_508 = arith.constant 0 : i32
            %parallel_loop3A_509 = arith.index_cast %parallel_loop3A_508 : i32 to index
            %parallel_loop3A_510 = arith.index_cast %parallel_loop3A_336 : i32 to index
            %parallel_loop3A_511 = arith.constant 240 : index
            %parallel_loop3A_512 = tpu.vector_load %arg17[%parallel_loop3A_509, %parallel_loop3A_510, %parallel_loop3A_511] {strides = array<i32>} : memref<1x64x256xf32, #tpu.memory_space<vmem>>, vector<16xf32>,
            tpu.vector_store %arg17[%parallel_loop3A_509, %parallel_loop3A_510, %parallel_loop3A_511], %parallel_loop3A_507 {strides = array<i32>} : memref<1x64x256xf32, #tpu.memory_space<vmem>>, vector<16xf32>,
          } {sc.loop_unroll_factor = 1 : i64, sc.parallel_access}
          %dma_start3A = arith.constant 0 : i32
          %dma_start3A_329 = arith.constant 0 : i32
          %dma_start3A_330 = tpu.memref_slice %arg14[%dma_start3A, %dma_start3A_329] : memref<2x1xi32, #tpu.memory_space<vmem>> -> memref<1x1xi32, #tpu.memory_space<vmem>>
          %dma_start3A_331 = tpu.memref_squeeze %dma_start3A_330 : memref<1x1xi32, #tpu.memory_space<vmem>> -> memref<1xi32, #tpu.memory_space<vmem>>
          %dma_start3A_332 = arith.constant 0 : i32
          %dma_start3A_333 = arith.constant 0 : i32
          %dma_start3A_334 = arith.constant 0 : i32
          %dma_start3A_335 = tpu.memref_slice %arg5[%dma_start3A_332, %dma_start3A_333, %dma_start3A_334] : memref<2048x64x256xf32, #tpu.memory_space<hbm>> -> memref<2048x64x256xf32, #tpu.memory_space<hbm>>
          tpu.enqueue_indirect_dma source(%arg17 : memref<1x64x256xf32, #tpu.memory_space<vmem>>) target(%dma_start3A_335 : memref<2048x64x256xf32, #tpu.memory_space<hbm>>) offsets(%dma_start3A_331 : memref<1xi32, #tpu.memory_space<vmem>>) semaphore(%arg24 : memref<!tpu.dma_semaphore, #tpu.memory_space<semaphore_mem>>)
        } else {
        }
        %jit3A_296 = arith.constant 1 : i32
        %jit3A_297 = arith.constant 0 : i32
        %select_n3A_298 = arith.select %lt3A_292, %jit3A_296, %jit3A_297 : i32
        %add3A_299 = arith.addi %while3A_286, %select_n3A_298 : i32
        %mul3A_300 = arith.constant 2 : i32
        %mul3A_301 = arith.muli %while3A_285, %mul3A_300 : i32
        %add3A_302 = arith.constant 1 : i32
        %add3A_303 = arith.addi %mul3A_301, %add3A_302 : i32
        %lt3A_304 = arith.cmpi slt, %add3A_303, %select_n3A_164 : i32
        %convert_element_type3A_305 = arith.extui %lt3A_304 : i1 to i32
        %cond3A_306 = arith.constant 0 : i32
        %cond3A_307 = arith.cmpi ne, %convert_element_type3A_305, %cond3A_306 : i32
        scf.if %cond3A_307 {
          %gt3A_312 = arith.constant 0 : i32
          %gt3A_313 = arith.cmpi sgt, %while3A_287, %gt3A_312 : i32
          %convert_element_type3A_314 = arith.extui %gt3A_313 : i1 to i32
          %cond3A_315 = arith.constant 0 : i32
          %cond3A_316 = arith.cmpi ne, %convert_element_type3A_314, %cond3A_315 : i32
          scf.if %cond3A_316 {
            %dma_wait3A = arith.constant 0 : i32
            %dma_wait3A_336 = arith.constant 0 : i32
            %dma_wait3A_337 = arith.constant 0 : i32
            %dma_wait3A_338 = tpu.memref_slice %arg5[%dma_wait3A, %dma_wait3A_336, %dma_wait3A_337] : memref<2048x64x256xf32, #tpu.memory_space<hbm>> -> memref<1x64x256xf32, #tpu.memory_space<hbm>>
            %dma_wait3A_339 = arith.constant 0 : i32
            %dma_wait3A_340 = arith.constant 0 : i32
            %dma_wait3A_341 = arith.constant 0 : i32
            %dma_wait3A_342 = tpu.memref_slice %arg5[%dma_wait3A_339, %dma_wait3A_340, %dma_wait3A_341] : memref<2048x64x256xf32, #tpu.memory_space<hbm>> -> memref<1x64x256xf32, #tpu.memory_space<hbm>>
            tpu.wait_dma2 semaphore(%arg25 : memref<!tpu.dma_semaphore, #tpu.memory_space<semaphore_mem>>) src(%arg18 : memref<1x64x256xf32, #tpu.memory_space<vmem>>) dst(%dma_wait3A_342 : memref<1x64x256xf32, #tpu.memory_space<hbm>>)
          } else {
          }
          %add3A_317 = vector.broadcast %add3A_303 : i32 to vector<16xi32>
          %add3A_318 = arith.addi %broadcast_in_dim3A_67, %add3A_317 : vector<16xi32>
          %gather3A = tpu.vector_load_idx %arg10[%add3A_318] : memref<512xi32, #tpu.memory_space<vmem>>[vector<16xi32>], vector<16xi32>,
          %gather3A_319 = tpu.vector_load_idx %arg7[%gather3A] : memref<512xf32, #tpu.memory_space<vmem>>[vector<16xi32>], vector<16xf32>,
          %mul3A_320 = arith.constant 512 : i32
          %mul3A_321 = arith.muli %add3A, %mul3A_320 : i32
          %add3A_322 = vector.broadcast %mul3A_321 : i32 to vector<16xi32>
          %add3A_323 = arith.addi %gather3A, %add3A_322 : vector<16xi32>
          %add3A_324 = arith.constant 1 : i32
          %add3A_325 = vector.broadcast %add3A_324 : i32 to vector<16xi32>
          %add3A_326 = arith.addi %broadcast_in_dim3A_67, %add3A_325 : vector<16xi32>
          tpu.vector_store_idx %arg14[%add3A_326, %broadcast_in_dim3A_67], %add3A_323 masked %eq3A_66 : memref<2x1xi32, #tpu.memory_space<vmem>>[vector<16xi32>, vector<16xi32>], vector<16xi32>, vector<16xi1>
          %parallel_loop3A = arith.constant 0 : i32
          %parallel_loop3A_327 = arith.constant 64 : i32
          %parallel_loop3A_328 = arith.constant 1 : i32
          scf.for %parallel_loop3A_336 = %parallel_loop3A to %parallel_loop3A_327 step %parallel_loop3A_328  : i32 {
            %parallel_loop3A_337 = arith.constant 0 : i32
            %parallel_loop3A_338 = arith.index_cast %parallel_loop3A_337 : i32 to index
            %parallel_loop3A_339 = arith.index_cast %parallel_loop3A_336 : i32 to index
            %parallel_loop3A_340 = arith.constant 0 : index
            %parallel_loop3A_341 = tpu.vector_load %arg15[%parallel_loop3A_338, %parallel_loop3A_339, %parallel_loop3A_340] {strides = array<i32>} : memref<1x64x256xf32, #tpu.memory_space<vmem>>, vector<16xf32>,
            %parallel_loop3A_342 = arith.mulf %parallel_loop3A_341, %gather3A_319 : vector<16xf32>
            %parallel_loop3A_343 = arith.constant 0 : i32
            %parallel_loop3A_344 = arith.index_cast %parallel_loop3A_343 : i32 to index
            %parallel_loop3A_345 = arith.index_cast %parallel_loop3A_336 : i32 to index
            %parallel_loop3A_346 = arith.constant 0 : index
            %parallel_loop3A_347 = tpu.vector_load %arg18[%parallel_loop3A_344, %parallel_loop3A_345, %parallel_loop3A_346] {strides = array<i32>} : memref<1x64x256xf32, #tpu.memory_space<vmem>>, vector<16xf32>,
            tpu.vector_store %arg18[%parallel_loop3A_344, %parallel_loop3A_345, %parallel_loop3A_346], %parallel_loop3A_342 {strides = array<i32>} : memref<1x64x256xf32, #tpu.memory_space<vmem>>, vector<16xf32>,
            %parallel_loop3A_348 = arith.constant 0 : i32
            %parallel_loop3A_349 = arith.index_cast %parallel_loop3A_348 : i32 to index
            %parallel_loop3A_350 = arith.index_cast %parallel_loop3A_336 : i32 to index
            %parallel_loop3A_351 = arith.constant 16 : index
            %parallel_loop3A_352 = tpu.vector_load %arg15[%parallel_loop3A_349, %parallel_loop3A_350, %parallel_loop3A_351] {strides = array<i32>} : memref<1x64x256xf32, #tpu.memory_space<vmem>>, vector<16xf32>,
            %parallel_loop3A_353 = arith.mulf %parallel_loop3A_352, %gather3A_319 : vector<16xf32>
            %parallel_loop3A_354 = arith.constant 0 : i32
            %parallel_loop3A_355 = arith.index_cast %parallel_loop3A_354 : i32 to index
            %parallel_loop3A_356 = arith.index_cast %parallel_loop3A_336 : i32 to index
            %parallel_loop3A_357 = arith.constant 16 : index
            %parallel_loop3A_358 = tpu.vector_load %arg18[%parallel_loop3A_355, %parallel_loop3A_356, %parallel_loop3A_357] {strides = array<i32>} : memref<1x64x256xf32, #tpu.memory_space<vmem>>, vector<16xf32>,
            tpu.vector_store %arg18[%parallel_loop3A_355, %parallel_loop3A_356, %parallel_loop3A_357], %parallel_loop3A_353 {strides = array<i32>} : memref<1x64x256xf32, #tpu.memory_space<vmem>>, vector<16xf32>,
            %parallel_loop3A_359 = arith.constant 0 : i32
            %parallel_loop3A_360 = arith.index_cast %parallel_loop3A_359 : i32 to index
            %parallel_loop3A_361 = arith.index_cast %parallel_loop3A_336 : i32 to index
            %parallel_loop3A_362 = arith.constant 32 : index
            %parallel_loop3A_363 = tpu.vector_load %arg15[%parallel_loop3A_360, %parallel_loop3A_361, %parallel_loop3A_362] {strides = array<i32>} : memref<1x64x256xf32, #tpu.memory_space<vmem>>, vector<16xf32>,
            %parallel_loop3A_364 = arith.mulf %parallel_loop3A_363, %gather3A_319 : vector<16xf32>
            %parallel_loop3A_365 = arith.constant 0 : i32
            %parallel_loop3A_366 = arith.index_cast %parallel_loop3A_365 : i32 to index
            %parallel_loop3A_367 = arith.index_cast %parallel_loop3A_336 : i32 to index
            %parallel_loop3A_368 = arith.constant 32 : index
            %parallel_loop3A_369 = tpu.vector_load %arg18[%parallel_loop3A_366, %parallel_loop3A_367, %parallel_loop3A_368] {strides = array<i32>} : memref<1x64x256xf32, #tpu.memory_space<vmem>>, vector<16xf32>,
            tpu.vector_store %arg18[%parallel_loop3A_366, %parallel_loop3A_367, %parallel_loop3A_368], %parallel_loop3A_364 {strides = array<i32>} : memref<1x64x256xf32, #tpu.memory_space<vmem>>, vector<16xf32>,
            %parallel_loop3A_370 = arith.constant 0 : i32
            %parallel_loop3A_371 = arith.index_cast %parallel_loop3A_370 : i32 to index
            %parallel_loop3A_372 = arith.index_cast %parallel_loop3A_336 : i32 to index
            %parallel_loop3A_373 = arith.constant 48 : index
            %parallel_loop3A_374 = tpu.vector_load %arg15[%parallel_loop3A_371, %parallel_loop3A_372, %parallel_loop3A_373] {strides = array<i32>} : memref<1x64x256xf32, #tpu.memory_space<vmem>>, vector<16xf32>,
            %parallel_loop3A_375 = arith.mulf %parallel_loop3A_374, %gather3A_319 : vector<16xf32>
            %parallel_loop3A_376 = arith.constant 0 : i32
            %parallel_loop3A_377 = arith.index_cast %parallel_loop3A_376 : i32 to index
            %parallel_loop3A_378 = arith.index_cast %parallel_loop3A_336 : i32 to index
            %parallel_loop3A_379 = arith.constant 48 : index
            %parallel_loop3A_380 = tpu.vector_load %arg18[%parallel_loop3A_377, %parallel_loop3A_378, %parallel_loop3A_379] {strides = array<i32>} : memref<1x64x256xf32, #tpu.memory_space<vmem>>, vector<16xf32>,
            tpu.vector_store %arg18[%parallel_loop3A_377, %parallel_loop3A_378, %parallel_loop3A_379], %parallel_loop3A_375 {strides = array<i32>} : memref<1x64x256xf32, #tpu.memory_space<vmem>>, vector<16xf32>,
            %parallel_loop3A_381 = arith.constant 0 : i32
            %parallel_loop3A_382 = arith.index_cast %parallel_loop3A_381 : i32 to index
            %parallel_loop3A_383 = arith.index_cast %parallel_loop3A_336 : i32 to index
            %parallel_loop3A_384 = arith.constant 64 : index
            %parallel_loop3A_385 = tpu.vector_load %arg15[%parallel_loop3A_382, %parallel_loop3A_383, %parallel_loop3A_384] {strides = array<i32>} : memref<1x64x256xf32, #tpu.memory_space<vmem>>, vector<16xf32>,
            %parallel_loop3A_386 = arith.mulf %parallel_loop3A_385, %gather3A_319 : vector<16xf32>
            %parallel_loop3A_387 = arith.constant 0 : i32
            %parallel_loop3A_388 = arith.index_cast %parallel_loop3A_387 : i32 to index
            %parallel_loop3A_389 = arith.index_cast %parallel_loop3A_336 : i32 to index
            %parallel_loop3A_390 = arith.constant 64 : index
            %parallel_loop3A_391 = tpu.vector_load %arg18[%parallel_loop3A_388, %parallel_loop3A_389, %parallel_loop3A_390] {strides = array<i32>} : memref<1x64x256xf32, #tpu.memory_space<vmem>>, vector<16xf32>,
            tpu.vector_store %arg18[%parallel_loop3A_388, %parallel_loop3A_389, %parallel_loop3A_390], %parallel_loop3A_386 {strides = array<i32>} : memref<1x64x256xf32, #tpu.memory_space<vmem>>, vector<16xf32>,
            %parallel_loop3A_392 = arith.constant 0 : i32
            %parallel_loop3A_393 = arith.index_cast %parallel_loop3A_392 : i32 to index
            %parallel_loop3A_394 = arith.index_cast %parallel_loop3A_336 : i32 to index
            %parallel_loop3A_395 = arith.constant 80 : index
            %parallel_loop3A_396 = tpu.vector_load %arg15[%parallel_loop3A_393, %parallel_loop3A_394, %parallel_loop3A_395] {strides = array<i32>} : memref<1x64x256xf32, #tpu.memory_space<vmem>>, vector<16xf32>,
            %parallel_loop3A_397 = arith.mulf %parallel_loop3A_396, %gather3A_319 : vector<16xf32>
            %parallel_loop3A_398 = arith.constant 0 : i32
            %parallel_loop3A_399 = arith.index_cast %parallel_loop3A_398 : i32 to index
            %parallel_loop3A_400 = arith.index_cast %parallel_loop3A_336 : i32 to index
            %parallel_loop3A_401 = arith.constant 80 : index
            %parallel_loop3A_402 = tpu.vector_load %arg18[%parallel_loop3A_399, %parallel_loop3A_400, %parallel_loop3A_401] {strides = array<i32>} : memref<1x64x256xf32, #tpu.memory_space<vmem>>, vector<16xf32>,
            tpu.vector_store %arg18[%parallel_loop3A_399, %parallel_loop3A_400, %parallel_loop3A_401], %parallel_loop3A_397 {strides = array<i32>} : memref<1x64x256xf32, #tpu.memory_space<vmem>>, vector<16xf32>,
            %parallel_loop3A_403 = arith.constant 0 : i32
            %parallel_loop3A_404 = arith.index_cast %parallel_loop3A_403 : i32 to index
            %parallel_loop3A_405 = arith.index_cast %parallel_loop3A_336 : i32 to index
            %parallel_loop3A_406 = arith.constant 96 : index
            %parallel_loop3A_407 = tpu.vector_load %arg15[%parallel_loop3A_404, %parallel_loop3A_405, %parallel_loop3A_406] {strides = array<i32>} : memref<1x64x256xf32, #tpu.memory_space<vmem>>, vector<16xf32>,
            %parallel_loop3A_408 = arith.mulf %parallel_loop3A_407, %gather3A_319 : vector<16xf32>
            %parallel_loop3A_409 = arith.constant 0 : i32
            %parallel_loop3A_410 = arith.index_cast %parallel_loop3A_409 : i32 to index
            %parallel_loop3A_411 = arith.index_cast %parallel_loop3A_336 : i32 to index
            %parallel_loop3A_412 = arith.constant 96 : index
            %parallel_loop3A_413 = tpu.vector_load %arg18[%parallel_loop3A_410, %parallel_loop3A_411, %parallel_loop3A_412] {strides = array<i32>} : memref<1x64x256xf32, #tpu.memory_space<vmem>>, vector<16xf32>,
            tpu.vector_store %arg18[%parallel_loop3A_410, %parallel_loop3A_411, %parallel_loop3A_412], %parallel_loop3A_408 {strides = array<i32>} : memref<1x64x256xf32, #tpu.memory_space<vmem>>, vector<16xf32>,
            %parallel_loop3A_414 = arith.constant 0 : i32
            %parallel_loop3A_415 = arith.index_cast %parallel_loop3A_414 : i32 to index
            %parallel_loop3A_416 = arith.index_cast %parallel_loop3A_336 : i32 to index
            %parallel_loop3A_417 = arith.constant 112 : index
            %parallel_loop3A_418 = tpu.vector_load %arg15[%parallel_loop3A_415, %parallel_loop3A_416, %parallel_loop3A_417] {strides = array<i32>} : memref<1x64x256xf32, #tpu.memory_space<vmem>>, vector<16xf32>,
            %parallel_loop3A_419 = arith.mulf %parallel_loop3A_418, %gather3A_319 : vector<16xf32>
            %parallel_loop3A_420 = arith.constant 0 : i32
            %parallel_loop3A_421 = arith.index_cast %parallel_loop3A_420 : i32 to index
            %parallel_loop3A_422 = arith.index_cast %parallel_loop3A_336 : i32 to index
            %parallel_loop3A_423 = arith.constant 112 : index
            %parallel_loop3A_424 = tpu.vector_load %arg18[%parallel_loop3A_421, %parallel_loop3A_422, %parallel_loop3A_423] {strides = array<i32>} : memref<1x64x256xf32, #tpu.memory_space<vmem>>, vector<16xf32>,
            tpu.vector_store %arg18[%parallel_loop3A_421, %parallel_loop3A_422, %parallel_loop3A_423], %parallel_loop3A_419 {strides = array<i32>} : memref<1x64x256xf32, #tpu.memory_space<vmem>>, vector<16xf32>,
            %parallel_loop3A_425 = arith.constant 0 : i32
            %parallel_loop3A_426 = arith.index_cast %parallel_loop3A_425 : i32 to index
            %parallel_loop3A_427 = arith.index_cast %parallel_loop3A_336 : i32 to index
            %parallel_loop3A_428 = arith.constant 128 : index
            %parallel_loop3A_429 = tpu.vector_load %arg15[%parallel_loop3A_426, %parallel_loop3A_427, %parallel_loop3A_428] {strides = array<i32>} : memref<1x64x256xf32, #tpu.memory_space<vmem>>, vector<16xf32>,
            %parallel_loop3A_430 = arith.mulf %parallel_loop3A_429, %gather3A_319 : vector<16xf32>
            %parallel_loop3A_431 = arith.constant 0 : i32
            %parallel_loop3A_432 = arith.index_cast %parallel_loop3A_431 : i32 to index
            %parallel_loop3A_433 = arith.index_cast %parallel_loop3A_336 : i32 to index
            %parallel_loop3A_434 = arith.constant 128 : index
            %parallel_loop3A_435 = tpu.vector_load %arg18[%parallel_loop3A_432, %parallel_loop3A_433, %parallel_loop3A_434] {strides = array<i32>} : memref<1x64x256xf32, #tpu.memory_space<vmem>>, vector<16xf32>,
            tpu.vector_store %arg18[%parallel_loop3A_432, %parallel_loop3A_433, %parallel_loop3A_434], %parallel_loop3A_430 {strides = array<i32>} : memref<1x64x256xf32, #tpu.memory_space<vmem>>, vector<16xf32>,
            %parallel_loop3A_436 = arith.constant 0 : i32
            %parallel_loop3A_437 = arith.index_cast %parallel_loop3A_436 : i32 to index
            %parallel_loop3A_438 = arith.index_cast %parallel_loop3A_336 : i32 to index
            %parallel_loop3A_439 = arith.constant 144 : index
            %parallel_loop3A_440 = tpu.vector_load %arg15[%parallel_loop3A_437, %parallel_loop3A_438, %parallel_loop3A_439] {strides = array<i32>} : memref<1x64x256xf32, #tpu.memory_space<vmem>>, vector<16xf32>,
            %parallel_loop3A_441 = arith.mulf %parallel_loop3A_440, %gather3A_319 : vector<16xf32>
            %parallel_loop3A_442 = arith.constant 0 : i32
            %parallel_loop3A_443 = arith.index_cast %parallel_loop3A_442 : i32 to index
            %parallel_loop3A_444 = arith.index_cast %parallel_loop3A_336 : i32 to index
            %parallel_loop3A_445 = arith.constant 144 : index
            %parallel_loop3A_446 = tpu.vector_load %arg18[%parallel_loop3A_443, %parallel_loop3A_444, %parallel_loop3A_445] {strides = array<i32>} : memref<1x64x256xf32, #tpu.memory_space<vmem>>, vector<16xf32>,
            tpu.vector_store %arg18[%parallel_loop3A_443, %parallel_loop3A_444, %parallel_loop3A_445], %parallel_loop3A_441 {strides = array<i32>} : memref<1x64x256xf32, #tpu.memory_space<vmem>>, vector<16xf32>,
            %parallel_loop3A_447 = arith.constant 0 : i32
            %parallel_loop3A_448 = arith.index_cast %parallel_loop3A_447 : i32 to index
            %parallel_loop3A_449 = arith.index_cast %parallel_loop3A_336 : i32 to index
            %parallel_loop3A_450 = arith.constant 160 : index
            %parallel_loop3A_451 = tpu.vector_load %arg15[%parallel_loop3A_448, %parallel_loop3A_449, %parallel_loop3A_450] {strides = array<i32>} : memref<1x64x256xf32, #tpu.memory_space<vmem>>, vector<16xf32>,
            %parallel_loop3A_452 = arith.mulf %parallel_loop3A_451, %gather3A_319 : vector<16xf32>
            %parallel_loop3A_453 = arith.constant 0 : i32
            %parallel_loop3A_454 = arith.index_cast %parallel_loop3A_453 : i32 to index
            %parallel_loop3A_455 = arith.index_cast %parallel_loop3A_336 : i32 to index
            %parallel_loop3A_456 = arith.constant 160 : index
            %parallel_loop3A_457 = tpu.vector_load %arg18[%parallel_loop3A_454, %parallel_loop3A_455, %parallel_loop3A_456] {strides = array<i32>} : memref<1x64x256xf32, #tpu.memory_space<vmem>>, vector<16xf32>,
            tpu.vector_store %arg18[%parallel_loop3A_454, %parallel_loop3A_455, %parallel_loop3A_456], %parallel_loop3A_452 {strides = array<i32>} : memref<1x64x256xf32, #tpu.memory_space<vmem>>, vector<16xf32>,
            %parallel_loop3A_458 = arith.constant 0 : i32
            %parallel_loop3A_459 = arith.index_cast %parallel_loop3A_458 : i32 to index
            %parallel_loop3A_460 = arith.index_cast %parallel_loop3A_336 : i32 to index
            %parallel_loop3A_461 = arith.constant 176 : index
            %parallel_loop3A_462 = tpu.vector_load %arg15[%parallel_loop3A_459, %parallel_loop3A_460, %parallel_loop3A_461] {strides = array<i32>} : memref<1x64x256xf32, #tpu.memory_space<vmem>>, vector<16xf32>,
            %parallel_loop3A_463 = arith.mulf %parallel_loop3A_462, %gather3A_319 : vector<16xf32>
            %parallel_loop3A_464 = arith.constant 0 : i32
            %parallel_loop3A_465 = arith.index_cast %parallel_loop3A_464 : i32 to index
            %parallel_loop3A_466 = arith.index_cast %parallel_loop3A_336 : i32 to index
            %parallel_loop3A_467 = arith.constant 176 : index
            %parallel_loop3A_468 = tpu.vector_load %arg18[%parallel_loop3A_465, %parallel_loop3A_466, %parallel_loop3A_467] {strides = array<i32>} : memref<1x64x256xf32, #tpu.memory_space<vmem>>, vector<16xf32>,
            tpu.vector_store %arg18[%parallel_loop3A_465, %parallel_loop3A_466, %parallel_loop3A_467], %parallel_loop3A_463 {strides = array<i32>} : memref<1x64x256xf32, #tpu.memory_space<vmem>>, vector<16xf32>,
            %parallel_loop3A_469 = arith.constant 0 : i32
            %parallel_loop3A_470 = arith.index_cast %parallel_loop3A_469 : i32 to index
            %parallel_loop3A_471 = arith.index_cast %parallel_loop3A_336 : i32 to index
            %parallel_loop3A_472 = arith.constant 192 : index
            %parallel_loop3A_473 = tpu.vector_load %arg15[%parallel_loop3A_470, %parallel_loop3A_471, %parallel_loop3A_472] {strides = array<i32>} : memref<1x64x256xf32, #tpu.memory_space<vmem>>, vector<16xf32>,
            %parallel_loop3A_474 = arith.mulf %parallel_loop3A_473, %gather3A_319 : vector<16xf32>
            %parallel_loop3A_475 = arith.constant 0 : i32
            %parallel_loop3A_476 = arith.index_cast %parallel_loop3A_475 : i32 to index
            %parallel_loop3A_477 = arith.index_cast %parallel_loop3A_336 : i32 to index
            %parallel_loop3A_478 = arith.constant 192 : index
            %parallel_loop3A_479 = tpu.vector_load %arg18[%parallel_loop3A_476, %parallel_loop3A_477, %parallel_loop3A_478] {strides = array<i32>} : memref<1x64x256xf32, #tpu.memory_space<vmem>>, vector<16xf32>,
            tpu.vector_store %arg18[%parallel_loop3A_476, %parallel_loop3A_477, %parallel_loop3A_478], %parallel_loop3A_474 {strides = array<i32>} : memref<1x64x256xf32, #tpu.memory_space<vmem>>, vector<16xf32>,
            %parallel_loop3A_480 = arith.constant 0 : i32
            %parallel_loop3A_481 = arith.index_cast %parallel_loop3A_480 : i32 to index
            %parallel_loop3A_482 = arith.index_cast %parallel_loop3A_336 : i32 to index
            %parallel_loop3A_483 = arith.constant 208 : index
            %parallel_loop3A_484 = tpu.vector_load %arg15[%parallel_loop3A_481, %parallel_loop3A_482, %parallel_loop3A_483] {strides = array<i32>} : memref<1x64x256xf32, #tpu.memory_space<vmem>>, vector<16xf32>,
            %parallel_loop3A_485 = arith.mulf %parallel_loop3A_484, %gather3A_319 : vector<16xf32>
            %parallel_loop3A_486 = arith.constant 0 : i32
            %parallel_loop3A_487 = arith.index_cast %parallel_loop3A_486 : i32 to index
            %parallel_loop3A_488 = arith.index_cast %parallel_loop3A_336 : i32 to index
            %parallel_loop3A_489 = arith.constant 208 : index
            %parallel_loop3A_490 = tpu.vector_load %arg18[%parallel_loop3A_487, %parallel_loop3A_488, %parallel_loop3A_489] {strides = array<i32>} : memref<1x64x256xf32, #tpu.memory_space<vmem>>, vector<16xf32>,
            tpu.vector_store %arg18[%parallel_loop3A_487, %parallel_loop3A_488, %parallel_loop3A_489], %parallel_loop3A_485 {strides = array<i32>} : memref<1x64x256xf32, #tpu.memory_space<vmem>>, vector<16xf32>,
            %parallel_loop3A_491 = arith.constant 0 : i32
            %parallel_loop3A_492 = arith.index_cast %parallel_loop3A_491 : i32 to index
            %parallel_loop3A_493 = arith.index_cast %parallel_loop3A_336 : i32 to index
            %parallel_loop3A_494 = arith.constant 224 : index
            %parallel_loop3A_495 = tpu.vector_load %arg15[%parallel_loop3A_492, %parallel_loop3A_493, %parallel_loop3A_494] {strides = array<i32>} : memref<1x64x256xf32, #tpu.memory_space<vmem>>, vector<16xf32>,
            %parallel_loop3A_496 = arith.mulf %parallel_loop3A_495, %gather3A_319 : vector<16xf32>
            %parallel_loop3A_497 = arith.constant 0 : i32
            %parallel_loop3A_498 = arith.index_cast %parallel_loop3A_497 : i32 to index
            %parallel_loop3A_499 = arith.index_cast %parallel_loop3A_336 : i32 to index
            %parallel_loop3A_500 = arith.constant 224 : index
            %parallel_loop3A_501 = tpu.vector_load %arg18[%parallel_loop3A_498, %parallel_loop3A_499, %parallel_loop3A_500] {strides = array<i32>} : memref<1x64x256xf32, #tpu.memory_space<vmem>>, vector<16xf32>,
            tpu.vector_store %arg18[%parallel_loop3A_498, %parallel_loop3A_499, %parallel_loop3A_500], %parallel_loop3A_496 {strides = array<i32>} : memref<1x64x256xf32, #tpu.memory_space<vmem>>, vector<16xf32>,
            %parallel_loop3A_502 = arith.constant 0 : i32
            %parallel_loop3A_503 = arith.index_cast %parallel_loop3A_502 : i32 to index
            %parallel_loop3A_504 = arith.index_cast %parallel_loop3A_336 : i32 to index
            %parallel_loop3A_505 = arith.constant 240 : index
            %parallel_loop3A_506 = tpu.vector_load %arg15[%parallel_loop3A_503, %parallel_loop3A_504, %parallel_loop3A_505] {strides = array<i32>} : memref<1x64x256xf32, #tpu.memory_space<vmem>>, vector<16xf32>,
            %parallel_loop3A_507 = arith.mulf %parallel_loop3A_506, %gather3A_319 : vector<16xf32>
            %parallel_loop3A_508 = arith.constant 0 : i32
            %parallel_loop3A_509 = arith.index_cast %parallel_loop3A_508 : i32 to index
            %parallel_loop3A_510 = arith.index_cast %parallel_loop3A_336 : i32 to index
            %parallel_loop3A_511 = arith.constant 240 : index
            %parallel_loop3A_512 = tpu.vector_load %arg18[%parallel_loop3A_509, %parallel_loop3A_510, %parallel_loop3A_511] {strides = array<i32>} : memref<1x64x256xf32, #tpu.memory_space<vmem>>, vector<16xf32>,
            tpu.vector_store %arg18[%parallel_loop3A_509, %parallel_loop3A_510, %parallel_loop3A_511], %parallel_loop3A_507 {strides = array<i32>} : memref<1x64x256xf32, #tpu.memory_space<vmem>>, vector<16xf32>,
          } {sc.loop_unroll_factor = 1 : i64, sc.parallel_access}
          %dma_start3A = arith.constant 1 : i32
          %dma_start3A_329 = arith.constant 0 : i32
          %dma_start3A_330 = tpu.memref_slice %arg14[%dma_start3A, %dma_start3A_329] : memref<2x1xi32, #tpu.memory_space<vmem>> -> memref<1x1xi32, #tpu.memory_space<vmem>>
          %dma_start3A_331 = tpu.memref_squeeze %dma_start3A_330 : memref<1x1xi32, #tpu.memory_space<vmem>> -> memref<1xi32, #tpu.memory_space<vmem>>
          %dma_start3A_332 = arith.constant 0 : i32
          %dma_start3A_333 = arith.constant 0 : i32
          %dma_start3A_334 = arith.constant 0 : i32
          %dma_start3A_335 = tpu.memref_slice %arg5[%dma_start3A_332, %dma_start3A_333, %dma_start3A_334] : memref<2048x64x256xf32, #tpu.memory_space<hbm>> -> memref<2048x64x256xf32, #tpu.memory_space<hbm>>
          tpu.enqueue_indirect_dma source(%arg18 : memref<1x64x256xf32, #tpu.memory_space<vmem>>) target(%dma_start3A_335 : memref<2048x64x256xf32, #tpu.memory_space<hbm>>) offsets(%dma_start3A_331 : memref<1xi32, #tpu.memory_space<vmem>>) semaphore(%arg25 : memref<!tpu.dma_semaphore, #tpu.memory_space<semaphore_mem>>)
        } else {
        }
        %jit3A_308 = arith.constant 1 : i32
        %jit3A_309 = arith.constant 0 : i32
        %select_n3A_310 = arith.select %lt3A_304, %jit3A_308, %jit3A_309 : i32
        %add3A_311 = arith.addi %while3A_287, %select_n3A_310 : i32
        scf.yield %add3A_299, %add3A_311 : i32, i32
      }
      %while3A_200 = arith.constant 1 : i32
      %while3A_201:2 = scf.for %while3A_285 = %while3A_197 to %while3A_193 step %while3A_200 iter_args(%while3A_286 = %while3A_199#0, %while3A_287 = %while3A_199#1) -> (i32, i32)  : i32 {
        %mul3A_288 = arith.constant 2 : i32
        %mul3A_289 = arith.muli %while3A_285, %mul3A_288 : i32
        %add3A_290 = arith.constant 0 : i32
        %add3A_291 = arith.addi %mul3A_289, %add3A_290 : i32
        %lt3A_292 = arith.cmpi slt, %add3A_291, %select_n3A_164 : i32
        %convert_element_type3A_293 = arith.extui %lt3A_292 : i1 to i32
        %cond3A_294 = arith.constant 0 : i32
        %cond3A_295 = arith.cmpi ne, %convert_element_type3A_293, %cond3A_294 : i32
        scf.if %cond3A_295 {
          %gt3A_312 = arith.constant 0 : i32
          %gt3A_313 = arith.cmpi sgt, %while3A_286, %gt3A_312 : i32
          %convert_element_type3A_314 = arith.extui %gt3A_313 : i1 to i32
          %cond3A_315 = arith.constant 0 : i32
          %cond3A_316 = arith.cmpi ne, %convert_element_type3A_314, %cond3A_315 : i32
          scf.if %cond3A_316 {
            %dma_wait3A = arith.constant 0 : i32
            %dma_wait3A_336 = arith.constant 0 : i32
            %dma_wait3A_337 = arith.constant 0 : i32
            %dma_wait3A_338 = tpu.memref_slice %arg5[%dma_wait3A, %dma_wait3A_336, %dma_wait3A_337] : memref<2048x64x256xf32, #tpu.memory_space<hbm>> -> memref<1x64x256xf32, #tpu.memory_space<hbm>>
            %dma_wait3A_339 = arith.constant 0 : i32
            %dma_wait3A_340 = arith.constant 0 : i32
            %dma_wait3A_341 = arith.constant 0 : i32
            %dma_wait3A_342 = tpu.memref_slice %arg5[%dma_wait3A_339, %dma_wait3A_340, %dma_wait3A_341] : memref<2048x64x256xf32, #tpu.memory_space<hbm>> -> memref<1x64x256xf32, #tpu.memory_space<hbm>>
            tpu.wait_dma2 semaphore(%arg24 : memref<!tpu.dma_semaphore, #tpu.memory_space<semaphore_mem>>) src(%arg17 : memref<1x64x256xf32, #tpu.memory_space<vmem>>) dst(%dma_wait3A_342 : memref<1x64x256xf32, #tpu.memory_space<hbm>>)
          } else {
          }
          %add3A_317 = vector.broadcast %add3A_291 : i32 to vector<16xi32>
          %add3A_318 = arith.addi %broadcast_in_dim3A_67, %add3A_317 : vector<16xi32>
          %gather3A = tpu.vector_load_idx %arg10[%add3A_318] : memref<512xi32, #tpu.memory_space<vmem>>[vector<16xi32>], vector<16xi32>,
          %gather3A_319 = tpu.vector_load_idx %arg7[%gather3A] : memref<512xf32, #tpu.memory_space<vmem>>[vector<16xi32>], vector<16xf32>,
          %mul3A_320 = arith.constant 512 : i32
          %mul3A_321 = arith.muli %add3A, %mul3A_320 : i32
          %add3A_322 = vector.broadcast %mul3A_321 : i32 to vector<16xi32>
          %add3A_323 = arith.addi %gather3A, %add3A_322 : vector<16xi32>
          %add3A_324 = arith.constant 0 : i32
          %add3A_325 = vector.broadcast %add3A_324 : i32 to vector<16xi32>
          %add3A_326 = arith.addi %broadcast_in_dim3A_67, %add3A_325 : vector<16xi32>
          tpu.vector_store_idx %arg14[%add3A_326, %broadcast_in_dim3A_67], %add3A_323 masked %eq3A_66 : memref<2x1xi32, #tpu.memory_space<vmem>>[vector<16xi32>, vector<16xi32>], vector<16xi32>, vector<16xi1>
          %parallel_loop3A = arith.constant 0 : i32
          %parallel_loop3A_327 = arith.constant 64 : i32
          %parallel_loop3A_328 = arith.constant 1 : i32
          scf.for %parallel_loop3A_336 = %parallel_loop3A to %parallel_loop3A_327 step %parallel_loop3A_328  : i32 {
            %parallel_loop3A_337 = arith.constant 0 : i32
            %parallel_loop3A_338 = arith.index_cast %parallel_loop3A_337 : i32 to index
            %parallel_loop3A_339 = arith.index_cast %parallel_loop3A_336 : i32 to index
            %parallel_loop3A_340 = arith.constant 0 : index
            %parallel_loop3A_341 = tpu.vector_load %arg15[%parallel_loop3A_338, %parallel_loop3A_339, %parallel_loop3A_340] {strides = array<i32>} : memref<1x64x256xf32, #tpu.memory_space<vmem>>, vector<16xf32>,
            %parallel_loop3A_342 = arith.mulf %parallel_loop3A_341, %gather3A_319 : vector<16xf32>
            %parallel_loop3A_343 = arith.constant 0 : i32
            %parallel_loop3A_344 = arith.index_cast %parallel_loop3A_343 : i32 to index
            %parallel_loop3A_345 = arith.index_cast %parallel_loop3A_336 : i32 to index
            %parallel_loop3A_346 = arith.constant 0 : index
            %parallel_loop3A_347 = tpu.vector_load %arg17[%parallel_loop3A_344, %parallel_loop3A_345, %parallel_loop3A_346] {strides = array<i32>} : memref<1x64x256xf32, #tpu.memory_space<vmem>>, vector<16xf32>,
            tpu.vector_store %arg17[%parallel_loop3A_344, %parallel_loop3A_345, %parallel_loop3A_346], %parallel_loop3A_342 {strides = array<i32>} : memref<1x64x256xf32, #tpu.memory_space<vmem>>, vector<16xf32>,
            %parallel_loop3A_348 = arith.constant 0 : i32
            %parallel_loop3A_349 = arith.index_cast %parallel_loop3A_348 : i32 to index
            %parallel_loop3A_350 = arith.index_cast %parallel_loop3A_336 : i32 to index
            %parallel_loop3A_351 = arith.constant 16 : index
            %parallel_loop3A_352 = tpu.vector_load %arg15[%parallel_loop3A_349, %parallel_loop3A_350, %parallel_loop3A_351] {strides = array<i32>} : memref<1x64x256xf32, #tpu.memory_space<vmem>>, vector<16xf32>,
            %parallel_loop3A_353 = arith.mulf %parallel_loop3A_352, %gather3A_319 : vector<16xf32>
            %parallel_loop3A_354 = arith.constant 0 : i32
            %parallel_loop3A_355 = arith.index_cast %parallel_loop3A_354 : i32 to index
            %parallel_loop3A_356 = arith.index_cast %parallel_loop3A_336 : i32 to index
            %parallel_loop3A_357 = arith.constant 16 : index
            %parallel_loop3A_358 = tpu.vector_load %arg17[%parallel_loop3A_355, %parallel_loop3A_356, %parallel_loop3A_357] {strides = array<i32>} : memref<1x64x256xf32, #tpu.memory_space<vmem>>, vector<16xf32>,
            tpu.vector_store %arg17[%parallel_loop3A_355, %parallel_loop3A_356, %parallel_loop3A_357], %parallel_loop3A_353 {strides = array<i32>} : memref<1x64x256xf32, #tpu.memory_space<vmem>>, vector<16xf32>,
            %parallel_loop3A_359 = arith.constant 0 : i32
            %parallel_loop3A_360 = arith.index_cast %parallel_loop3A_359 : i32 to index
            %parallel_loop3A_361 = arith.index_cast %parallel_loop3A_336 : i32 to index
            %parallel_loop3A_362 = arith.constant 32 : index
            %parallel_loop3A_363 = tpu.vector_load %arg15[%parallel_loop3A_360, %parallel_loop3A_361, %parallel_loop3A_362] {strides = array<i32>} : memref<1x64x256xf32, #tpu.memory_space<vmem>>, vector<16xf32>,
            %parallel_loop3A_364 = arith.mulf %parallel_loop3A_363, %gather3A_319 : vector<16xf32>
            %parallel_loop3A_365 = arith.constant 0 : i32
            %parallel_loop3A_366 = arith.index_cast %parallel_loop3A_365 : i32 to index
            %parallel_loop3A_367 = arith.index_cast %parallel_loop3A_336 : i32 to index
            %parallel_loop3A_368 = arith.constant 32 : index
            %parallel_loop3A_369 = tpu.vector_load %arg17[%parallel_loop3A_366, %parallel_loop3A_367, %parallel_loop3A_368] {strides = array<i32>} : memref<1x64x256xf32, #tpu.memory_space<vmem>>, vector<16xf32>,
            tpu.vector_store %arg17[%parallel_loop3A_366, %parallel_loop3A_367, %parallel_loop3A_368], %parallel_loop3A_364 {strides = array<i32>} : memref<1x64x256xf32, #tpu.memory_space<vmem>>, vector<16xf32>,
            %parallel_loop3A_370 = arith.constant 0 : i32
            %parallel_loop3A_371 = arith.index_cast %parallel_loop3A_370 : i32 to index
            %parallel_loop3A_372 = arith.index_cast %parallel_loop3A_336 : i32 to index
            %parallel_loop3A_373 = arith.constant 48 : index
            %parallel_loop3A_374 = tpu.vector_load %arg15[%parallel_loop3A_371, %parallel_loop3A_372, %parallel_loop3A_373] {strides = array<i32>} : memref<1x64x256xf32, #tpu.memory_space<vmem>>, vector<16xf32>,
            %parallel_loop3A_375 = arith.mulf %parallel_loop3A_374, %gather3A_319 : vector<16xf32>
            %parallel_loop3A_376 = arith.constant 0 : i32
            %parallel_loop3A_377 = arith.index_cast %parallel_loop3A_376 : i32 to index
            %parallel_loop3A_378 = arith.index_cast %parallel_loop3A_336 : i32 to index
            %parallel_loop3A_379 = arith.constant 48 : index
            %parallel_loop3A_380 = tpu.vector_load %arg17[%parallel_loop3A_377, %parallel_loop3A_378, %parallel_loop3A_379] {strides = array<i32>} : memref<1x64x256xf32, #tpu.memory_space<vmem>>, vector<16xf32>,
            tpu.vector_store %arg17[%parallel_loop3A_377, %parallel_loop3A_378, %parallel_loop3A_379], %parallel_loop3A_375 {strides = array<i32>} : memref<1x64x256xf32, #tpu.memory_space<vmem>>, vector<16xf32>,
            %parallel_loop3A_381 = arith.constant 0 : i32
            %parallel_loop3A_382 = arith.index_cast %parallel_loop3A_381 : i32 to index
            %parallel_loop3A_383 = arith.index_cast %parallel_loop3A_336 : i32 to index
            %parallel_loop3A_384 = arith.constant 64 : index
            %parallel_loop3A_385 = tpu.vector_load %arg15[%parallel_loop3A_382, %parallel_loop3A_383, %parallel_loop3A_384] {strides = array<i32>} : memref<1x64x256xf32, #tpu.memory_space<vmem>>, vector<16xf32>,
            %parallel_loop3A_386 = arith.mulf %parallel_loop3A_385, %gather3A_319 : vector<16xf32>
            %parallel_loop3A_387 = arith.constant 0 : i32
            %parallel_loop3A_388 = arith.index_cast %parallel_loop3A_387 : i32 to index
            %parallel_loop3A_389 = arith.index_cast %parallel_loop3A_336 : i32 to index
            %parallel_loop3A_390 = arith.constant 64 : index
            %parallel_loop3A_391 = tpu.vector_load %arg17[%parallel_loop3A_388, %parallel_loop3A_389, %parallel_loop3A_390] {strides = array<i32>} : memref<1x64x256xf32, #tpu.memory_space<vmem>>, vector<16xf32>,
            tpu.vector_store %arg17[%parallel_loop3A_388, %parallel_loop3A_389, %parallel_loop3A_390], %parallel_loop3A_386 {strides = array<i32>} : memref<1x64x256xf32, #tpu.memory_space<vmem>>, vector<16xf32>,
            %parallel_loop3A_392 = arith.constant 0 : i32
            %parallel_loop3A_393 = arith.index_cast %parallel_loop3A_392 : i32 to index
            %parallel_loop3A_394 = arith.index_cast %parallel_loop3A_336 : i32 to index
            %parallel_loop3A_395 = arith.constant 80 : index
            %parallel_loop3A_396 = tpu.vector_load %arg15[%parallel_loop3A_393, %parallel_loop3A_394, %parallel_loop3A_395] {strides = array<i32>} : memref<1x64x256xf32, #tpu.memory_space<vmem>>, vector<16xf32>,
            %parallel_loop3A_397 = arith.mulf %parallel_loop3A_396, %gather3A_319 : vector<16xf32>
            %parallel_loop3A_398 = arith.constant 0 : i32
            %parallel_loop3A_399 = arith.index_cast %parallel_loop3A_398 : i32 to index
            %parallel_loop3A_400 = arith.index_cast %parallel_loop3A_336 : i32 to index
            %parallel_loop3A_401 = arith.constant 80 : index
            %parallel_loop3A_402 = tpu.vector_load %arg17[%parallel_loop3A_399, %parallel_loop3A_400, %parallel_loop3A_401] {strides = array<i32>} : memref<1x64x256xf32, #tpu.memory_space<vmem>>, vector<16xf32>,
            tpu.vector_store %arg17[%parallel_loop3A_399, %parallel_loop3A_400, %parallel_loop3A_401], %parallel_loop3A_397 {strides = array<i32>} : memref<1x64x256xf32, #tpu.memory_space<vmem>>, vector<16xf32>,
            %parallel_loop3A_403 = arith.constant 0 : i32
            %parallel_loop3A_404 = arith.index_cast %parallel_loop3A_403 : i32 to index
            %parallel_loop3A_405 = arith.index_cast %parallel_loop3A_336 : i32 to index
            %parallel_loop3A_406 = arith.constant 96 : index
            %parallel_loop3A_407 = tpu.vector_load %arg15[%parallel_loop3A_404, %parallel_loop3A_405, %parallel_loop3A_406] {strides = array<i32>} : memref<1x64x256xf32, #tpu.memory_space<vmem>>, vector<16xf32>,
            %parallel_loop3A_408 = arith.mulf %parallel_loop3A_407, %gather3A_319 : vector<16xf32>
            %parallel_loop3A_409 = arith.constant 0 : i32
            %parallel_loop3A_410 = arith.index_cast %parallel_loop3A_409 : i32 to index
            %parallel_loop3A_411 = arith.index_cast %parallel_loop3A_336 : i32 to index
            %parallel_loop3A_412 = arith.constant 96 : index
            %parallel_loop3A_413 = tpu.vector_load %arg17[%parallel_loop3A_410, %parallel_loop3A_411, %parallel_loop3A_412] {strides = array<i32>} : memref<1x64x256xf32, #tpu.memory_space<vmem>>, vector<16xf32>,
            tpu.vector_store %arg17[%parallel_loop3A_410, %parallel_loop3A_411, %parallel_loop3A_412], %parallel_loop3A_408 {strides = array<i32>} : memref<1x64x256xf32, #tpu.memory_space<vmem>>, vector<16xf32>,
            %parallel_loop3A_414 = arith.constant 0 : i32
            %parallel_loop3A_415 = arith.index_cast %parallel_loop3A_414 : i32 to index
            %parallel_loop3A_416 = arith.index_cast %parallel_loop3A_336 : i32 to index
            %parallel_loop3A_417 = arith.constant 112 : index
            %parallel_loop3A_418 = tpu.vector_load %arg15[%parallel_loop3A_415, %parallel_loop3A_416, %parallel_loop3A_417] {strides = array<i32>} : memref<1x64x256xf32, #tpu.memory_space<vmem>>, vector<16xf32>,
            %parallel_loop3A_419 = arith.mulf %parallel_loop3A_418, %gather3A_319 : vector<16xf32>
            %parallel_loop3A_420 = arith.constant 0 : i32
            %parallel_loop3A_421 = arith.index_cast %parallel_loop3A_420 : i32 to index
            %parallel_loop3A_422 = arith.index_cast %parallel_loop3A_336 : i32 to index
            %parallel_loop3A_423 = arith.constant 112 : index
            %parallel_loop3A_424 = tpu.vector_load %arg17[%parallel_loop3A_421, %parallel_loop3A_422, %parallel_loop3A_423] {strides = array<i32>} : memref<1x64x256xf32, #tpu.memory_space<vmem>>, vector<16xf32>,
            tpu.vector_store %arg17[%parallel_loop3A_421, %parallel_loop3A_422, %parallel_loop3A_423], %parallel_loop3A_419 {strides = array<i32>} : memref<1x64x256xf32, #tpu.memory_space<vmem>>, vector<16xf32>,
            %parallel_loop3A_425 = arith.constant 0 : i32
            %parallel_loop3A_426 = arith.index_cast %parallel_loop3A_425 : i32 to index
            %parallel_loop3A_427 = arith.index_cast %parallel_loop3A_336 : i32 to index
            %parallel_loop3A_428 = arith.constant 128 : index
            %parallel_loop3A_429 = tpu.vector_load %arg15[%parallel_loop3A_426, %parallel_loop3A_427, %parallel_loop3A_428] {strides = array<i32>} : memref<1x64x256xf32, #tpu.memory_space<vmem>>, vector<16xf32>,
            %parallel_loop3A_430 = arith.mulf %parallel_loop3A_429, %gather3A_319 : vector<16xf32>
            %parallel_loop3A_431 = arith.constant 0 : i32
            %parallel_loop3A_432 = arith.index_cast %parallel_loop3A_431 : i32 to index
            %parallel_loop3A_433 = arith.index_cast %parallel_loop3A_336 : i32 to index
            %parallel_loop3A_434 = arith.constant 128 : index
            %parallel_loop3A_435 = tpu.vector_load %arg17[%parallel_loop3A_432, %parallel_loop3A_433, %parallel_loop3A_434] {strides = array<i32>} : memref<1x64x256xf32, #tpu.memory_space<vmem>>, vector<16xf32>,
            tpu.vector_store %arg17[%parallel_loop3A_432, %parallel_loop3A_433, %parallel_loop3A_434], %parallel_loop3A_430 {strides = array<i32>} : memref<1x64x256xf32, #tpu.memory_space<vmem>>, vector<16xf32>,
            %parallel_loop3A_436 = arith.constant 0 : i32
            %parallel_loop3A_437 = arith.index_cast %parallel_loop3A_436 : i32 to index
            %parallel_loop3A_438 = arith.index_cast %parallel_loop3A_336 : i32 to index
            %parallel_loop3A_439 = arith.constant 144 : index
            %parallel_loop3A_440 = tpu.vector_load %arg15[%parallel_loop3A_437, %parallel_loop3A_438, %parallel_loop3A_439] {strides = array<i32>} : memref<1x64x256xf32, #tpu.memory_space<vmem>>, vector<16xf32>,
            %parallel_loop3A_441 = arith.mulf %parallel_loop3A_440, %gather3A_319 : vector<16xf32>
            %parallel_loop3A_442 = arith.constant 0 : i32
            %parallel_loop3A_443 = arith.index_cast %parallel_loop3A_442 : i32 to index
            %parallel_loop3A_444 = arith.index_cast %parallel_loop3A_336 : i32 to index
            %parallel_loop3A_445 = arith.constant 144 : index
            %parallel_loop3A_446 = tpu.vector_load %arg17[%parallel_loop3A_443, %parallel_loop3A_444, %parallel_loop3A_445] {strides = array<i32>} : memref<1x64x256xf32, #tpu.memory_space<vmem>>, vector<16xf32>,
            tpu.vector_store %arg17[%parallel_loop3A_443, %parallel_loop3A_444, %parallel_loop3A_445], %parallel_loop3A_441 {strides = array<i32>} : memref<1x64x256xf32, #tpu.memory_space<vmem>>, vector<16xf32>,
            %parallel_loop3A_447 = arith.constant 0 : i32
            %parallel_loop3A_448 = arith.index_cast %parallel_loop3A_447 : i32 to index
            %parallel_loop3A_449 = arith.index_cast %parallel_loop3A_336 : i32 to index
            %parallel_loop3A_450 = arith.constant 160 : index
            %parallel_loop3A_451 = tpu.vector_load %arg15[%parallel_loop3A_448, %parallel_loop3A_449, %parallel_loop3A_450] {strides = array<i32>} : memref<1x64x256xf32, #tpu.memory_space<vmem>>, vector<16xf32>,
            %parallel_loop3A_452 = arith.mulf %parallel_loop3A_451, %gather3A_319 : vector<16xf32>
            %parallel_loop3A_453 = arith.constant 0 : i32
            %parallel_loop3A_454 = arith.index_cast %parallel_loop3A_453 : i32 to index
            %parallel_loop3A_455 = arith.index_cast %parallel_loop3A_336 : i32 to index
            %parallel_loop3A_456 = arith.constant 160 : index
            %parallel_loop3A_457 = tpu.vector_load %arg17[%parallel_loop3A_454, %parallel_loop3A_455, %parallel_loop3A_456] {strides = array<i32>} : memref<1x64x256xf32, #tpu.memory_space<vmem>>, vector<16xf32>,
            tpu.vector_store %arg17[%parallel_loop3A_454, %parallel_loop3A_455, %parallel_loop3A_456], %parallel_loop3A_452 {strides = array<i32>} : memref<1x64x256xf32, #tpu.memory_space<vmem>>, vector<16xf32>,
            %parallel_loop3A_458 = arith.constant 0 : i32
            %parallel_loop3A_459 = arith.index_cast %parallel_loop3A_458 : i32 to index
            %parallel_loop3A_460 = arith.index_cast %parallel_loop3A_336 : i32 to index
            %parallel_loop3A_461 = arith.constant 176 : index
            %parallel_loop3A_462 = tpu.vector_load %arg15[%parallel_loop3A_459, %parallel_loop3A_460, %parallel_loop3A_461] {strides = array<i32>} : memref<1x64x256xf32, #tpu.memory_space<vmem>>, vector<16xf32>,
            %parallel_loop3A_463 = arith.mulf %parallel_loop3A_462, %gather3A_319 : vector<16xf32>
            %parallel_loop3A_464 = arith.constant 0 : i32
            %parallel_loop3A_465 = arith.index_cast %parallel_loop3A_464 : i32 to index
            %parallel_loop3A_466 = arith.index_cast %parallel_loop3A_336 : i32 to index
            %parallel_loop3A_467 = arith.constant 176 : index
            %parallel_loop3A_468 = tpu.vector_load %arg17[%parallel_loop3A_465, %parallel_loop3A_466, %parallel_loop3A_467] {strides = array<i32>} : memref<1x64x256xf32, #tpu.memory_space<vmem>>, vector<16xf32>,
            tpu.vector_store %arg17[%parallel_loop3A_465, %parallel_loop3A_466, %parallel_loop3A_467], %parallel_loop3A_463 {strides = array<i32>} : memref<1x64x256xf32, #tpu.memory_space<vmem>>, vector<16xf32>,
            %parallel_loop3A_469 = arith.constant 0 : i32
            %parallel_loop3A_470 = arith.index_cast %parallel_loop3A_469 : i32 to index
            %parallel_loop3A_471 = arith.index_cast %parallel_loop3A_336 : i32 to index
            %parallel_loop3A_472 = arith.constant 192 : index
            %parallel_loop3A_473 = tpu.vector_load %arg15[%parallel_loop3A_470, %parallel_loop3A_471, %parallel_loop3A_472] {strides = array<i32>} : memref<1x64x256xf32, #tpu.memory_space<vmem>>, vector<16xf32>,
            %parallel_loop3A_474 = arith.mulf %parallel_loop3A_473, %gather3A_319 : vector<16xf32>
            %parallel_loop3A_475 = arith.constant 0 : i32
            %parallel_loop3A_476 = arith.index_cast %parallel_loop3A_475 : i32 to index
            %parallel_loop3A_477 = arith.index_cast %parallel_loop3A_336 : i32 to index
            %parallel_loop3A_478 = arith.constant 192 : index
            %parallel_loop3A_479 = tpu.vector_load %arg17[%parallel_loop3A_476, %parallel_loop3A_477, %parallel_loop3A_478] {strides = array<i32>} : memref<1x64x256xf32, #tpu.memory_space<vmem>>, vector<16xf32>,
            tpu.vector_store %arg17[%parallel_loop3A_476, %parallel_loop3A_477, %parallel_loop3A_478], %parallel_loop3A_474 {strides = array<i32>} : memref<1x64x256xf32, #tpu.memory_space<vmem>>, vector<16xf32>,
            %parallel_loop3A_480 = arith.constant 0 : i32
            %parallel_loop3A_481 = arith.index_cast %parallel_loop3A_480 : i32 to index
            %parallel_loop3A_482 = arith.index_cast %parallel_loop3A_336 : i32 to index
            %parallel_loop3A_483 = arith.constant 208 : index
            %parallel_loop3A_484 = tpu.vector_load %arg15[%parallel_loop3A_481, %parallel_loop3A_482, %parallel_loop3A_483] {strides = array<i32>} : memref<1x64x256xf32, #tpu.memory_space<vmem>>, vector<16xf32>,
            %parallel_loop3A_485 = arith.mulf %parallel_loop3A_484, %gather3A_319 : vector<16xf32>
            %parallel_loop3A_486 = arith.constant 0 : i32
            %parallel_loop3A_487 = arith.index_cast %parallel_loop3A_486 : i32 to index
            %parallel_loop3A_488 = arith.index_cast %parallel_loop3A_336 : i32 to index
            %parallel_loop3A_489 = arith.constant 208 : index
            %parallel_loop3A_490 = tpu.vector_load %arg17[%parallel_loop3A_487, %parallel_loop3A_488, %parallel_loop3A_489] {strides = array<i32>} : memref<1x64x256xf32, #tpu.memory_space<vmem>>, vector<16xf32>,
            tpu.vector_store %arg17[%parallel_loop3A_487, %parallel_loop3A_488, %parallel_loop3A_489], %parallel_loop3A_485 {strides = array<i32>} : memref<1x64x256xf32, #tpu.memory_space<vmem>>, vector<16xf32>,
            %parallel_loop3A_491 = arith.constant 0 : i32
            %parallel_loop3A_492 = arith.index_cast %parallel_loop3A_491 : i32 to index
            %parallel_loop3A_493 = arith.index_cast %parallel_loop3A_336 : i32 to index
            %parallel_loop3A_494 = arith.constant 224 : index
            %parallel_loop3A_495 = tpu.vector_load %arg15[%parallel_loop3A_492, %parallel_loop3A_493, %parallel_loop3A_494] {strides = array<i32>} : memref<1x64x256xf32, #tpu.memory_space<vmem>>, vector<16xf32>,
            %parallel_loop3A_496 = arith.mulf %parallel_loop3A_495, %gather3A_319 : vector<16xf32>
            %parallel_loop3A_497 = arith.constant 0 : i32
            %parallel_loop3A_498 = arith.index_cast %parallel_loop3A_497 : i32 to index
            %parallel_loop3A_499 = arith.index_cast %parallel_loop3A_336 : i32 to index
            %parallel_loop3A_500 = arith.constant 224 : index
            %parallel_loop3A_501 = tpu.vector_load %arg17[%parallel_loop3A_498, %parallel_loop3A_499, %parallel_loop3A_500] {strides = array<i32>} : memref<1x64x256xf32, #tpu.memory_space<vmem>>, vector<16xf32>,
            tpu.vector_store %arg17[%parallel_loop3A_498, %parallel_loop3A_499, %parallel_loop3A_500], %parallel_loop3A_496 {strides = array<i32>} : memref<1x64x256xf32, #tpu.memory_space<vmem>>, vector<16xf32>,
            %parallel_loop3A_502 = arith.constant 0 : i32
            %parallel_loop3A_503 = arith.index_cast %parallel_loop3A_502 : i32 to index
            %parallel_loop3A_504 = arith.index_cast %parallel_loop3A_336 : i32 to index
            %parallel_loop3A_505 = arith.constant 240 : index
            %parallel_loop3A_506 = tpu.vector_load %arg15[%parallel_loop3A_503, %parallel_loop3A_504, %parallel_loop3A_505] {strides = array<i32>} : memref<1x64x256xf32, #tpu.memory_space<vmem>>, vector<16xf32>,
            %parallel_loop3A_507 = arith.mulf %parallel_loop3A_506, %gather3A_319 : vector<16xf32>
            %parallel_loop3A_508 = arith.constant 0 : i32
            %parallel_loop3A_509 = arith.index_cast %parallel_loop3A_508 : i32 to index
            %parallel_loop3A_510 = arith.index_cast %parallel_loop3A_336 : i32 to index
            %parallel_loop3A_511 = arith.constant 240 : index
            %parallel_loop3A_512 = tpu.vector_load %arg17[%parallel_loop3A_509, %parallel_loop3A_510, %parallel_loop3A_511] {strides = array<i32>} : memref<1x64x256xf32, #tpu.memory_space<vmem>>, vector<16xf32>,
            tpu.vector_store %arg17[%parallel_loop3A_509, %parallel_loop3A_510, %parallel_loop3A_511], %parallel_loop3A_507 {strides = array<i32>} : memref<1x64x256xf32, #tpu.memory_space<vmem>>, vector<16xf32>,
          } {sc.loop_unroll_factor = 1 : i64, sc.parallel_access}
          %dma_start3A = arith.constant 0 : i32
          %dma_start3A_329 = arith.constant 0 : i32
          %dma_start3A_330 = tpu.memref_slice %arg14[%dma_start3A, %dma_start3A_329] : memref<2x1xi32, #tpu.memory_space<vmem>> -> memref<1x1xi32, #tpu.memory_space<vmem>>
          %dma_start3A_331 = tpu.memref_squeeze %dma_start3A_330 : memref<1x1xi32, #tpu.memory_space<vmem>> -> memref<1xi32, #tpu.memory_space<vmem>>
          %dma_start3A_332 = arith.constant 0 : i32
          %dma_start3A_333 = arith.constant 0 : i32
          %dma_start3A_334 = arith.constant 0 : i32
          %dma_start3A_335 = tpu.memref_slice %arg5[%dma_start3A_332, %dma_start3A_333, %dma_start3A_334] : memref<2048x64x256xf32, #tpu.memory_space<hbm>> -> memref<2048x64x256xf32, #tpu.memory_space<hbm>>
          tpu.enqueue_indirect_dma source(%arg17 : memref<1x64x256xf32, #tpu.memory_space<vmem>>) target(%dma_start3A_335 : memref<2048x64x256xf32, #tpu.memory_space<hbm>>) offsets(%dma_start3A_331 : memref<1xi32, #tpu.memory_space<vmem>>) semaphore(%arg24 : memref<!tpu.dma_semaphore, #tpu.memory_space<semaphore_mem>>)
        } else {
        }
        %jit3A_296 = arith.constant 1 : i32
        %jit3A_297 = arith.constant 0 : i32
        %select_n3A_298 = arith.select %lt3A_292, %jit3A_296, %jit3A_297 : i32
        %add3A_299 = arith.addi %while3A_286, %select_n3A_298 : i32
        %mul3A_300 = arith.constant 2 : i32
        %mul3A_301 = arith.muli %while3A_285, %mul3A_300 : i32
        %add3A_302 = arith.constant 1 : i32
        %add3A_303 = arith.addi %mul3A_301, %add3A_302 : i32
        %lt3A_304 = arith.cmpi slt, %add3A_303, %select_n3A_164 : i32
        %convert_element_type3A_305 = arith.extui %lt3A_304 : i1 to i32
        %cond3A_306 = arith.constant 0 : i32
        %cond3A_307 = arith.cmpi ne, %convert_element_type3A_305, %cond3A_306 : i32
        scf.if %cond3A_307 {
          %gt3A_312 = arith.constant 0 : i32
          %gt3A_313 = arith.cmpi sgt, %while3A_287, %gt3A_312 : i32
          %convert_element_type3A_314 = arith.extui %gt3A_313 : i1 to i32
          %cond3A_315 = arith.constant 0 : i32
          %cond3A_316 = arith.cmpi ne, %convert_element_type3A_314, %cond3A_315 : i32
          scf.if %cond3A_316 {
            %dma_wait3A = arith.constant 0 : i32
            %dma_wait3A_336 = arith.constant 0 : i32
            %dma_wait3A_337 = arith.constant 0 : i32
            %dma_wait3A_338 = tpu.memref_slice %arg5[%dma_wait3A, %dma_wait3A_336, %dma_wait3A_337] : memref<2048x64x256xf32, #tpu.memory_space<hbm>> -> memref<1x64x256xf32, #tpu.memory_space<hbm>>
            %dma_wait3A_339 = arith.constant 0 : i32
            %dma_wait3A_340 = arith.constant 0 : i32
            %dma_wait3A_341 = arith.constant 0 : i32
            %dma_wait3A_342 = tpu.memref_slice %arg5[%dma_wait3A_339, %dma_wait3A_340, %dma_wait3A_341] : memref<2048x64x256xf32, #tpu.memory_space<hbm>> -> memref<1x64x256xf32, #tpu.memory_space<hbm>>
            tpu.wait_dma2 semaphore(%arg25 : memref<!tpu.dma_semaphore, #tpu.memory_space<semaphore_mem>>) src(%arg18 : memref<1x64x256xf32, #tpu.memory_space<vmem>>) dst(%dma_wait3A_342 : memref<1x64x256xf32, #tpu.memory_space<hbm>>)
          } else {
          }
          %add3A_317 = vector.broadcast %add3A_303 : i32 to vector<16xi32>
          %add3A_318 = arith.addi %broadcast_in_dim3A_67, %add3A_317 : vector<16xi32>
          %gather3A = tpu.vector_load_idx %arg10[%add3A_318] : memref<512xi32, #tpu.memory_space<vmem>>[vector<16xi32>], vector<16xi32>,
          %gather3A_319 = tpu.vector_load_idx %arg7[%gather3A] : memref<512xf32, #tpu.memory_space<vmem>>[vector<16xi32>], vector<16xf32>,
          %mul3A_320 = arith.constant 512 : i32
          %mul3A_321 = arith.muli %add3A, %mul3A_320 : i32
          %add3A_322 = vector.broadcast %mul3A_321 : i32 to vector<16xi32>
          %add3A_323 = arith.addi %gather3A, %add3A_322 : vector<16xi32>
          %add3A_324 = arith.constant 1 : i32
          %add3A_325 = vector.broadcast %add3A_324 : i32 to vector<16xi32>
          %add3A_326 = arith.addi %broadcast_in_dim3A_67, %add3A_325 : vector<16xi32>
          tpu.vector_store_idx %arg14[%add3A_326, %broadcast_in_dim3A_67], %add3A_323 masked %eq3A_66 : memref<2x1xi32, #tpu.memory_space<vmem>>[vector<16xi32>, vector<16xi32>], vector<16xi32>, vector<16xi1>
          %parallel_loop3A = arith.constant 0 : i32
          %parallel_loop3A_327 = arith.constant 64 : i32
          %parallel_loop3A_328 = arith.constant 1 : i32
          scf.for %parallel_loop3A_336 = %parallel_loop3A to %parallel_loop3A_327 step %parallel_loop3A_328  : i32 {
            %parallel_loop3A_337 = arith.constant 0 : i32
            %parallel_loop3A_338 = arith.index_cast %parallel_loop3A_337 : i32 to index
            %parallel_loop3A_339 = arith.index_cast %parallel_loop3A_336 : i32 to index
            %parallel_loop3A_340 = arith.constant 0 : index
            %parallel_loop3A_341 = tpu.vector_load %arg15[%parallel_loop3A_338, %parallel_loop3A_339, %parallel_loop3A_340] {strides = array<i32>} : memref<1x64x256xf32, #tpu.memory_space<vmem>>, vector<16xf32>,
            %parallel_loop3A_342 = arith.mulf %parallel_loop3A_341, %gather3A_319 : vector<16xf32>
            %parallel_loop3A_343 = arith.constant 0 : i32
            %parallel_loop3A_344 = arith.index_cast %parallel_loop3A_343 : i32 to index
            %parallel_loop3A_345 = arith.index_cast %parallel_loop3A_336 : i32 to index
            %parallel_loop3A_346 = arith.constant 0 : index
            %parallel_loop3A_347 = tpu.vector_load %arg18[%parallel_loop3A_344, %parallel_loop3A_345, %parallel_loop3A_346] {strides = array<i32>} : memref<1x64x256xf32, #tpu.memory_space<vmem>>, vector<16xf32>,
            tpu.vector_store %arg18[%parallel_loop3A_344, %parallel_loop3A_345, %parallel_loop3A_346], %parallel_loop3A_342 {strides = array<i32>} : memref<1x64x256xf32, #tpu.memory_space<vmem>>, vector<16xf32>,
            %parallel_loop3A_348 = arith.constant 0 : i32
            %parallel_loop3A_349 = arith.index_cast %parallel_loop3A_348 : i32 to index
            %parallel_loop3A_350 = arith.index_cast %parallel_loop3A_336 : i32 to index
            %parallel_loop3A_351 = arith.constant 16 : index
            %parallel_loop3A_352 = tpu.vector_load %arg15[%parallel_loop3A_349, %parallel_loop3A_350, %parallel_loop3A_351] {strides = array<i32>} : memref<1x64x256xf32, #tpu.memory_space<vmem>>, vector<16xf32>,
            %parallel_loop3A_353 = arith.mulf %parallel_loop3A_352, %gather3A_319 : vector<16xf32>
            %parallel_loop3A_354 = arith.constant 0 : i32
            %parallel_loop3A_355 = arith.index_cast %parallel_loop3A_354 : i32 to index
            %parallel_loop3A_356 = arith.index_cast %parallel_loop3A_336 : i32 to index
            %parallel_loop3A_357 = arith.constant 16 : index
            %parallel_loop3A_358 = tpu.vector_load %arg18[%parallel_loop3A_355, %parallel_loop3A_356, %parallel_loop3A_357] {strides = array<i32>} : memref<1x64x256xf32, #tpu.memory_space<vmem>>, vector<16xf32>,
            tpu.vector_store %arg18[%parallel_loop3A_355, %parallel_loop3A_356, %parallel_loop3A_357], %parallel_loop3A_353 {strides = array<i32>} : memref<1x64x256xf32, #tpu.memory_space<vmem>>, vector<16xf32>,
            %parallel_loop3A_359 = arith.constant 0 : i32
            %parallel_loop3A_360 = arith.index_cast %parallel_loop3A_359 : i32 to index
            %parallel_loop3A_361 = arith.index_cast %parallel_loop3A_336 : i32 to index
            %parallel_loop3A_362 = arith.constant 32 : index
            %parallel_loop3A_363 = tpu.vector_load %arg15[%parallel_loop3A_360, %parallel_loop3A_361, %parallel_loop3A_362] {strides = array<i32>} : memref<1x64x256xf32, #tpu.memory_space<vmem>>, vector<16xf32>,
            %parallel_loop3A_364 = arith.mulf %parallel_loop3A_363, %gather3A_319 : vector<16xf32>
            %parallel_loop3A_365 = arith.constant 0 : i32
            %parallel_loop3A_366 = arith.index_cast %parallel_loop3A_365 : i32 to index
            %parallel_loop3A_367 = arith.index_cast %parallel_loop3A_336 : i32 to index
            %parallel_loop3A_368 = arith.constant 32 : index
            %parallel_loop3A_369 = tpu.vector_load %arg18[%parallel_loop3A_366, %parallel_loop3A_367, %parallel_loop3A_368] {strides = array<i32>} : memref<1x64x256xf32, #tpu.memory_space<vmem>>, vector<16xf32>,
            tpu.vector_store %arg18[%parallel_loop3A_366, %parallel_loop3A_367, %parallel_loop3A_368], %parallel_loop3A_364 {strides = array<i32>} : memref<1x64x256xf32, #tpu.memory_space<vmem>>, vector<16xf32>,
            %parallel_loop3A_370 = arith.constant 0 : i32
            %parallel_loop3A_371 = arith.index_cast %parallel_loop3A_370 : i32 to index
            %parallel_loop3A_372 = arith.index_cast %parallel_loop3A_336 : i32 to index
            %parallel_loop3A_373 = arith.constant 48 : index
            %parallel_loop3A_374 = tpu.vector_load %arg15[%parallel_loop3A_371, %parallel_loop3A_372, %parallel_loop3A_373] {strides = array<i32>} : memref<1x64x256xf32, #tpu.memory_space<vmem>>, vector<16xf32>,
            %parallel_loop3A_375 = arith.mulf %parallel_loop3A_374, %gather3A_319 : vector<16xf32>
            %parallel_loop3A_376 = arith.constant 0 : i32
            %parallel_loop3A_377 = arith.index_cast %parallel_loop3A_376 : i32 to index
            %parallel_loop3A_378 = arith.index_cast %parallel_loop3A_336 : i32 to index
            %parallel_loop3A_379 = arith.constant 48 : index
            %parallel_loop3A_380 = tpu.vector_load %arg18[%parallel_loop3A_377, %parallel_loop3A_378, %parallel_loop3A_379] {strides = array<i32>} : memref<1x64x256xf32, #tpu.memory_space<vmem>>, vector<16xf32>,
            tpu.vector_store %arg18[%parallel_loop3A_377, %parallel_loop3A_378, %parallel_loop3A_379], %parallel_loop3A_375 {strides = array<i32>} : memref<1x64x256xf32, #tpu.memory_space<vmem>>, vector<16xf32>,
            %parallel_loop3A_381 = arith.constant 0 : i32
            %parallel_loop3A_382 = arith.index_cast %parallel_loop3A_381 : i32 to index
            %parallel_loop3A_383 = arith.index_cast %parallel_loop3A_336 : i32 to index
            %parallel_loop3A_384 = arith.constant 64 : index
            %parallel_loop3A_385 = tpu.vector_load %arg15[%parallel_loop3A_382, %parallel_loop3A_383, %parallel_loop3A_384] {strides = array<i32>} : memref<1x64x256xf32, #tpu.memory_space<vmem>>, vector<16xf32>,
            %parallel_loop3A_386 = arith.mulf %parallel_loop3A_385, %gather3A_319 : vector<16xf32>
            %parallel_loop3A_387 = arith.constant 0 : i32
            %parallel_loop3A_388 = arith.index_cast %parallel_loop3A_387 : i32 to index
            %parallel_loop3A_389 = arith.index_cast %parallel_loop3A_336 : i32 to index
            %parallel_loop3A_390 = arith.constant 64 : index
            %parallel_loop3A_391 = tpu.vector_load %arg18[%parallel_loop3A_388, %parallel_loop3A_389, %parallel_loop3A_390] {strides = array<i32>} : memref<1x64x256xf32, #tpu.memory_space<vmem>>, vector<16xf32>,
            tpu.vector_store %arg18[%parallel_loop3A_388, %parallel_loop3A_389, %parallel_loop3A_390], %parallel_loop3A_386 {strides = array<i32>} : memref<1x64x256xf32, #tpu.memory_space<vmem>>, vector<16xf32>,
            %parallel_loop3A_392 = arith.constant 0 : i32
            %parallel_loop3A_393 = arith.index_cast %parallel_loop3A_392 : i32 to index
            %parallel_loop3A_394 = arith.index_cast %parallel_loop3A_336 : i32 to index
            %parallel_loop3A_395 = arith.constant 80 : index
            %parallel_loop3A_396 = tpu.vector_load %arg15[%parallel_loop3A_393, %parallel_loop3A_394, %parallel_loop3A_395] {strides = array<i32>} : memref<1x64x256xf32, #tpu.memory_space<vmem>>, vector<16xf32>,
            %parallel_loop3A_397 = arith.mulf %parallel_loop3A_396, %gather3A_319 : vector<16xf32>
            %parallel_loop3A_398 = arith.constant 0 : i32
            %parallel_loop3A_399 = arith.index_cast %parallel_loop3A_398 : i32 to index
            %parallel_loop3A_400 = arith.index_cast %parallel_loop3A_336 : i32 to index
            %parallel_loop3A_401 = arith.constant 80 : index
            %parallel_loop3A_402 = tpu.vector_load %arg18[%parallel_loop3A_399, %parallel_loop3A_400, %parallel_loop3A_401] {strides = array<i32>} : memref<1x64x256xf32, #tpu.memory_space<vmem>>, vector<16xf32>,
            tpu.vector_store %arg18[%parallel_loop3A_399, %parallel_loop3A_400, %parallel_loop3A_401], %parallel_loop3A_397 {strides = array<i32>} : memref<1x64x256xf32, #tpu.memory_space<vmem>>, vector<16xf32>,
            %parallel_loop3A_403 = arith.constant 0 : i32
            %parallel_loop3A_404 = arith.index_cast %parallel_loop3A_403 : i32 to index
            %parallel_loop3A_405 = arith.index_cast %parallel_loop3A_336 : i32 to index
            %parallel_loop3A_406 = arith.constant 96 : index
            %parallel_loop3A_407 = tpu.vector_load %arg15[%parallel_loop3A_404, %parallel_loop3A_405, %parallel_loop3A_406] {strides = array<i32>} : memref<1x64x256xf32, #tpu.memory_space<vmem>>, vector<16xf32>,
            %parallel_loop3A_408 = arith.mulf %parallel_loop3A_407, %gather3A_319 : vector<16xf32>
            %parallel_loop3A_409 = arith.constant 0 : i32
            %parallel_loop3A_410 = arith.index_cast %parallel_loop3A_409 : i32 to index
            %parallel_loop3A_411 = arith.index_cast %parallel_loop3A_336 : i32 to index
            %parallel_loop3A_412 = arith.constant 96 : index
            %parallel_loop3A_413 = tpu.vector_load %arg18[%parallel_loop3A_410, %parallel_loop3A_411, %parallel_loop3A_412] {strides = array<i32>} : memref<1x64x256xf32, #tpu.memory_space<vmem>>, vector<16xf32>,
            tpu.vector_store %arg18[%parallel_loop3A_410, %parallel_loop3A_411, %parallel_loop3A_412], %parallel_loop3A_408 {strides = array<i32>} : memref<1x64x256xf32, #tpu.memory_space<vmem>>, vector<16xf32>,
            %parallel_loop3A_414 = arith.constant 0 : i32
            %parallel_loop3A_415 = arith.index_cast %parallel_loop3A_414 : i32 to index
            %parallel_loop3A_416 = arith.index_cast %parallel_loop3A_336 : i32 to index
            %parallel_loop3A_417 = arith.constant 112 : index
            %parallel_loop3A_418 = tpu.vector_load %arg15[%parallel_loop3A_415, %parallel_loop3A_416, %parallel_loop3A_417] {strides = array<i32>} : memref<1x64x256xf32, #tpu.memory_space<vmem>>, vector<16xf32>,
            %parallel_loop3A_419 = arith.mulf %parallel_loop3A_418, %gather3A_319 : vector<16xf32>
            %parallel_loop3A_420 = arith.constant 0 : i32
            %parallel_loop3A_421 = arith.index_cast %parallel_loop3A_420 : i32 to index
            %parallel_loop3A_422 = arith.index_cast %parallel_loop3A_336 : i32 to index
            %parallel_loop3A_423 = arith.constant 112 : index
            %parallel_loop3A_424 = tpu.vector_load %arg18[%parallel_loop3A_421, %parallel_loop3A_422, %parallel_loop3A_423] {strides = array<i32>} : memref<1x64x256xf32, #tpu.memory_space<vmem>>, vector<16xf32>,
            tpu.vector_store %arg18[%parallel_loop3A_421, %parallel_loop3A_422, %parallel_loop3A_423], %parallel_loop3A_419 {strides = array<i32>} : memref<1x64x256xf32, #tpu.memory_space<vmem>>, vector<16xf32>,
            %parallel_loop3A_425 = arith.constant 0 : i32
            %parallel_loop3A_426 = arith.index_cast %parallel_loop3A_425 : i32 to index
            %parallel_loop3A_427 = arith.index_cast %parallel_loop3A_336 : i32 to index
            %parallel_loop3A_428 = arith.constant 128 : index
            %parallel_loop3A_429 = tpu.vector_load %arg15[%parallel_loop3A_426, %parallel_loop3A_427, %parallel_loop3A_428] {strides = array<i32>} : memref<1x64x256xf32, #tpu.memory_space<vmem>>, vector<16xf32>,
            %parallel_loop3A_430 = arith.mulf %parallel_loop3A_429, %gather3A_319 : vector<16xf32>
            %parallel_loop3A_431 = arith.constant 0 : i32
            %parallel_loop3A_432 = arith.index_cast %parallel_loop3A_431 : i32 to index
            %parallel_loop3A_433 = arith.index_cast %parallel_loop3A_336 : i32 to index
            %parallel_loop3A_434 = arith.constant 128 : index
            %parallel_loop3A_435 = tpu.vector_load %arg18[%parallel_loop3A_432, %parallel_loop3A_433, %parallel_loop3A_434] {strides = array<i32>} : memref<1x64x256xf32, #tpu.memory_space<vmem>>, vector<16xf32>,
            tpu.vector_store %arg18[%parallel_loop3A_432, %parallel_loop3A_433, %parallel_loop3A_434], %parallel_loop3A_430 {strides = array<i32>} : memref<1x64x256xf32, #tpu.memory_space<vmem>>, vector<16xf32>,
            %parallel_loop3A_436 = arith.constant 0 : i32
            %parallel_loop3A_437 = arith.index_cast %parallel_loop3A_436 : i32 to index
            %parallel_loop3A_438 = arith.index_cast %parallel_loop3A_336 : i32 to index
            %parallel_loop3A_439 = arith.constant 144 : index
            %parallel_loop3A_440 = tpu.vector_load %arg15[%parallel_loop3A_437, %parallel_loop3A_438, %parallel_loop3A_439] {strides = array<i32>} : memref<1x64x256xf32, #tpu.memory_space<vmem>>, vector<16xf32>,
            %parallel_loop3A_441 = arith.mulf %parallel_loop3A_440, %gather3A_319 : vector<16xf32>
            %parallel_loop3A_442 = arith.constant 0 : i32
            %parallel_loop3A_443 = arith.index_cast %parallel_loop3A_442 : i32 to index
            %parallel_loop3A_444 = arith.index_cast %parallel_loop3A_336 : i32 to index
            %parallel_loop3A_445 = arith.constant 144 : index
            %parallel_loop3A_446 = tpu.vector_load %arg18[%parallel_loop3A_443, %parallel_loop3A_444, %parallel_loop3A_445] {strides = array<i32>} : memref<1x64x256xf32, #tpu.memory_space<vmem>>, vector<16xf32>,
            tpu.vector_store %arg18[%parallel_loop3A_443, %parallel_loop3A_444, %parallel_loop3A_445], %parallel_loop3A_441 {strides = array<i32>} : memref<1x64x256xf32, #tpu.memory_space<vmem>>, vector<16xf32>,
            %parallel_loop3A_447 = arith.constant 0 : i32
            %parallel_loop3A_448 = arith.index_cast %parallel_loop3A_447 : i32 to index
            %parallel_loop3A_449 = arith.index_cast %parallel_loop3A_336 : i32 to index
            %parallel_loop3A_450 = arith.constant 160 : index
            %parallel_loop3A_451 = tpu.vector_load %arg15[%parallel_loop3A_448, %parallel_loop3A_449, %parallel_loop3A_450] {strides = array<i32>} : memref<1x64x256xf32, #tpu.memory_space<vmem>>, vector<16xf32>,
            %parallel_loop3A_452 = arith.mulf %parallel_loop3A_451, %gather3A_319 : vector<16xf32>
            %parallel_loop3A_453 = arith.constant 0 : i32
            %parallel_loop3A_454 = arith.index_cast %parallel_loop3A_453 : i32 to index
            %parallel_loop3A_455 = arith.index_cast %parallel_loop3A_336 : i32 to index
            %parallel_loop3A_456 = arith.constant 160 : index
            %parallel_loop3A_457 = tpu.vector_load %arg18[%parallel_loop3A_454, %parallel_loop3A_455, %parallel_loop3A_456] {strides = array<i32>} : memref<1x64x256xf32, #tpu.memory_space<vmem>>, vector<16xf32>,
            tpu.vector_store %arg18[%parallel_loop3A_454, %parallel_loop3A_455, %parallel_loop3A_456], %parallel_loop3A_452 {strides = array<i32>} : memref<1x64x256xf32, #tpu.memory_space<vmem>>, vector<16xf32>,
            %parallel_loop3A_458 = arith.constant 0 : i32
            %parallel_loop3A_459 = arith.index_cast %parallel_loop3A_458 : i32 to index
            %parallel_loop3A_460 = arith.index_cast %parallel_loop3A_336 : i32 to index
            %parallel_loop3A_461 = arith.constant 176 : index
            %parallel_loop3A_462 = tpu.vector_load %arg15[%parallel_loop3A_459, %parallel_loop3A_460, %parallel_loop3A_461] {strides = array<i32>} : memref<1x64x256xf32, #tpu.memory_space<vmem>>, vector<16xf32>,
            %parallel_loop3A_463 = arith.mulf %parallel_loop3A_462, %gather3A_319 : vector<16xf32>
            %parallel_loop3A_464 = arith.constant 0 : i32
            %parallel_loop3A_465 = arith.index_cast %parallel_loop3A_464 : i32 to index
            %parallel_loop3A_466 = arith.index_cast %parallel_loop3A_336 : i32 to index
            %parallel_loop3A_467 = arith.constant 176 : index
            %parallel_loop3A_468 = tpu.vector_load %arg18[%parallel_loop3A_465, %parallel_loop3A_466, %parallel_loop3A_467] {strides = array<i32>} : memref<1x64x256xf32, #tpu.memory_space<vmem>>, vector<16xf32>,
            tpu.vector_store %arg18[%parallel_loop3A_465, %parallel_loop3A_466, %parallel_loop3A_467], %parallel_loop3A_463 {strides = array<i32>} : memref<1x64x256xf32, #tpu.memory_space<vmem>>, vector<16xf32>,
            %parallel_loop3A_469 = arith.constant 0 : i32
            %parallel_loop3A_470 = arith.index_cast %parallel_loop3A_469 : i32 to index
            %parallel_loop3A_471 = arith.index_cast %parallel_loop3A_336 : i32 to index
            %parallel_loop3A_472 = arith.constant 192 : index
            %parallel_loop3A_473 = tpu.vector_load %arg15[%parallel_loop3A_470, %parallel_loop3A_471, %parallel_loop3A_472] {strides = array<i32>} : memref<1x64x256xf32, #tpu.memory_space<vmem>>, vector<16xf32>,
            %parallel_loop3A_474 = arith.mulf %parallel_loop3A_473, %gather3A_319 : vector<16xf32>
            %parallel_loop3A_475 = arith.constant 0 : i32
            %parallel_loop3A_476 = arith.index_cast %parallel_loop3A_475 : i32 to index
            %parallel_loop3A_477 = arith.index_cast %parallel_loop3A_336 : i32 to index
            %parallel_loop3A_478 = arith.constant 192 : index
            %parallel_loop3A_479 = tpu.vector_load %arg18[%parallel_loop3A_476, %parallel_loop3A_477, %parallel_loop3A_478] {strides = array<i32>} : memref<1x64x256xf32, #tpu.memory_space<vmem>>, vector<16xf32>,
            tpu.vector_store %arg18[%parallel_loop3A_476, %parallel_loop3A_477, %parallel_loop3A_478], %parallel_loop3A_474 {strides = array<i32>} : memref<1x64x256xf32, #tpu.memory_space<vmem>>, vector<16xf32>,
            %parallel_loop3A_480 = arith.constant 0 : i32
            %parallel_loop3A_481 = arith.index_cast %parallel_loop3A_480 : i32 to index
            %parallel_loop3A_482 = arith.index_cast %parallel_loop3A_336 : i32 to index
            %parallel_loop3A_483 = arith.constant 208 : index
            %parallel_loop3A_484 = tpu.vector_load %arg15[%parallel_loop3A_481, %parallel_loop3A_482, %parallel_loop3A_483] {strides = array<i32>} : memref<1x64x256xf32, #tpu.memory_space<vmem>>, vector<16xf32>,
            %parallel_loop3A_485 = arith.mulf %parallel_loop3A_484, %gather3A_319 : vector<16xf32>
            %parallel_loop3A_486 = arith.constant 0 : i32
            %parallel_loop3A_487 = arith.index_cast %parallel_loop3A_486 : i32 to index
            %parallel_loop3A_488 = arith.index_cast %parallel_loop3A_336 : i32 to index
            %parallel_loop3A_489 = arith.constant 208 : index
            %parallel_loop3A_490 = tpu.vector_load %arg18[%parallel_loop3A_487, %parallel_loop3A_488, %parallel_loop3A_489] {strides = array<i32>} : memref<1x64x256xf32, #tpu.memory_space<vmem>>, vector<16xf32>,
            tpu.vector_store %arg18[%parallel_loop3A_487, %parallel_loop3A_488, %parallel_loop3A_489], %parallel_loop3A_485 {strides = array<i32>} : memref<1x64x256xf32, #tpu.memory_space<vmem>>, vector<16xf32>,
            %parallel_loop3A_491 = arith.constant 0 : i32
            %parallel_loop3A_492 = arith.index_cast %parallel_loop3A_491 : i32 to index
            %parallel_loop3A_493 = arith.index_cast %parallel_loop3A_336 : i32 to index
            %parallel_loop3A_494 = arith.constant 224 : index
            %parallel_loop3A_495 = tpu.vector_load %arg15[%parallel_loop3A_492, %parallel_loop3A_493, %parallel_loop3A_494] {strides = array<i32>} : memref<1x64x256xf32, #tpu.memory_space<vmem>>, vector<16xf32>,
            %parallel_loop3A_496 = arith.mulf %parallel_loop3A_495, %gather3A_319 : vector<16xf32>
            %parallel_loop3A_497 = arith.constant 0 : i32
            %parallel_loop3A_498 = arith.index_cast %parallel_loop3A_497 : i32 to index
            %parallel_loop3A_499 = arith.index_cast %parallel_loop3A_336 : i32 to index
            %parallel_loop3A_500 = arith.constant 224 : index
            %parallel_loop3A_501 = tpu.vector_load %arg18[%parallel_loop3A_498, %parallel_loop3A_499, %parallel_loop3A_500] {strides = array<i32>} : memref<1x64x256xf32, #tpu.memory_space<vmem>>, vector<16xf32>,
            tpu.vector_store %arg18[%parallel_loop3A_498, %parallel_loop3A_499, %parallel_loop3A_500], %parallel_loop3A_496 {strides = array<i32>} : memref<1x64x256xf32, #tpu.memory_space<vmem>>, vector<16xf32>,
            %parallel_loop3A_502 = arith.constant 0 : i32
            %parallel_loop3A_503 = arith.index_cast %parallel_loop3A_502 : i32 to index
            %parallel_loop3A_504 = arith.index_cast %parallel_loop3A_336 : i32 to index
            %parallel_loop3A_505 = arith.constant 240 : index
            %parallel_loop3A_506 = tpu.vector_load %arg15[%parallel_loop3A_503, %parallel_loop3A_504, %parallel_loop3A_505] {strides = array<i32>} : memref<1x64x256xf32, #tpu.memory_space<vmem>>, vector<16xf32>,
            %parallel_loop3A_507 = arith.mulf %parallel_loop3A_506, %gather3A_319 : vector<16xf32>
            %parallel_loop3A_508 = arith.constant 0 : i32
            %parallel_loop3A_509 = arith.index_cast %parallel_loop3A_508 : i32 to index
            %parallel_loop3A_510 = arith.index_cast %parallel_loop3A_336 : i32 to index
            %parallel_loop3A_511 = arith.constant 240 : index
            %parallel_loop3A_512 = tpu.vector_load %arg18[%parallel_loop3A_509, %parallel_loop3A_510, %parallel_loop3A_511] {strides = array<i32>} : memref<1x64x256xf32, #tpu.memory_space<vmem>>, vector<16xf32>,
            tpu.vector_store %arg18[%parallel_loop3A_509, %parallel_loop3A_510, %parallel_loop3A_511], %parallel_loop3A_507 {strides = array<i32>} : memref<1x64x256xf32, #tpu.memory_space<vmem>>, vector<16xf32>,
          } {sc.loop_unroll_factor = 1 : i64, sc.parallel_access}
          %dma_start3A = arith.constant 1 : i32
          %dma_start3A_329 = arith.constant 0 : i32
          %dma_start3A_330 = tpu.memref_slice %arg14[%dma_start3A, %dma_start3A_329] : memref<2x1xi32, #tpu.memory_space<vmem>> -> memref<1x1xi32, #tpu.memory_space<vmem>>
          %dma_start3A_331 = tpu.memref_squeeze %dma_start3A_330 : memref<1x1xi32, #tpu.memory_space<vmem>> -> memref<1xi32, #tpu.memory_space<vmem>>
          %dma_start3A_332 = arith.constant 0 : i32
          %dma_start3A_333 = arith.constant 0 : i32
          %dma_start3A_334 = arith.constant 0 : i32
          %dma_start3A_335 = tpu.memref_slice %arg5[%dma_start3A_332, %dma_start3A_333, %dma_start3A_334] : memref<2048x64x256xf32, #tpu.memory_space<hbm>> -> memref<2048x64x256xf32, #tpu.memory_space<hbm>>
          tpu.enqueue_indirect_dma source(%arg18 : memref<1x64x256xf32, #tpu.memory_space<vmem>>) target(%dma_start3A_335 : memref<2048x64x256xf32, #tpu.memory_space<hbm>>) offsets(%dma_start3A_331 : memref<1xi32, #tpu.memory_space<vmem>>) semaphore(%arg25 : memref<!tpu.dma_semaphore, #tpu.memory_space<semaphore_mem>>)
        } else {
        }
        %jit3A_308 = arith.constant 1 : i32
        %jit3A_309 = arith.constant 0 : i32
        %select_n3A_310 = arith.select %lt3A_304, %jit3A_308, %jit3A_309 : i32
        %add3A_311 = arith.addi %while3A_287, %select_n3A_310 : i32
        scf.yield %add3A_299, %add3A_311 : i32, i32
      }
      %sc_fetch_and_add3A_202 = arith.constant 1 : i32
      %sc_fetch_and_add3A_203 = arith.constant 0 : i32
      %sc_fetch_and_add3A_204 = tpu.fetch_and_add_sync %arg21[%sc_fetch_and_add3A_203], %sc_fetch_and_add3A_202, %mul3A_42 : memref<1xi32, #tpu.memory_space<smem>>, i32 -> i32
      %lt3A_205 = arith.constant 64 : i32
      %lt3A_206 = arith.cmpi slt, %sc_fetch_and_add3A_204, %lt3A_205 : i32
      %convert_element_type3A_207 = arith.extui %lt3A_206 : i1 to i32
      %cond3A_208 = arith.constant 0 : i32
      %cond3A_209 = arith.cmpi ne, %convert_element_type3A_207, %cond3A_208 : i32
      scf.if %cond3A_209 {
        %mul3A_285 = arith.constant 64 : i32
        %mul3A_286 = arith.muli %add3A, %mul3A_285 : i32
        %add3A_287 = arith.addi %mul3A_286, %sc_fetch_and_add3A_204 : i32
        %dma_start3A = arith.constant 0 : i32
        %dma_start3A_288 = arith.constant 0 : i32
        %dma_start3A_289 = tpu.memref_slice %arg4[%add3A_287, %dma_start3A, %dma_start3A_288] : memref<256x64x256xf32, #tpu.memory_space<hbm>> -> memref<1x64x256xf32, #tpu.memory_space<hbm>>
        %dma_start3A_290 = arith.constant 0 : i32
        %dma_start3A_291 = arith.constant 0 : i32
        %dma_start3A_292 = tpu.memref_slice %arg4[%add3A_287, %dma_start3A_290, %dma_start3A_291] : memref<256x64x256xf32, #tpu.memory_space<hbm>> -> memref<1x64x256xf32, #tpu.memory_space<hbm>>
        tpu.enqueue_dma source(%dma_start3A_292 : memref<1x64x256xf32, #tpu.memory_space<hbm>>) target(%arg15 : memref<1x64x256xf32, #tpu.memory_space<vmem>>) target_semaphore(%arg22 : memref<!tpu.dma_semaphore, #tpu.memory_space<semaphore_mem>>)
      } else {
      }
      %min3A_210 = arith.constant 63 : i32
      %min3A_211 = arith.minsi %while3A_135, %min3A_210 : i32
      %div3A_212 = arith.constant 8 : i32
      %div3A_213 = arith.divsi %min3A_211, %div3A_212 : i32
      %add3A_214 = arith.addi %mul3A_42, %div3A_213 : i32
      %rem3A_215 = arith.constant 8 : i32
      %rem3A_216 = arith.remsi %min3A_211, %rem3A_215 : i32
      %mul3A_217 = arith.constant 16 : i32
      %mul3A_218 = arith.muli %rem3A_216, %mul3A_217 : i32
      "tpu.region"() ({
        %run_scoped3A = tpu.sem_alloc : memref<!tpu.dma_semaphore, #tpu.memory_space<semaphore_mem>>
        %dma_start3A = tpu.memref_slice %arg20[%add3A_214, %mul3A_218] : memref<16x128xi32, #tpu.memory_space<vmem_shared>> -> memref<1x16xi32, #tpu.memory_space<vmem_shared>>
        %dma_start3A_285 = tpu.memref_squeeze %dma_start3A : memref<1x16xi32, #tpu.memory_space<vmem_shared>> -> memref<16xi32, #tpu.memory_space<vmem_shared>>
        %dma_start3A_286 = tpu.memref_slice %arg20[%add3A_214, %mul3A_218] : memref<16x128xi32, #tpu.memory_space<vmem_shared>> -> memref<1x16xi32, #tpu.memory_space<vmem_shared>>
        %dma_start3A_287 = tpu.memref_squeeze %dma_start3A_286 : memref<1x16xi32, #tpu.memory_space<vmem_shared>> -> memref<16xi32, #tpu.memory_space<vmem_shared>>
        tpu.enqueue_dma source(%dma_start3A_287 : memref<16xi32, #tpu.memory_space<vmem_shared>>) target(%arg13 : memref<16xi32, #tpu.memory_space<vmem>>) target_semaphore(%run_scoped3A : memref<!tpu.dma_semaphore, #tpu.memory_space<semaphore_mem>>)
        %dma_wait3A = tpu.memref_slice %arg20[%add3A_214, %mul3A_218] : memref<16x128xi32, #tpu.memory_space<vmem_shared>> -> memref<1x16xi32, #tpu.memory_space<vmem_shared>>
        %dma_wait3A_288 = tpu.memref_squeeze %dma_wait3A : memref<1x16xi32, #tpu.memory_space<vmem_shared>> -> memref<16xi32, #tpu.memory_space<vmem_shared>>
        %dma_wait3A_289 = tpu.memref_slice %arg20[%add3A_214, %mul3A_218] : memref<16x128xi32, #tpu.memory_space<vmem_shared>> -> memref<1x16xi32, #tpu.memory_space<vmem_shared>>
        %dma_wait3A_290 = tpu.memref_squeeze %dma_wait3A_289 : memref<1x16xi32, #tpu.memory_space<vmem_shared>> -> memref<16xi32, #tpu.memory_space<vmem_shared>>
        tpu.wait_dma2 semaphore(%run_scoped3A : memref<!tpu.dma_semaphore, #tpu.memory_space<semaphore_mem>>) src(%dma_wait3A_290 : memref<16xi32, #tpu.memory_space<vmem_shared>>) dst(%arg13 : memref<16xi32, #tpu.memory_space<vmem>>)
        tpu.yield
      }) : () -> ()
      %mul3A_219 = arith.constant 512 : i32
      %mul3A_220 = arith.muli %rem3A_216, %mul3A_219 : i32
      "tpu.region"() ({
        %run_scoped3A = tpu.sem_alloc : memref<!tpu.dma_semaphore, #tpu.memory_space<semaphore_mem>>
        %dma_start3A = tpu.memref_slice %arg19[%add3A_214, %mul3A_220] : memref<16x4096xi32, #tpu.memory_space<vmem_shared>> -> memref<1x512xi32, #tpu.memory_space<vmem_shared>>
        %dma_start3A_285 = tpu.memref_squeeze %dma_start3A : memref<1x512xi32, #tpu.memory_space<vmem_shared>> -> memref<512xi32, #tpu.memory_space<vmem_shared>>
        %dma_start3A_286 = tpu.memref_slice %arg19[%add3A_214, %mul3A_220] : memref<16x4096xi32, #tpu.memory_space<vmem_shared>> -> memref<1x512xi32, #tpu.memory_space<vmem_shared>>
        %dma_start3A_287 = tpu.memref_squeeze %dma_start3A_286 : memref<1x512xi32, #tpu.memory_space<vmem_shared>> -> memref<512xi32, #tpu.memory_space<vmem_shared>>
        tpu.enqueue_dma source(%dma_start3A_287 : memref<512xi32, #tpu.memory_space<vmem_shared>>) target(%arg11 : memref<512xi32, #tpu.memory_space<vmem>>) target_semaphore(%run_scoped3A : memref<!tpu.dma_semaphore, #tpu.memory_space<semaphore_mem>>)
        %dma_wait3A = tpu.memref_slice %arg19[%add3A_214, %mul3A_220] : memref<16x4096xi32, #tpu.memory_space<vmem_shared>> -> memref<1x512xi32, #tpu.memory_space<vmem_shared>>
        %dma_wait3A_288 = tpu.memref_squeeze %dma_wait3A : memref<1x512xi32, #tpu.memory_space<vmem_shared>> -> memref<512xi32, #tpu.memory_space<vmem_shared>>
        %dma_wait3A_289 = tpu.memref_slice %arg19[%add3A_214, %mul3A_220] : memref<16x4096xi32, #tpu.memory_space<vmem_shared>> -> memref<1x512xi32, #tpu.memory_space<vmem_shared>>
        %dma_wait3A_290 = tpu.memref_squeeze %dma_wait3A_289 : memref<1x512xi32, #tpu.memory_space<vmem_shared>> -> memref<512xi32, #tpu.memory_space<vmem_shared>>
        tpu.wait_dma2 semaphore(%run_scoped3A : memref<!tpu.dma_semaphore, #tpu.memory_space<semaphore_mem>>) src(%dma_wait3A_290 : memref<512xi32, #tpu.memory_space<vmem_shared>>) dst(%arg11 : memref<512xi32, #tpu.memory_space<vmem>>)
        tpu.yield
      }) : () -> ()
      %lt3A_221 = arith.constant 64 : i32
      %lt3A_222 = arith.cmpi slt, %while3A_135, %lt3A_221 : i32
      %convert_element_type3A_223 = arith.extui %lt3A_222 : i1 to i32
      %cond3A_224 = arith.constant 0 : i32
      %cond3A_225 = arith.cmpi ne, %convert_element_type3A_223, %cond3A_224 : i32
      scf.if %cond3A_225 {
        %dma_wait3A = arith.constant 0 : i32
        %dma_wait3A_285 = arith.constant 0 : i32
        %dma_wait3A_286 = arith.constant 0 : i32
        %dma_wait3A_287 = tpu.memref_slice %arg4[%dma_wait3A, %dma_wait3A_285, %dma_wait3A_286] : memref<256x64x256xf32, #tpu.memory_space<hbm>> -> memref<1x64x256xf32, #tpu.memory_space<hbm>>
        %dma_wait3A_288 = arith.constant 0 : i32
        %dma_wait3A_289 = arith.constant 0 : i32
        %dma_wait3A_290 = arith.constant 0 : i32
        %dma_wait3A_291 = tpu.memref_slice %arg4[%dma_wait3A_288, %dma_wait3A_289, %dma_wait3A_290] : memref<256x64x256xf32, #tpu.memory_space<hbm>> -> memref<1x64x256xf32, #tpu.memory_space<hbm>>
        tpu.wait_dma2 semaphore(%arg23 : memref<!tpu.dma_semaphore, #tpu.memory_space<semaphore_mem>>) src(%dma_wait3A_291 : memref<1x64x256xf32, #tpu.memory_space<hbm>>) dst(%arg16 : memref<1x64x256xf32, #tpu.memory_space<vmem>>)
      } else {
      }
      %lt3A_226 = arith.constant 64 : i32
      %lt3A_227 = arith.cmpi slt, %while3A_135, %lt3A_226 : i32
      %get3A_228 = arith.constant 0 : index
      %get3A_229 = tpu.vector_load %arg13[%get3A_228] {strides = array<i32>} : memref<16xi32, #tpu.memory_space<vmem>>, vector<16xi32>,
      %reduce_max3A_230 = arith.constant true
      %reduce_max3A_231 = vector.broadcast %reduce_max3A_230 : i1 to vector<16xi1>
      %reduce_max3A_232 = arith.constant -2147483648 : i32
      %reduce_max3A_233 = vector.broadcast %reduce_max3A_232 : i32 to vector<16xi32>
      %reduce_max3A_234 = arith.xori %get3A_229, %reduce_max3A_233 : vector<16xi32>
      %reduce_max3A_235 = tpu.scan <max>, %reduce_max3A_234 masked %reduce_max3A_231 : vector<16xi32>, vector<16xi1> -> vector<16xi32>
      %reduce_max3A_236 = arith.xori %reduce_max3A_235, %reduce_max3A_233 : vector<16xi32>
      %reduce_max3A_237 = vector.extract %reduce_max3A_236[15] : i32 from vector<16xi32>
      %jit3A_238 = arith.constant 0 : i32
      %select_n3A_239 = arith.select %lt3A_227, %reduce_max3A_237, %jit3A_238 : i32
      %add3A_240 = arith.constant 1 : i32
      %add3A_241 = arith.addi %select_n3A_239, %add3A_240 : i32
      %jit3A_242 = arith.constant 2 : i32
      %div3A_243 = arith.divsi %add3A_241, %jit3A_242 : i32
      %sign3A_244 = arith.constant 0 : i32
      %sign3A_245 = arith.cmpi sgt, %add3A_241, %sign3A_244 : i32
      %sign3A_246 = arith.extui %sign3A_245 : i1 to i32
      %sign3A_247 = arith.constant 0 : i32
      %sign3A_248 = arith.cmpi slt, %add3A_241, %sign3A_247 : i32
      %sign3A_249 = arith.extui %sign3A_248 : i1 to i32
      %sign3A_250 = arith.subi %sign3A_246, %sign3A_249 : i32
      %sign3A_251 = arith.constant 0 : i32
      %sign3A_252 = arith.cmpi sgt, %jit3A_242, %sign3A_251 : i32
      %sign3A_253 = arith.extui %sign3A_252 : i1 to i32
      %sign3A_254 = arith.constant 0 : i32
      %sign3A_255 = arith.cmpi slt, %jit3A_242, %sign3A_254 : i32
      %sign3A_256 = arith.extui %sign3A_255 : i1 to i32
      %sign3A_257 = arith.subi %sign3A_253, %sign3A_256 : i32
      %ne3A_258 = arith.cmpi ne, %sign3A_250, %sign3A_257 : i32
      %rem3A_259 = arith.remsi %add3A_241, %jit3A_242 : i32
      %ne3A_260 = arith.constant 0 : i32
      %ne3A_261 = arith.cmpi ne, %rem3A_259, %ne3A_260 : i32
      %and3A_262 = arith.andi %ne3A_258, %ne3A_261 : i1
      %sub3A_263 = arith.constant 1 : i32
      %sub3A_264 = arith.subi %div3A_243, %sub3A_263 : i32
      %select_n3A_265 = arith.select %and3A_262, %sub3A_264, %div3A_243 : i32
      %while3A_266 = arith.constant 0 : i32
      %while3A_267 = arith.subi %select_n3A_265, %while3A_266 : i32
      %while3A_268 = arith.addi %while3A_266, %while3A_267 : i32
      %while3A_269 = arith.constant 1 : i32
      %while3A_270 = arith.divsi %while3A_267, %while3A_269 : i32
      %while3A_271 = arith.muli %while3A_270, %while3A_269 : i32
      %while3A_272 = arith.addi %while3A_266, %while3A_271 : i32
      %while3A_273 = arith.constant 1 : i32
      %while3A_274:2 = scf.for %while3A_285 = %while3A_266 to %while3A_272 step %while3A_273 iter_args(%while3A_286 = %while3A_201#0, %while3A_287 = %while3A_201#1) -> (i32, i32)  : i32 {
        %mul3A_288 = arith.constant 2 : i32
        %mul3A_289 = arith.muli %while3A_285, %mul3A_288 : i32
        %add3A_290 = arith.constant 0 : i32
        %add3A_291 = arith.addi %mul3A_289, %add3A_290 : i32
        %lt3A_292 = arith.cmpi slt, %add3A_291, %select_n3A_239 : i32
        %convert_element_type3A_293 = arith.extui %lt3A_292 : i1 to i32
        %cond3A_294 = arith.constant 0 : i32
        %cond3A_295 = arith.cmpi ne, %convert_element_type3A_293, %cond3A_294 : i32
        scf.if %cond3A_295 {
          %gt3A_312 = arith.constant 0 : i32
          %gt3A_313 = arith.cmpi sgt, %while3A_286, %gt3A_312 : i32
          %convert_element_type3A_314 = arith.extui %gt3A_313 : i1 to i32
          %cond3A_315 = arith.constant 0 : i32
          %cond3A_316 = arith.cmpi ne, %convert_element_type3A_314, %cond3A_315 : i32
          scf.if %cond3A_316 {
            %dma_wait3A = arith.constant 0 : i32
            %dma_wait3A_336 = arith.constant 0 : i32
            %dma_wait3A_337 = arith.constant 0 : i32
            %dma_wait3A_338 = tpu.memref_slice %arg5[%dma_wait3A, %dma_wait3A_336, %dma_wait3A_337] : memref<2048x64x256xf32, #tpu.memory_space<hbm>> -> memref<1x64x256xf32, #tpu.memory_space<hbm>>
            %dma_wait3A_339 = arith.constant 0 : i32
            %dma_wait3A_340 = arith.constant 0 : i32
            %dma_wait3A_341 = arith.constant 0 : i32
            %dma_wait3A_342 = tpu.memref_slice %arg5[%dma_wait3A_339, %dma_wait3A_340, %dma_wait3A_341] : memref<2048x64x256xf32, #tpu.memory_space<hbm>> -> memref<1x64x256xf32, #tpu.memory_space<hbm>>
            tpu.wait_dma2 semaphore(%arg24 : memref<!tpu.dma_semaphore, #tpu.memory_space<semaphore_mem>>) src(%arg17 : memref<1x64x256xf32, #tpu.memory_space<vmem>>) dst(%dma_wait3A_342 : memref<1x64x256xf32, #tpu.memory_space<hbm>>)
          } else {
          }
          %add3A_317 = vector.broadcast %add3A_291 : i32 to vector<16xi32>
          %add3A_318 = arith.addi %broadcast_in_dim3A_67, %add3A_317 : vector<16xi32>
          %gather3A = tpu.vector_load_idx %arg11[%add3A_318] : memref<512xi32, #tpu.memory_space<vmem>>[vector<16xi32>], vector<16xi32>,
          %gather3A_319 = tpu.vector_load_idx %arg7[%gather3A] : memref<512xf32, #tpu.memory_space<vmem>>[vector<16xi32>], vector<16xf32>,
          %mul3A_320 = arith.constant 512 : i32
          %mul3A_321 = arith.muli %add3A, %mul3A_320 : i32
          %add3A_322 = vector.broadcast %mul3A_321 : i32 to vector<16xi32>
          %add3A_323 = arith.addi %gather3A, %add3A_322 : vector<16xi32>
          %add3A_324 = arith.constant 0 : i32
          %add3A_325 = vector.broadcast %add3A_324 : i32 to vector<16xi32>
          %add3A_326 = arith.addi %broadcast_in_dim3A_67, %add3A_325 : vector<16xi32>
          tpu.vector_store_idx %arg14[%add3A_326, %broadcast_in_dim3A_67], %add3A_323 masked %eq3A_66 : memref<2x1xi32, #tpu.memory_space<vmem>>[vector<16xi32>, vector<16xi32>], vector<16xi32>, vector<16xi1>
          %parallel_loop3A = arith.constant 0 : i32
          %parallel_loop3A_327 = arith.constant 64 : i32
          %parallel_loop3A_328 = arith.constant 1 : i32
          scf.for %parallel_loop3A_336 = %parallel_loop3A to %parallel_loop3A_327 step %parallel_loop3A_328  : i32 {
            %parallel_loop3A_337 = arith.constant 0 : i32
            %parallel_loop3A_338 = arith.index_cast %parallel_loop3A_337 : i32 to index
            %parallel_loop3A_339 = arith.index_cast %parallel_loop3A_336 : i32 to index
            %parallel_loop3A_340 = arith.constant 0 : index
            %parallel_loop3A_341 = tpu.vector_load %arg16[%parallel_loop3A_338, %parallel_loop3A_339, %parallel_loop3A_340] {strides = array<i32>} : memref<1x64x256xf32, #tpu.memory_space<vmem>>, vector<16xf32>,
            %parallel_loop3A_342 = arith.mulf %parallel_loop3A_341, %gather3A_319 : vector<16xf32>
            %parallel_loop3A_343 = arith.constant 0 : i32
            %parallel_loop3A_344 = arith.index_cast %parallel_loop3A_343 : i32 to index
            %parallel_loop3A_345 = arith.index_cast %parallel_loop3A_336 : i32 to index
            %parallel_loop3A_346 = arith.constant 0 : index
            %parallel_loop3A_347 = tpu.vector_load %arg17[%parallel_loop3A_344, %parallel_loop3A_345, %parallel_loop3A_346] {strides = array<i32>} : memref<1x64x256xf32, #tpu.memory_space<vmem>>, vector<16xf32>,
            tpu.vector_store %arg17[%parallel_loop3A_344, %parallel_loop3A_345, %parallel_loop3A_346], %parallel_loop3A_342 {strides = array<i32>} : memref<1x64x256xf32, #tpu.memory_space<vmem>>, vector<16xf32>,
            %parallel_loop3A_348 = arith.constant 0 : i32
            %parallel_loop3A_349 = arith.index_cast %parallel_loop3A_348 : i32 to index
            %parallel_loop3A_350 = arith.index_cast %parallel_loop3A_336 : i32 to index
            %parallel_loop3A_351 = arith.constant 16 : index
            %parallel_loop3A_352 = tpu.vector_load %arg16[%parallel_loop3A_349, %parallel_loop3A_350, %parallel_loop3A_351] {strides = array<i32>} : memref<1x64x256xf32, #tpu.memory_space<vmem>>, vector<16xf32>,
            %parallel_loop3A_353 = arith.mulf %parallel_loop3A_352, %gather3A_319 : vector<16xf32>
            %parallel_loop3A_354 = arith.constant 0 : i32
            %parallel_loop3A_355 = arith.index_cast %parallel_loop3A_354 : i32 to index
            %parallel_loop3A_356 = arith.index_cast %parallel_loop3A_336 : i32 to index
            %parallel_loop3A_357 = arith.constant 16 : index
            %parallel_loop3A_358 = tpu.vector_load %arg17[%parallel_loop3A_355, %parallel_loop3A_356, %parallel_loop3A_357] {strides = array<i32>} : memref<1x64x256xf32, #tpu.memory_space<vmem>>, vector<16xf32>,
            tpu.vector_store %arg17[%parallel_loop3A_355, %parallel_loop3A_356, %parallel_loop3A_357], %parallel_loop3A_353 {strides = array<i32>} : memref<1x64x256xf32, #tpu.memory_space<vmem>>, vector<16xf32>,
            %parallel_loop3A_359 = arith.constant 0 : i32
            %parallel_loop3A_360 = arith.index_cast %parallel_loop3A_359 : i32 to index
            %parallel_loop3A_361 = arith.index_cast %parallel_loop3A_336 : i32 to index
            %parallel_loop3A_362 = arith.constant 32 : index
            %parallel_loop3A_363 = tpu.vector_load %arg16[%parallel_loop3A_360, %parallel_loop3A_361, %parallel_loop3A_362] {strides = array<i32>} : memref<1x64x256xf32, #tpu.memory_space<vmem>>, vector<16xf32>,
            %parallel_loop3A_364 = arith.mulf %parallel_loop3A_363, %gather3A_319 : vector<16xf32>
            %parallel_loop3A_365 = arith.constant 0 : i32
            %parallel_loop3A_366 = arith.index_cast %parallel_loop3A_365 : i32 to index
            %parallel_loop3A_367 = arith.index_cast %parallel_loop3A_336 : i32 to index
            %parallel_loop3A_368 = arith.constant 32 : index
            %parallel_loop3A_369 = tpu.vector_load %arg17[%parallel_loop3A_366, %parallel_loop3A_367, %parallel_loop3A_368] {strides = array<i32>} : memref<1x64x256xf32, #tpu.memory_space<vmem>>, vector<16xf32>,
            tpu.vector_store %arg17[%parallel_loop3A_366, %parallel_loop3A_367, %parallel_loop3A_368], %parallel_loop3A_364 {strides = array<i32>} : memref<1x64x256xf32, #tpu.memory_space<vmem>>, vector<16xf32>,
            %parallel_loop3A_370 = arith.constant 0 : i32
            %parallel_loop3A_371 = arith.index_cast %parallel_loop3A_370 : i32 to index
            %parallel_loop3A_372 = arith.index_cast %parallel_loop3A_336 : i32 to index
            %parallel_loop3A_373 = arith.constant 48 : index
            %parallel_loop3A_374 = tpu.vector_load %arg16[%parallel_loop3A_371, %parallel_loop3A_372, %parallel_loop3A_373] {strides = array<i32>} : memref<1x64x256xf32, #tpu.memory_space<vmem>>, vector<16xf32>,
            %parallel_loop3A_375 = arith.mulf %parallel_loop3A_374, %gather3A_319 : vector<16xf32>
            %parallel_loop3A_376 = arith.constant 0 : i32
            %parallel_loop3A_377 = arith.index_cast %parallel_loop3A_376 : i32 to index
            %parallel_loop3A_378 = arith.index_cast %parallel_loop3A_336 : i32 to index
            %parallel_loop3A_379 = arith.constant 48 : index
            %parallel_loop3A_380 = tpu.vector_load %arg17[%parallel_loop3A_377, %parallel_loop3A_378, %parallel_loop3A_379] {strides = array<i32>} : memref<1x64x256xf32, #tpu.memory_space<vmem>>, vector<16xf32>,
            tpu.vector_store %arg17[%parallel_loop3A_377, %parallel_loop3A_378, %parallel_loop3A_379], %parallel_loop3A_375 {strides = array<i32>} : memref<1x64x256xf32, #tpu.memory_space<vmem>>, vector<16xf32>,
            %parallel_loop3A_381 = arith.constant 0 : i32
            %parallel_loop3A_382 = arith.index_cast %parallel_loop3A_381 : i32 to index
            %parallel_loop3A_383 = arith.index_cast %parallel_loop3A_336 : i32 to index
            %parallel_loop3A_384 = arith.constant 64 : index
            %parallel_loop3A_385 = tpu.vector_load %arg16[%parallel_loop3A_382, %parallel_loop3A_383, %parallel_loop3A_384] {strides = array<i32>} : memref<1x64x256xf32, #tpu.memory_space<vmem>>, vector<16xf32>,
            %parallel_loop3A_386 = arith.mulf %parallel_loop3A_385, %gather3A_319 : vector<16xf32>
            %parallel_loop3A_387 = arith.constant 0 : i32
            %parallel_loop3A_388 = arith.index_cast %parallel_loop3A_387 : i32 to index
            %parallel_loop3A_389 = arith.index_cast %parallel_loop3A_336 : i32 to index
            %parallel_loop3A_390 = arith.constant 64 : index
            %parallel_loop3A_391 = tpu.vector_load %arg17[%parallel_loop3A_388, %parallel_loop3A_389, %parallel_loop3A_390] {strides = array<i32>} : memref<1x64x256xf32, #tpu.memory_space<vmem>>, vector<16xf32>,
            tpu.vector_store %arg17[%parallel_loop3A_388, %parallel_loop3A_389, %parallel_loop3A_390], %parallel_loop3A_386 {strides = array<i32>} : memref<1x64x256xf32, #tpu.memory_space<vmem>>, vector<16xf32>,
            %parallel_loop3A_392 = arith.constant 0 : i32
            %parallel_loop3A_393 = arith.index_cast %parallel_loop3A_392 : i32 to index
            %parallel_loop3A_394 = arith.index_cast %parallel_loop3A_336 : i32 to index
            %parallel_loop3A_395 = arith.constant 80 : index
            %parallel_loop3A_396 = tpu.vector_load %arg16[%parallel_loop3A_393, %parallel_loop3A_394, %parallel_loop3A_395] {strides = array<i32>} : memref<1x64x256xf32, #tpu.memory_space<vmem>>, vector<16xf32>,
            %parallel_loop3A_397 = arith.mulf %parallel_loop3A_396, %gather3A_319 : vector<16xf32>
            %parallel_loop3A_398 = arith.constant 0 : i32
            %parallel_loop3A_399 = arith.index_cast %parallel_loop3A_398 : i32 to index
            %parallel_loop3A_400 = arith.index_cast %parallel_loop3A_336 : i32 to index
            %parallel_loop3A_401 = arith.constant 80 : index
            %parallel_loop3A_402 = tpu.vector_load %arg17[%parallel_loop3A_399, %parallel_loop3A_400, %parallel_loop3A_401] {strides = array<i32>} : memref<1x64x256xf32, #tpu.memory_space<vmem>>, vector<16xf32>,
            tpu.vector_store %arg17[%parallel_loop3A_399, %parallel_loop3A_400, %parallel_loop3A_401], %parallel_loop3A_397 {strides = array<i32>} : memref<1x64x256xf32, #tpu.memory_space<vmem>>, vector<16xf32>,
            %parallel_loop3A_403 = arith.constant 0 : i32
            %parallel_loop3A_404 = arith.index_cast %parallel_loop3A_403 : i32 to index
            %parallel_loop3A_405 = arith.index_cast %parallel_loop3A_336 : i32 to index
            %parallel_loop3A_406 = arith.constant 96 : index
            %parallel_loop3A_407 = tpu.vector_load %arg16[%parallel_loop3A_404, %parallel_loop3A_405, %parallel_loop3A_406] {strides = array<i32>} : memref<1x64x256xf32, #tpu.memory_space<vmem>>, vector<16xf32>,
            %parallel_loop3A_408 = arith.mulf %parallel_loop3A_407, %gather3A_319 : vector<16xf32>
            %parallel_loop3A_409 = arith.constant 0 : i32
            %parallel_loop3A_410 = arith.index_cast %parallel_loop3A_409 : i32 to index
            %parallel_loop3A_411 = arith.index_cast %parallel_loop3A_336 : i32 to index
            %parallel_loop3A_412 = arith.constant 96 : index
            %parallel_loop3A_413 = tpu.vector_load %arg17[%parallel_loop3A_410, %parallel_loop3A_411, %parallel_loop3A_412] {strides = array<i32>} : memref<1x64x256xf32, #tpu.memory_space<vmem>>, vector<16xf32>,
            tpu.vector_store %arg17[%parallel_loop3A_410, %parallel_loop3A_411, %parallel_loop3A_412], %parallel_loop3A_408 {strides = array<i32>} : memref<1x64x256xf32, #tpu.memory_space<vmem>>, vector<16xf32>,
            %parallel_loop3A_414 = arith.constant 0 : i32
            %parallel_loop3A_415 = arith.index_cast %parallel_loop3A_414 : i32 to index
            %parallel_loop3A_416 = arith.index_cast %parallel_loop3A_336 : i32 to index
            %parallel_loop3A_417 = arith.constant 112 : index
            %parallel_loop3A_418 = tpu.vector_load %arg16[%parallel_loop3A_415, %parallel_loop3A_416, %parallel_loop3A_417] {strides = array<i32>} : memref<1x64x256xf32, #tpu.memory_space<vmem>>, vector<16xf32>,
            %parallel_loop3A_419 = arith.mulf %parallel_loop3A_418, %gather3A_319 : vector<16xf32>
            %parallel_loop3A_420 = arith.constant 0 : i32
            %parallel_loop3A_421 = arith.index_cast %parallel_loop3A_420 : i32 to index
            %parallel_loop3A_422 = arith.index_cast %parallel_loop3A_336 : i32 to index
            %parallel_loop3A_423 = arith.constant 112 : index
            %parallel_loop3A_424 = tpu.vector_load %arg17[%parallel_loop3A_421, %parallel_loop3A_422, %parallel_loop3A_423] {strides = array<i32>} : memref<1x64x256xf32, #tpu.memory_space<vmem>>, vector<16xf32>,
            tpu.vector_store %arg17[%parallel_loop3A_421, %parallel_loop3A_422, %parallel_loop3A_423], %parallel_loop3A_419 {strides = array<i32>} : memref<1x64x256xf32, #tpu.memory_space<vmem>>, vector<16xf32>,
            %parallel_loop3A_425 = arith.constant 0 : i32
            %parallel_loop3A_426 = arith.index_cast %parallel_loop3A_425 : i32 to index
            %parallel_loop3A_427 = arith.index_cast %parallel_loop3A_336 : i32 to index
            %parallel_loop3A_428 = arith.constant 128 : index
            %parallel_loop3A_429 = tpu.vector_load %arg16[%parallel_loop3A_426, %parallel_loop3A_427, %parallel_loop3A_428] {strides = array<i32>} : memref<1x64x256xf32, #tpu.memory_space<vmem>>, vector<16xf32>,
            %parallel_loop3A_430 = arith.mulf %parallel_loop3A_429, %gather3A_319 : vector<16xf32>
            %parallel_loop3A_431 = arith.constant 0 : i32
            %parallel_loop3A_432 = arith.index_cast %parallel_loop3A_431 : i32 to index
            %parallel_loop3A_433 = arith.index_cast %parallel_loop3A_336 : i32 to index
            %parallel_loop3A_434 = arith.constant 128 : index
            %parallel_loop3A_435 = tpu.vector_load %arg17[%parallel_loop3A_432, %parallel_loop3A_433, %parallel_loop3A_434] {strides = array<i32>} : memref<1x64x256xf32, #tpu.memory_space<vmem>>, vector<16xf32>,
            tpu.vector_store %arg17[%parallel_loop3A_432, %parallel_loop3A_433, %parallel_loop3A_434], %parallel_loop3A_430 {strides = array<i32>} : memref<1x64x256xf32, #tpu.memory_space<vmem>>, vector<16xf32>,
            %parallel_loop3A_436 = arith.constant 0 : i32
            %parallel_loop3A_437 = arith.index_cast %parallel_loop3A_436 : i32 to index
            %parallel_loop3A_438 = arith.index_cast %parallel_loop3A_336 : i32 to index
            %parallel_loop3A_439 = arith.constant 144 : index
            %parallel_loop3A_440 = tpu.vector_load %arg16[%parallel_loop3A_437, %parallel_loop3A_438, %parallel_loop3A_439] {strides = array<i32>} : memref<1x64x256xf32, #tpu.memory_space<vmem>>, vector<16xf32>,
            %parallel_loop3A_441 = arith.mulf %parallel_loop3A_440, %gather3A_319 : vector<16xf32>
            %parallel_loop3A_442 = arith.constant 0 : i32
            %parallel_loop3A_443 = arith.index_cast %parallel_loop3A_442 : i32 to index
            %parallel_loop3A_444 = arith.index_cast %parallel_loop3A_336 : i32 to index
            %parallel_loop3A_445 = arith.constant 144 : index
            %parallel_loop3A_446 = tpu.vector_load %arg17[%parallel_loop3A_443, %parallel_loop3A_444, %parallel_loop3A_445] {strides = array<i32>} : memref<1x64x256xf32, #tpu.memory_space<vmem>>, vector<16xf32>,
            tpu.vector_store %arg17[%parallel_loop3A_443, %parallel_loop3A_444, %parallel_loop3A_445], %parallel_loop3A_441 {strides = array<i32>} : memref<1x64x256xf32, #tpu.memory_space<vmem>>, vector<16xf32>,
            %parallel_loop3A_447 = arith.constant 0 : i32
            %parallel_loop3A_448 = arith.index_cast %parallel_loop3A_447 : i32 to index
            %parallel_loop3A_449 = arith.index_cast %parallel_loop3A_336 : i32 to index
            %parallel_loop3A_450 = arith.constant 160 : index
            %parallel_loop3A_451 = tpu.vector_load %arg16[%parallel_loop3A_448, %parallel_loop3A_449, %parallel_loop3A_450] {strides = array<i32>} : memref<1x64x256xf32, #tpu.memory_space<vmem>>, vector<16xf32>,
            %parallel_loop3A_452 = arith.mulf %parallel_loop3A_451, %gather3A_319 : vector<16xf32>
            %parallel_loop3A_453 = arith.constant 0 : i32
            %parallel_loop3A_454 = arith.index_cast %parallel_loop3A_453 : i32 to index
            %parallel_loop3A_455 = arith.index_cast %parallel_loop3A_336 : i32 to index
            %parallel_loop3A_456 = arith.constant 160 : index
            %parallel_loop3A_457 = tpu.vector_load %arg17[%parallel_loop3A_454, %parallel_loop3A_455, %parallel_loop3A_456] {strides = array<i32>} : memref<1x64x256xf32, #tpu.memory_space<vmem>>, vector<16xf32>,
            tpu.vector_store %arg17[%parallel_loop3A_454, %parallel_loop3A_455, %parallel_loop3A_456], %parallel_loop3A_452 {strides = array<i32>} : memref<1x64x256xf32, #tpu.memory_space<vmem>>, vector<16xf32>,
            %parallel_loop3A_458 = arith.constant 0 : i32
            %parallel_loop3A_459 = arith.index_cast %parallel_loop3A_458 : i32 to index
            %parallel_loop3A_460 = arith.index_cast %parallel_loop3A_336 : i32 to index
            %parallel_loop3A_461 = arith.constant 176 : index
            %parallel_loop3A_462 = tpu.vector_load %arg16[%parallel_loop3A_459, %parallel_loop3A_460, %parallel_loop3A_461] {strides = array<i32>} : memref<1x64x256xf32, #tpu.memory_space<vmem>>, vector<16xf32>,
            %parallel_loop3A_463 = arith.mulf %parallel_loop3A_462, %gather3A_319 : vector<16xf32>
            %parallel_loop3A_464 = arith.constant 0 : i32
            %parallel_loop3A_465 = arith.index_cast %parallel_loop3A_464 : i32 to index
            %parallel_loop3A_466 = arith.index_cast %parallel_loop3A_336 : i32 to index
            %parallel_loop3A_467 = arith.constant 176 : index
            %parallel_loop3A_468 = tpu.vector_load %arg17[%parallel_loop3A_465, %parallel_loop3A_466, %parallel_loop3A_467] {strides = array<i32>} : memref<1x64x256xf32, #tpu.memory_space<vmem>>, vector<16xf32>,
            tpu.vector_store %arg17[%parallel_loop3A_465, %parallel_loop3A_466, %parallel_loop3A_467], %parallel_loop3A_463 {strides = array<i32>} : memref<1x64x256xf32, #tpu.memory_space<vmem>>, vector<16xf32>,
            %parallel_loop3A_469 = arith.constant 0 : i32
            %parallel_loop3A_470 = arith.index_cast %parallel_loop3A_469 : i32 to index
            %parallel_loop3A_471 = arith.index_cast %parallel_loop3A_336 : i32 to index
            %parallel_loop3A_472 = arith.constant 192 : index
            %parallel_loop3A_473 = tpu.vector_load %arg16[%parallel_loop3A_470, %parallel_loop3A_471, %parallel_loop3A_472] {strides = array<i32>} : memref<1x64x256xf32, #tpu.memory_space<vmem>>, vector<16xf32>,
            %parallel_loop3A_474 = arith.mulf %parallel_loop3A_473, %gather3A_319 : vector<16xf32>
            %parallel_loop3A_475 = arith.constant 0 : i32
            %parallel_loop3A_476 = arith.index_cast %parallel_loop3A_475 : i32 to index
            %parallel_loop3A_477 = arith.index_cast %parallel_loop3A_336 : i32 to index
            %parallel_loop3A_478 = arith.constant 192 : index
            %parallel_loop3A_479 = tpu.vector_load %arg17[%parallel_loop3A_476, %parallel_loop3A_477, %parallel_loop3A_478] {strides = array<i32>} : memref<1x64x256xf32, #tpu.memory_space<vmem>>, vector<16xf32>,
            tpu.vector_store %arg17[%parallel_loop3A_476, %parallel_loop3A_477, %parallel_loop3A_478], %parallel_loop3A_474 {strides = array<i32>} : memref<1x64x256xf32, #tpu.memory_space<vmem>>, vector<16xf32>,
            %parallel_loop3A_480 = arith.constant 0 : i32
            %parallel_loop3A_481 = arith.index_cast %parallel_loop3A_480 : i32 to index
            %parallel_loop3A_482 = arith.index_cast %parallel_loop3A_336 : i32 to index
            %parallel_loop3A_483 = arith.constant 208 : index
            %parallel_loop3A_484 = tpu.vector_load %arg16[%parallel_loop3A_481, %parallel_loop3A_482, %parallel_loop3A_483] {strides = array<i32>} : memref<1x64x256xf32, #tpu.memory_space<vmem>>, vector<16xf32>,
            %parallel_loop3A_485 = arith.mulf %parallel_loop3A_484, %gather3A_319 : vector<16xf32>
            %parallel_loop3A_486 = arith.constant 0 : i32
            %parallel_loop3A_487 = arith.index_cast %parallel_loop3A_486 : i32 to index
            %parallel_loop3A_488 = arith.index_cast %parallel_loop3A_336 : i32 to index
            %parallel_loop3A_489 = arith.constant 208 : index
            %parallel_loop3A_490 = tpu.vector_load %arg17[%parallel_loop3A_487, %parallel_loop3A_488, %parallel_loop3A_489] {strides = array<i32>} : memref<1x64x256xf32, #tpu.memory_space<vmem>>, vector<16xf32>,
            tpu.vector_store %arg17[%parallel_loop3A_487, %parallel_loop3A_488, %parallel_loop3A_489], %parallel_loop3A_485 {strides = array<i32>} : memref<1x64x256xf32, #tpu.memory_space<vmem>>, vector<16xf32>,
            %parallel_loop3A_491 = arith.constant 0 : i32
            %parallel_loop3A_492 = arith.index_cast %parallel_loop3A_491 : i32 to index
            %parallel_loop3A_493 = arith.index_cast %parallel_loop3A_336 : i32 to index
            %parallel_loop3A_494 = arith.constant 224 : index
            %parallel_loop3A_495 = tpu.vector_load %arg16[%parallel_loop3A_492, %parallel_loop3A_493, %parallel_loop3A_494] {strides = array<i32>} : memref<1x64x256xf32, #tpu.memory_space<vmem>>, vector<16xf32>,
            %parallel_loop3A_496 = arith.mulf %parallel_loop3A_495, %gather3A_319 : vector<16xf32>
            %parallel_loop3A_497 = arith.constant 0 : i32
            %parallel_loop3A_498 = arith.index_cast %parallel_loop3A_497 : i32 to index
            %parallel_loop3A_499 = arith.index_cast %parallel_loop3A_336 : i32 to index
            %parallel_loop3A_500 = arith.constant 224 : index
            %parallel_loop3A_501 = tpu.vector_load %arg17[%parallel_loop3A_498, %parallel_loop3A_499, %parallel_loop3A_500] {strides = array<i32>} : memref<1x64x256xf32, #tpu.memory_space<vmem>>, vector<16xf32>,
            tpu.vector_store %arg17[%parallel_loop3A_498, %parallel_loop3A_499, %parallel_loop3A_500], %parallel_loop3A_496 {strides = array<i32>} : memref<1x64x256xf32, #tpu.memory_space<vmem>>, vector<16xf32>,
            %parallel_loop3A_502 = arith.constant 0 : i32
            %parallel_loop3A_503 = arith.index_cast %parallel_loop3A_502 : i32 to index
            %parallel_loop3A_504 = arith.index_cast %parallel_loop3A_336 : i32 to index
            %parallel_loop3A_505 = arith.constant 240 : index
            %parallel_loop3A_506 = tpu.vector_load %arg16[%parallel_loop3A_503, %parallel_loop3A_504, %parallel_loop3A_505] {strides = array<i32>} : memref<1x64x256xf32, #tpu.memory_space<vmem>>, vector<16xf32>,
            %parallel_loop3A_507 = arith.mulf %parallel_loop3A_506, %gather3A_319 : vector<16xf32>
            %parallel_loop3A_508 = arith.constant 0 : i32
            %parallel_loop3A_509 = arith.index_cast %parallel_loop3A_508 : i32 to index
            %parallel_loop3A_510 = arith.index_cast %parallel_loop3A_336 : i32 to index
            %parallel_loop3A_511 = arith.constant 240 : index
            %parallel_loop3A_512 = tpu.vector_load %arg17[%parallel_loop3A_509, %parallel_loop3A_510, %parallel_loop3A_511] {strides = array<i32>} : memref<1x64x256xf32, #tpu.memory_space<vmem>>, vector<16xf32>,
            tpu.vector_store %arg17[%parallel_loop3A_509, %parallel_loop3A_510, %parallel_loop3A_511], %parallel_loop3A_507 {strides = array<i32>} : memref<1x64x256xf32, #tpu.memory_space<vmem>>, vector<16xf32>,
          } {sc.loop_unroll_factor = 1 : i64, sc.parallel_access}
          %dma_start3A = arith.constant 0 : i32
          %dma_start3A_329 = arith.constant 0 : i32
          %dma_start3A_330 = tpu.memref_slice %arg14[%dma_start3A, %dma_start3A_329] : memref<2x1xi32, #tpu.memory_space<vmem>> -> memref<1x1xi32, #tpu.memory_space<vmem>>
          %dma_start3A_331 = tpu.memref_squeeze %dma_start3A_330 : memref<1x1xi32, #tpu.memory_space<vmem>> -> memref<1xi32, #tpu.memory_space<vmem>>
          %dma_start3A_332 = arith.constant 0 : i32
          %dma_start3A_333 = arith.constant 0 : i32
          %dma_start3A_334 = arith.constant 0 : i32
          %dma_start3A_335 = tpu.memref_slice %arg5[%dma_start3A_332, %dma_start3A_333, %dma_start3A_334] : memref<2048x64x256xf32, #tpu.memory_space<hbm>> -> memref<2048x64x256xf32, #tpu.memory_space<hbm>>
          tpu.enqueue_indirect_dma source(%arg17 : memref<1x64x256xf32, #tpu.memory_space<vmem>>) target(%dma_start3A_335 : memref<2048x64x256xf32, #tpu.memory_space<hbm>>) offsets(%dma_start3A_331 : memref<1xi32, #tpu.memory_space<vmem>>) semaphore(%arg24 : memref<!tpu.dma_semaphore, #tpu.memory_space<semaphore_mem>>)
        } else {
        }
        %jit3A_296 = arith.constant 1 : i32
        %jit3A_297 = arith.constant 0 : i32
        %select_n3A_298 = arith.select %lt3A_292, %jit3A_296, %jit3A_297 : i32
        %add3A_299 = arith.addi %while3A_286, %select_n3A_298 : i32
        %mul3A_300 = arith.constant 2 : i32
        %mul3A_301 = arith.muli %while3A_285, %mul3A_300 : i32
        %add3A_302 = arith.constant 1 : i32
        %add3A_303 = arith.addi %mul3A_301, %add3A_302 : i32
        %lt3A_304 = arith.cmpi slt, %add3A_303, %select_n3A_239 : i32
        %convert_element_type3A_305 = arith.extui %lt3A_304 : i1 to i32
        %cond3A_306 = arith.constant 0 : i32
        %cond3A_307 = arith.cmpi ne, %convert_element_type3A_305, %cond3A_306 : i32
        scf.if %cond3A_307 {
          %gt3A_312 = arith.constant 0 : i32
          %gt3A_313 = arith.cmpi sgt, %while3A_287, %gt3A_312 : i32
          %convert_element_type3A_314 = arith.extui %gt3A_313 : i1 to i32
          %cond3A_315 = arith.constant 0 : i32
          %cond3A_316 = arith.cmpi ne, %convert_element_type3A_314, %cond3A_315 : i32
          scf.if %cond3A_316 {
            %dma_wait3A = arith.constant 0 : i32
            %dma_wait3A_336 = arith.constant 0 : i32
            %dma_wait3A_337 = arith.constant 0 : i32
            %dma_wait3A_338 = tpu.memref_slice %arg5[%dma_wait3A, %dma_wait3A_336, %dma_wait3A_337] : memref<2048x64x256xf32, #tpu.memory_space<hbm>> -> memref<1x64x256xf32, #tpu.memory_space<hbm>>
            %dma_wait3A_339 = arith.constant 0 : i32
            %dma_wait3A_340 = arith.constant 0 : i32
            %dma_wait3A_341 = arith.constant 0 : i32
            %dma_wait3A_342 = tpu.memref_slice %arg5[%dma_wait3A_339, %dma_wait3A_340, %dma_wait3A_341] : memref<2048x64x256xf32, #tpu.memory_space<hbm>> -> memref<1x64x256xf32, #tpu.memory_space<hbm>>
            tpu.wait_dma2 semaphore(%arg25 : memref<!tpu.dma_semaphore, #tpu.memory_space<semaphore_mem>>) src(%arg18 : memref<1x64x256xf32, #tpu.memory_space<vmem>>) dst(%dma_wait3A_342 : memref<1x64x256xf32, #tpu.memory_space<hbm>>)
          } else {
          }
          %add3A_317 = vector.broadcast %add3A_303 : i32 to vector<16xi32>
          %add3A_318 = arith.addi %broadcast_in_dim3A_67, %add3A_317 : vector<16xi32>
          %gather3A = tpu.vector_load_idx %arg11[%add3A_318] : memref<512xi32, #tpu.memory_space<vmem>>[vector<16xi32>], vector<16xi32>,
          %gather3A_319 = tpu.vector_load_idx %arg7[%gather3A] : memref<512xf32, #tpu.memory_space<vmem>>[vector<16xi32>], vector<16xf32>,
          %mul3A_320 = arith.constant 512 : i32
          %mul3A_321 = arith.muli %add3A, %mul3A_320 : i32
          %add3A_322 = vector.broadcast %mul3A_321 : i32 to vector<16xi32>
          %add3A_323 = arith.addi %gather3A, %add3A_322 : vector<16xi32>
          %add3A_324 = arith.constant 1 : i32
          %add3A_325 = vector.broadcast %add3A_324 : i32 to vector<16xi32>
          %add3A_326 = arith.addi %broadcast_in_dim3A_67, %add3A_325 : vector<16xi32>
          tpu.vector_store_idx %arg14[%add3A_326, %broadcast_in_dim3A_67], %add3A_323 masked %eq3A_66 : memref<2x1xi32, #tpu.memory_space<vmem>>[vector<16xi32>, vector<16xi32>], vector<16xi32>, vector<16xi1>
          %parallel_loop3A = arith.constant 0 : i32
          %parallel_loop3A_327 = arith.constant 64 : i32
          %parallel_loop3A_328 = arith.constant 1 : i32
          scf.for %parallel_loop3A_336 = %parallel_loop3A to %parallel_loop3A_327 step %parallel_loop3A_328  : i32 {
            %parallel_loop3A_337 = arith.constant 0 : i32
            %parallel_loop3A_338 = arith.index_cast %parallel_loop3A_337 : i32 to index
            %parallel_loop3A_339 = arith.index_cast %parallel_loop3A_336 : i32 to index
            %parallel_loop3A_340 = arith.constant 0 : index
            %parallel_loop3A_341 = tpu.vector_load %arg16[%parallel_loop3A_338, %parallel_loop3A_339, %parallel_loop3A_340] {strides = array<i32>} : memref<1x64x256xf32, #tpu.memory_space<vmem>>, vector<16xf32>,
            %parallel_loop3A_342 = arith.mulf %parallel_loop3A_341, %gather3A_319 : vector<16xf32>
            %parallel_loop3A_343 = arith.constant 0 : i32
            %parallel_loop3A_344 = arith.index_cast %parallel_loop3A_343 : i32 to index
            %parallel_loop3A_345 = arith.index_cast %parallel_loop3A_336 : i32 to index
            %parallel_loop3A_346 = arith.constant 0 : index
            %parallel_loop3A_347 = tpu.vector_load %arg18[%parallel_loop3A_344, %parallel_loop3A_345, %parallel_loop3A_346] {strides = array<i32>} : memref<1x64x256xf32, #tpu.memory_space<vmem>>, vector<16xf32>,
            tpu.vector_store %arg18[%parallel_loop3A_344, %parallel_loop3A_345, %parallel_loop3A_346], %parallel_loop3A_342 {strides = array<i32>} : memref<1x64x256xf32, #tpu.memory_space<vmem>>, vector<16xf32>,
            %parallel_loop3A_348 = arith.constant 0 : i32
            %parallel_loop3A_349 = arith.index_cast %parallel_loop3A_348 : i32 to index
            %parallel_loop3A_350 = arith.index_cast %parallel_loop3A_336 : i32 to index
            %parallel_loop3A_351 = arith.constant 16 : index
            %parallel_loop3A_352 = tpu.vector_load %arg16[%parallel_loop3A_349, %parallel_loop3A_350, %parallel_loop3A_351] {strides = array<i32>} : memref<1x64x256xf32, #tpu.memory_space<vmem>>, vector<16xf32>,
            %parallel_loop3A_353 = arith.mulf %parallel_loop3A_352, %gather3A_319 : vector<16xf32>
            %parallel_loop3A_354 = arith.constant 0 : i32
            %parallel_loop3A_355 = arith.index_cast %parallel_loop3A_354 : i32 to index
            %parallel_loop3A_356 = arith.index_cast %parallel_loop3A_336 : i32 to index
            %parallel_loop3A_357 = arith.constant 16 : index
            %parallel_loop3A_358 = tpu.vector_load %arg18[%parallel_loop3A_355, %parallel_loop3A_356, %parallel_loop3A_357] {strides = array<i32>} : memref<1x64x256xf32, #tpu.memory_space<vmem>>, vector<16xf32>,
            tpu.vector_store %arg18[%parallel_loop3A_355, %parallel_loop3A_356, %parallel_loop3A_357], %parallel_loop3A_353 {strides = array<i32>} : memref<1x64x256xf32, #tpu.memory_space<vmem>>, vector<16xf32>,
            %parallel_loop3A_359 = arith.constant 0 : i32
            %parallel_loop3A_360 = arith.index_cast %parallel_loop3A_359 : i32 to index
            %parallel_loop3A_361 = arith.index_cast %parallel_loop3A_336 : i32 to index
            %parallel_loop3A_362 = arith.constant 32 : index
            %parallel_loop3A_363 = tpu.vector_load %arg16[%parallel_loop3A_360, %parallel_loop3A_361, %parallel_loop3A_362] {strides = array<i32>} : memref<1x64x256xf32, #tpu.memory_space<vmem>>, vector<16xf32>,
            %parallel_loop3A_364 = arith.mulf %parallel_loop3A_363, %gather3A_319 : vector<16xf32>
            %parallel_loop3A_365 = arith.constant 0 : i32
            %parallel_loop3A_366 = arith.index_cast %parallel_loop3A_365 : i32 to index
            %parallel_loop3A_367 = arith.index_cast %parallel_loop3A_336 : i32 to index
            %parallel_loop3A_368 = arith.constant 32 : index
            %parallel_loop3A_369 = tpu.vector_load %arg18[%parallel_loop3A_366, %parallel_loop3A_367, %parallel_loop3A_368] {strides = array<i32>} : memref<1x64x256xf32, #tpu.memory_space<vmem>>, vector<16xf32>,
            tpu.vector_store %arg18[%parallel_loop3A_366, %parallel_loop3A_367, %parallel_loop3A_368], %parallel_loop3A_364 {strides = array<i32>} : memref<1x64x256xf32, #tpu.memory_space<vmem>>, vector<16xf32>,
            %parallel_loop3A_370 = arith.constant 0 : i32
            %parallel_loop3A_371 = arith.index_cast %parallel_loop3A_370 : i32 to index
            %parallel_loop3A_372 = arith.index_cast %parallel_loop3A_336 : i32 to index
            %parallel_loop3A_373 = arith.constant 48 : index
            %parallel_loop3A_374 = tpu.vector_load %arg16[%parallel_loop3A_371, %parallel_loop3A_372, %parallel_loop3A_373] {strides = array<i32>} : memref<1x64x256xf32, #tpu.memory_space<vmem>>, vector<16xf32>,
            %parallel_loop3A_375 = arith.mulf %parallel_loop3A_374, %gather3A_319 : vector<16xf32>
            %parallel_loop3A_376 = arith.constant 0 : i32
            %parallel_loop3A_377 = arith.index_cast %parallel_loop3A_376 : i32 to index
            %parallel_loop3A_378 = arith.index_cast %parallel_loop3A_336 : i32 to index
            %parallel_loop3A_379 = arith.constant 48 : index
            %parallel_loop3A_380 = tpu.vector_load %arg18[%parallel_loop3A_377, %parallel_loop3A_378, %parallel_loop3A_379] {strides = array<i32>} : memref<1x64x256xf32, #tpu.memory_space<vmem>>, vector<16xf32>,
            tpu.vector_store %arg18[%parallel_loop3A_377, %parallel_loop3A_378, %parallel_loop3A_379], %parallel_loop3A_375 {strides = array<i32>} : memref<1x64x256xf32, #tpu.memory_space<vmem>>, vector<16xf32>,
            %parallel_loop3A_381 = arith.constant 0 : i32
            %parallel_loop3A_382 = arith.index_cast %parallel_loop3A_381 : i32 to index
            %parallel_loop3A_383 = arith.index_cast %parallel_loop3A_336 : i32 to index
            %parallel_loop3A_384 = arith.constant 64 : index
            %parallel_loop3A_385 = tpu.vector_load %arg16[%parallel_loop3A_382, %parallel_loop3A_383, %parallel_loop3A_384] {strides = array<i32>} : memref<1x64x256xf32, #tpu.memory_space<vmem>>, vector<16xf32>,
            %parallel_loop3A_386 = arith.mulf %parallel_loop3A_385, %gather3A_319 : vector<16xf32>
            %parallel_loop3A_387 = arith.constant 0 : i32
            %parallel_loop3A_388 = arith.index_cast %parallel_loop3A_387 : i32 to index
            %parallel_loop3A_389 = arith.index_cast %parallel_loop3A_336 : i32 to index
            %parallel_loop3A_390 = arith.constant 64 : index
            %parallel_loop3A_391 = tpu.vector_load %arg18[%parallel_loop3A_388, %parallel_loop3A_389, %parallel_loop3A_390] {strides = array<i32>} : memref<1x64x256xf32, #tpu.memory_space<vmem>>, vector<16xf32>,
            tpu.vector_store %arg18[%parallel_loop3A_388, %parallel_loop3A_389, %parallel_loop3A_390], %parallel_loop3A_386 {strides = array<i32>} : memref<1x64x256xf32, #tpu.memory_space<vmem>>, vector<16xf32>,
            %parallel_loop3A_392 = arith.constant 0 : i32
            %parallel_loop3A_393 = arith.index_cast %parallel_loop3A_392 : i32 to index
            %parallel_loop3A_394 = arith.index_cast %parallel_loop3A_336 : i32 to index
            %parallel_loop3A_395 = arith.constant 80 : index
            %parallel_loop3A_396 = tpu.vector_load %arg16[%parallel_loop3A_393, %parallel_loop3A_394, %parallel_loop3A_395] {strides = array<i32>} : memref<1x64x256xf32, #tpu.memory_space<vmem>>, vector<16xf32>,
            %parallel_loop3A_397 = arith.mulf %parallel_loop3A_396, %gather3A_319 : vector<16xf32>
            %parallel_loop3A_398 = arith.constant 0 : i32
            %parallel_loop3A_399 = arith.index_cast %parallel_loop3A_398 : i32 to index
            %parallel_loop3A_400 = arith.index_cast %parallel_loop3A_336 : i32 to index
            %parallel_loop3A_401 = arith.constant 80 : index
            %parallel_loop3A_402 = tpu.vector_load %arg18[%parallel_loop3A_399, %parallel_loop3A_400, %parallel_loop3A_401] {strides = array<i32>} : memref<1x64x256xf32, #tpu.memory_space<vmem>>, vector<16xf32>,
            tpu.vector_store %arg18[%parallel_loop3A_399, %parallel_loop3A_400, %parallel_loop3A_401], %parallel_loop3A_397 {strides = array<i32>} : memref<1x64x256xf32, #tpu.memory_space<vmem>>, vector<16xf32>,
            %parallel_loop3A_403 = arith.constant 0 : i32
            %parallel_loop3A_404 = arith.index_cast %parallel_loop3A_403 : i32 to index
            %parallel_loop3A_405 = arith.index_cast %parallel_loop3A_336 : i32 to index
            %parallel_loop3A_406 = arith.constant 96 : index
            %parallel_loop3A_407 = tpu.vector_load %arg16[%parallel_loop3A_404, %parallel_loop3A_405, %parallel_loop3A_406] {strides = array<i32>} : memref<1x64x256xf32, #tpu.memory_space<vmem>>, vector<16xf32>,
            %parallel_loop3A_408 = arith.mulf %parallel_loop3A_407, %gather3A_319 : vector<16xf32>
            %parallel_loop3A_409 = arith.constant 0 : i32
            %parallel_loop3A_410 = arith.index_cast %parallel_loop3A_409 : i32 to index
            %parallel_loop3A_411 = arith.index_cast %parallel_loop3A_336 : i32 to index
            %parallel_loop3A_412 = arith.constant 96 : index
            %parallel_loop3A_413 = tpu.vector_load %arg18[%parallel_loop3A_410, %parallel_loop3A_411, %parallel_loop3A_412] {strides = array<i32>} : memref<1x64x256xf32, #tpu.memory_space<vmem>>, vector<16xf32>,
            tpu.vector_store %arg18[%parallel_loop3A_410, %parallel_loop3A_411, %parallel_loop3A_412], %parallel_loop3A_408 {strides = array<i32>} : memref<1x64x256xf32, #tpu.memory_space<vmem>>, vector<16xf32>,
            %parallel_loop3A_414 = arith.constant 0 : i32
            %parallel_loop3A_415 = arith.index_cast %parallel_loop3A_414 : i32 to index
            %parallel_loop3A_416 = arith.index_cast %parallel_loop3A_336 : i32 to index
            %parallel_loop3A_417 = arith.constant 112 : index
            %parallel_loop3A_418 = tpu.vector_load %arg16[%parallel_loop3A_415, %parallel_loop3A_416, %parallel_loop3A_417] {strides = array<i32>} : memref<1x64x256xf32, #tpu.memory_space<vmem>>, vector<16xf32>,
            %parallel_loop3A_419 = arith.mulf %parallel_loop3A_418, %gather3A_319 : vector<16xf32>
            %parallel_loop3A_420 = arith.constant 0 : i32
            %parallel_loop3A_421 = arith.index_cast %parallel_loop3A_420 : i32 to index
            %parallel_loop3A_422 = arith.index_cast %parallel_loop3A_336 : i32 to index
            %parallel_loop3A_423 = arith.constant 112 : index
            %parallel_loop3A_424 = tpu.vector_load %arg18[%parallel_loop3A_421, %parallel_loop3A_422, %parallel_loop3A_423] {strides = array<i32>} : memref<1x64x256xf32, #tpu.memory_space<vmem>>, vector<16xf32>,
            tpu.vector_store %arg18[%parallel_loop3A_421, %parallel_loop3A_422, %parallel_loop3A_423], %parallel_loop3A_419 {strides = array<i32>} : memref<1x64x256xf32, #tpu.memory_space<vmem>>, vector<16xf32>,
            %parallel_loop3A_425 = arith.constant 0 : i32
            %parallel_loop3A_426 = arith.index_cast %parallel_loop3A_425 : i32 to index
            %parallel_loop3A_427 = arith.index_cast %parallel_loop3A_336 : i32 to index
            %parallel_loop3A_428 = arith.constant 128 : index
            %parallel_loop3A_429 = tpu.vector_load %arg16[%parallel_loop3A_426, %parallel_loop3A_427, %parallel_loop3A_428] {strides = array<i32>} : memref<1x64x256xf32, #tpu.memory_space<vmem>>, vector<16xf32>,
            %parallel_loop3A_430 = arith.mulf %parallel_loop3A_429, %gather3A_319 : vector<16xf32>
            %parallel_loop3A_431 = arith.constant 0 : i32
            %parallel_loop3A_432 = arith.index_cast %parallel_loop3A_431 : i32 to index
            %parallel_loop3A_433 = arith.index_cast %parallel_loop3A_336 : i32 to index
            %parallel_loop3A_434 = arith.constant 128 : index
            %parallel_loop3A_435 = tpu.vector_load %arg18[%parallel_loop3A_432, %parallel_loop3A_433, %parallel_loop3A_434] {strides = array<i32>} : memref<1x64x256xf32, #tpu.memory_space<vmem>>, vector<16xf32>,
            tpu.vector_store %arg18[%parallel_loop3A_432, %parallel_loop3A_433, %parallel_loop3A_434], %parallel_loop3A_430 {strides = array<i32>} : memref<1x64x256xf32, #tpu.memory_space<vmem>>, vector<16xf32>,
            %parallel_loop3A_436 = arith.constant 0 : i32
            %parallel_loop3A_437 = arith.index_cast %parallel_loop3A_436 : i32 to index
            %parallel_loop3A_438 = arith.index_cast %parallel_loop3A_336 : i32 to index
            %parallel_loop3A_439 = arith.constant 144 : index
            %parallel_loop3A_440 = tpu.vector_load %arg16[%parallel_loop3A_437, %parallel_loop3A_438, %parallel_loop3A_439] {strides = array<i32>} : memref<1x64x256xf32, #tpu.memory_space<vmem>>, vector<16xf32>,
            %parallel_loop3A_441 = arith.mulf %parallel_loop3A_440, %gather3A_319 : vector<16xf32>
            %parallel_loop3A_442 = arith.constant 0 : i32
            %parallel_loop3A_443 = arith.index_cast %parallel_loop3A_442 : i32 to index
            %parallel_loop3A_444 = arith.index_cast %parallel_loop3A_336 : i32 to index
            %parallel_loop3A_445 = arith.constant 144 : index
            %parallel_loop3A_446 = tpu.vector_load %arg18[%parallel_loop3A_443, %parallel_loop3A_444, %parallel_loop3A_445] {strides = array<i32>} : memref<1x64x256xf32, #tpu.memory_space<vmem>>, vector<16xf32>,
            tpu.vector_store %arg18[%parallel_loop3A_443, %parallel_loop3A_444, %parallel_loop3A_445], %parallel_loop3A_441 {strides = array<i32>} : memref<1x64x256xf32, #tpu.memory_space<vmem>>, vector<16xf32>,
            %parallel_loop3A_447 = arith.constant 0 : i32
            %parallel_loop3A_448 = arith.index_cast %parallel_loop3A_447 : i32 to index
            %parallel_loop3A_449 = arith.index_cast %parallel_loop3A_336 : i32 to index
            %parallel_loop3A_450 = arith.constant 160 : index
            %parallel_loop3A_451 = tpu.vector_load %arg16[%parallel_loop3A_448, %parallel_loop3A_449, %parallel_loop3A_450] {strides = array<i32>} : memref<1x64x256xf32, #tpu.memory_space<vmem>>, vector<16xf32>,
            %parallel_loop3A_452 = arith.mulf %parallel_loop3A_451, %gather3A_319 : vector<16xf32>
            %parallel_loop3A_453 = arith.constant 0 : i32
            %parallel_loop3A_454 = arith.index_cast %parallel_loop3A_453 : i32 to index
            %parallel_loop3A_455 = arith.index_cast %parallel_loop3A_336 : i32 to index
            %parallel_loop3A_456 = arith.constant 160 : index
            %parallel_loop3A_457 = tpu.vector_load %arg18[%parallel_loop3A_454, %parallel_loop3A_455, %parallel_loop3A_456] {strides = array<i32>} : memref<1x64x256xf32, #tpu.memory_space<vmem>>, vector<16xf32>,
            tpu.vector_store %arg18[%parallel_loop3A_454, %parallel_loop3A_455, %parallel_loop3A_456], %parallel_loop3A_452 {strides = array<i32>} : memref<1x64x256xf32, #tpu.memory_space<vmem>>, vector<16xf32>,
            %parallel_loop3A_458 = arith.constant 0 : i32
            %parallel_loop3A_459 = arith.index_cast %parallel_loop3A_458 : i32 to index
            %parallel_loop3A_460 = arith.index_cast %parallel_loop3A_336 : i32 to index
            %parallel_loop3A_461 = arith.constant 176 : index
            %parallel_loop3A_462 = tpu.vector_load %arg16[%parallel_loop3A_459, %parallel_loop3A_460, %parallel_loop3A_461] {strides = array<i32>} : memref<1x64x256xf32, #tpu.memory_space<vmem>>, vector<16xf32>,
            %parallel_loop3A_463 = arith.mulf %parallel_loop3A_462, %gather3A_319 : vector<16xf32>
            %parallel_loop3A_464 = arith.constant 0 : i32
            %parallel_loop3A_465 = arith.index_cast %parallel_loop3A_464 : i32 to index
            %parallel_loop3A_466 = arith.index_cast %parallel_loop3A_336 : i32 to index
            %parallel_loop3A_467 = arith.constant 176 : index
            %parallel_loop3A_468 = tpu.vector_load %arg18[%parallel_loop3A_465, %parallel_loop3A_466, %parallel_loop3A_467] {strides = array<i32>} : memref<1x64x256xf32, #tpu.memory_space<vmem>>, vector<16xf32>,
            tpu.vector_store %arg18[%parallel_loop3A_465, %parallel_loop3A_466, %parallel_loop3A_467], %parallel_loop3A_463 {strides = array<i32>} : memref<1x64x256xf32, #tpu.memory_space<vmem>>, vector<16xf32>,
            %parallel_loop3A_469 = arith.constant 0 : i32
            %parallel_loop3A_470 = arith.index_cast %parallel_loop3A_469 : i32 to index
            %parallel_loop3A_471 = arith.index_cast %parallel_loop3A_336 : i32 to index
            %parallel_loop3A_472 = arith.constant 192 : index
            %parallel_loop3A_473 = tpu.vector_load %arg16[%parallel_loop3A_470, %parallel_loop3A_471, %parallel_loop3A_472] {strides = array<i32>} : memref<1x64x256xf32, #tpu.memory_space<vmem>>, vector<16xf32>,
            %parallel_loop3A_474 = arith.mulf %parallel_loop3A_473, %gather3A_319 : vector<16xf32>
            %parallel_loop3A_475 = arith.constant 0 : i32
            %parallel_loop3A_476 = arith.index_cast %parallel_loop3A_475 : i32 to index
            %parallel_loop3A_477 = arith.index_cast %parallel_loop3A_336 : i32 to index
            %parallel_loop3A_478 = arith.constant 192 : index
            %parallel_loop3A_479 = tpu.vector_load %arg18[%parallel_loop3A_476, %parallel_loop3A_477, %parallel_loop3A_478] {strides = array<i32>} : memref<1x64x256xf32, #tpu.memory_space<vmem>>, vector<16xf32>,
            tpu.vector_store %arg18[%parallel_loop3A_476, %parallel_loop3A_477, %parallel_loop3A_478], %parallel_loop3A_474 {strides = array<i32>} : memref<1x64x256xf32, #tpu.memory_space<vmem>>, vector<16xf32>,
            %parallel_loop3A_480 = arith.constant 0 : i32
            %parallel_loop3A_481 = arith.index_cast %parallel_loop3A_480 : i32 to index
            %parallel_loop3A_482 = arith.index_cast %parallel_loop3A_336 : i32 to index
            %parallel_loop3A_483 = arith.constant 208 : index
            %parallel_loop3A_484 = tpu.vector_load %arg16[%parallel_loop3A_481, %parallel_loop3A_482, %parallel_loop3A_483] {strides = array<i32>} : memref<1x64x256xf32, #tpu.memory_space<vmem>>, vector<16xf32>,
            %parallel_loop3A_485 = arith.mulf %parallel_loop3A_484, %gather3A_319 : vector<16xf32>
            %parallel_loop3A_486 = arith.constant 0 : i32
            %parallel_loop3A_487 = arith.index_cast %parallel_loop3A_486 : i32 to index
            %parallel_loop3A_488 = arith.index_cast %parallel_loop3A_336 : i32 to index
            %parallel_loop3A_489 = arith.constant 208 : index
            %parallel_loop3A_490 = tpu.vector_load %arg18[%parallel_loop3A_487, %parallel_loop3A_488, %parallel_loop3A_489] {strides = array<i32>} : memref<1x64x256xf32, #tpu.memory_space<vmem>>, vector<16xf32>,
            tpu.vector_store %arg18[%parallel_loop3A_487, %parallel_loop3A_488, %parallel_loop3A_489], %parallel_loop3A_485 {strides = array<i32>} : memref<1x64x256xf32, #tpu.memory_space<vmem>>, vector<16xf32>,
            %parallel_loop3A_491 = arith.constant 0 : i32
            %parallel_loop3A_492 = arith.index_cast %parallel_loop3A_491 : i32 to index
            %parallel_loop3A_493 = arith.index_cast %parallel_loop3A_336 : i32 to index
            %parallel_loop3A_494 = arith.constant 224 : index
            %parallel_loop3A_495 = tpu.vector_load %arg16[%parallel_loop3A_492, %parallel_loop3A_493, %parallel_loop3A_494] {strides = array<i32>} : memref<1x64x256xf32, #tpu.memory_space<vmem>>, vector<16xf32>,
            %parallel_loop3A_496 = arith.mulf %parallel_loop3A_495, %gather3A_319 : vector<16xf32>
            %parallel_loop3A_497 = arith.constant 0 : i32
            %parallel_loop3A_498 = arith.index_cast %parallel_loop3A_497 : i32 to index
            %parallel_loop3A_499 = arith.index_cast %parallel_loop3A_336 : i32 to index
            %parallel_loop3A_500 = arith.constant 224 : index
            %parallel_loop3A_501 = tpu.vector_load %arg18[%parallel_loop3A_498, %parallel_loop3A_499, %parallel_loop3A_500] {strides = array<i32>} : memref<1x64x256xf32, #tpu.memory_space<vmem>>, vector<16xf32>,
            tpu.vector_store %arg18[%parallel_loop3A_498, %parallel_loop3A_499, %parallel_loop3A_500], %parallel_loop3A_496 {strides = array<i32>} : memref<1x64x256xf32, #tpu.memory_space<vmem>>, vector<16xf32>,
            %parallel_loop3A_502 = arith.constant 0 : i32
            %parallel_loop3A_503 = arith.index_cast %parallel_loop3A_502 : i32 to index
            %parallel_loop3A_504 = arith.index_cast %parallel_loop3A_336 : i32 to index
            %parallel_loop3A_505 = arith.constant 240 : index
            %parallel_loop3A_506 = tpu.vector_load %arg16[%parallel_loop3A_503, %parallel_loop3A_504, %parallel_loop3A_505] {strides = array<i32>} : memref<1x64x256xf32, #tpu.memory_space<vmem>>, vector<16xf32>,
            %parallel_loop3A_507 = arith.mulf %parallel_loop3A_506, %gather3A_319 : vector<16xf32>
            %parallel_loop3A_508 = arith.constant 0 : i32
            %parallel_loop3A_509 = arith.index_cast %parallel_loop3A_508 : i32 to index
            %parallel_loop3A_510 = arith.index_cast %parallel_loop3A_336 : i32 to index
            %parallel_loop3A_511 = arith.constant 240 : index
            %parallel_loop3A_512 = tpu.vector_load %arg18[%parallel_loop3A_509, %parallel_loop3A_510, %parallel_loop3A_511] {strides = array<i32>} : memref<1x64x256xf32, #tpu.memory_space<vmem>>, vector<16xf32>,
            tpu.vector_store %arg18[%parallel_loop3A_509, %parallel_loop3A_510, %parallel_loop3A_511], %parallel_loop3A_507 {strides = array<i32>} : memref<1x64x256xf32, #tpu.memory_space<vmem>>, vector<16xf32>,
          } {sc.loop_unroll_factor = 1 : i64, sc.parallel_access}
          %dma_start3A = arith.constant 1 : i32
          %dma_start3A_329 = arith.constant 0 : i32
          %dma_start3A_330 = tpu.memref_slice %arg14[%dma_start3A, %dma_start3A_329] : memref<2x1xi32, #tpu.memory_space<vmem>> -> memref<1x1xi32, #tpu.memory_space<vmem>>
          %dma_start3A_331 = tpu.memref_squeeze %dma_start3A_330 : memref<1x1xi32, #tpu.memory_space<vmem>> -> memref<1xi32, #tpu.memory_space<vmem>>
          %dma_start3A_332 = arith.constant 0 : i32
          %dma_start3A_333 = arith.constant 0 : i32
          %dma_start3A_334 = arith.constant 0 : i32
          %dma_start3A_335 = tpu.memref_slice %arg5[%dma_start3A_332, %dma_start3A_333, %dma_start3A_334] : memref<2048x64x256xf32, #tpu.memory_space<hbm>> -> memref<2048x64x256xf32, #tpu.memory_space<hbm>>
          tpu.enqueue_indirect_dma source(%arg18 : memref<1x64x256xf32, #tpu.memory_space<vmem>>) target(%dma_start3A_335 : memref<2048x64x256xf32, #tpu.memory_space<hbm>>) offsets(%dma_start3A_331 : memref<1xi32, #tpu.memory_space<vmem>>) semaphore(%arg25 : memref<!tpu.dma_semaphore, #tpu.memory_space<semaphore_mem>>)
        } else {
        }
        %jit3A_308 = arith.constant 1 : i32
        %jit3A_309 = arith.constant 0 : i32
        %select_n3A_310 = arith.select %lt3A_304, %jit3A_308, %jit3A_309 : i32
        %add3A_311 = arith.addi %while3A_287, %select_n3A_310 : i32
        scf.yield %add3A_299, %add3A_311 : i32, i32
      }
      %while3A_275 = arith.constant 1 : i32
      %while3A_276:2 = scf.for %while3A_285 = %while3A_272 to %while3A_268 step %while3A_275 iter_args(%while3A_286 = %while3A_274#0, %while3A_287 = %while3A_274#1) -> (i32, i32)  : i32 {
        %mul3A_288 = arith.constant 2 : i32
        %mul3A_289 = arith.muli %while3A_285, %mul3A_288 : i32
        %add3A_290 = arith.constant 0 : i32
        %add3A_291 = arith.addi %mul3A_289, %add3A_290 : i32
        %lt3A_292 = arith.cmpi slt, %add3A_291, %select_n3A_239 : i32
        %convert_element_type3A_293 = arith.extui %lt3A_292 : i1 to i32
        %cond3A_294 = arith.constant 0 : i32
        %cond3A_295 = arith.cmpi ne, %convert_element_type3A_293, %cond3A_294 : i32
        scf.if %cond3A_295 {
          %gt3A_312 = arith.constant 0 : i32
          %gt3A_313 = arith.cmpi sgt, %while3A_286, %gt3A_312 : i32
          %convert_element_type3A_314 = arith.extui %gt3A_313 : i1 to i32
          %cond3A_315 = arith.constant 0 : i32
          %cond3A_316 = arith.cmpi ne, %convert_element_type3A_314, %cond3A_315 : i32
          scf.if %cond3A_316 {
            %dma_wait3A = arith.constant 0 : i32
            %dma_wait3A_336 = arith.constant 0 : i32
            %dma_wait3A_337 = arith.constant 0 : i32
            %dma_wait3A_338 = tpu.memref_slice %arg5[%dma_wait3A, %dma_wait3A_336, %dma_wait3A_337] : memref<2048x64x256xf32, #tpu.memory_space<hbm>> -> memref<1x64x256xf32, #tpu.memory_space<hbm>>
            %dma_wait3A_339 = arith.constant 0 : i32
            %dma_wait3A_340 = arith.constant 0 : i32
            %dma_wait3A_341 = arith.constant 0 : i32
            %dma_wait3A_342 = tpu.memref_slice %arg5[%dma_wait3A_339, %dma_wait3A_340, %dma_wait3A_341] : memref<2048x64x256xf32, #tpu.memory_space<hbm>> -> memref<1x64x256xf32, #tpu.memory_space<hbm>>
            tpu.wait_dma2 semaphore(%arg24 : memref<!tpu.dma_semaphore, #tpu.memory_space<semaphore_mem>>) src(%arg17 : memref<1x64x256xf32, #tpu.memory_space<vmem>>) dst(%dma_wait3A_342 : memref<1x64x256xf32, #tpu.memory_space<hbm>>)
          } else {
          }
          %add3A_317 = vector.broadcast %add3A_291 : i32 to vector<16xi32>
          %add3A_318 = arith.addi %broadcast_in_dim3A_67, %add3A_317 : vector<16xi32>
          %gather3A = tpu.vector_load_idx %arg11[%add3A_318] : memref<512xi32, #tpu.memory_space<vmem>>[vector<16xi32>], vector<16xi32>,
          %gather3A_319 = tpu.vector_load_idx %arg7[%gather3A] : memref<512xf32, #tpu.memory_space<vmem>>[vector<16xi32>], vector<16xf32>,
          %mul3A_320 = arith.constant 512 : i32
          %mul3A_321 = arith.muli %add3A, %mul3A_320 : i32
          %add3A_322 = vector.broadcast %mul3A_321 : i32 to vector<16xi32>
          %add3A_323 = arith.addi %gather3A, %add3A_322 : vector<16xi32>
          %add3A_324 = arith.constant 0 : i32
          %add3A_325 = vector.broadcast %add3A_324 : i32 to vector<16xi32>
          %add3A_326 = arith.addi %broadcast_in_dim3A_67, %add3A_325 : vector<16xi32>
          tpu.vector_store_idx %arg14[%add3A_326, %broadcast_in_dim3A_67], %add3A_323 masked %eq3A_66 : memref<2x1xi32, #tpu.memory_space<vmem>>[vector<16xi32>, vector<16xi32>], vector<16xi32>, vector<16xi1>
          %parallel_loop3A = arith.constant 0 : i32
          %parallel_loop3A_327 = arith.constant 64 : i32
          %parallel_loop3A_328 = arith.constant 1 : i32
          scf.for %parallel_loop3A_336 = %parallel_loop3A to %parallel_loop3A_327 step %parallel_loop3A_328  : i32 {
            %parallel_loop3A_337 = arith.constant 0 : i32
            %parallel_loop3A_338 = arith.index_cast %parallel_loop3A_337 : i32 to index
            %parallel_loop3A_339 = arith.index_cast %parallel_loop3A_336 : i32 to index
            %parallel_loop3A_340 = arith.constant 0 : index
            %parallel_loop3A_341 = tpu.vector_load %arg16[%parallel_loop3A_338, %parallel_loop3A_339, %parallel_loop3A_340] {strides = array<i32>} : memref<1x64x256xf32, #tpu.memory_space<vmem>>, vector<16xf32>,
            %parallel_loop3A_342 = arith.mulf %parallel_loop3A_341, %gather3A_319 : vector<16xf32>
            %parallel_loop3A_343 = arith.constant 0 : i32
            %parallel_loop3A_344 = arith.index_cast %parallel_loop3A_343 : i32 to index
            %parallel_loop3A_345 = arith.index_cast %parallel_loop3A_336 : i32 to index
            %parallel_loop3A_346 = arith.constant 0 : index
            %parallel_loop3A_347 = tpu.vector_load %arg17[%parallel_loop3A_344, %parallel_loop3A_345, %parallel_loop3A_346] {strides = array<i32>} : memref<1x64x256xf32, #tpu.memory_space<vmem>>, vector<16xf32>,
            tpu.vector_store %arg17[%parallel_loop3A_344, %parallel_loop3A_345, %parallel_loop3A_346], %parallel_loop3A_342 {strides = array<i32>} : memref<1x64x256xf32, #tpu.memory_space<vmem>>, vector<16xf32>,
            %parallel_loop3A_348 = arith.constant 0 : i32
            %parallel_loop3A_349 = arith.index_cast %parallel_loop3A_348 : i32 to index
            %parallel_loop3A_350 = arith.index_cast %parallel_loop3A_336 : i32 to index
            %parallel_loop3A_351 = arith.constant 16 : index
            %parallel_loop3A_352 = tpu.vector_load %arg16[%parallel_loop3A_349, %parallel_loop3A_350, %parallel_loop3A_351] {strides = array<i32>} : memref<1x64x256xf32, #tpu.memory_space<vmem>>, vector<16xf32>,
            %parallel_loop3A_353 = arith.mulf %parallel_loop3A_352, %gather3A_319 : vector<16xf32>
            %parallel_loop3A_354 = arith.constant 0 : i32
            %parallel_loop3A_355 = arith.index_cast %parallel_loop3A_354 : i32 to index
            %parallel_loop3A_356 = arith.index_cast %parallel_loop3A_336 : i32 to index
            %parallel_loop3A_357 = arith.constant 16 : index
            %parallel_loop3A_358 = tpu.vector_load %arg17[%parallel_loop3A_355, %parallel_loop3A_356, %parallel_loop3A_357] {strides = array<i32>} : memref<1x64x256xf32, #tpu.memory_space<vmem>>, vector<16xf32>,
            tpu.vector_store %arg17[%parallel_loop3A_355, %parallel_loop3A_356, %parallel_loop3A_357], %parallel_loop3A_353 {strides = array<i32>} : memref<1x64x256xf32, #tpu.memory_space<vmem>>, vector<16xf32>,
            %parallel_loop3A_359 = arith.constant 0 : i32
            %parallel_loop3A_360 = arith.index_cast %parallel_loop3A_359 : i32 to index
            %parallel_loop3A_361 = arith.index_cast %parallel_loop3A_336 : i32 to index
            %parallel_loop3A_362 = arith.constant 32 : index
            %parallel_loop3A_363 = tpu.vector_load %arg16[%parallel_loop3A_360, %parallel_loop3A_361, %parallel_loop3A_362] {strides = array<i32>} : memref<1x64x256xf32, #tpu.memory_space<vmem>>, vector<16xf32>,
            %parallel_loop3A_364 = arith.mulf %parallel_loop3A_363, %gather3A_319 : vector<16xf32>
            %parallel_loop3A_365 = arith.constant 0 : i32
            %parallel_loop3A_366 = arith.index_cast %parallel_loop3A_365 : i32 to index
            %parallel_loop3A_367 = arith.index_cast %parallel_loop3A_336 : i32 to index
            %parallel_loop3A_368 = arith.constant 32 : index
            %parallel_loop3A_369 = tpu.vector_load %arg17[%parallel_loop3A_366, %parallel_loop3A_367, %parallel_loop3A_368] {strides = array<i32>} : memref<1x64x256xf32, #tpu.memory_space<vmem>>, vector<16xf32>,
            tpu.vector_store %arg17[%parallel_loop3A_366, %parallel_loop3A_367, %parallel_loop3A_368], %parallel_loop3A_364 {strides = array<i32>} : memref<1x64x256xf32, #tpu.memory_space<vmem>>, vector<16xf32>,
            %parallel_loop3A_370 = arith.constant 0 : i32
            %parallel_loop3A_371 = arith.index_cast %parallel_loop3A_370 : i32 to index
            %parallel_loop3A_372 = arith.index_cast %parallel_loop3A_336 : i32 to index
            %parallel_loop3A_373 = arith.constant 48 : index
            %parallel_loop3A_374 = tpu.vector_load %arg16[%parallel_loop3A_371, %parallel_loop3A_372, %parallel_loop3A_373] {strides = array<i32>} : memref<1x64x256xf32, #tpu.memory_space<vmem>>, vector<16xf32>,
            %parallel_loop3A_375 = arith.mulf %parallel_loop3A_374, %gather3A_319 : vector<16xf32>
            %parallel_loop3A_376 = arith.constant 0 : i32
            %parallel_loop3A_377 = arith.index_cast %parallel_loop3A_376 : i32 to index
            %parallel_loop3A_378 = arith.index_cast %parallel_loop3A_336 : i32 to index
            %parallel_loop3A_379 = arith.constant 48 : index
            %parallel_loop3A_380 = tpu.vector_load %arg17[%parallel_loop3A_377, %parallel_loop3A_378, %parallel_loop3A_379] {strides = array<i32>} : memref<1x64x256xf32, #tpu.memory_space<vmem>>, vector<16xf32>,
            tpu.vector_store %arg17[%parallel_loop3A_377, %parallel_loop3A_378, %parallel_loop3A_379], %parallel_loop3A_375 {strides = array<i32>} : memref<1x64x256xf32, #tpu.memory_space<vmem>>, vector<16xf32>,
            %parallel_loop3A_381 = arith.constant 0 : i32
            %parallel_loop3A_382 = arith.index_cast %parallel_loop3A_381 : i32 to index
            %parallel_loop3A_383 = arith.index_cast %parallel_loop3A_336 : i32 to index
            %parallel_loop3A_384 = arith.constant 64 : index
            %parallel_loop3A_385 = tpu.vector_load %arg16[%parallel_loop3A_382, %parallel_loop3A_383, %parallel_loop3A_384] {strides = array<i32>} : memref<1x64x256xf32, #tpu.memory_space<vmem>>, vector<16xf32>,
            %parallel_loop3A_386 = arith.mulf %parallel_loop3A_385, %gather3A_319 : vector<16xf32>
            %parallel_loop3A_387 = arith.constant 0 : i32
            %parallel_loop3A_388 = arith.index_cast %parallel_loop3A_387 : i32 to index
            %parallel_loop3A_389 = arith.index_cast %parallel_loop3A_336 : i32 to index
            %parallel_loop3A_390 = arith.constant 64 : index
            %parallel_loop3A_391 = tpu.vector_load %arg17[%parallel_loop3A_388, %parallel_loop3A_389, %parallel_loop3A_390] {strides = array<i32>} : memref<1x64x256xf32, #tpu.memory_space<vmem>>, vector<16xf32>,
            tpu.vector_store %arg17[%parallel_loop3A_388, %parallel_loop3A_389, %parallel_loop3A_390], %parallel_loop3A_386 {strides = array<i32>} : memref<1x64x256xf32, #tpu.memory_space<vmem>>, vector<16xf32>,
            %parallel_loop3A_392 = arith.constant 0 : i32
            %parallel_loop3A_393 = arith.index_cast %parallel_loop3A_392 : i32 to index
            %parallel_loop3A_394 = arith.index_cast %parallel_loop3A_336 : i32 to index
            %parallel_loop3A_395 = arith.constant 80 : index
            %parallel_loop3A_396 = tpu.vector_load %arg16[%parallel_loop3A_393, %parallel_loop3A_394, %parallel_loop3A_395] {strides = array<i32>} : memref<1x64x256xf32, #tpu.memory_space<vmem>>, vector<16xf32>,
            %parallel_loop3A_397 = arith.mulf %parallel_loop3A_396, %gather3A_319 : vector<16xf32>
            %parallel_loop3A_398 = arith.constant 0 : i32
            %parallel_loop3A_399 = arith.index_cast %parallel_loop3A_398 : i32 to index
            %parallel_loop3A_400 = arith.index_cast %parallel_loop3A_336 : i32 to index
            %parallel_loop3A_401 = arith.constant 80 : index
            %parallel_loop3A_402 = tpu.vector_load %arg17[%parallel_loop3A_399, %parallel_loop3A_400, %parallel_loop3A_401] {strides = array<i32>} : memref<1x64x256xf32, #tpu.memory_space<vmem>>, vector<16xf32>,
            tpu.vector_store %arg17[%parallel_loop3A_399, %parallel_loop3A_400, %parallel_loop3A_401], %parallel_loop3A_397 {strides = array<i32>} : memref<1x64x256xf32, #tpu.memory_space<vmem>>, vector<16xf32>,
            %parallel_loop3A_403 = arith.constant 0 : i32
            %parallel_loop3A_404 = arith.index_cast %parallel_loop3A_403 : i32 to index
            %parallel_loop3A_405 = arith.index_cast %parallel_loop3A_336 : i32 to index
            %parallel_loop3A_406 = arith.constant 96 : index
            %parallel_loop3A_407 = tpu.vector_load %arg16[%parallel_loop3A_404, %parallel_loop3A_405, %parallel_loop3A_406] {strides = array<i32>} : memref<1x64x256xf32, #tpu.memory_space<vmem>>, vector<16xf32>,
            %parallel_loop3A_408 = arith.mulf %parallel_loop3A_407, %gather3A_319 : vector<16xf32>
            %parallel_loop3A_409 = arith.constant 0 : i32
            %parallel_loop3A_410 = arith.index_cast %parallel_loop3A_409 : i32 to index
            %parallel_loop3A_411 = arith.index_cast %parallel_loop3A_336 : i32 to index
            %parallel_loop3A_412 = arith.constant 96 : index
            %parallel_loop3A_413 = tpu.vector_load %arg17[%parallel_loop3A_410, %parallel_loop3A_411, %parallel_loop3A_412] {strides = array<i32>} : memref<1x64x256xf32, #tpu.memory_space<vmem>>, vector<16xf32>,
            tpu.vector_store %arg17[%parallel_loop3A_410, %parallel_loop3A_411, %parallel_loop3A_412], %parallel_loop3A_408 {strides = array<i32>} : memref<1x64x256xf32, #tpu.memory_space<vmem>>, vector<16xf32>,
            %parallel_loop3A_414 = arith.constant 0 : i32
            %parallel_loop3A_415 = arith.index_cast %parallel_loop3A_414 : i32 to index
            %parallel_loop3A_416 = arith.index_cast %parallel_loop3A_336 : i32 to index
            %parallel_loop3A_417 = arith.constant 112 : index
            %parallel_loop3A_418 = tpu.vector_load %arg16[%parallel_loop3A_415, %parallel_loop3A_416, %parallel_loop3A_417] {strides = array<i32>} : memref<1x64x256xf32, #tpu.memory_space<vmem>>, vector<16xf32>,
            %parallel_loop3A_419 = arith.mulf %parallel_loop3A_418, %gather3A_319 : vector<16xf32>
            %parallel_loop3A_420 = arith.constant 0 : i32
            %parallel_loop3A_421 = arith.index_cast %parallel_loop3A_420 : i32 to index
            %parallel_loop3A_422 = arith.index_cast %parallel_loop3A_336 : i32 to index
            %parallel_loop3A_423 = arith.constant 112 : index
            %parallel_loop3A_424 = tpu.vector_load %arg17[%parallel_loop3A_421, %parallel_loop3A_422, %parallel_loop3A_423] {strides = array<i32>} : memref<1x64x256xf32, #tpu.memory_space<vmem>>, vector<16xf32>,
            tpu.vector_store %arg17[%parallel_loop3A_421, %parallel_loop3A_422, %parallel_loop3A_423], %parallel_loop3A_419 {strides = array<i32>} : memref<1x64x256xf32, #tpu.memory_space<vmem>>, vector<16xf32>,
            %parallel_loop3A_425 = arith.constant 0 : i32
            %parallel_loop3A_426 = arith.index_cast %parallel_loop3A_425 : i32 to index
            %parallel_loop3A_427 = arith.index_cast %parallel_loop3A_336 : i32 to index
            %parallel_loop3A_428 = arith.constant 128 : index
            %parallel_loop3A_429 = tpu.vector_load %arg16[%parallel_loop3A_426, %parallel_loop3A_427, %parallel_loop3A_428] {strides = array<i32>} : memref<1x64x256xf32, #tpu.memory_space<vmem>>, vector<16xf32>,
            %parallel_loop3A_430 = arith.mulf %parallel_loop3A_429, %gather3A_319 : vector<16xf32>
            %parallel_loop3A_431 = arith.constant 0 : i32
            %parallel_loop3A_432 = arith.index_cast %parallel_loop3A_431 : i32 to index
            %parallel_loop3A_433 = arith.index_cast %parallel_loop3A_336 : i32 to index
            %parallel_loop3A_434 = arith.constant 128 : index
            %parallel_loop3A_435 = tpu.vector_load %arg17[%parallel_loop3A_432, %parallel_loop3A_433, %parallel_loop3A_434] {strides = array<i32>} : memref<1x64x256xf32, #tpu.memory_space<vmem>>, vector<16xf32>,
            tpu.vector_store %arg17[%parallel_loop3A_432, %parallel_loop3A_433, %parallel_loop3A_434], %parallel_loop3A_430 {strides = array<i32>} : memref<1x64x256xf32, #tpu.memory_space<vmem>>, vector<16xf32>,
            %parallel_loop3A_436 = arith.constant 0 : i32
            %parallel_loop3A_437 = arith.index_cast %parallel_loop3A_436 : i32 to index
            %parallel_loop3A_438 = arith.index_cast %parallel_loop3A_336 : i32 to index
            %parallel_loop3A_439 = arith.constant 144 : index
            %parallel_loop3A_440 = tpu.vector_load %arg16[%parallel_loop3A_437, %parallel_loop3A_438, %parallel_loop3A_439] {strides = array<i32>} : memref<1x64x256xf32, #tpu.memory_space<vmem>>, vector<16xf32>,
            %parallel_loop3A_441 = arith.mulf %parallel_loop3A_440, %gather3A_319 : vector<16xf32>
            %parallel_loop3A_442 = arith.constant 0 : i32
            %parallel_loop3A_443 = arith.index_cast %parallel_loop3A_442 : i32 to index
            %parallel_loop3A_444 = arith.index_cast %parallel_loop3A_336 : i32 to index
            %parallel_loop3A_445 = arith.constant 144 : index
            %parallel_loop3A_446 = tpu.vector_load %arg17[%parallel_loop3A_443, %parallel_loop3A_444, %parallel_loop3A_445] {strides = array<i32>} : memref<1x64x256xf32, #tpu.memory_space<vmem>>, vector<16xf32>,
            tpu.vector_store %arg17[%parallel_loop3A_443, %parallel_loop3A_444, %parallel_loop3A_445], %parallel_loop3A_441 {strides = array<i32>} : memref<1x64x256xf32, #tpu.memory_space<vmem>>, vector<16xf32>,
            %parallel_loop3A_447 = arith.constant 0 : i32
            %parallel_loop3A_448 = arith.index_cast %parallel_loop3A_447 : i32 to index
            %parallel_loop3A_449 = arith.index_cast %parallel_loop3A_336 : i32 to index
            %parallel_loop3A_450 = arith.constant 160 : index
            %parallel_loop3A_451 = tpu.vector_load %arg16[%parallel_loop3A_448, %parallel_loop3A_449, %parallel_loop3A_450] {strides = array<i32>} : memref<1x64x256xf32, #tpu.memory_space<vmem>>, vector<16xf32>,
            %parallel_loop3A_452 = arith.mulf %parallel_loop3A_451, %gather3A_319 : vector<16xf32>
            %parallel_loop3A_453 = arith.constant 0 : i32
            %parallel_loop3A_454 = arith.index_cast %parallel_loop3A_453 : i32 to index
            %parallel_loop3A_455 = arith.index_cast %parallel_loop3A_336 : i32 to index
            %parallel_loop3A_456 = arith.constant 160 : index
            %parallel_loop3A_457 = tpu.vector_load %arg17[%parallel_loop3A_454, %parallel_loop3A_455, %parallel_loop3A_456] {strides = array<i32>} : memref<1x64x256xf32, #tpu.memory_space<vmem>>, vector<16xf32>,
            tpu.vector_store %arg17[%parallel_loop3A_454, %parallel_loop3A_455, %parallel_loop3A_456], %parallel_loop3A_452 {strides = array<i32>} : memref<1x64x256xf32, #tpu.memory_space<vmem>>, vector<16xf32>,
            %parallel_loop3A_458 = arith.constant 0 : i32
            %parallel_loop3A_459 = arith.index_cast %parallel_loop3A_458 : i32 to index
            %parallel_loop3A_460 = arith.index_cast %parallel_loop3A_336 : i32 to index
            %parallel_loop3A_461 = arith.constant 176 : index
            %parallel_loop3A_462 = tpu.vector_load %arg16[%parallel_loop3A_459, %parallel_loop3A_460, %parallel_loop3A_461] {strides = array<i32>} : memref<1x64x256xf32, #tpu.memory_space<vmem>>, vector<16xf32>,
            %parallel_loop3A_463 = arith.mulf %parallel_loop3A_462, %gather3A_319 : vector<16xf32>
            %parallel_loop3A_464 = arith.constant 0 : i32
            %parallel_loop3A_465 = arith.index_cast %parallel_loop3A_464 : i32 to index
            %parallel_loop3A_466 = arith.index_cast %parallel_loop3A_336 : i32 to index
            %parallel_loop3A_467 = arith.constant 176 : index
            %parallel_loop3A_468 = tpu.vector_load %arg17[%parallel_loop3A_465, %parallel_loop3A_466, %parallel_loop3A_467] {strides = array<i32>} : memref<1x64x256xf32, #tpu.memory_space<vmem>>, vector<16xf32>,
            tpu.vector_store %arg17[%parallel_loop3A_465, %parallel_loop3A_466, %parallel_loop3A_467], %parallel_loop3A_463 {strides = array<i32>} : memref<1x64x256xf32, #tpu.memory_space<vmem>>, vector<16xf32>,
            %parallel_loop3A_469 = arith.constant 0 : i32
            %parallel_loop3A_470 = arith.index_cast %parallel_loop3A_469 : i32 to index
            %parallel_loop3A_471 = arith.index_cast %parallel_loop3A_336 : i32 to index
            %parallel_loop3A_472 = arith.constant 192 : index
            %parallel_loop3A_473 = tpu.vector_load %arg16[%parallel_loop3A_470, %parallel_loop3A_471, %parallel_loop3A_472] {strides = array<i32>} : memref<1x64x256xf32, #tpu.memory_space<vmem>>, vector<16xf32>,
            %parallel_loop3A_474 = arith.mulf %parallel_loop3A_473, %gather3A_319 : vector<16xf32>
            %parallel_loop3A_475 = arith.constant 0 : i32
            %parallel_loop3A_476 = arith.index_cast %parallel_loop3A_475 : i32 to index
            %parallel_loop3A_477 = arith.index_cast %parallel_loop3A_336 : i32 to index
            %parallel_loop3A_478 = arith.constant 192 : index
            %parallel_loop3A_479 = tpu.vector_load %arg17[%parallel_loop3A_476, %parallel_loop3A_477, %parallel_loop3A_478] {strides = array<i32>} : memref<1x64x256xf32, #tpu.memory_space<vmem>>, vector<16xf32>,
            tpu.vector_store %arg17[%parallel_loop3A_476, %parallel_loop3A_477, %parallel_loop3A_478], %parallel_loop3A_474 {strides = array<i32>} : memref<1x64x256xf32, #tpu.memory_space<vmem>>, vector<16xf32>,
            %parallel_loop3A_480 = arith.constant 0 : i32
            %parallel_loop3A_481 = arith.index_cast %parallel_loop3A_480 : i32 to index
            %parallel_loop3A_482 = arith.index_cast %parallel_loop3A_336 : i32 to index
            %parallel_loop3A_483 = arith.constant 208 : index
            %parallel_loop3A_484 = tpu.vector_load %arg16[%parallel_loop3A_481, %parallel_loop3A_482, %parallel_loop3A_483] {strides = array<i32>} : memref<1x64x256xf32, #tpu.memory_space<vmem>>, vector<16xf32>,
            %parallel_loop3A_485 = arith.mulf %parallel_loop3A_484, %gather3A_319 : vector<16xf32>
            %parallel_loop3A_486 = arith.constant 0 : i32
            %parallel_loop3A_487 = arith.index_cast %parallel_loop3A_486 : i32 to index
            %parallel_loop3A_488 = arith.index_cast %parallel_loop3A_336 : i32 to index
            %parallel_loop3A_489 = arith.constant 208 : index
            %parallel_loop3A_490 = tpu.vector_load %arg17[%parallel_loop3A_487, %parallel_loop3A_488, %parallel_loop3A_489] {strides = array<i32>} : memref<1x64x256xf32, #tpu.memory_space<vmem>>, vector<16xf32>,
            tpu.vector_store %arg17[%parallel_loop3A_487, %parallel_loop3A_488, %parallel_loop3A_489], %parallel_loop3A_485 {strides = array<i32>} : memref<1x64x256xf32, #tpu.memory_space<vmem>>, vector<16xf32>,
            %parallel_loop3A_491 = arith.constant 0 : i32
            %parallel_loop3A_492 = arith.index_cast %parallel_loop3A_491 : i32 to index
            %parallel_loop3A_493 = arith.index_cast %parallel_loop3A_336 : i32 to index
            %parallel_loop3A_494 = arith.constant 224 : index
            %parallel_loop3A_495 = tpu.vector_load %arg16[%parallel_loop3A_492, %parallel_loop3A_493, %parallel_loop3A_494] {strides = array<i32>} : memref<1x64x256xf32, #tpu.memory_space<vmem>>, vector<16xf32>,
            %parallel_loop3A_496 = arith.mulf %parallel_loop3A_495, %gather3A_319 : vector<16xf32>
            %parallel_loop3A_497 = arith.constant 0 : i32
            %parallel_loop3A_498 = arith.index_cast %parallel_loop3A_497 : i32 to index
            %parallel_loop3A_499 = arith.index_cast %parallel_loop3A_336 : i32 to index
            %parallel_loop3A_500 = arith.constant 224 : index
            %parallel_loop3A_501 = tpu.vector_load %arg17[%parallel_loop3A_498, %parallel_loop3A_499, %parallel_loop3A_500] {strides = array<i32>} : memref<1x64x256xf32, #tpu.memory_space<vmem>>, vector<16xf32>,
            tpu.vector_store %arg17[%parallel_loop3A_498, %parallel_loop3A_499, %parallel_loop3A_500], %parallel_loop3A_496 {strides = array<i32>} : memref<1x64x256xf32, #tpu.memory_space<vmem>>, vector<16xf32>,
            %parallel_loop3A_502 = arith.constant 0 : i32
            %parallel_loop3A_503 = arith.index_cast %parallel_loop3A_502 : i32 to index
            %parallel_loop3A_504 = arith.index_cast %parallel_loop3A_336 : i32 to index
            %parallel_loop3A_505 = arith.constant 240 : index
            %parallel_loop3A_506 = tpu.vector_load %arg16[%parallel_loop3A_503, %parallel_loop3A_504, %parallel_loop3A_505] {strides = array<i32>} : memref<1x64x256xf32, #tpu.memory_space<vmem>>, vector<16xf32>,
            %parallel_loop3A_507 = arith.mulf %parallel_loop3A_506, %gather3A_319 : vector<16xf32>
            %parallel_loop3A_508 = arith.constant 0 : i32
            %parallel_loop3A_509 = arith.index_cast %parallel_loop3A_508 : i32 to index
            %parallel_loop3A_510 = arith.index_cast %parallel_loop3A_336 : i32 to index
            %parallel_loop3A_511 = arith.constant 240 : index
            %parallel_loop3A_512 = tpu.vector_load %arg17[%parallel_loop3A_509, %parallel_loop3A_510, %parallel_loop3A_511] {strides = array<i32>} : memref<1x64x256xf32, #tpu.memory_space<vmem>>, vector<16xf32>,
            tpu.vector_store %arg17[%parallel_loop3A_509, %parallel_loop3A_510, %parallel_loop3A_511], %parallel_loop3A_507 {strides = array<i32>} : memref<1x64x256xf32, #tpu.memory_space<vmem>>, vector<16xf32>,
          } {sc.loop_unroll_factor = 1 : i64, sc.parallel_access}
          %dma_start3A = arith.constant 0 : i32
          %dma_start3A_329 = arith.constant 0 : i32
          %dma_start3A_330 = tpu.memref_slice %arg14[%dma_start3A, %dma_start3A_329] : memref<2x1xi32, #tpu.memory_space<vmem>> -> memref<1x1xi32, #tpu.memory_space<vmem>>
          %dma_start3A_331 = tpu.memref_squeeze %dma_start3A_330 : memref<1x1xi32, #tpu.memory_space<vmem>> -> memref<1xi32, #tpu.memory_space<vmem>>
          %dma_start3A_332 = arith.constant 0 : i32
          %dma_start3A_333 = arith.constant 0 : i32
          %dma_start3A_334 = arith.constant 0 : i32
          %dma_start3A_335 = tpu.memref_slice %arg5[%dma_start3A_332, %dma_start3A_333, %dma_start3A_334] : memref<2048x64x256xf32, #tpu.memory_space<hbm>> -> memref<2048x64x256xf32, #tpu.memory_space<hbm>>
          tpu.enqueue_indirect_dma source(%arg17 : memref<1x64x256xf32, #tpu.memory_space<vmem>>) target(%dma_start3A_335 : memref<2048x64x256xf32, #tpu.memory_space<hbm>>) offsets(%dma_start3A_331 : memref<1xi32, #tpu.memory_space<vmem>>) semaphore(%arg24 : memref<!tpu.dma_semaphore, #tpu.memory_space<semaphore_mem>>)
        } else {
        }
        %jit3A_296 = arith.constant 1 : i32
        %jit3A_297 = arith.constant 0 : i32
        %select_n3A_298 = arith.select %lt3A_292, %jit3A_296, %jit3A_297 : i32
        %add3A_299 = arith.addi %while3A_286, %select_n3A_298 : i32
        %mul3A_300 = arith.constant 2 : i32
        %mul3A_301 = arith.muli %while3A_285, %mul3A_300 : i32
        %add3A_302 = arith.constant 1 : i32
        %add3A_303 = arith.addi %mul3A_301, %add3A_302 : i32
        %lt3A_304 = arith.cmpi slt, %add3A_303, %select_n3A_239 : i32
        %convert_element_type3A_305 = arith.extui %lt3A_304 : i1 to i32
        %cond3A_306 = arith.constant 0 : i32
        %cond3A_307 = arith.cmpi ne, %convert_element_type3A_305, %cond3A_306 : i32
        scf.if %cond3A_307 {
          %gt3A_312 = arith.constant 0 : i32
          %gt3A_313 = arith.cmpi sgt, %while3A_287, %gt3A_312 : i32
          %convert_element_type3A_314 = arith.extui %gt3A_313 : i1 to i32
          %cond3A_315 = arith.constant 0 : i32
          %cond3A_316 = arith.cmpi ne, %convert_element_type3A_314, %cond3A_315 : i32
          scf.if %cond3A_316 {
            %dma_wait3A = arith.constant 0 : i32
            %dma_wait3A_336 = arith.constant 0 : i32
            %dma_wait3A_337 = arith.constant 0 : i32
            %dma_wait3A_338 = tpu.memref_slice %arg5[%dma_wait3A, %dma_wait3A_336, %dma_wait3A_337] : memref<2048x64x256xf32, #tpu.memory_space<hbm>> -> memref<1x64x256xf32, #tpu.memory_space<hbm>>
            %dma_wait3A_339 = arith.constant 0 : i32
            %dma_wait3A_340 = arith.constant 0 : i32
            %dma_wait3A_341 = arith.constant 0 : i32
            %dma_wait3A_342 = tpu.memref_slice %arg5[%dma_wait3A_339, %dma_wait3A_340, %dma_wait3A_341] : memref<2048x64x256xf32, #tpu.memory_space<hbm>> -> memref<1x64x256xf32, #tpu.memory_space<hbm>>
            tpu.wait_dma2 semaphore(%arg25 : memref<!tpu.dma_semaphore, #tpu.memory_space<semaphore_mem>>) src(%arg18 : memref<1x64x256xf32, #tpu.memory_space<vmem>>) dst(%dma_wait3A_342 : memref<1x64x256xf32, #tpu.memory_space<hbm>>)
          } else {
          }
          %add3A_317 = vector.broadcast %add3A_303 : i32 to vector<16xi32>
          %add3A_318 = arith.addi %broadcast_in_dim3A_67, %add3A_317 : vector<16xi32>
          %gather3A = tpu.vector_load_idx %arg11[%add3A_318] : memref<512xi32, #tpu.memory_space<vmem>>[vector<16xi32>], vector<16xi32>,
          %gather3A_319 = tpu.vector_load_idx %arg7[%gather3A] : memref<512xf32, #tpu.memory_space<vmem>>[vector<16xi32>], vector<16xf32>,
          %mul3A_320 = arith.constant 512 : i32
          %mul3A_321 = arith.muli %add3A, %mul3A_320 : i32
          %add3A_322 = vector.broadcast %mul3A_321 : i32 to vector<16xi32>
          %add3A_323 = arith.addi %gather3A, %add3A_322 : vector<16xi32>
          %add3A_324 = arith.constant 1 : i32
          %add3A_325 = vector.broadcast %add3A_324 : i32 to vector<16xi32>
          %add3A_326 = arith.addi %broadcast_in_dim3A_67, %add3A_325 : vector<16xi32>
          tpu.vector_store_idx %arg14[%add3A_326, %broadcast_in_dim3A_67], %add3A_323 masked %eq3A_66 : memref<2x1xi32, #tpu.memory_space<vmem>>[vector<16xi32>, vector<16xi32>], vector<16xi32>, vector<16xi1>
          %parallel_loop3A = arith.constant 0 : i32
          %parallel_loop3A_327 = arith.constant 64 : i32
          %parallel_loop3A_328 = arith.constant 1 : i32
          scf.for %parallel_loop3A_336 = %parallel_loop3A to %parallel_loop3A_327 step %parallel_loop3A_328  : i32 {
            %parallel_loop3A_337 = arith.constant 0 : i32
            %parallel_loop3A_338 = arith.index_cast %parallel_loop3A_337 : i32 to index
            %parallel_loop3A_339 = arith.index_cast %parallel_loop3A_336 : i32 to index
            %parallel_loop3A_340 = arith.constant 0 : index
            %parallel_loop3A_341 = tpu.vector_load %arg16[%parallel_loop3A_338, %parallel_loop3A_339, %parallel_loop3A_340] {strides = array<i32>} : memref<1x64x256xf32, #tpu.memory_space<vmem>>, vector<16xf32>,
            %parallel_loop3A_342 = arith.mulf %parallel_loop3A_341, %gather3A_319 : vector<16xf32>
            %parallel_loop3A_343 = arith.constant 0 : i32
            %parallel_loop3A_344 = arith.index_cast %parallel_loop3A_343 : i32 to index
            %parallel_loop3A_345 = arith.index_cast %parallel_loop3A_336 : i32 to index
            %parallel_loop3A_346 = arith.constant 0 : index
            %parallel_loop3A_347 = tpu.vector_load %arg18[%parallel_loop3A_344, %parallel_loop3A_345, %parallel_loop3A_346] {strides = array<i32>} : memref<1x64x256xf32, #tpu.memory_space<vmem>>, vector<16xf32>,
            tpu.vector_store %arg18[%parallel_loop3A_344, %parallel_loop3A_345, %parallel_loop3A_346], %parallel_loop3A_342 {strides = array<i32>} : memref<1x64x256xf32, #tpu.memory_space<vmem>>, vector<16xf32>,
            %parallel_loop3A_348 = arith.constant 0 : i32
            %parallel_loop3A_349 = arith.index_cast %parallel_loop3A_348 : i32 to index
            %parallel_loop3A_350 = arith.index_cast %parallel_loop3A_336 : i32 to index
            %parallel_loop3A_351 = arith.constant 16 : index
            %parallel_loop3A_352 = tpu.vector_load %arg16[%parallel_loop3A_349, %parallel_loop3A_350, %parallel_loop3A_351] {strides = array<i32>} : memref<1x64x256xf32, #tpu.memory_space<vmem>>, vector<16xf32>,
            %parallel_loop3A_353 = arith.mulf %parallel_loop3A_352, %gather3A_319 : vector<16xf32>
            %parallel_loop3A_354 = arith.constant 0 : i32
            %parallel_loop3A_355 = arith.index_cast %parallel_loop3A_354 : i32 to index
            %parallel_loop3A_356 = arith.index_cast %parallel_loop3A_336 : i32 to index
            %parallel_loop3A_357 = arith.constant 16 : index
            %parallel_loop3A_358 = tpu.vector_load %arg18[%parallel_loop3A_355, %parallel_loop3A_356, %parallel_loop3A_357] {strides = array<i32>} : memref<1x64x256xf32, #tpu.memory_space<vmem>>, vector<16xf32>,
            tpu.vector_store %arg18[%parallel_loop3A_355, %parallel_loop3A_356, %parallel_loop3A_357], %parallel_loop3A_353 {strides = array<i32>} : memref<1x64x256xf32, #tpu.memory_space<vmem>>, vector<16xf32>,
            %parallel_loop3A_359 = arith.constant 0 : i32
            %parallel_loop3A_360 = arith.index_cast %parallel_loop3A_359 : i32 to index
            %parallel_loop3A_361 = arith.index_cast %parallel_loop3A_336 : i32 to index
            %parallel_loop3A_362 = arith.constant 32 : index
            %parallel_loop3A_363 = tpu.vector_load %arg16[%parallel_loop3A_360, %parallel_loop3A_361, %parallel_loop3A_362] {strides = array<i32>} : memref<1x64x256xf32, #tpu.memory_space<vmem>>, vector<16xf32>,
            %parallel_loop3A_364 = arith.mulf %parallel_loop3A_363, %gather3A_319 : vector<16xf32>
            %parallel_loop3A_365 = arith.constant 0 : i32
            %parallel_loop3A_366 = arith.index_cast %parallel_loop3A_365 : i32 to index
            %parallel_loop3A_367 = arith.index_cast %parallel_loop3A_336 : i32 to index
            %parallel_loop3A_368 = arith.constant 32 : index
            %parallel_loop3A_369 = tpu.vector_load %arg18[%parallel_loop3A_366, %parallel_loop3A_367, %parallel_loop3A_368] {strides = array<i32>} : memref<1x64x256xf32, #tpu.memory_space<vmem>>, vector<16xf32>,
            tpu.vector_store %arg18[%parallel_loop3A_366, %parallel_loop3A_367, %parallel_loop3A_368], %parallel_loop3A_364 {strides = array<i32>} : memref<1x64x256xf32, #tpu.memory_space<vmem>>, vector<16xf32>,
            %parallel_loop3A_370 = arith.constant 0 : i32
            %parallel_loop3A_371 = arith.index_cast %parallel_loop3A_370 : i32 to index
            %parallel_loop3A_372 = arith.index_cast %parallel_loop3A_336 : i32 to index
            %parallel_loop3A_373 = arith.constant 48 : index
            %parallel_loop3A_374 = tpu.vector_load %arg16[%parallel_loop3A_371, %parallel_loop3A_372, %parallel_loop3A_373] {strides = array<i32>} : memref<1x64x256xf32, #tpu.memory_space<vmem>>, vector<16xf32>,
            %parallel_loop3A_375 = arith.mulf %parallel_loop3A_374, %gather3A_319 : vector<16xf32>
            %parallel_loop3A_376 = arith.constant 0 : i32
            %parallel_loop3A_377 = arith.index_cast %parallel_loop3A_376 : i32 to index
            %parallel_loop3A_378 = arith.index_cast %parallel_loop3A_336 : i32 to index
            %parallel_loop3A_379 = arith.constant 48 : index
            %parallel_loop3A_380 = tpu.vector_load %arg18[%parallel_loop3A_377, %parallel_loop3A_378, %parallel_loop3A_379] {strides = array<i32>} : memref<1x64x256xf32, #tpu.memory_space<vmem>>, vector<16xf32>,
            tpu.vector_store %arg18[%parallel_loop3A_377, %parallel_loop3A_378, %parallel_loop3A_379], %parallel_loop3A_375 {strides = array<i32>} : memref<1x64x256xf32, #tpu.memory_space<vmem>>, vector<16xf32>,
            %parallel_loop3A_381 = arith.constant 0 : i32
            %parallel_loop3A_382 = arith.index_cast %parallel_loop3A_381 : i32 to index
            %parallel_loop3A_383 = arith.index_cast %parallel_loop3A_336 : i32 to index
            %parallel_loop3A_384 = arith.constant 64 : index
            %parallel_loop3A_385 = tpu.vector_load %arg16[%parallel_loop3A_382, %parallel_loop3A_383, %parallel_loop3A_384] {strides = array<i32>} : memref<1x64x256xf32, #tpu.memory_space<vmem>>, vector<16xf32>,
            %parallel_loop3A_386 = arith.mulf %parallel_loop3A_385, %gather3A_319 : vector<16xf32>
            %parallel_loop3A_387 = arith.constant 0 : i32
            %parallel_loop3A_388 = arith.index_cast %parallel_loop3A_387 : i32 to index
            %parallel_loop3A_389 = arith.index_cast %parallel_loop3A_336 : i32 to index
            %parallel_loop3A_390 = arith.constant 64 : index
            %parallel_loop3A_391 = tpu.vector_load %arg18[%parallel_loop3A_388, %parallel_loop3A_389, %parallel_loop3A_390] {strides = array<i32>} : memref<1x64x256xf32, #tpu.memory_space<vmem>>, vector<16xf32>,
            tpu.vector_store %arg18[%parallel_loop3A_388, %parallel_loop3A_389, %parallel_loop3A_390], %parallel_loop3A_386 {strides = array<i32>} : memref<1x64x256xf32, #tpu.memory_space<vmem>>, vector<16xf32>,
            %parallel_loop3A_392 = arith.constant 0 : i32
            %parallel_loop3A_393 = arith.index_cast %parallel_loop3A_392 : i32 to index
            %parallel_loop3A_394 = arith.index_cast %parallel_loop3A_336 : i32 to index
            %parallel_loop3A_395 = arith.constant 80 : index
            %parallel_loop3A_396 = tpu.vector_load %arg16[%parallel_loop3A_393, %parallel_loop3A_394, %parallel_loop3A_395] {strides = array<i32>} : memref<1x64x256xf32, #tpu.memory_space<vmem>>, vector<16xf32>,
            %parallel_loop3A_397 = arith.mulf %parallel_loop3A_396, %gather3A_319 : vector<16xf32>
            %parallel_loop3A_398 = arith.constant 0 : i32
            %parallel_loop3A_399 = arith.index_cast %parallel_loop3A_398 : i32 to index
            %parallel_loop3A_400 = arith.index_cast %parallel_loop3A_336 : i32 to index
            %parallel_loop3A_401 = arith.constant 80 : index
            %parallel_loop3A_402 = tpu.vector_load %arg18[%parallel_loop3A_399, %parallel_loop3A_400, %parallel_loop3A_401] {strides = array<i32>} : memref<1x64x256xf32, #tpu.memory_space<vmem>>, vector<16xf32>,
            tpu.vector_store %arg18[%parallel_loop3A_399, %parallel_loop3A_400, %parallel_loop3A_401], %parallel_loop3A_397 {strides = array<i32>} : memref<1x64x256xf32, #tpu.memory_space<vmem>>, vector<16xf32>,
            %parallel_loop3A_403 = arith.constant 0 : i32
            %parallel_loop3A_404 = arith.index_cast %parallel_loop3A_403 : i32 to index
            %parallel_loop3A_405 = arith.index_cast %parallel_loop3A_336 : i32 to index
            %parallel_loop3A_406 = arith.constant 96 : index
            %parallel_loop3A_407 = tpu.vector_load %arg16[%parallel_loop3A_404, %parallel_loop3A_405, %parallel_loop3A_406] {strides = array<i32>} : memref<1x64x256xf32, #tpu.memory_space<vmem>>, vector<16xf32>,
            %parallel_loop3A_408 = arith.mulf %parallel_loop3A_407, %gather3A_319 : vector<16xf32>
            %parallel_loop3A_409 = arith.constant 0 : i32
            %parallel_loop3A_410 = arith.index_cast %parallel_loop3A_409 : i32 to index
            %parallel_loop3A_411 = arith.index_cast %parallel_loop3A_336 : i32 to index
            %parallel_loop3A_412 = arith.constant 96 : index
            %parallel_loop3A_413 = tpu.vector_load %arg18[%parallel_loop3A_410, %parallel_loop3A_411, %parallel_loop3A_412] {strides = array<i32>} : memref<1x64x256xf32, #tpu.memory_space<vmem>>, vector<16xf32>,
            tpu.vector_store %arg18[%parallel_loop3A_410, %parallel_loop3A_411, %parallel_loop3A_412], %parallel_loop3A_408 {strides = array<i32>} : memref<1x64x256xf32, #tpu.memory_space<vmem>>, vector<16xf32>,
            %parallel_loop3A_414 = arith.constant 0 : i32
            %parallel_loop3A_415 = arith.index_cast %parallel_loop3A_414 : i32 to index
            %parallel_loop3A_416 = arith.index_cast %parallel_loop3A_336 : i32 to index
            %parallel_loop3A_417 = arith.constant 112 : index
            %parallel_loop3A_418 = tpu.vector_load %arg16[%parallel_loop3A_415, %parallel_loop3A_416, %parallel_loop3A_417] {strides = array<i32>} : memref<1x64x256xf32, #tpu.memory_space<vmem>>, vector<16xf32>,
            %parallel_loop3A_419 = arith.mulf %parallel_loop3A_418, %gather3A_319 : vector<16xf32>
            %parallel_loop3A_420 = arith.constant 0 : i32
            %parallel_loop3A_421 = arith.index_cast %parallel_loop3A_420 : i32 to index
            %parallel_loop3A_422 = arith.index_cast %parallel_loop3A_336 : i32 to index
            %parallel_loop3A_423 = arith.constant 112 : index
            %parallel_loop3A_424 = tpu.vector_load %arg18[%parallel_loop3A_421, %parallel_loop3A_422, %parallel_loop3A_423] {strides = array<i32>} : memref<1x64x256xf32, #tpu.memory_space<vmem>>, vector<16xf32>,
            tpu.vector_store %arg18[%parallel_loop3A_421, %parallel_loop3A_422, %parallel_loop3A_423], %parallel_loop3A_419 {strides = array<i32>} : memref<1x64x256xf32, #tpu.memory_space<vmem>>, vector<16xf32>,
            %parallel_loop3A_425 = arith.constant 0 : i32
            %parallel_loop3A_426 = arith.index_cast %parallel_loop3A_425 : i32 to index
            %parallel_loop3A_427 = arith.index_cast %parallel_loop3A_336 : i32 to index
            %parallel_loop3A_428 = arith.constant 128 : index
            %parallel_loop3A_429 = tpu.vector_load %arg16[%parallel_loop3A_426, %parallel_loop3A_427, %parallel_loop3A_428] {strides = array<i32>} : memref<1x64x256xf32, #tpu.memory_space<vmem>>, vector<16xf32>,
            %parallel_loop3A_430 = arith.mulf %parallel_loop3A_429, %gather3A_319 : vector<16xf32>
            %parallel_loop3A_431 = arith.constant 0 : i32
            %parallel_loop3A_432 = arith.index_cast %parallel_loop3A_431 : i32 to index
            %parallel_loop3A_433 = arith.index_cast %parallel_loop3A_336 : i32 to index
            %parallel_loop3A_434 = arith.constant 128 : index
            %parallel_loop3A_435 = tpu.vector_load %arg18[%parallel_loop3A_432, %parallel_loop3A_433, %parallel_loop3A_434] {strides = array<i32>} : memref<1x64x256xf32, #tpu.memory_space<vmem>>, vector<16xf32>,
            tpu.vector_store %arg18[%parallel_loop3A_432, %parallel_loop3A_433, %parallel_loop3A_434], %parallel_loop3A_430 {strides = array<i32>} : memref<1x64x256xf32, #tpu.memory_space<vmem>>, vector<16xf32>,
            %parallel_loop3A_436 = arith.constant 0 : i32
            %parallel_loop3A_437 = arith.index_cast %parallel_loop3A_436 : i32 to index
            %parallel_loop3A_438 = arith.index_cast %parallel_loop3A_336 : i32 to index
            %parallel_loop3A_439 = arith.constant 144 : index
            %parallel_loop3A_440 = tpu.vector_load %arg16[%parallel_loop3A_437, %parallel_loop3A_438, %parallel_loop3A_439] {strides = array<i32>} : memref<1x64x256xf32, #tpu.memory_space<vmem>>, vector<16xf32>,
            %parallel_loop3A_441 = arith.mulf %parallel_loop3A_440, %gather3A_319 : vector<16xf32>
            %parallel_loop3A_442 = arith.constant 0 : i32
            %parallel_loop3A_443 = arith.index_cast %parallel_loop3A_442 : i32 to index
            %parallel_loop3A_444 = arith.index_cast %parallel_loop3A_336 : i32 to index
            %parallel_loop3A_445 = arith.constant 144 : index
            %parallel_loop3A_446 = tpu.vector_load %arg18[%parallel_loop3A_443, %parallel_loop3A_444, %parallel_loop3A_445] {strides = array<i32>} : memref<1x64x256xf32, #tpu.memory_space<vmem>>, vector<16xf32>,
            tpu.vector_store %arg18[%parallel_loop3A_443, %parallel_loop3A_444, %parallel_loop3A_445], %parallel_loop3A_441 {strides = array<i32>} : memref<1x64x256xf32, #tpu.memory_space<vmem>>, vector<16xf32>,
            %parallel_loop3A_447 = arith.constant 0 : i32
            %parallel_loop3A_448 = arith.index_cast %parallel_loop3A_447 : i32 to index
            %parallel_loop3A_449 = arith.index_cast %parallel_loop3A_336 : i32 to index
            %parallel_loop3A_450 = arith.constant 160 : index
            %parallel_loop3A_451 = tpu.vector_load %arg16[%parallel_loop3A_448, %parallel_loop3A_449, %parallel_loop3A_450] {strides = array<i32>} : memref<1x64x256xf32, #tpu.memory_space<vmem>>, vector<16xf32>,
            %parallel_loop3A_452 = arith.mulf %parallel_loop3A_451, %gather3A_319 : vector<16xf32>
            %parallel_loop3A_453 = arith.constant 0 : i32
            %parallel_loop3A_454 = arith.index_cast %parallel_loop3A_453 : i32 to index
            %parallel_loop3A_455 = arith.index_cast %parallel_loop3A_336 : i32 to index
            %parallel_loop3A_456 = arith.constant 160 : index
            %parallel_loop3A_457 = tpu.vector_load %arg18[%parallel_loop3A_454, %parallel_loop3A_455, %parallel_loop3A_456] {strides = array<i32>} : memref<1x64x256xf32, #tpu.memory_space<vmem>>, vector<16xf32>,
            tpu.vector_store %arg18[%parallel_loop3A_454, %parallel_loop3A_455, %parallel_loop3A_456], %parallel_loop3A_452 {strides = array<i32>} : memref<1x64x256xf32, #tpu.memory_space<vmem>>, vector<16xf32>,
            %parallel_loop3A_458 = arith.constant 0 : i32
            %parallel_loop3A_459 = arith.index_cast %parallel_loop3A_458 : i32 to index
            %parallel_loop3A_460 = arith.index_cast %parallel_loop3A_336 : i32 to index
            %parallel_loop3A_461 = arith.constant 176 : index
            %parallel_loop3A_462 = tpu.vector_load %arg16[%parallel_loop3A_459, %parallel_loop3A_460, %parallel_loop3A_461] {strides = array<i32>} : memref<1x64x256xf32, #tpu.memory_space<vmem>>, vector<16xf32>,
            %parallel_loop3A_463 = arith.mulf %parallel_loop3A_462, %gather3A_319 : vector<16xf32>
            %parallel_loop3A_464 = arith.constant 0 : i32
            %parallel_loop3A_465 = arith.index_cast %parallel_loop3A_464 : i32 to index
            %parallel_loop3A_466 = arith.index_cast %parallel_loop3A_336 : i32 to index
            %parallel_loop3A_467 = arith.constant 176 : index
            %parallel_loop3A_468 = tpu.vector_load %arg18[%parallel_loop3A_465, %parallel_loop3A_466, %parallel_loop3A_467] {strides = array<i32>} : memref<1x64x256xf32, #tpu.memory_space<vmem>>, vector<16xf32>,
            tpu.vector_store %arg18[%parallel_loop3A_465, %parallel_loop3A_466, %parallel_loop3A_467], %parallel_loop3A_463 {strides = array<i32>} : memref<1x64x256xf32, #tpu.memory_space<vmem>>, vector<16xf32>,
            %parallel_loop3A_469 = arith.constant 0 : i32
            %parallel_loop3A_470 = arith.index_cast %parallel_loop3A_469 : i32 to index
            %parallel_loop3A_471 = arith.index_cast %parallel_loop3A_336 : i32 to index
            %parallel_loop3A_472 = arith.constant 192 : index
            %parallel_loop3A_473 = tpu.vector_load %arg16[%parallel_loop3A_470, %parallel_loop3A_471, %parallel_loop3A_472] {strides = array<i32>} : memref<1x64x256xf32, #tpu.memory_space<vmem>>, vector<16xf32>,
            %parallel_loop3A_474 = arith.mulf %parallel_loop3A_473, %gather3A_319 : vector<16xf32>
            %parallel_loop3A_475 = arith.constant 0 : i32
            %parallel_loop3A_476 = arith.index_cast %parallel_loop3A_475 : i32 to index
            %parallel_loop3A_477 = arith.index_cast %parallel_loop3A_336 : i32 to index
            %parallel_loop3A_478 = arith.constant 192 : index
            %parallel_loop3A_479 = tpu.vector_load %arg18[%parallel_loop3A_476, %parallel_loop3A_477, %parallel_loop3A_478] {strides = array<i32>} : memref<1x64x256xf32, #tpu.memory_space<vmem>>, vector<16xf32>,
            tpu.vector_store %arg18[%parallel_loop3A_476, %parallel_loop3A_477, %parallel_loop3A_478], %parallel_loop3A_474 {strides = array<i32>} : memref<1x64x256xf32, #tpu.memory_space<vmem>>, vector<16xf32>,
            %parallel_loop3A_480 = arith.constant 0 : i32
            %parallel_loop3A_481 = arith.index_cast %parallel_loop3A_480 : i32 to index
            %parallel_loop3A_482 = arith.index_cast %parallel_loop3A_336 : i32 to index
            %parallel_loop3A_483 = arith.constant 208 : index
            %parallel_loop3A_484 = tpu.vector_load %arg16[%parallel_loop3A_481, %parallel_loop3A_482, %parallel_loop3A_483] {strides = array<i32>} : memref<1x64x256xf32, #tpu.memory_space<vmem>>, vector<16xf32>,
            %parallel_loop3A_485 = arith.mulf %parallel_loop3A_484, %gather3A_319 : vector<16xf32>
            %parallel_loop3A_486 = arith.constant 0 : i32
            %parallel_loop3A_487 = arith.index_cast %parallel_loop3A_486 : i32 to index
            %parallel_loop3A_488 = arith.index_cast %parallel_loop3A_336 : i32 to index
            %parallel_loop3A_489 = arith.constant 208 : index
            %parallel_loop3A_490 = tpu.vector_load %arg18[%parallel_loop3A_487, %parallel_loop3A_488, %parallel_loop3A_489] {strides = array<i32>} : memref<1x64x256xf32, #tpu.memory_space<vmem>>, vector<16xf32>,
            tpu.vector_store %arg18[%parallel_loop3A_487, %parallel_loop3A_488, %parallel_loop3A_489], %parallel_loop3A_485 {strides = array<i32>} : memref<1x64x256xf32, #tpu.memory_space<vmem>>, vector<16xf32>,
            %parallel_loop3A_491 = arith.constant 0 : i32
            %parallel_loop3A_492 = arith.index_cast %parallel_loop3A_491 : i32 to index
            %parallel_loop3A_493 = arith.index_cast %parallel_loop3A_336 : i32 to index
            %parallel_loop3A_494 = arith.constant 224 : index
            %parallel_loop3A_495 = tpu.vector_load %arg16[%parallel_loop3A_492, %parallel_loop3A_493, %parallel_loop3A_494] {strides = array<i32>} : memref<1x64x256xf32, #tpu.memory_space<vmem>>, vector<16xf32>,
            %parallel_loop3A_496 = arith.mulf %parallel_loop3A_495, %gather3A_319 : vector<16xf32>
            %parallel_loop3A_497 = arith.constant 0 : i32
            %parallel_loop3A_498 = arith.index_cast %parallel_loop3A_497 : i32 to index
            %parallel_loop3A_499 = arith.index_cast %parallel_loop3A_336 : i32 to index
            %parallel_loop3A_500 = arith.constant 224 : index
            %parallel_loop3A_501 = tpu.vector_load %arg18[%parallel_loop3A_498, %parallel_loop3A_499, %parallel_loop3A_500] {strides = array<i32>} : memref<1x64x256xf32, #tpu.memory_space<vmem>>, vector<16xf32>,
            tpu.vector_store %arg18[%parallel_loop3A_498, %parallel_loop3A_499, %parallel_loop3A_500], %parallel_loop3A_496 {strides = array<i32>} : memref<1x64x256xf32, #tpu.memory_space<vmem>>, vector<16xf32>,
            %parallel_loop3A_502 = arith.constant 0 : i32
            %parallel_loop3A_503 = arith.index_cast %parallel_loop3A_502 : i32 to index
            %parallel_loop3A_504 = arith.index_cast %parallel_loop3A_336 : i32 to index
            %parallel_loop3A_505 = arith.constant 240 : index
            %parallel_loop3A_506 = tpu.vector_load %arg16[%parallel_loop3A_503, %parallel_loop3A_504, %parallel_loop3A_505] {strides = array<i32>} : memref<1x64x256xf32, #tpu.memory_space<vmem>>, vector<16xf32>,
            %parallel_loop3A_507 = arith.mulf %parallel_loop3A_506, %gather3A_319 : vector<16xf32>
            %parallel_loop3A_508 = arith.constant 0 : i32
            %parallel_loop3A_509 = arith.index_cast %parallel_loop3A_508 : i32 to index
            %parallel_loop3A_510 = arith.index_cast %parallel_loop3A_336 : i32 to index
            %parallel_loop3A_511 = arith.constant 240 : index
            %parallel_loop3A_512 = tpu.vector_load %arg18[%parallel_loop3A_509, %parallel_loop3A_510, %parallel_loop3A_511] {strides = array<i32>} : memref<1x64x256xf32, #tpu.memory_space<vmem>>, vector<16xf32>,
            tpu.vector_store %arg18[%parallel_loop3A_509, %parallel_loop3A_510, %parallel_loop3A_511], %parallel_loop3A_507 {strides = array<i32>} : memref<1x64x256xf32, #tpu.memory_space<vmem>>, vector<16xf32>,
          } {sc.loop_unroll_factor = 1 : i64, sc.parallel_access}
          %dma_start3A = arith.constant 1 : i32
          %dma_start3A_329 = arith.constant 0 : i32
          %dma_start3A_330 = tpu.memref_slice %arg14[%dma_start3A, %dma_start3A_329] : memref<2x1xi32, #tpu.memory_space<vmem>> -> memref<1x1xi32, #tpu.memory_space<vmem>>
          %dma_start3A_331 = tpu.memref_squeeze %dma_start3A_330 : memref<1x1xi32, #tpu.memory_space<vmem>> -> memref<1xi32, #tpu.memory_space<vmem>>
          %dma_start3A_332 = arith.constant 0 : i32
          %dma_start3A_333 = arith.constant 0 : i32
          %dma_start3A_334 = arith.constant 0 : i32
          %dma_start3A_335 = tpu.memref_slice %arg5[%dma_start3A_332, %dma_start3A_333, %dma_start3A_334] : memref<2048x64x256xf32, #tpu.memory_space<hbm>> -> memref<2048x64x256xf32, #tpu.memory_space<hbm>>
          tpu.enqueue_indirect_dma source(%arg18 : memref<1x64x256xf32, #tpu.memory_space<vmem>>) target(%dma_start3A_335 : memref<2048x64x256xf32, #tpu.memory_space<hbm>>) offsets(%dma_start3A_331 : memref<1xi32, #tpu.memory_space<vmem>>) semaphore(%arg25 : memref<!tpu.dma_semaphore, #tpu.memory_space<semaphore_mem>>)
        } else {
        }
        %jit3A_308 = arith.constant 1 : i32
        %jit3A_309 = arith.constant 0 : i32
        %select_n3A_310 = arith.select %lt3A_304, %jit3A_308, %jit3A_309 : i32
        %add3A_311 = arith.addi %while3A_287, %select_n3A_310 : i32
        scf.yield %add3A_299, %add3A_311 : i32, i32
      }
      %sc_fetch_and_add3A_277 = arith.constant 1 : i32
      %sc_fetch_and_add3A_278 = arith.constant 0 : i32
      %sc_fetch_and_add3A_279 = tpu.fetch_and_add_sync %arg21[%sc_fetch_and_add3A_278], %sc_fetch_and_add3A_277, %mul3A_42 : memref<1xi32, #tpu.memory_space<smem>>, i32 -> i32
      %lt3A_280 = arith.constant 64 : i32
      %lt3A_281 = arith.cmpi slt, %sc_fetch_and_add3A_279, %lt3A_280 : i32
      %convert_element_type3A_282 = arith.extui %lt3A_281 : i1 to i32
      %cond3A_283 = arith.constant 0 : i32
      %cond3A_284 = arith.cmpi ne, %convert_element_type3A_282, %cond3A_283 : i32
      scf.if %cond3A_284 {
        %mul3A_285 = arith.constant 64 : i32
        %mul3A_286 = arith.muli %add3A, %mul3A_285 : i32
        %add3A_287 = arith.addi %mul3A_286, %sc_fetch_and_add3A_279 : i32
        %dma_start3A = arith.constant 0 : i32
        %dma_start3A_288 = arith.constant 0 : i32
        %dma_start3A_289 = tpu.memref_slice %arg4[%add3A_287, %dma_start3A, %dma_start3A_288] : memref<256x64x256xf32, #tpu.memory_space<hbm>> -> memref<1x64x256xf32, #tpu.memory_space<hbm>>
        %dma_start3A_290 = arith.constant 0 : i32
        %dma_start3A_291 = arith.constant 0 : i32
        %dma_start3A_292 = tpu.memref_slice %arg4[%add3A_287, %dma_start3A_290, %dma_start3A_291] : memref<256x64x256xf32, #tpu.memory_space<hbm>> -> memref<1x64x256xf32, #tpu.memory_space<hbm>>
        tpu.enqueue_dma source(%dma_start3A_292 : memref<1x64x256xf32, #tpu.memory_space<hbm>>) target(%arg16 : memref<1x64x256xf32, #tpu.memory_space<vmem>>) target_semaphore(%arg23 : memref<!tpu.dma_semaphore, #tpu.memory_space<semaphore_mem>>)
      } else {
      }
      scf.yield %sc_fetch_and_add3A_204, %sc_fetch_and_add3A_279, %while3A_276#0, %while3A_276#1 : i32, i32, i32, i32
    }
    %gt3A = arith.constant 0 : i32
    %gt3A_125 = arith.cmpi sgt, %while3A_124#2, %gt3A : i32
    %convert_element_type3A_126 = arith.extui %gt3A_125 : i1 to i32
    %cond3A_127 = arith.constant 0 : i32
    %cond3A_128 = arith.cmpi ne, %convert_element_type3A_126, %cond3A_127 : i32
    scf.if %cond3A_128 {
      %dma_wait3A = arith.constant 0 : i32
      %dma_wait3A_134 = arith.constant 0 : i32
      %dma_wait3A_135 = arith.constant 0 : i32
      %dma_wait3A_136 = tpu.memref_slice %arg5[%dma_wait3A, %dma_wait3A_134, %dma_wait3A_135] : memref<2048x64x256xf32, #tpu.memory_space<hbm>> -> memref<1x64x256xf32, #tpu.memory_space<hbm>>
      %dma_wait3A_137 = arith.constant 0 : i32
      %dma_wait3A_138 = arith.constant 0 : i32
      %dma_wait3A_139 = arith.constant 0 : i32
      %dma_wait3A_140 = tpu.memref_slice %arg5[%dma_wait3A_137, %dma_wait3A_138, %dma_wait3A_139] : memref<2048x64x256xf32, #tpu.memory_space<hbm>> -> memref<1x64x256xf32, #tpu.memory_space<hbm>>
      tpu.wait_dma2 semaphore(%arg24 : memref<!tpu.dma_semaphore, #tpu.memory_space<semaphore_mem>>) src(%arg17 : memref<1x64x256xf32, #tpu.memory_space<vmem>>) dst(%dma_wait3A_140 : memref<1x64x256xf32, #tpu.memory_space<hbm>>)
    } else {
    }
    %gt3A_129 = arith.constant 0 : i32
    %gt3A_130 = arith.cmpi sgt, %while3A_124#3, %gt3A_129 : i32
    %convert_element_type3A_131 = arith.extui %gt3A_130 : i1 to i32
    %cond3A_132 = arith.constant 0 : i32
    %cond3A_133 = arith.cmpi ne, %convert_element_type3A_131, %cond3A_132 : i32
    scf.if %cond3A_133 {
      %dma_wait3A = arith.constant 0 : i32
      %dma_wait3A_134 = arith.constant 0 : i32
      %dma_wait3A_135 = arith.constant 0 : i32
      %dma_wait3A_136 = tpu.memref_slice %arg5[%dma_wait3A, %dma_wait3A_134, %dma_wait3A_135] : memref<2048x64x256xf32, #tpu.memory_space<hbm>> -> memref<1x64x256xf32, #tpu.memory_space<hbm>>
      %dma_wait3A_137 = arith.constant 0 : i32
      %dma_wait3A_138 = arith.constant 0 : i32
      %dma_wait3A_139 = arith.constant 0 : i32
      %dma_wait3A_140 = tpu.memref_slice %arg5[%dma_wait3A_137, %dma_wait3A_138, %dma_wait3A_139] : memref<2048x64x256xf32, #tpu.memory_space<hbm>> -> memref<1x64x256xf32, #tpu.memory_space<hbm>>
      tpu.wait_dma2 semaphore(%arg25 : memref<!tpu.dma_semaphore, #tpu.memory_space<semaphore_mem>>) src(%arg18 : memref<1x64x256xf32, #tpu.memory_space<vmem>>) dst(%dma_wait3A_140 : memref<1x64x256xf32, #tpu.memory_space<hbm>>)
    } else {
    }
    return
  }
}

</mosaic_0001>

<sc_bundles>
// kernel: _sc_gather.3.cloned.1.call-start
scs
__scs_entry_jumppad:
0x0: {  	(pc) =	sbr.rel $0x88, $3  }
0x1: {  	(tag) =	ssettag $0x0;
	lr =	simm.s32 $0x1  }
0x2: {  	[smem:$0x3F9E] =	sst lr;
	_ =	strace $0xD0000000  }
0x3: {  	_ = 	snop  }
0x4: {  	_ = 	snop  }
0x5: {  	_ = 	snop  }
0x6: {  	_ = 	snop  }
0x7: {  	_ = 	snop  }
__scs_overlays_trampoline_lowered:
0x8: {  	[smem:$0x3FAD] =	sst s0  }
0x9: {  	[smem:$0x3FAE] =	sst s1  }
0xa: {  	[smem:$0x3FAF] =	sst s2  }
0xb: {  	[smem:$0x3FB0] =	sst s3  }
0xc: {  	[smem:$0x3FB1] =	sst s4  }
0xd: {  	[smem:$0x3FB2] =	sst s5  }
0xe: {  	[smem:$0x3FB3] =	sst s6  }
0xf: {  	[smem:$0x3FB4] =	sst s7  }
0x10: {  	[smem:$0x3FB5] =	sst s8  }
0x11: {  	[smem:$0x3FB6] =	sst s9;
	s0 =	simm.s32 @!p0 $0x0  }
0x12: {  	s1 =	sld [smem:$0x3F9C];
	s0 =	simm.s32 @p0 $0x1  }
0x13: {  	[smem:$0x3FB7] =	sst s0;
	s0 =	simm.s32 @!p1 $0x0  }
0x14: {  	s2 =	sld [smem:$0x3F9B];
	s0 =	simm.s32 @p1 $0x1  }
0x15: {  	[smem:$0x3FB8] =	sst s0;
	s0 =	simm.s32 @!p2 $0x0  }
0x16: {  	s3 =	sld [smem:$0x3FDB];
	s0 =	simm.s32 @p2 $0x1  }
0x17: {  	s4 =	simm.s32 $0x1BF5;
	[smem:$0x3FBA] =	sst s0  }
0x18: {  	s0 =	sld [smem:$0x3F9D];
	_ =	swait.ge [sflag:s4], $0x0  }
0x19: {  	s7 =	sld [smem:$0x3F9E]  }
0x1a: {  	s8 =	sadd.s32 $0xFFFFE003, lr  }
0x1b: {  	s9 =	sadd.s32 $0xFFFFFEF7, lr;
	s5 =	simm.s32 $0xFFFFFFFF;
	p2 =	slt.u32 s8, $0xFFFFF086  }
0x1c: {  	p1 =	slt.u32 s9, $0xF7A;
	s5 =	simm.s32 @!p2 $0x0  }
0x1d: {  	s5 =	simm.s32 @p1 $0x1;
	p0 =	seq.s32 s7, s2  }
0x1e: {  	s7 =	smul.u32 @!p0 $0xF7A, s2;
	p2 =	seq.s32 @!p0 s5, $0x0  }
0x1f: {  	s9 =	smul.u32 $0xF7A, s1;
	s8 =	simm.s32 @!p0 $0x1BF5;
	p2 =	por !p2, p0  }
0x20: {  	[sflag:s8] =	ssyncset.s32 @!p0 $0xFFFFF086;
	s6 =	sadd.s32 @!p0 s3, s7;
	s7 =	simm.s32 @!p0 $0x108  }
0x21: {  	s3 =	sadd.s32 s3, s9;
	s6 =	sadd.s32 @!p0 $0x88, s6;
	s7 =	simm.s32 @p2 $0x1082  }
0x22: {  	[simem:s7], [sflag:s8] =	dma.local @!p0 [hbm:s6], $0xF7A  }
0x23: {  	s9 =	sor.u32 $0xD0000000, s2;
	s6 =	simm.s32 $0x108;
	_ =	swait.ge @!p0 [sflag:s8], $0x0  }
0x24: {  	s3 =	sadd.s32 $0x88, s3;
	s6 =	simm.s32 @!p1 $0x1082;
	[sflag:s4] =	ssyncset.s32 $0xFFFFF086  }
0x25: {  	[simem:s6], [sflag:s4] =	dma.local [hbm:s3], $0xF7A  }
0x26: {  	[smem:$0x3F9E] =	sst s1;
	(tag) =	ssettag s2;
	_ =	strace s9  }
0x27: {  	s1 =	sld [smem:$0x3FAE]  }
0x28: {  	s2 =	sld [smem:$0x3FAF]  }
0x29: {  	s4 =	sld [smem:$0x3FB1]  }
0x2a: {  	p0 =	seq.s32 s5, $0x0;
	s5 =	sld [smem:$0x3FB2]  }
0x2b: {  	s6 =	sld [smem:$0x3FB3]  }
0x2c: {  	s7 =	sld [smem:$0x3FB4]  }
0x2d: {  	s3 =	simm.s32 $0x108;
	s8 =	sld [smem:$0x3FB5]  }
0x2e: {  	s3 =	simm.s32 @!p0 $0x1082;
	s9 =	sld [smem:$0x3FB6]  }
0x2f: {  	lr =	sadd.s32 s0, s3;
	s0 =	sld [smem:$0x3FAD]  }
0x30: {  	s3 =	sld [smem:$0x3FB0]  }
0x31: {  	[smem:$0x3FB9] =	sst s10  }
0x32: {  	s10 =	sld [smem:$0x3FB7];
	_ =	sdelay $0x3  }
0x33: {  	p0 =	seq.s32 s10, $0x1;
	s10 =	sld [smem:$0x3FB9];
	_ =	sdelay $0x3  }
0x34: {  	[smem:$0x3FB9] =	sst s10  }
0x35: {  	s10 =	sld [smem:$0x3FB8];
	_ =	sdelay $0x3  }
0x36: {  	p1 =	seq.s32 s10, $0x1;
	s10 =	sld [smem:$0x3FB9];
	_ =	sdelay $0x3  }
0x37: {  	[smem:$0x3FB9] =	sst s10  }
0x38: {  	s10 =	sld [smem:$0x3FBA]  }
0x39: {  	_ = 	snop;
	(pc) =	sbr.ind lr, $3  }
0x3a: {  	_ = 	snop  }
0x3b: {  	_ = 	snop  }
0x3c: {  	p2 =	seq.s32 s10, $0x1;
	s10 =	sld [smem:$0x3FB9]  }
0x3d: {  	_ =	shalt  }
0x3e: {  	_ =	shalt  }
0x3f: {  	_ =	shalt  }
0x40: {  	_ =	shalt  }
0x41: {  	_ =	shalt  }
0x42: {  	_ =	shalt  }
0x43: {  	_ =	shalt  }
0x44: {  	_ =	shalt  }
0x45: {  	_ =	shalt  }
0x46: {  	_ =	shalt  }
0x47: {  	_ =	shalt  }
0x48: {  	_ =	shalt  }
0x49: {  	_ =	shalt  }
0x4a: {  	_ =	shalt  }
0x4b: {  	_ =	shalt  }
0x4c: {  	_ =	shalt  }
0x4d: {  	_ =	shalt  }
0x4e: {  	_ =	shalt  }
0x4f: {  	_ =	shalt  }
0x50: {  	_ =	shalt  }
0x51: {  	_ =	shalt  }
0x52: {  	_ =	shalt  }
0x53: {  	_ =	shalt  }
0x54: {  	_ =	shalt  }
0x55: {  	_ =	shalt  }
0x56: {  	_ =	shalt  }
0x57: {  	_ =	shalt  }
0x58: {  	_ =	shalt  }
0x59: {  	_ =	shalt  }
0x5a: {  	_ =	shalt  }
0x5b: {  	_ =	shalt  }
0x5c: {  	_ =	shalt  }
0x5d: {  	_ =	shalt  }
0x5e: {  	_ =	shalt  }
0x5f: {  	_ =	shalt  }
0x60: {  	_ =	shalt  }
0x61: {  	_ =	shalt  }
0x62: {  	_ =	shalt  }
0x63: {  	_ =	shalt  }
0x64: {  	_ =	shalt  }
0x65: {  	_ =	shalt  }
0x66: {  	_ =	shalt  }
0x67: {  	_ =	shalt  }
0x68: {  	_ =	shalt  }
0x69: {  	_ =	shalt  }
0x6a: {  	_ =	shalt  }
0x6b: {  	_ =	shalt  }
0x6c: {  	_ =	shalt  }
0x6d: {  	_ =	shalt  }
0x6e: {  	_ =	shalt  }
0x6f: {  	_ =	shalt  }
0x70: {  	_ =	shalt  }
0x71: {  	_ =	shalt  }
0x72: {  	_ =	shalt  }
0x73: {  	_ =	shalt  }
0x74: {  	_ =	shalt  }
0x75: {  	_ =	shalt  }
0x76: {  	_ =	shalt  }
0x77: {  	_ =	shalt  }
0x78: {  	_ =	shalt  }
0x79: {  	_ =	shalt  }
0x7a: {  	_ =	shalt  }
0x7b: {  	_ =	shalt  }
0x7c: {  	_ =	shalt  }
0x7d: {  	_ =	shalt  }
0x7e: {  	_ =	shalt  }
0x7f: {  	_ =	shalt  }
0x80: {  	_ =	shalt  }
0x81: {  	_ =	shalt  }
0x82: {  	_ =	shalt  }
0x83: {  	_ =	shalt  }
0x84: {  	_ =	shalt  }
0x85: {  	_ =	shalt  }
0x86: {  	_ =	shalt  }
0x87: {  	_ =	shalt  }
.Lfunc_end0:
.L_simem_size_0:
called_computation_lowered:
.L_overlay_start_0:
0x88: {  	s2 =	sld [smem:$0x3FD9]  }
0x89: {  	s3 =	sld [smem:$0x3FFE];
	_ =	sdelay $0x1  }
0x8a: {  	s1 =	srdreg.scid  }
0x8b: {  	s0 =	sand.u32 $0x1, s1  }
0x8c: {  	s18 =	sshll.u32 s0, $0xA;
	s2 =	sadd.s32 s3, s2  }
0x8d: {  	s2 =	sadd.s32 s2, s18  }
0x8e: {  	[smem:$0x3FC5] =	sst s2  }
0x8f: {  	_ = 	snop  }
0x90: {  	s2 =	sld [smem:$0x3FC9]  }
0x91: {  	s19 =	sld [smem:$0x3FC8]  }
0x92: {  	s4 =	sld [smem:$0x3FC7]  }
0x93: {  	s5 =	sld [smem:$0x3FD0];
	(tm) =	ssettm $0x1  }
0x94: {  	s6 =	sld [smem:$0x3FFB];
	_ =	sdelay $0x3  }
0x95: {  	_ =	strace s6  }
0x96: {  	s6 =	sld [smem:$0x3FFC];
	_ =	sdelay $0x3  }
0x97: {  	_ =	strace s6  }
0x98: {  	s6 =	sld [smem:$0x3FFD];
	_ =	sdelay $0x3  }
0x99: {  	_ =	strace s6  }
0x9a: {  	_ =	strace $0x8FFFFFFF  }
0x9b: {  	s20 =	sld [smem:$0x3FDB];
	_ =	sdelay $0x1  }
0x9c: {  	s7 =	simm.s32 $_scs_section_size  }
0x9d: {  	s8 =	simm.s32 $_size__tile_overlayer_lowered;
	s9 =	simm.s32 $_tile_overlayer_lowered  }
0x9e: {  	s23 =	simm.s32 $0x1BFF;
	s22 =	sshll.u32 s9, $0x1;
	s6 =	sadd.s32 s7, s20  }
0x9f: {  	s10 =	simm.s32 $0x0;
	s21 =	sshll.u32 s8, $0x1;
	s8 =	sadd.s32 s22, s6  }
0xa0: {  	[timem:s10], [sflag:s23] =	dma.local [hbm:s8], s21  }
0xa1: {  	_ =	swait.ge [sflag:s23], s21  }
0xa2: {  	s7 =	ssub.s32 $0x0, s21;
	[sflag:s23] =	ssyncset.done $0x0  }
0xa3: {  	[sflag:s23] =	ssyncadd.s32 s7;
	_ =	sdelay $0x1  }
0xa4: {  	s24 =	simm.s32 $0x1B8B  }
0xa5: {  	_ =	swait.ge [sflag:s24], $0x1  }
0xa6: {  	[sflag:s24] =	ssyncset.done $0x0  }
0xa7: {  	s25 =	simm.s32 $0x1B8E;
	[sflag:s24] =	ssyncadd.s32 $0xFFFFFFFF  }
0xa8: {  	s26 =	simm.s32 $execute0_lowered;
	[smem:$0x3FD2] =	sst s25  }
0xa9: {  	s7 =	sshll.u32 s26, $0x1;
	_ =	strace $0x80000046;
	[dreg:$0x1] =	wrdreg $0xFFFFFFFF  }
0xaa: {  	s28 =	simm.s32 $_size_execute0_lowered;
	s6 =	sadd.s32 s6, s7;
	[dreg:$0x0] =	wrdreg $0x0  }
0xab: {  	s7 =	sshll.u32 s28, $0x1;
	[dreg:$0x2] =	wrdreg s6  }
0xac: {  	[dreg:$0x3] =	wrdreg s7  }
0xad: {  	[dreg:$0x4] =	wrdreg $0xC0  }
0xae: {  	_ =	task [dreg:s10], $0x5FFFF  }
0xaf: {  	[dreg:$0x1] =	wrdreg $0xFFFFFFFF  }
0xb0: {  	[dreg:$0x0] =	wrdreg $0x60  }
0xb1: {  	[dreg:$0x2] =	wrdreg s2  }
0xb2: {  	[dreg:$0x3] =	wrdreg s19  }
0xb3: {  	[dreg:$0x4] =	wrdreg s4  }
0xb4: {  	[dreg:$0x5] =	wrdreg s5  }
0xb5: {  	[dreg:$0x6] =	wrdreg $0x12A800  }
0xb6: {  	[dreg:$0x7] =	wrdreg $0x11A800  }
0xb7: {  	[dreg:$0x8] =	wrdreg $0x9  }
0xb8: {  	_ =	task.clear_ibuf [dreg:s10], $0x9FFFF;
	_ =	strace $0x90000046  }
0xb9: {  	s29 =	simm.s32 $0x9;
	_ =	strace $0x80000048  }
0xba: {  	_ =	swait.ge [sflag:s29], $0x1  }
0xbb: {  	[sflag:s29] =	ssyncadd.s32 $0xFFFFFFFF  }
0xbc: {  	_ =	strace $0x90000048  }
0xbd: {  	_ =	sfence  }
0xbe: {  	s30 =	sld [smem:$0x0];
	_ =	sdelay $0x2  }
0xbf: {  	s31 =	sshll.u32 s1, $0xD;
	s1 =	sshrl.u32 s1, $0x2  }
0xc0: {  	s3 =	sand.u32 $0x4000, s31;
	s1 =	sadd.s32 s1, s30  }
0xc1: {  	s0 =	sor.u32 s3, s0;
	s1 =	sshll.u32 s1, $0x11  }
0xc2: {  	s0 =	sor.u32 s1, s0  }
0xc3: {  	s0 =	sadd.s32 $0x8F2B, s0  }
0xc4: {  	[sflag:s0] =	ssyncadd.remote.s32 $0x1  }
0xc5: {  	_ =	sfence.sel $0xFFFF  }
0xc6: {  	[dreg:$0x0] =	wrdreg $0xFFFFFFFF;
	(pc) =	sbr.abs _section_cstart, $3  }
0xc7: {  	[dreg:$0x1] =	wrdreg $0xFFFFFFFF  }
0xc8: {  	_ =	task.clear_ibuf [dreg:s10], $0x2FFFF;
	_ =	strace $0x9FFFFFFF  }
0xc9: {  	(tm) =	ssettm $0x7FFFFFFF  }
tec
execute0_lowered:
.L_overlay_start_1:
0x0: {  	(tag) =	ssettag $0x1  }
0x1: {  	s0 =	rddreg [dreg:$0x0]  }
0x2: {  	s3 =	rddreg [dreg:$0x1]  }
0x3: {  	s1 =	rddreg [dreg:$0x2]  }
0x4: {  	s2 =	rddreg [dreg:$0x3]  }
0x5: {  	s16 =	rddreg [dreg:$0x4]  }
0x6: {  	s4 =	rddreg [dreg:$0x5];
	s6 =	srdreg.scid  }
0x7: {  	s5 =	simm.s32 $0x0;
	s17 =	stileid.u32;
	s28 =	simm.s32 $0x7  }
0x8: {  	s30 =	simm.s32 $0x1680;
	s31 =	simm.s32 $0x8;
	s6 =	sand.u32 $0x1, s6  }
0x9: {  	[smem:$0x7FF] =	sst s5;
	s21 =	sshrl.u32 s17, $0x3;
	s9 =	sshll.u32 s17, $0x3  }
0xa: {  	s12 =	sshll.u32 s17, $0xC;
	s14 =	sshll.u32 s17, $0x7;
	s7 =	ssub.s32 $0x2, s6  }
0xb: {  	_ =	strace $0x80000047;
	s6 =	sshll.u32 s6, $0x1;
	s9 =	sand.u32 $0x38, s9  }
0xc: {  	s12 =	sand.u32 $0x8000, s12;
	s15 =	sand.u32 $0x380, s14;
	s26 =	sadd.s32 s14, s16  }
0xd: {  	s14 =	simm.s32 $0x9;
	s8 =	sshrl.u32 s7, $0x1;
	s6 =	sor.u32 s21, s6  }
0xe: {  	s23 =	sor.u32 $0x1, s9;
	s24 =	sor.u32 $0x2, s9;
	s25 =	sor.u32 $0x3, s9  }
0xf: {  	s13 =	sor.u32 $0x4, s9;
	s18 =	sor.u32 $0x5, s9;
	s12 =	sadd.s32 s12, s4  }
0x10: {  	s19 =	sor.u32 $0x6, s9;
	s20 =	sor.u32 $0x7, s9;
	[dreg:$0xa] =	wrdreg s26  }
0x11: {  	s26 =	simm.s32 $0xDA80;
	s8 =	ssub.s32 s7, s8;
	s7 =	sand.u32 $0x8, s17  }
0x12: {  	s10 =	sshll.u32 s6, $0x9;
	s11 =	sshll.u32 s6, $0x6;
	s4 =	sadd.s32 s15, s12  }
0x13: {  	s12 =	sshll.u32 s6, $0x14;
	s15 =	simm.s32 $0x200;
	v1 =	vmov s23;
	s23 =	simm.s32 $0x1480  }
.Ltmp0:
0x14: {  	v2 =	vmov s24;
	v3 =	vmov s25;
	s24 =	simm.s32 $0x1980;
	s25 =	simm.s32 $0x9A80;
	(pc) =	sbr.rel .LBB2_1-.Ltmp0, $4  }
0x15: {  	v9 =	vlaneseq.u32;
	s0 =	sadd.s32 s0, s11;
	s22 =	sadd.s32 s3, s11;
	[dreg:$0x9] =	wrdreg s4  }
0x16: {  	v10 =	vimm.s32 $0x0;
	vm0 =	vmmov $0x1;
	v11 =	vimm.s32 $0x80;
	s4 =	smov.u32 s16;
	s29 =	smax.u32 s8, $0x1;
	[dreg:$0x7] =	wrdreg s0  }
0x17: {  	v0 =	vmov s9;
	v4 =	vmov s13;
	v5 =	vmov s18;
	s16 =	simm.s32 $0x400;
	p0 =	sne.s32 s17, s7;
	[dreg:$0x8] =	wrdreg s22  }
0x18: {  	v6 =	vmov s19;
	v7 =	vmov s20;
	s17 =	simm.s32 $0x80;
	v8 =	vmov s10;
	s10 =	simm.s32 $0x0;
	[dreg:$0xb] =	wrdreg s29  }
.LBB2_36:
0x19: {  	p1 =	slt.s32 s0, $0x1  }
.Ltmp1:
0x1a: {  	_ = 	snop;
	(pc) =	sbr.rel @p1 .LBB2_38-.Ltmp1, $2  }
0x1b: {  	_ =	sdelay $0x2  }
0x1c: {  	s10 =	rddreg [dreg:$0xc]  }
.LBB2_37:
0x1d: {  	s0 =	simm.s32 $0x4  }
0x1e: {  	_ =	swait.ge [sflag:s0], $0x4000  }
0x1f: {  	[sflag:s0] =	ssyncset.done $0x0  }
0x20: {  	[sflag:s0] =	ssyncadd.s32 $0xFFFFC000  }
.LBB2_38:
0x21: {  	s10 =	sadd.s32 $0x1, s10;
	s0 =	rddreg [dreg:$0xb]  }
0x22: {  	p1 =	sne.s32 s10, s0  }
.Ltmp2:
0x23: {  	_ = 	snop;
	(pc) =	sbr.rel @!p1 .LBB2_39-.Ltmp2, $1  }
0x24: {  	_ =	sdelay $0x3  }
.LBB2_1:
0x25: {  	s0 =	rddreg [dreg:$0x7]  }
0x26: {  	[tilespmem:s5], [sflag:$0x9] =	stream.linear.gather [hbm4b:s0+s5], $0x200, $0x38;
	[tilespmem:$0x12B00] =	vst v63  }
0x27: {  	_ =	swait.ge [sflag:s14], $0x200  }
0x28: {  	[sflag:s14] =	ssyncset.done $0x0  }
0x29: {  	s29 =	rddreg [dreg:$0x8];
	[sflag:s14] =	ssyncadd.s32 $0xFFFFFE00  }
0x2a: {  	[tilespmem:s15], [sflag:$0x9] =	stream.linear.gather [hbm4b:s29+s5], $0x200, $0x38;
	[tilespmem:$0x12B00] =	vst v63  }
0x2b: {  	_ =	swait.ge [sflag:s14], $0x200  }
0x2c: {  	[sflag:s14] =	ssyncset.done $0x0  }
0x2d: {  	[sflag:s14] =	ssyncadd.s32 $0xFFFFFE00  }
0x2e: {  	v12 =	vimm.s32 $0x0;
	v16 =	vld [tilespmem:s5+$0x0]  }
0x2f: {  	s6 =	simm.s32 $0x10;
	v13 =	vimm.s32 $0x0;
	v15 =	vimm.s32 $0x0;
	v14 =	vimm.s32 $0x0;
	s8 =	simm.s32 $0x0;
	s0 =	simm.s32 $0x0  }
.LBB2_2:
0x30: {  	p1 =	sne.s32 s6, $0x1F0;
	_ =	sdelay $0x2  }
0x31: {  	vm1 =	veq.s32 v16, v0  }
0x32: {  	vm2 =	veq.s32 v16, v1;
	v16 =	vsel vm1, $0x1, v10;
	v17 =	vmpcnt.ones.xlane vm1  }
0x33: {  	v18 =	vsel vm2, $0x1, v10;
	v19 =	vmpcnt.ones.xlane vm2;
	(xrf0) =	vadd.scan.msk.s32 $0xffff, v16  }
0x34: {  	v12 =	vadd.s32 v12, v17;
	(xrf0) =	vadd.scan.msk.s32 $0xffff, v18  }
0x35: {  	v13 =	vadd.s32 v13, v19;
	_ =	sdelay $0x3  }
0x36: {  	v16, _, _ =	vpop (xrf0)  }
0x37: {  	v16 =	vadd.s32 v16, v15;
	v17, _, _ =	vpop (xrf0);
	v15 =	vmov v12  }
0x38: {  	v16 =	vadd.s32 $0xFFFFFFFF, v16;
	v17 =	vadd.s32 v17, v14;
	v14 =	vmov v13  }
0x39: {  	v17 =	vadd.s32 $0x1FF, v17;
	_ =	sdelay $0x2  }
.Ltmp3:
0x3a: {  	v18 =	vor.u32 s0, v9;
	s0 =	smov.u32 s6;
	(pc) =	sbr.rel @p1 .LBB2_2-.Ltmp3, $4  }
0x3b: {  	[tilespmem:v16+s16+$0x0] =	vst.idx.msk vm1, v18  }
0x3c: {  	s8 =	sadd.s32 $0x10, s8;
	[tilespmem:v17+s16+$0x0] =	vst.idx.msk vm2, v18  }
0x3d: {  	v16 =	vld [tilespmem:s8+$0x0]  }
0x3e: {  	s6 =	sadd.s32 $0x10, s6  }
0x3f: {  	_ =	sdelay $0x2  }
0x40: {  	vm1 =	veq.s32 v16, v0  }
0x41: {  	vm2 =	veq.s32 v16, v1;
	v16 =	vsel vm1, $0x1, v10  }
0x42: {  	v17 =	vsel vm2, $0x1, v10;
	(xrf0) =	vadd.scan.msk.s32 $0xffff, v16  }
0x43: {  	(xrf0) =	vadd.scan.msk.s32 $0xffff, v17;
	_ =	sdelay $0x4  }
0x44: {  	v16, _, _ =	vpop (xrf0)  }
0x45: {  	v15 =	vadd.s32 v16, v15;
	v16, _, _ =	vpop (xrf0)  }
0x46: {  	v15 =	vadd.s32 $0xFFFFFFFF, v15;
	v14 =	vadd.s32 v16, v14  }
0x47: {  	v14 =	vadd.s32 $0x1FF, v14;
	_ =	sdelay $0x2  }
0x48: {  	v17 =	vor.u32 s0, v9;
	v16 =	vmpcnt.ones.xlane vm1  }
0x49: {  	v18 =	vmpcnt.ones.xlane vm2;
	[tilespmem:v15+s16+$0x0] =	vst.idx.msk vm1, v17  }
0x4a: {  	v12 =	vadd.s32 v12, v16;
	[tilespmem:v14+s16+$0x0] =	vst.idx.msk vm2, v17  }
0x4b: {  	v13 =	vadd.s32 v13, v18;
	[tilespmem:$0x1400] =	vst v12  }
0x4c: {  	s0 =	simm.s32 $0x0;
	[tilespmem:$0x1410] =	vst v13  }
0x4d: {  	v15 =	vimm.s32 $0x0;
	v16 =	vld [tilespmem:s0+$0x0]  }
0x4e: {  	s6 =	simm.s32 $0x10;
	s8 =	simm.s32 $0x0;
	v14 =	vimm.s32 $0x0;
	v12 =	vimm.s32 $0x0;
	v13 =	vimm.s32 $0x0  }
.LBB2_4:
0x4f: {  	p1 =	sne.s32 s6, $0x1F0;
	_ =	sdelay $0x2  }
0x50: {  	vm1 =	veq.s32 v16, v2  }
0x51: {  	vm2 =	veq.s32 v16, v3;
	v16 =	vsel vm1, $0x1, v10;
	v17 =	vmpcnt.ones.xlane vm1  }
0x52: {  	v18 =	vsel vm2, $0x1, v10;
	v19 =	vmpcnt.ones.xlane vm2;
	(xrf0) =	vadd.scan.msk.s32 $0xffff, v16  }
0x53: {  	v12 =	vadd.s32 v12, v17;
	(xrf0) =	vadd.scan.msk.s32 $0xffff, v18  }
0x54: {  	v13 =	vadd.s32 v13, v19;
	_ =	sdelay $0x3  }
0x55: {  	v16, _, _ =	vpop (xrf0)  }
0x56: {  	v16 =	vadd.s32 v16, v15;
	v17, _, _ =	vpop (xrf0);
	v15 =	vmov v12  }
0x57: {  	v16 =	vadd.s32 $0x3FF, v16;
	v17 =	vadd.s32 v17, v14;
	v14 =	vmov v13  }
0x58: {  	v17 =	vadd.s32 $0x5FF, v17;
	_ =	sdelay $0x2  }
.Ltmp4:
0x59: {  	v18 =	vor.u32 s0, v9;
	s0 =	smov.u32 s6;
	(pc) =	sbr.rel @p1 .LBB2_4-.Ltmp4, $4  }
0x5a: {  	[tilespmem:v16+s16+$0x0] =	vst.idx.msk vm1, v18  }
0x5b: {  	s8 =	sadd.s32 $0x10, s8;
	[tilespmem:v17+s16+$0x0] =	vst.idx.msk vm2, v18  }
0x5c: {  	v16 =	vld [tilespmem:s8+$0x0]  }
0x5d: {  	s6 =	sadd.s32 $0x10, s6  }
0x5e: {  	_ =	sdelay $0x2  }
0x5f: {  	vm1 =	veq.s32 v16, v2  }
0x60: {  	vm2 =	veq.s32 v16, v3;
	v16 =	vsel vm1, $0x1, v10  }
0x61: {  	v17 =	vsel vm2, $0x1, v10;
	(xrf0) =	vadd.scan.msk.s32 $0xffff, v16  }
0x62: {  	(xrf0) =	vadd.scan.msk.s32 $0xffff, v17;
	_ =	sdelay $0x4  }
0x63: {  	v16, _, _ =	vpop (xrf0)  }
0x64: {  	v15 =	vadd.s32 v16, v15;
	v16, _, _ =	vpop (xrf0)  }
0x65: {  	v15 =	vadd.s32 $0x3FF, v15;
	v14 =	vadd.s32 v16, v14  }
0x66: {  	v14 =	vadd.s32 $0x5FF, v14;
	_ =	sdelay $0x2  }
0x67: {  	v17 =	vor.u32 s0, v9;
	v16 =	vmpcnt.ones.xlane vm1  }
0x68: {  	v18 =	vmpcnt.ones.xlane vm2;
	[tilespmem:v15+s16+$0x0] =	vst.idx.msk vm1, v17  }
0x69: {  	v12 =	vadd.s32 v12, v16;
	[tilespmem:v14+s16+$0x0] =	vst.idx.msk vm2, v17  }
0x6a: {  	v13 =	vadd.s32 v13, v18;
	[tilespmem:$0x1420] =	vst v12  }
0x6b: {  	s0 =	simm.s32 $0x0;
	[tilespmem:$0x1430] =	vst v13  }
0x6c: {  	v15 =	vimm.s32 $0x0;
	v16 =	vld [tilespmem:s0+$0x0]  }
0x6d: {  	s6 =	simm.s32 $0x10;
	s8 =	simm.s32 $0x0;
	v14 =	vimm.s32 $0x0;
	v12 =	vimm.s32 $0x0;
	v13 =	vimm.s32 $0x0  }
.LBB2_6:
0x6e: {  	p1 =	sne.s32 s6, $0x1F0;
	_ =	sdelay $0x2  }
0x6f: {  	vm1 =	veq.s32 v16, v4  }
0x70: {  	vm2 =	veq.s32 v16, v5;
	v16 =	vsel vm1, $0x1, v10;
	v17 =	vmpcnt.ones.xlane vm1  }
0x71: {  	v18 =	vsel vm2, $0x1, v10;
	v19 =	vmpcnt.ones.xlane vm2;
	(xrf0) =	vadd.scan.msk.s32 $0xffff, v16  }
0x72: {  	v12 =	vadd.s32 v12, v17;
	(xrf0) =	vadd.scan.msk.s32 $0xffff, v18  }
0x73: {  	v13 =	vadd.s32 v13, v19;
	_ =	sdelay $0x3  }
0x74: {  	v16, _, _ =	vpop (xrf0)  }
0x75: {  	v16 =	vadd.s32 v16, v15;
	v17, _, _ =	vpop (xrf0);
	v15 =	vmov v12  }
0x76: {  	v16 =	vadd.s32 $0x7FF, v16;
	v17 =	vadd.s32 v17, v14;
	v14 =	vmov v13  }
0x77: {  	v17 =	vadd.s32 $0x9FF, v17;
	_ =	sdelay $0x2  }
.Ltmp5:
0x78: {  	v18 =	vor.u32 s0, v9;
	s0 =	smov.u32 s6;
	(pc) =	sbr.rel @p1 .LBB2_6-.Ltmp5, $4  }
0x79: {  	[tilespmem:v16+s16+$0x0] =	vst.idx.msk vm1, v18  }
0x7a: {  	s8 =	sadd.s32 $0x10, s8;
	[tilespmem:v17+s16+$0x0] =	vst.idx.msk vm2, v18  }
0x7b: {  	v16 =	vld [tilespmem:s8+$0x0]  }
0x7c: {  	s6 =	sadd.s32 $0x10, s6  }
0x7d: {  	_ =	sdelay $0x2  }
0x7e: {  	vm1 =	veq.s32 v16, v4  }
0x7f: {  	vm2 =	veq.s32 v16, v5;
	v16 =	vsel vm1, $0x1, v10  }
0x80: {  	v17 =	vsel vm2, $0x1, v10;
	(xrf0) =	vadd.scan.msk.s32 $0xffff, v16  }
0x81: {  	(xrf0) =	vadd.scan.msk.s32 $0xffff, v17;
	_ =	sdelay $0x4  }
0x82: {  	v16, _, _ =	vpop (xrf0)  }
0x83: {  	v15 =	vadd.s32 v16, v15;
	v16, _, _ =	vpop (xrf0)  }
0x84: {  	v15 =	vadd.s32 $0x7FF, v15;
	v14 =	vadd.s32 v16, v14  }
0x85: {  	v14 =	vadd.s32 $0x9FF, v14;
	_ =	sdelay $0x2  }
0x86: {  	v17 =	vor.u32 s0, v9;
	v16 =	vmpcnt.ones.xlane vm1  }
0x87: {  	v18 =	vmpcnt.ones.xlane vm2;
	[tilespmem:v15+s16+$0x0] =	vst.idx.msk vm1, v17  }
0x88: {  	v12 =	vadd.s32 v12, v16;
	[tilespmem:v14+s16+$0x0] =	vst.idx.msk vm2, v17  }
0x89: {  	v13 =	vadd.s32 v13, v18;
	[tilespmem:$0x1440] =	vst v12  }
0x8a: {  	s0 =	simm.s32 $0x0;
	[tilespmem:$0x1450] =	vst v13  }
0x8b: {  	v15 =	vimm.s32 $0x0;
	v16 =	vld [tilespmem:s0+$0x0]  }
0x8c: {  	s6 =	simm.s32 $0x10;
	s8 =	simm.s32 $0x0;
	v14 =	vimm.s32 $0x0;
	v12 =	vimm.s32 $0x0;
	v13 =	vimm.s32 $0x0  }
.LBB2_8:
0x8d: {  	p1 =	sne.s32 s6, $0x1F0;
	_ =	sdelay $0x2  }
0x8e: {  	vm1 =	veq.s32 v16, v6  }
0x8f: {  	vm2 =	veq.s32 v16, v7;
	v16 =	vsel vm1, $0x1, v10;
	v17 =	vmpcnt.ones.xlane vm1  }
0x90: {  	v18 =	vsel vm2, $0x1, v10;
	v19 =	vmpcnt.ones.xlane vm2;
	(xrf0) =	vadd.scan.msk.s32 $0xffff, v16  }
0x91: {  	v12 =	vadd.s32 v12, v17;
	(xrf0) =	vadd.scan.msk.s32 $0xffff, v18  }
0x92: {  	v13 =	vadd.s32 v13, v19;
	_ =	sdelay $0x3  }
0x93: {  	v16, _, _ =	vpop (xrf0)  }
0x94: {  	v16 =	vadd.s32 v16, v15;
	v17, _, _ =	vpop (xrf0);
	v15 =	vmov v12  }
0x95: {  	v16 =	vadd.s32 $0xBFF, v16;
	v17 =	vadd.s32 v17, v14;
	v14 =	vmov v13  }
0x96: {  	v17 =	vadd.s32 $0xDFF, v17;
	_ =	sdelay $0x2  }
.Ltmp6:
0x97: {  	v18 =	vor.u32 s0, v9;
	s0 =	smov.u32 s6;
	(pc) =	sbr.rel @p1 .LBB2_8-.Ltmp6, $4  }
0x98: {  	[tilespmem:v16+s16+$0x0] =	vst.idx.msk vm1, v18  }
0x99: {  	s8 =	sadd.s32 $0x10, s8;
	[tilespmem:v17+s16+$0x0] =	vst.idx.msk vm2, v18  }
0x9a: {  	v16 =	vld [tilespmem:s8+$0x0]  }
0x9b: {  	s6 =	sadd.s32 $0x10, s6  }
0x9c: {  	_ =	sdelay $0x2  }
0x9d: {  	vm1 =	veq.s32 v16, v6  }
0x9e: {  	vm2 =	veq.s32 v16, v7;
	v60 =	vsel vm1, $0x1, v10  }
0x9f: {  	v17 =	vsel vm2, $0x1, v10;
	(xrf0) =	vadd.scan.msk.s32 $0xffff, v60  }
0xa0: {  	(xrf0) =	vadd.scan.msk.s32 $0xffff, v17;
	_ =	sdelay $0x4  }
0xa1: {  	v16, _, _ =	vpop (xrf0)  }
0xa2: {  	v15 =	vadd.s32 v16, v15;
	v61, _, _ =	vpop (xrf0)  }
0xa3: {  	v15 =	vadd.s32 $0xBFF, v15;
	v14 =	vadd.s32 v61, v14  }
0xa4: {  	v14 =	vadd.s32 $0xDFF, v14;
	_ =	sdelay $0x2  }
0xa5: {  	v63 =	vor.u32 s0, v9;
	v62 =	vmpcnt.ones.xlane vm1  }
0xa6: {  	v18 =	vmpcnt.ones.xlane vm2;
	[tilespmem:v15+s16+$0x0] =	vst.idx.msk vm1, v63  }
0xa7: {  	v12 =	vadd.s32 v12, v62;
	[tilespmem:v14+s16+$0x0] =	vst.idx.msk vm2, v63  }
0xa8: {  	v13 =	vadd.s32 v13, v18;
	[tilespmem:$0x1460] =	vst v12  }
0xa9: {  	s20 =	rddreg [dreg:$0x9];
	[tilespmem:$0x1470] =	vst v13  }
0xaa: {  	[spmem:s20] =	stream.strided.scatter [tilespmem:s16], [sflag:$0x9], $0x1000, s16, s17, $0x38;
	[tilespmem:$0x12B00] =	vst v63  }
0xab: {  	_ =	swait.ge [sflag:s14], $0x1000  }
0xac: {  	[sflag:s14] =	ssyncset.done $0x0  }
0xad: {  	s3 =	simm.s32 $0x1400;
	s21 =	rddreg [dreg:$0xa];
	[sflag:s14] =	ssyncadd.s32 $0xFFFFF000  }
0xae: {  	[spmem:s21] =	stream.linear.scatter [tilespmem:s3], [sflag:$0x9], $0x80, $0x38;
	[tilespmem:$0x12B00] =	vst v63  }
0xaf: {  	_ =	swait.ge [sflag:s14], $0x80  }
0xb0: {  	[sflag:s14] =	ssyncset.done $0x0  }
0xb1: {  	s0 =	simm.s32 @!p0 $0x0;
	[sflag:s14] =	ssyncadd.s32 $0xFFFFFF80  }
0xb2: {  	[smem:$0x0] =	sst @!p0 s0  }
0xb3: {  	s22 =	simm.s32 $0x5;
	[bflag:$0x0] =	sbarrier.arrive $0xFFFF  }
0xb4: {  	s18 =	sshll.u32 s7, $0x10;
	[sflag:s22] =	ssyncset.done $0x0  }
0xb5: {  	[smem:s18], [sflag:$0x5] =	smem.add.s32 $0x1  }
0xb6: {  	_ =	swait.done [sflag:s22]  }
0xb7: {  	s8 =	ssyncread [sflag:$0x5];
	_ =	sdelay $0x2  }
0xb8: {  	p1 =	sgt.s32 s8, $0x3F  }
0xb9: {  	s0 =	sshll.u32 @!p1 s8, $0xE  }
0xba: {  	[sflag:s22] =	ssyncset.s32 $0x0;
	s0 =	sadd.s32 @!p1 s12, s0  }
0xbb: {  	s29 =	simm.s32 $0x6;
	[sflag:s22] =	ssyncset.done $0x0;
	s0 =	sshrl.u32 @!p1 s0, $0x3  }
0xbc: {  	s3 =	simm.s32 @!p1 $0x0;
	s6 =	simm.s32 @!p1 $0x1A80;
	s0 =	sadd.s32 @!p1 s1, s0  }
0xbd: {  	[tilespmem:s6], [sflag:$0x1] =	stream.linear.gather @!p1 [hbm4b:s0+s3], $0x4000, $0x38;
	[tilespmem:$0x12B00] =	vst v63  }
0xbe: {  	[sflag:s29] =	ssyncset.done $0x0  }
0xbf: {  	[smem:s18], [sflag:$0x6] =	smem.add.s32 $0x1  }
0xc0: {  	_ =	swait.done [sflag:s29]  }
0xc1: {  	s9 =	ssyncread [sflag:$0x6];
	_ =	sdelay $0x2  }
0xc2: {  	p2 =	sgt.s32 s9, $0x3F  }
.Ltmp7:
0xc3: {  	_ = 	snop;
	(pc) =	sbr.rel @p2 .LBB2_11-.Ltmp7, $3  }
0xc4: {  	_ =	sdelay $0x1  }
0xc5: {  	[sflag:s29] =	ssyncset.s32 $0x0  }
0xc6: {  	[sflag:s29] =	ssyncset.done $0x0  }
.Ltmp8:
0xc7: {  	s0 =	sshll.u32 s9, $0xE;
	(pc) =	sbr.rel .LBB2_12-.Ltmp8, $4  }
0xc8: {  	s0 =	sadd.s32 s12, s0  }
0xc9: {  	s0 =	sshrl.u32 s0, $0x3  }
0xca: {  	s3 =	simm.s32 $0x5A80;
	p2 =	slt.s32 s8, $0x40;
	s0 =	sadd.s32 s1, s0  }
0xcb: {  	[tilespmem:s3], [sflag:$0x2] =	stream.linear.gather [hbm4b:s0+s5], $0x4000, $0x38;
	[tilespmem:$0x12B00] =	vst v63  }
.LBB2_11:
.Ltmp9:
0xcc: {  	(pc) =	sbr.rel @p1 .LBB2_38-.Ltmp9, $2  }
0xcd: {  	_ =	sdelay $0x2  }
0xce: {  	p2 =	por $0x1, $0x1  }
.LBB2_12:
.Ltmp10:
0xcf: {  	(pc) =	sbr.rel .LBB2_13-.Ltmp10, $3  }
0xd0: {  	_ =	sdelay $0x1  }
0xd1: {  	[dreg:$0xc] =	wrdreg s10  }
0xd2: {  	p1 =	slt.s32 s9, $0x40;
	s10 =	simm.s32 $0x0;
	s11 =	simm.s32 $0x0  }
.LBB2_33:
0xd3: {  	[sflag:s31] =	ssyncset.done $0x0  }
0xd4: {  	[smem:s18], [sflag:$0x8] =	smem.add.s32 $0x1  }
0xd5: {  	_ =	swait.done [sflag:s31]  }
0xd6: {  	s9 =	ssyncread [sflag:$0x8];
	_ =	sdelay $0x1  }
0xd7: {  	p3 =	slt.s32 s8, $0x40;
	[sflag:s31] =	ssyncset.s32 $0x0  }
0xd8: {  	s8 =	smov.u32 @p3 s8;
	[sflag:s31] =	ssyncset.done $0x0;
	p2 =	sgt.s32 s9, $0x3F  }
0xd9: {  	p1 =	slt.s32 s9, $0x40;
	p4 =	slt.s32 @!p3 s9, $0x40;
	s3 =	sshll.u32 @!p2 s9, $0xE  }
0xda: {  	s10 =	simm.s32 @!p2 $0x0;
	p4 =	por p3, p4;
	s3 =	sadd.s32 @!p2 s12, s3  }
.Ltmp11:
0xdb: {  	s11 =	simm.s32 @!p2 $0x5A80;
	s3 =	sshrl.u32 @!p2 s3, $0x3;
	(pc) =	sbr.rel @!p4 .LBB2_34-.Ltmp11, $4  }
0xdc: {  	p1 =	por @!p3 p1, p1;
	s9 =	smov.u32 @p3 s9;
	s3 =	sadd.s32 @!p2 s1, s3  }
0xdd: {  	[tilespmem:s11], [sflag:$0x2] =	stream.linear.gather @!p2 [hbm4b:s3+s10], $0x4000, $0x38;
	[tilespmem:$0x12B00] =	vst v63  }
0xde: {  	p2 =	por p3, p3;
	s10 =	smov.u32 s0;
	s11 =	smov.u32 s6  }
0xdf: {  	p2 =	por @!p3 p3, p3;
	s10 =	smov.u32 @p3 s0;
	s11 =	smov.u32 @p3 s6  }
.LBB2_13:
0xe0: {  	p3 =	slt.s32 s8, $0x3F  }
0xe1: {  	s8 =	simm.s32 @!p3 $0x3F  }
0xe2: {  	s0 =	sshra.s32 s8, $0x1F  }
0xe3: {  	s0 =	sshrl.u32 s0, $0x1D  }
0xe4: {  	s0 =	sadd.s32 s0, s8  }
0xe5: {  	s3 =	sshra.s32 s0, $0x3  }
0xe6: {  	s0 =	sand.u32 $0xFFFFFFF8, s0;
	s6 =	sadd.s32 s7, s3  }
0xe7: {  	s0 =	ssub.s32 s8, s0;
	s22 =	sshll.u32 s6, $0x9  }
0xe8: {  	s13 =	sshll.u32 s0, $0x4;
	s8 =	sshra.s32 s22, $0x2  }
0xe9: {  	s19 =	sand.u32 $0xFFFFFF80, s13;
	s8 =	sadd.s32 s8, s4  }
0xea: {  	s13 =	sand.u32 $0x70, s13;
	s8 =	sadd.s32 s19, s8  }
0xeb: {  	s29 =	simm.s32 $0x1880;
	s6 =	sand.u32 $0x3FFF8, s6;
	s8 =	sadd.s32 s13, s8  }
0xec: {  	[tilespmem:s29], [sflag:$0x9] =	stream.linear.gather [spmem:s8], $0x10, $0x38;
	[tilespmem:$0x12B00] =	vst v63  }
0xed: {  	s0 =	sadd.s32 s0, s6;
	_ =	swait.ge [sflag:s14], $0x10  }
0xee: {  	s0 =	sshll.u32 s0, $0xE;
	[sflag:s14] =	ssyncset.done $0x0  }
0xef: {  	s3 =	sshll.u32 s3, $0x7;
	s0 =	sshra.s32 s0, $0x2;
	s13 =	rddreg [dreg:$0x5]  }
0xf0: {  	s3 =	sand.u32 $0x380, s3;
	s0 =	sadd.s32 s0, s13  }
0xf1: {  	[sflag:s14] =	ssyncadd.s32 $0xFFFFFFF0;
	s0 =	sadd.s32 s3, s0  }
0xf2: {  	[tilespmem:s23], [sflag:$0x9] =	stream.strided.gather [spmem:s0], $0x200, s16, s17, $0x38;
	[tilespmem:$0x12B00] =	vst v63  }
0xf3: {  	_ =	swait.ge [sflag:s14], $0x200  }
0xf4: {  	[sflag:s14] =	ssyncset.done $0x0  }
0xf5: {  	s0 =	simm.s32 @p2 $0x1;
	[sflag:s14] =	ssyncadd.s32 $0xFFFFFE00  }
0xf6: {  	_ =	swait.ge @p2 [sflag:s0], $0x4000  }
0xf7: {  	[sflag:s0] =	ssyncset.done @p2 $0x0  }
0xf8: {  	[sflag:s0] =	ssyncadd.s32 @p2 $0xFFFFC000  }
0xf9: {  	v12 =	vld [tilespmem:$0x1880];
	_ =	sdelay $0x4  }
0xfa: {  	v12 =	vxor.u32 $0x80000000, v12  }
0xfb: {  	(xrf0) =	vmax.scan.msk.u32 $0xffff, v12;
	_ =	sdelay $0x5  }
0xfc: {  	v12, _, _ =	vpop (xrf0)  }
0xfd: {  	(v2sf) =	vpush v12, $0xF;
	_ =	sdelay $0xe  }
0xfe: {  	s19 =	spop (v2sf)  }
0xff: {  	s0 =	sxor.u32 $0x80000000, s19  }
0x100: {  	s0 =	simm.s32 @!p2 $0x0  }
0x101: {  	s6 =	simm.s32 $0x1;
	s20 =	sadd.s32 $0x1, s0;
	p2 =	slt.u32 s0, $0x7FFFFFFF  }
0x102: {  	s6 =	simm.s32 @!p2 $0x0;
	s21 =	sshra.s32 s20, $0x1F  }
0x103: {  	s22 =	sand.u32 $0x1, s20;
	s6 =	sadd.s32 s6, s21  }
0x104: {  	p6 =	seq.s32 s22, $0x1;
	p5 =	sne.s32 s6, $0x1  }
0x105: {  	s29 =	sshrl.u32 s20, $0x1F;
	p2 =	por !p5, !p6  }
0x106: {  	s3 =	sadd.s32 s29, s20;
	s6 =	simm.s32 $0x1;
	p2 =	por !p2, !p2  }
0x107: {  	s3 =	sshra.s32 s3, $0x1;
	s6 =	simm.s32 @!p2 $0x0  }
0x108: {  	s6 =	ssub.s32 s3, s6  }
0x109: {  	p2 =	slt.s32 s6, $0x1  }
.Ltmp12:
0x10a: {  	_ = 	snop;
	(pc) =	sbr.rel @!p2 .LBB2_14-.Ltmp12, $2  }
0x10b: {  	_ =	sdelay $0x2  }
0x10c: {  	s8 =	simm.s32 $0x0  }
.LBB2_23:
0x10d: {  	[sflag:s28] =	ssyncset.done $0x0  }
0x10e: {  	[smem:s18], [sflag:$0x7] =	smem.add.s32 $0x1  }
0x10f: {  	_ =	swait.done [sflag:s28]  }
0x110: {  	s8 =	ssyncread [sflag:$0x7];
	_ =	sdelay $0x2  }
0x111: {  	p2 =	sgt.s32 s8, $0x3F  }
0x112: {  	s0 =	sshll.u32 @!p2 s8, $0xE  }
0x113: {  	[sflag:s28] =	ssyncset.s32 $0x0;
	s0 =	sadd.s32 @!p2 s12, s0  }
0x114: {  	[sflag:s28] =	ssyncset.done $0x0;
	s0 =	sshrl.u32 @!p2 s0, $0x3  }
0x115: {  	s3 =	simm.s32 @!p2 $0x0;
	s6 =	simm.s32 @!p2 $0x1A80;
	s0 =	sadd.s32 @!p2 s1, s0  }
0x116: {  	[tilespmem:s6], [sflag:$0x1] =	stream.linear.gather @!p2 [hbm4b:s0+s3], $0x4000, $0x38;
	[tilespmem:$0x12B00] =	vst v63  }
0x117: {  	p2 =	slt.s32 s9, $0x3F  }
0x118: {  	s9 =	simm.s32 @!p2 $0x3F  }
0x119: {  	s19 =	sshra.s32 s9, $0x1F  }
0x11a: {  	s0 =	sshrl.u32 s19, $0x1D  }
0x11b: {  	s0 =	sadd.s32 s0, s9  }
0x11c: {  	s20 =	sshra.s32 s0, $0x3  }
0x11d: {  	s0 =	sand.u32 $0xFFFFFFF8, s0;
	s21 =	sadd.s32 s7, s20  }
0x11e: {  	s0 =	ssub.s32 s9, s0;
	s22 =	sshll.u32 s21, $0x9  }
0x11f: {  	s13 =	sshll.u32 s0, $0x4;
	s9 =	sshra.s32 s22, $0x2  }
0x120: {  	s19 =	sand.u32 $0xFFFFFF80, s13;
	s9 =	sadd.s32 s9, s4  }
0x121: {  	s13 =	sand.u32 $0x70, s13;
	s9 =	sadd.s32 s19, s9  }
0x122: {  	s29 =	simm.s32 $0x1900;
	s6 =	sand.u32 $0x3FFF8, s21;
	s9 =	sadd.s32 s13, s9  }
0x123: {  	[tilespmem:s29], [sflag:$0x9] =	stream.linear.gather [spmem:s9], $0x10, $0x38;
	[tilespmem:$0x12B00] =	vst v63  }
0x124: {  	s0 =	sadd.s32 s0, s6;
	_ =	swait.ge [sflag:s14], $0x10  }
0x125: {  	s0 =	sshll.u32 s0, $0xE;
	[sflag:s14] =	ssyncset.done $0x0  }
0x126: {  	s3 =	sshll.u32 s20, $0x7;
	s0 =	sshra.s32 s0, $0x2;
	s13 =	rddreg [dreg:$0x5]  }
0x127: {  	s3 =	sand.u32 $0x380, s3;
	s0 =	sadd.s32 s0, s13  }
0x128: {  	[sflag:s14] =	ssyncadd.s32 $0xFFFFFFF0;
	s0 =	sadd.s32 s3, s0  }
0x129: {  	[tilespmem:s30], [sflag:$0x9] =	stream.strided.gather [spmem:s0], $0x200, s16, s17, $0x38;
	[tilespmem:$0x12B00] =	vst v63  }
0x12a: {  	_ =	swait.ge [sflag:s14], $0x200  }
0x12b: {  	[sflag:s14] =	ssyncset.done $0x0  }
0x12c: {  	s0 =	simm.s32 @p1 $0x2;
	[sflag:s14] =	ssyncadd.s32 $0xFFFFFE00  }
0x12d: {  	_ =	swait.ge @p1 [sflag:s0], $0x4000  }
0x12e: {  	[sflag:s0] =	ssyncset.done @p1 $0x0  }
0x12f: {  	[sflag:s0] =	ssyncadd.s32 @p1 $0xFFFFC000  }
0x130: {  	v12 =	vld [tilespmem:$0x1900];
	_ =	sdelay $0x4  }
0x131: {  	v12 =	vxor.u32 $0x80000000, v12  }
0x132: {  	(xrf0) =	vmax.scan.msk.u32 $0xffff, v12;
	_ =	sdelay $0x5  }
0x133: {  	v12, _, _ =	vpop (xrf0)  }
0x134: {  	(v2sf) =	vpush v12, $0xF;
	_ =	sdelay $0xe  }
0x135: {  	s19 =	spop (v2sf)  }
0x136: {  	s9 =	sxor.u32 $0x80000000, s19  }
0x137: {  	s9 =	simm.s32 @!p1 $0x0  }
0x138: {  	s3 =	simm.s32 $0x1;
	s20 =	sadd.s32 $0x1, s9;
	p1 =	slt.u32 s9, $0x7FFFFFFF  }
0x139: {  	s3 =	simm.s32 @!p1 $0x0;
	s21 =	sshra.s32 s20, $0x1F  }
0x13a: {  	s22 =	sand.u32 $0x1, s20;
	s3 =	sadd.s32 s3, s21  }
0x13b: {  	p6 =	seq.s32 s22, $0x1;
	p5 =	sne.s32 s3, $0x1  }
0x13c: {  	s29 =	sshrl.u32 s20, $0x1F;
	p1 =	por !p5, !p6  }
0x13d: {  	s0 =	sadd.s32 s29, s20;
	s3 =	simm.s32 $0x1;
	p1 =	por !p1, !p1  }
0x13e: {  	s0 =	sshra.s32 s0, $0x1;
	s3 =	simm.s32 @!p1 $0x0  }
0x13f: {  	s13 =	ssub.s32 s0, s3  }
0x140: {  	p1 =	slt.s32 s13, $0x1  }
.Ltmp13:
0x141: {  	_ = 	snop;
	(pc) =	sbr.rel @!p1 .LBB2_24-.Ltmp13, $4  }
.Ltmp14:
0x142: {  	_ = 	snop;
	(pc) =	sbr.rel @p1 .LBB2_33-.Ltmp14, $4  }
0x143: {  	_ = 	snop  }
0x144: {  	_ = 	snop  }
0x145: {  	s6 =	smov.u32 s11;
	s19 =	simm.s32 $0x0;
	s0 =	smov.u32 s10  }
0x146: {  	_ = 	snop  }
.LBB2_21:
0x147: {  	[tilespmem:s20+$0xDAF0] =	vst v18;
	s3 =	sor.u32 s3, s21;
	v16 =	vmul.f32 v16, v12;
	v30 =	vld [tilespmem:s20+$0x1EE0]  }
0x148: {  	[tilespmem:s20+$0xDE80] =	vst v19;
	v13 =	vmul.f32 v13, v12;
	v20 =	vld [tilespmem:s3+$0x1EF0]  }
0x149: {  	v14 =	vmul.f32 v14, v12;
	v31 =	vld [tilespmem:s3+$0x1A80];
	[tilespmem:s20+$0xDE90] =	vst v16  }
0x14a: {  	v33 =	vmul.f32 v15, v12;
	v32 =	vld [tilespmem:s3+$0x1A90];
	[tilespmem:s20+$0xDEA0] =	vst v13  }
0x14b: {  	v35 =	vmul.f32 v17, v12;
	v34 =	vld [tilespmem:s3+$0x1AA0];
	[tilespmem:s20+$0xDEB0] =	vst v14  }
0x14c: {  	v36 =	vld [tilespmem:s3+$0x1AB0];
	[tilespmem:s20+$0xDEC0] =	vst v33;
	v37 =	vmul.f32 v30, v12  }
0x14d: {  	v38 =	vld [tilespmem:s3+$0x1AC0];
	[tilespmem:s20+$0xDED0] =	vst v35;
	v20 =	vmul.f32 v20, v12  }
0x14e: {  	v40 =	vld [tilespmem:s3+$0x1AD0];
	v39 =	vmul.f32 v31, v12;
	[tilespmem:s20+$0xDEE0] =	vst v37  }
0x14f: {  	v42 =	vld [tilespmem:s3+$0x1AE0];
	v41 =	vmul.f32 v32, v12;
	[tilespmem:s3+$0xDEF0] =	vst v20  }
0x150: {  	v44 =	vld [tilespmem:s3+$0x1AF0];
	v43 =	vmul.f32 v34, v12;
	[tilespmem:s3+$0xDA80] =	vst v39  }
0x151: {  	v46 =	vld [tilespmem:s3+$0x1E80];
	v45 =	vmul.f32 v36, v12;
	[tilespmem:s3+$0xDA90] =	vst v41  }
0x152: {  	v48 =	vld [tilespmem:s3+$0x1E90];
	v47 =	vmul.f32 v38, v12;
	[tilespmem:s3+$0xDAA0] =	vst v43  }
0x153: {  	v50 =	vld [tilespmem:s3+$0x1EA0];
	v49 =	vmul.f32 v40, v12;
	[tilespmem:s3+$0xDAB0] =	vst v45  }
0x154: {  	v52 =	vld [tilespmem:s3+$0x1EB0];
	v51 =	vmul.f32 v42, v12;
	[tilespmem:s3+$0xDAC0] =	vst v47  }
0x155: {  	v54 =	vld [tilespmem:s3+$0x1EC0];
	v53 =	vmul.f32 v44, v12;
	[tilespmem:s3+$0xDAD0] =	vst v49  }
0x156: {  	v56 =	vld [tilespmem:s3+$0x1ED0];
	v55 =	vmul.f32 v46, v12;
	[tilespmem:s3+$0xDAE0] =	vst v51  }
0x157: {  	v58 =	vld [tilespmem:s3+$0x1EE0];
	v57 =	vmul.f32 v48, v12;
	[tilespmem:s3+$0xDAF0] =	vst v53  }
0x158: {  	v59 =	vmul.f32 v50, v12;
	[tilespmem:s3+$0xDE80] =	vst v55  }
0x159: {  	v60 =	vmul.f32 v52, v12;
	[tilespmem:s3+$0xDE90] =	vst v57  }
0x15a: {  	v61 =	vmul.f32 v54, v12;
	[tilespmem:s3+$0xDEA0] =	vst v59  }
0x15b: {  	v62 =	vmul.f32 v56, v12;
	[tilespmem:s3+$0xDEB0] =	vst v60  }
0x15c: {  	v63 =	vmul.f32 v58, v12;
	[tilespmem:s3+$0xDEC0] =	vst v61  }
0x15d: {  	[tilespmem:s3+$0xDED0] =	vst v62  }
0x15e: {  	[tilespmem:s3+$0xDEE0] =	vst v63  }
0x15f: {  	v12 =	vld.msk [tilespmem:$0x1A00], $0x1;
	_ =	sdelay $0x4  }
0x160: {  	v12 =	vshll.u32 v12, $0xE  }
0x161: {  	v12 =	vperm.xlane v12, v9;
	_ =	sdelay $0x5  }
0x162: {  	[hbm4b:s2+s5] =	stream.indirect_vreg.scatter [tilespmem:s26], [sflag:$0x4], $0x4000, v12, vm0, $0x38;
	[tilespmem:$0x12B00] =	vst v63  }
.LBB2_22:
0x163: {  	p2 =	slt.s32 s13, s0;
	s3 =	simm.s32 $0x1;
	s8 =	sadd.s32 $0x1, s8  }
0x164: {  	s3 =	simm.s32 @!p2 $0x0;
	p2 =	sne.s32 s8, s6  }
.Ltmp15:
0x165: {  	_ = 	snop;
	(pc) =	sbr.rel @!p2 .LBB2_23-.Ltmp15, $4  }
0x166: {  	_ = 	snop  }
0x167: {  	p3 =	slt.s32 s19, s0;
	s13 =	simm.s32 $0x1  }
0x168: {  	s13 =	simm.s32 @!p3 $0x0  }
0x169: {  	s11 =	sadd.s32 s3, s11;
	s10 =	sadd.s32 s13, s10  }
.LBB2_14:
0x16a: {  	s13 =	sshll.u32 s8, $0x1  }
0x16b: {  	p2 =	sge.s32 s13, s0  }
.Ltmp16:
0x16c: {  	_ = 	snop;
	(pc) =	sbr.rel @p2 .LBB2_18-.Ltmp16, $1  }
0x16d: {  	_ =	sdelay $0x3  }
0x16e: {  	v12 =	vmov s13  }
0x16f: {  	v12 =	vand.u32 $0xFFFFFFFE, v12  }
0x170: {  	v12 =	vbroadcast v12, $0x0  }
0x171: {  	p2 =	slt.s32 s11, $0x1  }
0x172: {  	s3 =	simm.s32 @!p2 $0x3  }
0x173: {  	_ =	swait.ge @!p2 [sflag:s3], $0x4000  }
0x174: {  	[sflag:s3] =	ssyncset.done @!p2 $0x0  }
0x175: {  	[sflag:s3] =	ssyncadd.s32 @!p2 $0xFFFFC000  }
0x176: {  	v13 =	vld.idx.msk [tilespmem:v12+s23+$0x0], $0xffff;
	_ =	sdelay $0x6  }
0x177: {  	s21 =	simm.s32 $0x0  }
0x178: {  	s19 =	sand.u32 $0x3800, s21;
	s3 =	sand.u32 $0x380, s21;
	v12 =	vld.idx.msk [tilespmem:v13+s15+$0x0], $0xffff;
	v13 =	vadd.s32 v8, v13  }
0x179: {  	s19 =	sor.u32 s3, s19;
	[tilespmem:v10+s24+$0x0] =	vst.idx.msk $0x1, v13  }
0x17a: {  	v13 =	vld [tilespmem:s19+$0x1EF0]  }
0x17b: {  	v14 =	vld [tilespmem:s19+$0x1A80]  }
0x17c: {  	v15 =	vld [tilespmem:s19+$0x1A90]  }
0x17d: {  	v16 =	vld [tilespmem:s19+$0x1AA0]  }
0x17e: {  	v17 =	vld [tilespmem:s19+$0x1AB0]  }
0x17f: {  	v18 =	vld [tilespmem:s19+$0x1AC0];
	v13 =	vmul.f32 v13, v12  }
0x180: {  	v19 =	vld [tilespmem:s19+$0x1AD0];
	v14 =	vmul.f32 v14, v12  }
0x181: {  	v20 =	vld [tilespmem:s19+$0x1AE0];
	[tilespmem:s19+$0x9EF0] =	vst v13;
	v13 =	vmul.f32 v15, v12  }
0x182: {  	v21 =	vld [tilespmem:s19+$0x1AF0];
	[tilespmem:s19+$0x9A80] =	vst v14;
	v14 =	vmul.f32 v16, v12  }
0x183: {  	v22 =	vld [tilespmem:s19+$0x1E80];
	[tilespmem:s19+$0x9A90] =	vst v13;
	v13 =	vmul.f32 v17, v12  }
0x184: {  	v16 =	vld [tilespmem:s19+$0x1E90];
	[tilespmem:s19+$0x9AA0] =	vst v14;
	v14 =	vmul.f32 v18, v12  }
0x185: {  	v15 =	vmul.f32 v19, v12;
	[tilespmem:s19+$0x9AB0] =	vst v13;
	v13 =	vld [tilespmem:s19+$0x1EA0]  }
0x186: {  	v17 =	vmul.f32 v20, v12;
	[tilespmem:s19+$0x9AC0] =	vst v14;
	v14 =	vld [tilespmem:s19+$0x1EB0]  }
0x187: {  	s22 =	simm.s32 $0x100;
	s20 =	simm.s32 $0x80;
	[tilespmem:s19+$0x9AD0] =	vst v15;
	v15 =	vld [tilespmem:s19+$0x1EC0];
	v18 =	vmul.f32 v21, v12  }
0x188: {  	s29 =	sand.u32 $0x3800, s22;
	s22 =	simm.s32 $0x200;
	s21 =	sand.u32 $0x380, s20;
	v19 =	vmul.f32 v22, v12;
	[tilespmem:s19+$0x9AE0] =	vst v17;
	v17 =	vld [tilespmem:s19+$0x1ED0]  }
.LBB2_16:
0x189: {  	p2 =	sne.s32 s22, $0x3F00;
	s3 =	sor.u32 s21, s29;
	[tilespmem:s19+$0x9AF0] =	vst v18;
	v16 =	vmul.f32 v16, v12;
	v18 =	vld [tilespmem:s19+$0x1EE0]  }
0x18a: {  	v20 =	vld [tilespmem:s3+$0x1EF0];
	[tilespmem:s19+$0x9E80] =	vst v19;
	v13 =	vmul.f32 v13, v12  }
0x18b: {  	v19 =	vld [tilespmem:s3+$0x1A80];
	[tilespmem:s19+$0x9E90] =	vst v16;
	v14 =	vmul.f32 v14, v12  }
0x18c: {  	v16 =	vld [tilespmem:s3+$0x1A90];
	[tilespmem:s19+$0x9EA0] =	vst v13;
	v13 =	vmul.f32 v15, v12  }
0x18d: {  	v15 =	vld [tilespmem:s3+$0x1AA0];
	[tilespmem:s19+$0x9EB0] =	vst v14;
	v14 =	vmul.f32 v17, v12  }
0x18e: {  	v17 =	vld [tilespmem:s3+$0x1AB0];
	[tilespmem:s19+$0x9EC0] =	vst v13;
	v13 =	vmul.f32 v18, v12  }
0x18f: {  	v18 =	vld [tilespmem:s3+$0x1AC0];
	v20 =	vmul.f32 v20, v12;
	[tilespmem:s19+$0x9ED0] =	vst v14  }
0x190: {  	v14 =	vmul.f32 v19, v12;
	v19 =	vld [tilespmem:s3+$0x1AD0];
	[tilespmem:s19+$0x9EE0] =	vst v13;
	s19 =	smov.u32 s3  }
0x191: {  	v13 =	vmul.f32 v16, v12;
	v21 =	vld [tilespmem:s19+$0x1AE0];
	[tilespmem:s19+$0x9EF0] =	vst v20  }
0x192: {  	[tilespmem:s19+$0x9A80] =	vst v14;
	v14 =	vmul.f32 v15, v12;
	v15 =	vld [tilespmem:s19+$0x1AF0]  }
0x193: {  	[tilespmem:s19+$0x9A90] =	vst v13;
	v13 =	vmul.f32 v17, v12;
	v17 =	vld [tilespmem:s19+$0x1E80]  }
.Ltmp17:
0x194: {  	[tilespmem:s19+$0x9AA0] =	vst v14;
	v14 =	vmul.f32 v18, v12;
	v16 =	vld [tilespmem:s19+$0x1E90];
	(pc) =	sbr.rel @p2 .LBB2_16-.Ltmp17, $4  }
0x195: {  	[tilespmem:s19+$0x9AB0] =	vst v13;
	v18 =	vmul.f32 v19, v12;
	v13 =	vld [tilespmem:s19+$0x1EA0]  }
0x196: {  	[tilespmem:s19+$0x9AC0] =	vst v14;
	v19 =	vmul.f32 v21, v12;
	v14 =	vld [tilespmem:s19+$0x1EB0]  }
0x197: {  	s20 =	sadd.s32 $0x80, s20;
	[tilespmem:s19+$0x9AD0] =	vst v18;
	v18 =	vmul.f32 v15, v12;
	v15 =	vld [tilespmem:s19+$0x1EC0]  }
0x198: {  	s29 =	sand.u32 $0x3800, s22;
	s22 =	sadd.s32 $0x100, s22;
	s21 =	sand.u32 $0x380, s20;
	[tilespmem:s19+$0x9AE0] =	vst v19;
	v19 =	vmul.f32 v17, v12;
	v17 =	vld [tilespmem:s19+$0x1ED0]  }
0x199: {  	[tilespmem:s19+$0x9AF0] =	vst v18;
	s3 =	sor.u32 s21, s29;
	v16 =	vmul.f32 v16, v12;
	v30 =	vld [tilespmem:s19+$0x1EE0]  }
0x19a: {  	v20 =	vld [tilespmem:s3+$0x1EF0];
	[tilespmem:s19+$0x9E80] =	vst v19;
	v13 =	vmul.f32 v13, v12  }
0x19b: {  	v31 =	vld [tilespmem:s3+$0x1A80];
	[tilespmem:s19+$0x9E90] =	vst v16;
	v14 =	vmul.f32 v14, v12  }
0x19c: {  	v32 =	vld [tilespmem:s3+$0x1A90];
	[tilespmem:s19+$0x9EA0] =	vst v13;
	v33 =	vmul.f32 v15, v12  }
0x19d: {  	v34 =	vld [tilespmem:s3+$0x1AA0];
	[tilespmem:s19+$0x9EB0] =	vst v14;
	v35 =	vmul.f32 v17, v12  }
0x19e: {  	v36 =	vld [tilespmem:s3+$0x1AB0];
	[tilespmem:s19+$0x9EC0] =	vst v33;
	v37 =	vmul.f32 v30, v12  }
0x19f: {  	v38 =	vld [tilespmem:s3+$0x1AC0];
	v20 =	vmul.f32 v20, v12;
	[tilespmem:s19+$0x9ED0] =	vst v35  }
0x1a0: {  	v40 =	vld [tilespmem:s3+$0x1AD0];
	v39 =	vmul.f32 v31, v12;
	[tilespmem:s19+$0x9EE0] =	vst v37  }
0x1a1: {  	v42 =	vld [tilespmem:s3+$0x1AE0];
	v41 =	vmul.f32 v32, v12;
	[tilespmem:s3+$0x9EF0] =	vst v20  }
0x1a2: {  	v44 =	vld [tilespmem:s3+$0x1AF0];
	v43 =	vmul.f32 v34, v12;
	[tilespmem:s3+$0x9A80] =	vst v39  }
0x1a3: {  	v46 =	vld [tilespmem:s3+$0x1E80];
	v45 =	vmul.f32 v36, v12;
	[tilespmem:s3+$0x9A90] =	vst v41  }
0x1a4: {  	v48 =	vld [tilespmem:s3+$0x1E90];
	v47 =	vmul.f32 v38, v12;
	[tilespmem:s3+$0x9AA0] =	vst v43  }
0x1a5: {  	v50 =	vld [tilespmem:s3+$0x1EA0];
	v49 =	vmul.f32 v40, v12;
	[tilespmem:s3+$0x9AB0] =	vst v45  }
0x1a6: {  	v52 =	vld [tilespmem:s3+$0x1EB0];
	v51 =	vmul.f32 v42, v12;
	[tilespmem:s3+$0x9AC0] =	vst v47  }
0x1a7: {  	v54 =	vld [tilespmem:s3+$0x1EC0];
	v53 =	vmul.f32 v44, v12;
	[tilespmem:s3+$0x9AD0] =	vst v49  }
0x1a8: {  	v56 =	vld [tilespmem:s3+$0x1ED0];
	v55 =	vmul.f32 v46, v12;
	[tilespmem:s3+$0x9AE0] =	vst v51  }
0x1a9: {  	v58 =	vld [tilespmem:s3+$0x1EE0];
	v57 =	vmul.f32 v48, v12;
	[tilespmem:s3+$0x9AF0] =	vst v53  }
0x1aa: {  	v59 =	vmul.f32 v50, v12;
	[tilespmem:s3+$0x9E80] =	vst v55  }
0x1ab: {  	v60 =	vmul.f32 v52, v12;
	[tilespmem:s3+$0x9E90] =	vst v57  }
0x1ac: {  	v61 =	vmul.f32 v54, v12;
	[tilespmem:s3+$0x9EA0] =	vst v59  }
0x1ad: {  	v62 =	vmul.f32 v56, v12;
	[tilespmem:s3+$0x9EB0] =	vst v60  }
0x1ae: {  	v63 =	vmul.f32 v58, v12;
	[tilespmem:s3+$0x9EC0] =	vst v61  }
0x1af: {  	[tilespmem:s3+$0x9ED0] =	vst v62  }
0x1b0: {  	[tilespmem:s3+$0x9EE0] =	vst v63  }
0x1b1: {  	v12 =	vld.msk [tilespmem:$0x1980], $0x1;
	_ =	sdelay $0x4  }
0x1b2: {  	v12 =	vshll.u32 v12, $0xE  }
0x1b3: {  	v12 =	vperm.xlane v12, v9;
	_ =	sdelay $0x5  }
0x1b4: {  	[hbm4b:s2+s5] =	stream.indirect_vreg.scatter [tilespmem:s25], [sflag:$0x3], $0x4000, v12, vm0, $0x38;
	[tilespmem:$0x12B00] =	vst v63  }
.LBB2_18:
0x1b5: {  	s19 =	sor.u32 $0x1, s13  }
0x1b6: {  	p2 =	sge.s32 s19, s0  }
.Ltmp18:
0x1b7: {  	_ = 	snop;
	(pc) =	sbr.rel @p2 .LBB2_22-.Ltmp18, $1  }
0x1b8: {  	_ =	sdelay $0x3  }
0x1b9: {  	p2 =	slt.s32 s10, $0x1;
	v12 =	vmov s19  }
0x1ba: {  	s3 =	simm.s32 @!p2 $0x4  }
0x1bb: {  	_ =	swait.ge @!p2 [sflag:s3], $0x4000  }
0x1bc: {  	[sflag:s3] =	ssyncset.done @!p2 $0x0  }
0x1bd: {  	[sflag:s3] =	ssyncadd.s32 @!p2 $0xFFFFC000  }
0x1be: {  	v13 =	vld.idx.msk [tilespmem:v12+s23+$0x0], $0xffff;
	_ =	sdelay $0x6  }
0x1bf: {  	s22 =	simm.s32 $0x0  }
0x1c0: {  	s20 =	sand.u32 $0x3800, s22;
	s3 =	sand.u32 $0x380, s22;
	v12 =	vld.idx.msk [tilespmem:v13+s15+$0x0], $0xffff;
	v13 =	vadd.s32 v8, v13  }
0x1c1: {  	s20 =	sor.u32 s3, s20;
	[tilespmem:v11+s24+$0x0] =	vst.idx.msk $0x1, v13  }
0x1c2: {  	v13 =	vld [tilespmem:s20+$0x1EF0]  }
0x1c3: {  	v14 =	vld [tilespmem:s20+$0x1A80]  }
0x1c4: {  	v15 =	vld [tilespmem:s20+$0x1A90]  }
0x1c5: {  	v16 =	vld [tilespmem:s20+$0x1AA0]  }
0x1c6: {  	v17 =	vld [tilespmem:s20+$0x1AB0]  }
0x1c7: {  	v18 =	vld [tilespmem:s20+$0x1AC0];
	v13 =	vmul.f32 v13, v12  }
0x1c8: {  	v19 =	vld [tilespmem:s20+$0x1AD0];
	v14 =	vmul.f32 v14, v12  }
0x1c9: {  	v20 =	vld [tilespmem:s20+$0x1AE0];
	[tilespmem:s20+$0xDEF0] =	vst v13;
	v13 =	vmul.f32 v15, v12  }
0x1ca: {  	v21 =	vld [tilespmem:s20+$0x1AF0];
	[tilespmem:s20+$0xDA80] =	vst v14;
	v14 =	vmul.f32 v16, v12  }
0x1cb: {  	v22 =	vld [tilespmem:s20+$0x1E80];
	[tilespmem:s20+$0xDA90] =	vst v13;
	v13 =	vmul.f32 v17, v12  }
0x1cc: {  	v16 =	vld [tilespmem:s20+$0x1E90];
	[tilespmem:s20+$0xDAA0] =	vst v14;
	v14 =	vmul.f32 v18, v12  }
0x1cd: {  	v15 =	vmul.f32 v19, v12;
	[tilespmem:s20+$0xDAB0] =	vst v13;
	v13 =	vld [tilespmem:s20+$0x1EA0]  }
0x1ce: {  	v17 =	vmul.f32 v20, v12;
	[tilespmem:s20+$0xDAC0] =	vst v14;
	v14 =	vld [tilespmem:s20+$0x1EB0]  }
0x1cf: {  	s21 =	simm.s32 $0x100;
	s22 =	simm.s32 $0x80;
	[tilespmem:s20+$0xDAD0] =	vst v15;
	v15 =	vld [tilespmem:s20+$0x1EC0];
	v18 =	vmul.f32 v21, v12  }
0x1d0: {  	s29 =	simm.s32 $0x200;
	s21 =	sand.u32 $0x3800, s21;
	s3 =	sand.u32 $0x380, s22;
	v19 =	vmul.f32 v22, v12;
	[tilespmem:s20+$0xDAE0] =	vst v17;
	v17 =	vld [tilespmem:s20+$0x1ED0]  }
.LBB2_20:
0x1d1: {  	p2 =	sne.s32 s29, $0x3F00;
	s3 =	sor.u32 s3, s21;
	[tilespmem:s20+$0xDAF0] =	vst v18;
	v16 =	vmul.f32 v16, v12;
	v18 =	vld [tilespmem:s20+$0x1EE0]  }
0x1d2: {  	v13 =	vmul.f32 v13, v12;
	v20 =	vld [tilespmem:s3+$0x1EF0];
	[tilespmem:s20+$0xDE80] =	vst v19  }
0x1d3: {  	v14 =	vmul.f32 v14, v12;
	v19 =	vld [tilespmem:s3+$0x1A80];
	[tilespmem:s20+$0xDE90] =	vst v16  }
0x1d4: {  	v16 =	vld [tilespmem:s3+$0x1A90];
	[tilespmem:s20+$0xDEA0] =	vst v13;
	v13 =	vmul.f32 v15, v12  }
0x1d5: {  	v15 =	vld [tilespmem:s3+$0x1AA0];
	[tilespmem:s20+$0xDEB0] =	vst v14;
	v14 =	vmul.f32 v17, v12  }
0x1d6: {  	v17 =	vld [tilespmem:s3+$0x1AB0];
	[tilespmem:s20+$0xDEC0] =	vst v13;
	v13 =	vmul.f32 v18, v12  }
0x1d7: {  	v18 =	vld [tilespmem:s3+$0x1AC0];
	v20 =	vmul.f32 v20, v12;
	[tilespmem:s20+$0xDED0] =	vst v14  }
0x1d8: {  	v14 =	vmul.f32 v19, v12;
	v19 =	vld [tilespmem:s3+$0x1AD0];
	[tilespmem:s20+$0xDEE0] =	vst v13;
	s20 =	smov.u32 s3  }
0x1d9: {  	v13 =	vmul.f32 v16, v12;
	v21 =	vld [tilespmem:s20+$0x1AE0];
	[tilespmem:s20+$0xDEF0] =	vst v20  }
0x1da: {  	[tilespmem:s20+$0xDA80] =	vst v14;
	v14 =	vmul.f32 v15, v12;
	v15 =	vld [tilespmem:s20+$0x1AF0]  }
0x1db: {  	[tilespmem:s20+$0xDA90] =	vst v13;
	v13 =	vmul.f32 v17, v12;
	v17 =	vld [tilespmem:s20+$0x1E80]  }
.Ltmp19:
0x1dc: {  	[tilespmem:s20+$0xDAA0] =	vst v14;
	v14 =	vmul.f32 v18, v12;
	v16 =	vld [tilespmem:s20+$0x1E90];
	(pc) =	sbr.rel @p2 .LBB2_20-.Ltmp19, $4  }
0x1dd: {  	[tilespmem:s20+$0xDAB0] =	vst v13;
	v18 =	vmul.f32 v19, v12;
	v13 =	vld [tilespmem:s20+$0x1EA0]  }
0x1de: {  	[tilespmem:s20+$0xDAC0] =	vst v14;
	v19 =	vmul.f32 v21, v12;
	v14 =	vld [tilespmem:s20+$0x1EB0]  }
0x1df: {  	s22 =	sadd.s32 $0x80, s22;
	[tilespmem:s20+$0xDAD0] =	vst v18;
	v18 =	vmul.f32 v15, v12;
	v15 =	vld [tilespmem:s20+$0x1EC0]  }
0x1e0: {  	s21 =	sand.u32 $0x3800, s29;
	s29 =	sadd.s32 $0x100, s29;
	s3 =	sand.u32 $0x380, s22;
	[tilespmem:s20+$0xDAE0] =	vst v19;
	v19 =	vmul.f32 v17, v12;
	v17 =	vld [tilespmem:s20+$0x1ED0]  }
.Ltmp20:
0x1e1: {  	_ = 	snop;
	(pc) =	sbr.rel .LBB2_21-.Ltmp20, $1  }
0x1e2: {  	_ =	sdelay $0x3  }
.LBB2_31:
0x1e3: {  	[tilespmem:s20+$0xDAF0] =	vst v18;
	s3 =	sor.u32 s3, s21;
	v16 =	vmul.f32 v16, v12;
	v30 =	vld [tilespmem:s20+$0x5EE0]  }
0x1e4: {  	[tilespmem:s20+$0xDE80] =	vst v19;
	v13 =	vmul.f32 v13, v12;
	v20 =	vld [tilespmem:s3+$0x5EF0]  }
0x1e5: {  	v14 =	vmul.f32 v14, v12;
	v31 =	vld [tilespmem:s3+$0x5A80];
	[tilespmem:s20+$0xDE90] =	vst v16  }
0x1e6: {  	v33 =	vmul.f32 v15, v12;
	v32 =	vld [tilespmem:s3+$0x5A90];
	[tilespmem:s20+$0xDEA0] =	vst v13  }
0x1e7: {  	v35 =	vmul.f32 v17, v12;
	v34 =	vld [tilespmem:s3+$0x5AA0];
	[tilespmem:s20+$0xDEB0] =	vst v14  }
0x1e8: {  	v36 =	vld [tilespmem:s3+$0x5AB0];
	[tilespmem:s20+$0xDEC0] =	vst v33;
	v37 =	vmul.f32 v30, v12  }
0x1e9: {  	v38 =	vld [tilespmem:s3+$0x5AC0];
	[tilespmem:s20+$0xDED0] =	vst v35;
	v20 =	vmul.f32 v20, v12  }
0x1ea: {  	v40 =	vld [tilespmem:s3+$0x5AD0];
	v39 =	vmul.f32 v31, v12;
	[tilespmem:s20+$0xDEE0] =	vst v37  }
0x1eb: {  	v42 =	vld [tilespmem:s3+$0x5AE0];
	v41 =	vmul.f32 v32, v12;
	[tilespmem:s3+$0xDEF0] =	vst v20  }
0x1ec: {  	v44 =	vld [tilespmem:s3+$0x5AF0];
	v43 =	vmul.f32 v34, v12;
	[tilespmem:s3+$0xDA80] =	vst v39  }
0x1ed: {  	v46 =	vld [tilespmem:s3+$0x5E80];
	v45 =	vmul.f32 v36, v12;
	[tilespmem:s3+$0xDA90] =	vst v41  }
0x1ee: {  	v48 =	vld [tilespmem:s3+$0x5E90];
	v47 =	vmul.f32 v38, v12;
	[tilespmem:s3+$0xDAA0] =	vst v43  }
0x1ef: {  	v50 =	vld [tilespmem:s3+$0x5EA0];
	v49 =	vmul.f32 v40, v12;
	[tilespmem:s3+$0xDAB0] =	vst v45  }
0x1f0: {  	v52 =	vld [tilespmem:s3+$0x5EB0];
	v51 =	vmul.f32 v42, v12;
	[tilespmem:s3+$0xDAC0] =	vst v47  }
0x1f1: {  	v54 =	vld [tilespmem:s3+$0x5EC0];
	v53 =	vmul.f32 v44, v12;
	[tilespmem:s3+$0xDAD0] =	vst v49  }
0x1f2: {  	v56 =	vld [tilespmem:s3+$0x5ED0];
	v55 =	vmul.f32 v46, v12;
	[tilespmem:s3+$0xDAE0] =	vst v51  }
0x1f3: {  	v58 =	vld [tilespmem:s3+$0x5EE0];
	v57 =	vmul.f32 v48, v12;
	[tilespmem:s3+$0xDAF0] =	vst v53  }
0x1f4: {  	v59 =	vmul.f32 v50, v12;
	[tilespmem:s3+$0xDE80] =	vst v55  }
0x1f5: {  	v60 =	vmul.f32 v52, v12;
	[tilespmem:s3+$0xDE90] =	vst v57  }
0x1f6: {  	v61 =	vmul.f32 v54, v12;
	[tilespmem:s3+$0xDEA0] =	vst v59  }
0x1f7: {  	v62 =	vmul.f32 v56, v12;
	[tilespmem:s3+$0xDEB0] =	vst v60  }
0x1f8: {  	v63 =	vmul.f32 v58, v12;
	[tilespmem:s3+$0xDEC0] =	vst v61  }
0x1f9: {  	[tilespmem:s3+$0xDED0] =	vst v62  }
0x1fa: {  	[tilespmem:s3+$0xDEE0] =	vst v63  }
0x1fb: {  	v12 =	vld.msk [tilespmem:$0x1A00], $0x1;
	_ =	sdelay $0x4  }
0x1fc: {  	v12 =	vshll.u32 v12, $0xE  }
0x1fd: {  	v12 =	vperm.xlane v12, v9;
	_ =	sdelay $0x5  }
0x1fe: {  	[hbm4b:s2+s5] =	stream.indirect_vreg.scatter [tilespmem:s26], [sflag:$0x4], $0x4000, v12, vm0, $0x38;
	[tilespmem:$0x12B00] =	vst v63  }
.LBB2_32:
0x1ff: {  	p1 =	slt.s32 s10, s9;
	s3 =	simm.s32 $0x1;
	s19 =	sadd.s32 $0x1, s19  }
0x200: {  	s3 =	simm.s32 @!p1 $0x0;
	p1 =	sne.s32 s19, s13  }
.Ltmp21:
0x201: {  	_ = 	snop;
	(pc) =	sbr.rel @!p1 .LBB2_33-.Ltmp21, $4  }
0x202: {  	_ = 	snop  }
0x203: {  	p2 =	slt.s32 s11, s9;
	s10 =	simm.s32 $0x1  }
0x204: {  	s10 =	simm.s32 @!p2 $0x0  }
0x205: {  	s6 =	sadd.s32 s3, s6;
	s0 =	sadd.s32 s10, s0  }
.LBB2_24:
0x206: {  	s10 =	sshll.u32 s19, $0x1  }
0x207: {  	p1 =	sge.s32 s10, s9  }
.Ltmp22:
0x208: {  	_ = 	snop;
	(pc) =	sbr.rel @p1 .LBB2_28-.Ltmp22, $1  }
0x209: {  	_ =	sdelay $0x3  }
0x20a: {  	v12 =	vmov s10  }
0x20b: {  	v12 =	vand.u32 $0xFFFFFFFE, v12  }
0x20c: {  	v12 =	vbroadcast v12, $0x0  }
0x20d: {  	p1 =	slt.s32 s6, $0x1  }
0x20e: {  	s3 =	simm.s32 @!p1 $0x3  }
0x20f: {  	_ =	swait.ge @!p1 [sflag:s3], $0x4000  }
0x210: {  	[sflag:s3] =	ssyncset.done @!p1 $0x0  }
0x211: {  	[sflag:s3] =	ssyncadd.s32 @!p1 $0xFFFFC000  }
0x212: {  	v13 =	vld.idx.msk [tilespmem:v12+s30+$0x0], $0xffff;
	_ =	sdelay $0x6  }
0x213: {  	s22 =	simm.s32 $0x0  }
0x214: {  	s11 =	sand.u32 $0x3800, s22;
	s3 =	sand.u32 $0x380, s22;
	v12 =	vld.idx.msk [tilespmem:v13+s15+$0x0], $0xffff;
	v13 =	vadd.s32 v8, v13  }
0x215: {  	s11 =	sor.u32 s3, s11;
	[tilespmem:v10+s24+$0x0] =	vst.idx.msk $0x1, v13  }
0x216: {  	v13 =	vld [tilespmem:s11+$0x5EF0]  }
0x217: {  	v14 =	vld [tilespmem:s11+$0x5A80]  }
0x218: {  	v15 =	vld [tilespmem:s11+$0x5A90]  }
0x219: {  	v16 =	vld [tilespmem:s11+$0x5AA0]  }
0x21a: {  	v17 =	vld [tilespmem:s11+$0x5AB0]  }
0x21b: {  	v18 =	vld [tilespmem:s11+$0x5AC0];
	v13 =	vmul.f32 v13, v12  }
0x21c: {  	v19 =	vld [tilespmem:s11+$0x5AD0];
	v14 =	vmul.f32 v14, v12  }
0x21d: {  	v20 =	vld [tilespmem:s11+$0x5AE0];
	[tilespmem:s11+$0x9EF0] =	vst v13;
	v13 =	vmul.f32 v15, v12  }
0x21e: {  	v21 =	vld [tilespmem:s11+$0x5AF0];
	[tilespmem:s11+$0x9A80] =	vst v14;
	v14 =	vmul.f32 v16, v12  }
0x21f: {  	v22 =	vld [tilespmem:s11+$0x5E80];
	[tilespmem:s11+$0x9A90] =	vst v13;
	v13 =	vmul.f32 v17, v12  }
0x220: {  	v16 =	vld [tilespmem:s11+$0x5E90];
	[tilespmem:s11+$0x9AA0] =	vst v14;
	v14 =	vmul.f32 v18, v12  }
0x221: {  	v15 =	vmul.f32 v19, v12;
	[tilespmem:s11+$0x9AB0] =	vst v13;
	v13 =	vld [tilespmem:s11+$0x5EA0]  }
0x222: {  	v17 =	vmul.f32 v20, v12;
	[tilespmem:s11+$0x9AC0] =	vst v14;
	v14 =	vld [tilespmem:s11+$0x5EB0]  }
0x223: {  	s29 =	simm.s32 $0x100;
	s20 =	simm.s32 $0x80;
	[tilespmem:s11+$0x9AD0] =	vst v15;
	v15 =	vld [tilespmem:s11+$0x5EC0];
	v18 =	vmul.f32 v21, v12  }
0x224: {  	s21 =	sand.u32 $0x3800, s29;
	s22 =	simm.s32 $0x200;
	s3 =	sand.u32 $0x380, s20;
	v19 =	vmul.f32 v22, v12;
	[tilespmem:s11+$0x9AE0] =	vst v17;
	v17 =	vld [tilespmem:s11+$0x5ED0]  }
.LBB2_26:
0x225: {  	p1 =	sne.s32 s22, $0x3F00;
	s3 =	sor.u32 s3, s21;
	[tilespmem:s11+$0x9AF0] =	vst v18;
	v16 =	vmul.f32 v16, v12;
	v18 =	vld [tilespmem:s11+$0x5EE0]  }
0x226: {  	v20 =	vld [tilespmem:s3+$0x5EF0];
	[tilespmem:s11+$0x9E80] =	vst v19;
	v13 =	vmul.f32 v13, v12  }
0x227: {  	v19 =	vld [tilespmem:s3+$0x5A80];
	[tilespmem:s11+$0x9E90] =	vst v16;
	v14 =	vmul.f32 v14, v12  }
0x228: {  	v16 =	vld [tilespmem:s3+$0x5A90];
	[tilespmem:s11+$0x9EA0] =	vst v13;
	v13 =	vmul.f32 v15, v12  }
0x229: {  	v15 =	vld [tilespmem:s3+$0x5AA0];
	[tilespmem:s11+$0x9EB0] =	vst v14;
	v14 =	vmul.f32 v17, v12  }
0x22a: {  	v17 =	vld [tilespmem:s3+$0x5AB0];
	[tilespmem:s11+$0x9EC0] =	vst v13;
	v13 =	vmul.f32 v18, v12  }
0x22b: {  	v18 =	vld [tilespmem:s3+$0x5AC0];
	v20 =	vmul.f32 v20, v12;
	[tilespmem:s11+$0x9ED0] =	vst v14  }
0x22c: {  	v14 =	vmul.f32 v19, v12;
	v19 =	vld [tilespmem:s3+$0x5AD0];
	[tilespmem:s11+$0x9EE0] =	vst v13;
	s11 =	smov.u32 s3  }
0x22d: {  	v13 =	vmul.f32 v16, v12;
	v21 =	vld [tilespmem:s11+$0x5AE0];
	[tilespmem:s11+$0x9EF0] =	vst v20  }
0x22e: {  	[tilespmem:s11+$0x9A80] =	vst v14;
	v14 =	vmul.f32 v15, v12;
	v15 =	vld [tilespmem:s11+$0x5AF0]  }
0x22f: {  	[tilespmem:s11+$0x9A90] =	vst v13;
	v13 =	vmul.f32 v17, v12;
	v17 =	vld [tilespmem:s11+$0x5E80]  }
.Ltmp23:
0x230: {  	[tilespmem:s11+$0x9AA0] =	vst v14;
	v14 =	vmul.f32 v18, v12;
	v16 =	vld [tilespmem:s11+$0x5E90];
	(pc) =	sbr.rel @p1 .LBB2_26-.Ltmp23, $4  }
0x231: {  	[tilespmem:s11+$0x9AB0] =	vst v13;
	v18 =	vmul.f32 v19, v12;
	v13 =	vld [tilespmem:s11+$0x5EA0]  }
0x232: {  	[tilespmem:s11+$0x9AC0] =	vst v14;
	v19 =	vmul.f32 v21, v12;
	v14 =	vld [tilespmem:s11+$0x5EB0]  }
0x233: {  	s20 =	sadd.s32 $0x80, s20;
	[tilespmem:s11+$0x9AD0] =	vst v18;
	v18 =	vmul.f32 v15, v12;
	v15 =	vld [tilespmem:s11+$0x5EC0]  }
0x234: {  	s21 =	sand.u32 $0x3800, s22;
	s22 =	sadd.s32 $0x100, s22;
	s3 =	sand.u32 $0x380, s20;
	[tilespmem:s11+$0x9AE0] =	vst v19;
	v19 =	vmul.f32 v17, v12;
	v17 =	vld [tilespmem:s11+$0x5ED0]  }
0x235: {  	[tilespmem:s11+$0x9AF0] =	vst v18;
	s3 =	sor.u32 s3, s21;
	v16 =	vmul.f32 v16, v12;
	v30 =	vld [tilespmem:s11+$0x5EE0]  }
0x236: {  	v20 =	vld [tilespmem:s3+$0x5EF0];
	[tilespmem:s11+$0x9E80] =	vst v19;
	v13 =	vmul.f32 v13, v12  }
0x237: {  	v31 =	vld [tilespmem:s3+$0x5A80];
	[tilespmem:s11+$0x9E90] =	vst v16;
	v14 =	vmul.f32 v14, v12  }
0x238: {  	v32 =	vld [tilespmem:s3+$0x5A90];
	[tilespmem:s11+$0x9EA0] =	vst v13;
	v33 =	vmul.f32 v15, v12  }
0x239: {  	v34 =	vld [tilespmem:s3+$0x5AA0];
	[tilespmem:s11+$0x9EB0] =	vst v14;
	v35 =	vmul.f32 v17, v12  }
0x23a: {  	v36 =	vld [tilespmem:s3+$0x5AB0];
	[tilespmem:s11+$0x9EC0] =	vst v33;
	v37 =	vmul.f32 v30, v12  }
0x23b: {  	v38 =	vld [tilespmem:s3+$0x5AC0];
	v20 =	vmul.f32 v20, v12;
	[tilespmem:s11+$0x9ED0] =	vst v35  }
0x23c: {  	v40 =	vld [tilespmem:s3+$0x5AD0];
	v39 =	vmul.f32 v31, v12;
	[tilespmem:s11+$0x9EE0] =	vst v37  }
0x23d: {  	v42 =	vld [tilespmem:s3+$0x5AE0];
	v41 =	vmul.f32 v32, v12;
	[tilespmem:s3+$0x9EF0] =	vst v20  }
0x23e: {  	v44 =	vld [tilespmem:s3+$0x5AF0];
	v43 =	vmul.f32 v34, v12;
	[tilespmem:s3+$0x9A80] =	vst v39  }
0x23f: {  	v46 =	vld [tilespmem:s3+$0x5E80];
	v45 =	vmul.f32 v36, v12;
	[tilespmem:s3+$0x9A90] =	vst v41  }
0x240: {  	v48 =	vld [tilespmem:s3+$0x5E90];
	v47 =	vmul.f32 v38, v12;
	[tilespmem:s3+$0x9AA0] =	vst v43  }
0x241: {  	v50 =	vld [tilespmem:s3+$0x5EA0];
	v49 =	vmul.f32 v40, v12;
	[tilespmem:s3+$0x9AB0] =	vst v45  }
0x242: {  	v52 =	vld [tilespmem:s3+$0x5EB0];
	v51 =	vmul.f32 v42, v12;
	[tilespmem:s3+$0x9AC0] =	vst v47  }
0x243: {  	v54 =	vld [tilespmem:s3+$0x5EC0];
	v53 =	vmul.f32 v44, v12;
	[tilespmem:s3+$0x9AD0] =	vst v49  }
0x244: {  	v56 =	vld [tilespmem:s3+$0x5ED0];
	v55 =	vmul.f32 v46, v12;
	[tilespmem:s3+$0x9AE0] =	vst v51  }
0x245: {  	v58 =	vld [tilespmem:s3+$0x5EE0];
	v57 =	vmul.f32 v48, v12;
	[tilespmem:s3+$0x9AF0] =	vst v53  }
0x246: {  	v59 =	vmul.f32 v50, v12;
	[tilespmem:s3+$0x9E80] =	vst v55  }
0x247: {  	v60 =	vmul.f32 v52, v12;
	[tilespmem:s3+$0x9E90] =	vst v57  }
0x248: {  	v61 =	vmul.f32 v54, v12;
	[tilespmem:s3+$0x9EA0] =	vst v59  }
0x249: {  	v62 =	vmul.f32 v56, v12;
	[tilespmem:s3+$0x9EB0] =	vst v60  }
0x24a: {  	v63 =	vmul.f32 v58, v12;
	[tilespmem:s3+$0x9EC0] =	vst v61  }
0x24b: {  	[tilespmem:s3+$0x9ED0] =	vst v62  }
0x24c: {  	[tilespmem:s3+$0x9EE0] =	vst v63  }
0x24d: {  	v12 =	vld.msk [tilespmem:$0x1980], $0x1;
	_ =	sdelay $0x4  }
0x24e: {  	v12 =	vshll.u32 v12, $0xE  }
0x24f: {  	v12 =	vperm.xlane v12, v9;
	_ =	sdelay $0x5  }
0x250: {  	[hbm4b:s2+s5] =	stream.indirect_vreg.scatter [tilespmem:s25], [sflag:$0x3], $0x4000, v12, vm0, $0x38;
	[tilespmem:$0x12B00] =	vst v63  }
.LBB2_28:
0x251: {  	s11 =	sor.u32 $0x1, s10  }
0x252: {  	p1 =	sge.s32 s11, s9  }
.Ltmp24:
0x253: {  	_ = 	snop;
	(pc) =	sbr.rel @p1 .LBB2_32-.Ltmp24, $1  }
0x254: {  	_ =	sdelay $0x3  }
0x255: {  	p1 =	slt.s32 s0, $0x1;
	v12 =	vmov s11  }
0x256: {  	s3 =	simm.s32 @!p1 $0x4  }
0x257: {  	_ =	swait.ge @!p1 [sflag:s3], $0x4000  }
0x258: {  	[sflag:s3] =	ssyncset.done @!p1 $0x0  }
0x259: {  	[sflag:s3] =	ssyncadd.s32 @!p1 $0xFFFFC000  }
0x25a: {  	v13 =	vld.idx.msk [tilespmem:v12+s30+$0x0], $0xffff;
	_ =	sdelay $0x6  }
0x25b: {  	s22 =	simm.s32 $0x0  }
0x25c: {  	s20 =	sand.u32 $0x3800, s22;
	s3 =	sand.u32 $0x380, s22;
	v12 =	vld.idx.msk [tilespmem:v13+s15+$0x0], $0xffff;
	v13 =	vadd.s32 v8, v13  }
0x25d: {  	s20 =	sor.u32 s3, s20;
	[tilespmem:v11+s24+$0x0] =	vst.idx.msk $0x1, v13  }
0x25e: {  	v13 =	vld [tilespmem:s20+$0x5EF0]  }
0x25f: {  	v14 =	vld [tilespmem:s20+$0x5A80]  }
0x260: {  	v15 =	vld [tilespmem:s20+$0x5A90]  }
0x261: {  	v16 =	vld [tilespmem:s20+$0x5AA0]  }
0x262: {  	v17 =	vld [tilespmem:s20+$0x5AB0]  }
0x263: {  	v18 =	vld [tilespmem:s20+$0x5AC0];
	v13 =	vmul.f32 v13, v12  }
0x264: {  	v19 =	vld [tilespmem:s20+$0x5AD0];
	v14 =	vmul.f32 v14, v12  }
0x265: {  	v20 =	vld [tilespmem:s20+$0x5AE0];
	[tilespmem:s20+$0xDEF0] =	vst v13;
	v13 =	vmul.f32 v15, v12  }
0x266: {  	v21 =	vld [tilespmem:s20+$0x5AF0];
	[tilespmem:s20+$0xDA80] =	vst v14;
	v14 =	vmul.f32 v16, v12  }
0x267: {  	v22 =	vld [tilespmem:s20+$0x5E80];
	[tilespmem:s20+$0xDA90] =	vst v13;
	v13 =	vmul.f32 v17, v12  }
0x268: {  	v16 =	vld [tilespmem:s20+$0x5E90];
	[tilespmem:s20+$0xDAA0] =	vst v14;
	v14 =	vmul.f32 v18, v12  }
0x269: {  	v15 =	vmul.f32 v19, v12;
	[tilespmem:s20+$0xDAB0] =	vst v13;
	v13 =	vld [tilespmem:s20+$0x5EA0]  }
0x26a: {  	v17 =	vmul.f32 v20, v12;
	[tilespmem:s20+$0xDAC0] =	vst v14;
	v14 =	vld [tilespmem:s20+$0x5EB0]  }
0x26b: {  	s21 =	simm.s32 $0x100;
	s22 =	simm.s32 $0x80;
	[tilespmem:s20+$0xDAD0] =	vst v15;
	v15 =	vld [tilespmem:s20+$0x5EC0];
	v18 =	vmul.f32 v21, v12  }
0x26c: {  	s29 =	simm.s32 $0x200;
	s21 =	sand.u32 $0x3800, s21;
	s3 =	sand.u32 $0x380, s22;
	v19 =	vmul.f32 v22, v12;
	[tilespmem:s20+$0xDAE0] =	vst v17;
	v17 =	vld [tilespmem:s20+$0x5ED0]  }
.LBB2_30:
0x26d: {  	p1 =	sne.s32 s29, $0x3F00;
	s3 =	sor.u32 s3, s21;
	[tilespmem:s20+$0xDAF0] =	vst v18;
	v16 =	vmul.f32 v16, v12;
	v18 =	vld [tilespmem:s20+$0x5EE0]  }
0x26e: {  	v13 =	vmul.f32 v13, v12;
	v20 =	vld [tilespmem:s3+$0x5EF0];
	[tilespmem:s20+$0xDE80] =	vst v19  }
0x26f: {  	v14 =	vmul.f32 v14, v12;
	v19 =	vld [tilespmem:s3+$0x5A80];
	[tilespmem:s20+$0xDE90] =	vst v16  }
0x270: {  	v16 =	vld [tilespmem:s3+$0x5A90];
	[tilespmem:s20+$0xDEA0] =	vst v13;
	v13 =	vmul.f32 v15, v12  }
0x271: {  	v15 =	vld [tilespmem:s3+$0x5AA0];
	[tilespmem:s20+$0xDEB0] =	vst v14;
	v14 =	vmul.f32 v17, v12  }
0x272: {  	v17 =	vld [tilespmem:s3+$0x5AB0];
	[tilespmem:s20+$0xDEC0] =	vst v13;
	v13 =	vmul.f32 v18, v12  }
0x273: {  	v18 =	vld [tilespmem:s3+$0x5AC0];
	v20 =	vmul.f32 v20, v12;
	[tilespmem:s20+$0xDED0] =	vst v14  }
0x274: {  	v14 =	vmul.f32 v19, v12;
	v19 =	vld [tilespmem:s3+$0x5AD0];
	[tilespmem:s20+$0xDEE0] =	vst v13;
	s20 =	smov.u32 s3  }
0x275: {  	v13 =	vmul.f32 v16, v12;
	v21 =	vld [tilespmem:s20+$0x5AE0];
	[tilespmem:s20+$0xDEF0] =	vst v20  }
0x276: {  	[tilespmem:s20+$0xDA80] =	vst v14;
	v14 =	vmul.f32 v15, v12;
	v15 =	vld [tilespmem:s20+$0x5AF0]  }
0x277: {  	[tilespmem:s20+$0xDA90] =	vst v13;
	v13 =	vmul.f32 v17, v12;
	v17 =	vld [tilespmem:s20+$0x5E80]  }
.Ltmp25:
0x278: {  	[tilespmem:s20+$0xDAA0] =	vst v14;
	v14 =	vmul.f32 v18, v12;
	v16 =	vld [tilespmem:s20+$0x5E90];
	(pc) =	sbr.rel @p1 .LBB2_30-.Ltmp25, $4  }
0x279: {  	[tilespmem:s20+$0xDAB0] =	vst v13;
	v18 =	vmul.f32 v19, v12;
	v13 =	vld [tilespmem:s20+$0x5EA0]  }
0x27a: {  	[tilespmem:s20+$0xDAC0] =	vst v14;
	v19 =	vmul.f32 v21, v12;
	v14 =	vld [tilespmem:s20+$0x5EB0]  }
0x27b: {  	s22 =	sadd.s32 $0x80, s22;
	[tilespmem:s20+$0xDAD0] =	vst v18;
	v18 =	vmul.f32 v15, v12;
	v15 =	vld [tilespmem:s20+$0x5EC0]  }
0x27c: {  	s21 =	sand.u32 $0x3800, s29;
	s29 =	sadd.s32 $0x100, s29;
	s3 =	sand.u32 $0x380, s22;
	[tilespmem:s20+$0xDAE0] =	vst v19;
	v19 =	vmul.f32 v17, v12;
	v17 =	vld [tilespmem:s20+$0x5ED0]  }
.Ltmp26:
0x27d: {  	_ = 	snop;
	(pc) =	sbr.rel .LBB2_31-.Ltmp26, $1  }
0x27e: {  	_ =	sdelay $0x3  }
.LBB2_34:
0x27f: {  	p1 =	slt.s32 s6, $0x1  }
.Ltmp27:
0x280: {  	_ = 	snop;
	(pc) =	sbr.rel @p1 .LBB2_36-.Ltmp27, $1  }
0x281: {  	_ =	sdelay $0x3  }
0x282: {  	p1 =	sgt.s32 s0, $0x0  }
.Ltmp28:
0x283: {  	_ = 	snop;
	(pc) =	sbr.rel @p1 .LBB2_37-.Ltmp28, $4  }
.Ltmp29:
0x284: {  	s3 =	simm.s32 $0x3;
	(pc) =	sbr.rel @!p1 .LBB2_38-.Ltmp29, $4  }
0x285: {  	_ =	swait.ge [sflag:s3], $0x4000  }
0x286: {  	[sflag:s3] =	ssyncset.done $0x0  }
0x287: {  	s10 =	rddreg [dreg:$0xc];
	[sflag:s3] =	ssyncadd.s32 $0xFFFFC000  }
0x288: {  	_ = 	snop  }
.LBB2_39:
0x289: {  	_ =	sfence.sel $0x180000  }
0x28a: {  	[bflag:$0x0] =	sbarrier.arrive $0xFFFF  }
0x28b: {  	_ =	strace $0x90000047  }
0x28c: {  	s0 =	stileid.u32;
	[bflag:$0x2] =	sbarrier.arrive $0xFFFF  }
0x28d: {  	p0 =	sne.s32 s0, $0x0;
	s0 =	rddreg [dreg:$0x6]  }
0x28e: {  	s0 =	sadd.s32 @!p0 $0x100000, s0  }
0x28f: {  	[sflag:s0] =	ssyncadd.tile.s32 @!p0 $0x1;
	_ =	shalt  }
.Lfunc_end2:
_tile_overlayer_lowered:
.L_overlay_start_2:
0x290: {  	(tag) =	ssettag $0x2  }
0x291: {  	s0 =	rddreg [dreg:$0x0];
	s2 =	stileid.u32  }
0x292: {  	s1 =	rddreg [dreg:$0x1];
	p0 =	sne.s32 s2, $0x0  }
0x293: {  	s3 =	rddreg [dreg:$0x2];
	[bflag:$0x3] =	sbarrier.arrive $0xFFFF;
	s2 =	simm.s32 @!p0 $0x1C05  }
0x294: {  	[timem:s3], [sflag:s2] =	dma.local @!p0 [hbm:s0], s1  }
0x295: {  	s0 =	simm.s32 @!p0 $0x5  }
0x296: {  	_ =	swait.ge @!p0 [sflag:s0], s1  }
0x297: {  	s1 =	ssub.s32 @!p0 $0x0, s1;
	[sflag:s0] =	ssyncset.done @!p0 $0x0  }
0x298: {  	[sflag:s0] =	ssyncadd.s32 @!p0 s1  }
0x299: {  	[bflag:$0x3] =	sbarrier.arrive $0xFFFF  }
0x29a: {  	_ =	shalt  }

</sc_bundles>
